<compile_context>
chip_gen: v7x
topology: tpu7x:2x2x1
jax: 0.10.2.dev20260603
libtpu: 0.0.44.dev20260713+nightly
codegen_flags: <defaults>
</compile_context>

<pallas_src>
import functools

import jax
import jax.numpy as jnp
from jax import lax
from jax.experimental import pallas as pl
from jax.experimental.pallas import tpu as pltpu
from jax.experimental.pallas import tpu_sc as plsc

_N = 10000
_E = 320000
_D = 128
_NC = 2
_NS = 16
_NW = _NC * _NS
_EPW = _E // _NW
_C = 128
_G = _EPW // _C
_CT = _EPW - _G * _C
_RPT = 624
_TAIL = _N - _RPT * _NS
_ZB = 48

assert _EPW * _NW == _E and 0 <= _TAIL < _RPT
assert _G % 2 == 0 and _G >= 4 and 0 < _CT and _CT % 8 == 0
assert _RPT % 8 == 0 and _TAIL % 8 == 0
assert _RPT % _ZB == 0 and _TAIL <= _ZB
_ZG = _RPT // _ZB
_RCNT = _N // 16
assert _N % 16 == 0 and _CT == 16


def _make_agg():
    out_type = [jax.ShapeDtypeStruct((_NC, _N, _D), jnp.float32)]
    scratch = [
        pltpu.VMEM((2, _C), jnp.int32),
        pltpu.VMEM((2, _C), jnp.int32),
        pltpu.VMEM((_C, _D), jnp.float32),
        pltpu.VMEM((_C, _D), jnp.float32),
        pltpu.VMEM((_CT,), jnp.int32),
        pltpu.VMEM((_CT,), jnp.int32),
        pltpu.VMEM((_CT, _D), jnp.float32),
        pltpu.VMEM((_ZB, _D), jnp.float32),
        pltpu.VMEM_SHARED((_N, _D), jnp.float32),
        pltpu.SemaphoreType.DMA,
        pltpu.SemaphoreType.DMA,
        pltpu.SemaphoreType.DMA,
        pltpu.SemaphoreType.DMA,
    ]

    mesh = plsc.VectorSubcoreMesh(core_axis_name="c", subcore_axis_name="s")

    def body(*refs):
        (feats, srch, dsth, zrow,
         aggout,
         srcv, dstv, rows0, rows1, srct, dstt, rowst,
         bounce, aggsh, sem0, sem1, ssem0, ssem1) = refs
        rows = (rows0, rows1)
        sems = (sem0, sem1)
        ssems = (ssem0, ssem1)
        cid = lax.axis_index("c")
        sid = lax.axis_index("s")
        wid = cid * _NS + sid
        r0 = sid * _RPT
        ebase = wid * _EPW

        def zero_slice():
            pltpu.sync_copy(zrow, bounce)
            for j in range(_ZG):
                pltpu.sync_copy(bounce, aggsh.at[pl.ds(r0 + j * _ZB, _ZB)])

            @pl.when(sid == _NS - 1)
            def _():
                pltpu.sync_copy(bounce.at[pl.ds(0, _TAIL)],
                                aggsh.at[pl.ds(_RPT * _NS, _TAIL)])

        def export_slice(out):
            for j in range(_ZG):
                pltpu.sync_copy(aggsh.at[pl.ds(r0 + j * _ZB, _ZB)], bounce)
                pltpu.sync_copy(bounce, out.at[cid, pl.ds(r0 + j * _ZB, _ZB)])

            @pl.when(sid == _NS - 1)
            def _():
                pltpu.sync_copy(aggsh.at[pl.ds(_RPT * _NS, _TAIL)],
                                bounce.at[pl.ds(0, _TAIL)])
                pltpu.sync_copy(bounce.at[pl.ds(0, _TAIL)],
                                out.at[cid, pl.ds(_RPT * _NS, _TAIL)])

        def load_idx(off, slot):
            pltpu.sync_copy(srch.at[pl.ds(off, _C)], srcv.at[slot])
            pltpu.sync_copy(dsth.at[pl.ds(off, _C)], dstv.at[slot])

        def gather(slot):
            return pltpu.make_async_copy(feats.at[srcv.at[slot]],
                                         rows[slot], sems[slot])

        def scat(slot):
            return pltpu.make_async_copy(rows[slot], aggsh.at[dstv.at[slot]],
                                         ssems[slot])

        zero_slice()
        plsc.subcore_barrier()

        load_idx(ebase, 0)
        gather(0).start()
        load_idx(ebase + _C, 1)
        gather(1).start()

        def step(g, carry):
            ca = 2 * g
            gather(0).wait()
            scat(0).start(add=True)
            gather(1).wait()
            scat(1).start(add=True)
            scat(0).wait()
            load_idx(ebase + (ca + 2) * _C, 0)
            gather(0).start()
            scat(1).wait()
            load_idx(ebase + (ca + 3) * _C, 1)
            gather(1).start()
            return carry

        lax.fori_loop(0, (_G - 2) // 2, step, 0)
        gather(0).wait()
        scat(0).start(add=True)
        gather(1).wait()
        scat(1).start(add=True)
        tbase = ebase + _G * _C
        pltpu.sync_copy(srch.at[pl.ds(tbase, _CT)], srct)
        pltpu.sync_copy(dsth.at[pl.ds(tbase, _CT)], dstt)
        pltpu.make_async_copy(feats.at[srct], rowst, sem0).start()
        scat(0).wait()
        scat(1).wait()
        pltpu.make_async_copy(feats.at[srct], rowst, sem0).wait()
        pltpu.sync_copy(rowst, aggsh.at[dstt], add=True)
        plsc.subcore_barrier()
        export_slice(aggout)

    return pl.kernel(body, mesh=mesh, out_type=out_type,
                     scratch_types=scratch)


def _make_cnt():
    CC = 2000

    def body(dsth, cntout, dstv, cnt2d, sem):
        cid = lax.axis_index("c")
        sid = lax.axis_index("s")
        wid = cid * _NS + sid
        ebase = wid * _EPW
        z16 = jnp.zeros((16,), jnp.float32)
        ones16 = jnp.ones((16,), jnp.float32)

        def zc(i, carry):
            cnt2d[i, pl.ds(0, 16)] = z16
            return carry

        lax.fori_loop(0, _RCNT, zc, 0)

        def kstep(k, carry):
            pltpu.sync_copy(dsth.at[pl.ds(ebase + k * CC, CC)], dstv)
            for i in range(CC // 16):
                dvec = dstv[pl.ds(i * 16, 16)]
                ri = lax.shift_right_logical(dvec, 4)
                li = lax.bitwise_and(dvec, 15)
                plsc.addupdate_scatter(cnt2d, [ri, li], ones16)
            return carry

        lax.fori_loop(0, _EPW // CC, kstep, 0)
        pltpu.sync_copy(cnt2d, cntout.at[wid])

    mesh = plsc.VectorSubcoreMesh(core_axis_name="c", subcore_axis_name="s")
    return pl.kernel(
        body, mesh=mesh,
        out_type=[jax.ShapeDtypeStruct((_NW, _RCNT, 16), jnp.float32)],
        compiler_params=pltpu.CompilerParams(needs_layout_passes=False),
        scratch_types=[
            pltpu.VMEM((CC,), jnp.int32),
            pltpu.VMEM((_RCNT, 16), jnp.float32),
            pltpu.SemaphoreType.DMA,
        ])


_agg_plain = _make_agg()
_cnt_parts = _make_cnt()

_BN = 1000


def _merged_counts(c_ref, i):
    s = jnp.sum(c_ref[...], axis=0)
    n_row = jax.lax.broadcasted_iota(jnp.int32, (_BN, _RCNT), 0) + i * _BN
    r_col = jax.lax.broadcasted_iota(jnp.int32, (_BN, _RCNT), 1)
    pick_row = (lax.shift_right_logical(n_row, 4) == r_col)
    t = lax.dot_general(pick_row.astype(jnp.float32), s,
                        (((1,), (0,)), ((), ())),
                        preferred_element_type=jnp.float32)
    n_lane = jax.lax.broadcasted_iota(jnp.int32, (_BN, 16), 0) + i * _BN
    l_lane = jax.lax.broadcasted_iota(jnp.int32, (_BN, 16), 1)
    sel = jnp.where(lax.bitwise_and(n_lane, 15) == l_lane, t, 0.0)
    return jnp.sum(sel, axis=1, keepdims=True)


def _sage_out(agg_ref, cnt, x_ref, wl_ref, b_ref, wr_ref, relu):
    agg = agg_ref[0] + agg_ref[1]
    mean = agg / jnp.maximum(cnt, 1.0)
    dn = (((1,), (0,)), ((), ()))
    acc = (lax.dot_general(mean, wl_ref[...], dn,
                           preferred_element_type=jnp.float32,
                           precision=lax.Precision.HIGHEST)
           + b_ref[...]
           + lax.dot_general(x_ref[...], wr_ref[...], dn,
                             preferred_element_type=jnp.float32,
                             precision=lax.Precision.HIGHEST))
    return jnp.maximum(acc, 0.0) if relu else acc


def _cnt_merge_body(c_ref, o_ref):
    o_ref[...] = jnp.broadcast_to(_merged_counts(c_ref, pl.program_id(0)),
                                  (_BN, 8))


def _cnt_merge(cparts):
    return pl.pallas_call(
        _cnt_merge_body,
        grid=(_N // _BN,),
        in_specs=[pl.BlockSpec((_NW, _RCNT, 16), lambda i: (0, 0, 0))],
        out_specs=pl.BlockSpec((_BN, 8), lambda i: (i, 0)),
        out_shape=jax.ShapeDtypeStruct((_N, 8), jnp.float32),
    )(cparts)


def _dense_body(relu, agg_ref, cnt_ref, x_ref, wl_ref, b_ref, wr_ref, o_ref):
    o_ref[...] = _sage_out(agg_ref, cnt_ref[:, 0:1], x_ref, wl_ref, b_ref,
                           wr_ref, relu)


def _dense(aggp, cnt8, feats, wl, b, wr, relu):
    return pl.pallas_call(
        functools.partial(_dense_body, relu),
        grid=(_N // _BN,),
        in_specs=[
            pl.BlockSpec((_NC, _BN, _D), lambda i: (0, i, 0)),
            pl.BlockSpec((_BN, 8), lambda i: (i, 0)),
            pl.BlockSpec((_BN, _D), lambda i: (i, 0)),
            pl.BlockSpec((_D, _D), lambda i: (0, 0)),
            pl.BlockSpec((1, _D), lambda i: (0, 0)),
            pl.BlockSpec((_D, _D), lambda i: (0, 0)),
        ],
        out_specs=pl.BlockSpec((_BN, _D), lambda i: (i, 0)),
        out_shape=jax.ShapeDtypeStruct((_N, _D), jnp.float32),
    )(aggp, cnt8, feats, wl, b.reshape(1, _D), wr)


def kernel(x, edge_index, W1_l, b1_l, W1_r, W2_l, b2_l, W2_r):
    src = edge_index[0]
    dst = edge_index[1]
    zrow = jnp.zeros((_ZB, _D), jnp.float32)

    (cparts,) = _cnt_parts(dst)
    (agg1,) = _agg_plain(x, src, dst, zrow)
    cnt8 = _cnt_merge(cparts)
    h = _dense(agg1, cnt8, x, W1_l, b1_l, W1_r, relu=True)
    (agg2,) = _agg_plain(h, src, dst, zrow)
    out = _dense(agg2, cnt8, h, W2_l, b2_l, W2_r, relu=False)
    return out

# --- scband reference (transcript-rebuilt; emitter-appended) ---
"""Pipeline reference for scband-gnnencoder-75015898792666 (READ-ONLY COPY).

The authoritative reference and input builder live on the scoring server;
editing this copy changes nothing except your own understanding.
"""

import jax, jax.numpy as jnp
import numpy as np

N = 10000
E = 320000
D = 128
H = 128
O = 128


def sage_conv(x, edge_index, W_l, b_l, W_r, num_nodes):
    # PyG SAGEConv with mean aggregation:
    # out = lin_l(mean_{j in N(i)} x_j) + lin_r(x_i)
    src = edge_index[0]
    dst = edge_index[1]
    msgs = jnp.take(x, src, axis=0)                      # gather source features
    agg = jax.ops.segment_sum(msgs, dst, num_segments=num_nodes)
    cnt = jax.ops.segment_sum(jnp.ones((msgs.shape[0],), dtype=x.dtype), dst,
                              num_segments=num_nodes)
    mean = agg / jnp.clip(cnt, 1.0, None)[:, None]
    return mean @ W_l + b_l + x @ W_r


def setup_inputs(seed: int = 0) -> dict:
    key = jax.random.key(seed)
    k1, k2, k3, k4, k5, k6, k7, k8 = jax.random.split(key, 8)
    x = jax.random.normal(k1, (N, D), dtype=jnp.float32)
    edge_index = jax.random.randint(k2, (2, E), 0, N, dtype=jnp.int32)
    W1_l = jax.random.normal(k3, (D, H), dtype=jnp.float32) / jnp.sqrt(D)
    b1_l = jnp.zeros((H,), dtype=jnp.float32)
    W1_r = jax.random.normal(k4, (D, H), dtype=jnp.float32) / jnp.sqrt(D)
    W2_l = jax.random.normal(k5, (H, O), dtype=jnp.float32) / jnp.sqrt(H)
    b2_l = jnp.zeros((O,), dtype=jnp.float32)
    W2_r = jax.random.normal(k6, (H, O), dtype=jnp.float32) / jnp.sqrt(H)
    return {"x": x, "edge_index": edge_index,
            "W1_l": W1_l, "b1_l": b1_l, "W1_r": W1_r,
            "W2_l": W2_l, "b2_l": b2_l, "W2_r": W2_r}


def reference(x, edge_index, W1_l, b1_l, W1_r, W2_l, b2_l, W2_r):
    h = sage_conv(x, edge_index, W1_l, b1_l, W1_r, N)
    h = jax.nn.relu(h)
    out = sage_conv(h, edge_index, W2_l, b2_l, W2_r, N)
    return out

if __name__ == "__main__":
    import jax
    _d = setup_inputs()
    print(jax.jit(kernel)(*tuple(_d.values())))

</pallas_src>

<mosaic_0001>
#map = affine_map<(d0, d1) -> (0, 0)>
#map1 = affine_map<(d0, d1) -> (0)>
#map2 = affine_map<(d0, d1) -> (0, 0, 0)>
module attributes {stable_mosaic.version = 14 : i64} {
  func.func @body(%arg0: i32, %arg1: i32, %arg2: memref<10000x128xf32, #tpu.memory_space<hbm>>, %arg3: memref<320000xi32, #tpu.memory_space<hbm>>, %arg4: memref<320000xi32, #tpu.memory_space<hbm>>, %arg5: memref<48x128xf32, #tpu.memory_space<hbm>>, %arg6: memref<2x10000x128xf32, #tpu.memory_space<hbm>>, %arg7: memref<2x128xi32, #tpu.memory_space<vmem>>, %arg8: memref<2x128xi32, #tpu.memory_space<vmem>>, %arg9: memref<128x128xf32, #tpu.memory_space<vmem>>, %arg10: memref<128x128xf32, #tpu.memory_space<vmem>>, %arg11: memref<16xi32, #tpu.memory_space<vmem>>, %arg12: memref<16xi32, #tpu.memory_space<vmem>>, %arg13: memref<16x128xf32, #tpu.memory_space<vmem>>, %arg14: memref<48x128xf32, #tpu.memory_space<vmem>>, %arg15: memref<10000x128xf32, #tpu.memory_space<vmem_shared>>, %arg16: memref<!tpu.dma_semaphore, #tpu.memory_space<semaphore_mem>>, %arg17: memref<!tpu.dma_semaphore, #tpu.memory_space<semaphore_mem>>, %arg18: memref<!tpu.dma_semaphore, #tpu.memory_space<semaphore_mem>>, %arg19: memref<!tpu.dma_semaphore, #tpu.memory_space<semaphore_mem>>) attributes {dimension_semantics = [#tpu.dimension_semantics<core_parallel>, #tpu.dimension_semantics<subcore_parallel>], iteration_bounds = array<i64: 2, 16>, scalar_prefetch = 0 : i64, scratch_operands = 13 : i64, tpu.core_type = #tpu.core_type<sc_vector_subcore>, window_params = [{transform_indices = #map}, {transform_indices = #map1}, {transform_indices = #map1}, {transform_indices = #map}, {transform_indices = #map2}]} {
    %mul3A = arith.constant 16 : i32
    %mul3A_0 = arith.muli %arg0, %mul3A : i32
    %add3A = arith.addi %mul3A_0, %arg1 : i32
    %mul3A_1 = arith.constant 624 : i32
    %mul3A_2 = arith.muli %arg1, %mul3A_1 : i32
    %mul3A_3 = arith.constant 10000 : i32
    %mul3A_4 = arith.muli %add3A, %mul3A_3 : i32
    "tpu.region"() ({
      %run_scoped3A_163 = tpu.sem_alloc : memref<!tpu.dma_semaphore, #tpu.memory_space<semaphore_mem>>
      tpu.enqueue_dma source(%arg5 : memref<48x128xf32, #tpu.memory_space<hbm>>) target(%arg14 : memref<48x128xf32, #tpu.memory_space<vmem>>) target_semaphore(%run_scoped3A_163 : memref<!tpu.dma_semaphore, #tpu.memory_space<semaphore_mem>>)
      tpu.wait_dma2 semaphore(%run_scoped3A_163 : memref<!tpu.dma_semaphore, #tpu.memory_space<semaphore_mem>>) src(%arg5 : memref<48x128xf32, #tpu.memory_space<hbm>>) dst(%arg14 : memref<48x128xf32, #tpu.memory_space<vmem>>)
      tpu.yield
    }) : () -> ()
    %add3A_5 = arith.constant 0 : i32
    %add3A_6 = arith.addi %mul3A_2, %add3A_5 : i32
    "tpu.region"() ({
      %run_scoped3A_163 = tpu.sem_alloc : memref<!tpu.dma_semaphore, #tpu.memory_space<semaphore_mem>>
      %dma_start3A_164 = arith.constant 0 : i32
      %dma_start3A_165 = tpu.memref_slice %arg15[%add3A_6, %dma_start3A_164] : memref<10000x128xf32, #tpu.memory_space<vmem_shared>> -> memref<48x128xf32, #tpu.memory_space<vmem_shared>>
      %dma_start3A_166 = arith.constant 0 : i32
      %dma_start3A_167 = tpu.memref_slice %arg15[%add3A_6, %dma_start3A_166] : memref<10000x128xf32, #tpu.memory_space<vmem_shared>> -> memref<48x128xf32, #tpu.memory_space<vmem_shared>>
      tpu.enqueue_dma source(%arg14 : memref<48x128xf32, #tpu.memory_space<vmem>>) target(%dma_start3A_167 : memref<48x128xf32, #tpu.memory_space<vmem_shared>>) target_semaphore(%run_scoped3A_163 : memref<!tpu.dma_semaphore, #tpu.memory_space<semaphore_mem>>)
      %dma_wait3A_168 = arith.constant 0 : i32
      %dma_wait3A_169 = tpu.memref_slice %arg15[%add3A_6, %dma_wait3A_168] : memref<10000x128xf32, #tpu.memory_space<vmem_shared>> -> memref<48x128xf32, #tpu.memory_space<vmem_shared>>
      %dma_wait3A_170 = arith.constant 0 : i32
      %dma_wait3A_171 = tpu.memref_slice %arg15[%add3A_6, %dma_wait3A_170] : memref<10000x128xf32, #tpu.memory_space<vmem_shared>> -> memref<48x128xf32, #tpu.memory_space<vmem_shared>>
      tpu.wait_dma2 semaphore(%run_scoped3A_163 : memref<!tpu.dma_semaphore, #tpu.memory_space<semaphore_mem>>) src(%arg14 : memref<48x128xf32, #tpu.memory_space<vmem>>) dst(%dma_wait3A_171 : memref<48x128xf32, #tpu.memory_space<vmem_shared>>)
      tpu.yield
    }) : () -> ()
    %add3A_7 = arith.constant 48 : i32
    %add3A_8 = arith.addi %mul3A_2, %add3A_7 : i32
    "tpu.region"() ({
      %run_scoped3A_163 = tpu.sem_alloc : memref<!tpu.dma_semaphore, #tpu.memory_space<semaphore_mem>>
      %dma_start3A_164 = arith.constant 0 : i32
      %dma_start3A_165 = tpu.memref_slice %arg15[%add3A_8, %dma_start3A_164] : memref<10000x128xf32, #tpu.memory_space<vmem_shared>> -> memref<48x128xf32, #tpu.memory_space<vmem_shared>>
      %dma_start3A_166 = arith.constant 0 : i32
      %dma_start3A_167 = tpu.memref_slice %arg15[%add3A_8, %dma_start3A_166] : memref<10000x128xf32, #tpu.memory_space<vmem_shared>> -> memref<48x128xf32, #tpu.memory_space<vmem_shared>>
      tpu.enqueue_dma source(%arg14 : memref<48x128xf32, #tpu.memory_space<vmem>>) target(%dma_start3A_167 : memref<48x128xf32, #tpu.memory_space<vmem_shared>>) target_semaphore(%run_scoped3A_163 : memref<!tpu.dma_semaphore, #tpu.memory_space<semaphore_mem>>)
      %dma_wait3A_168 = arith.constant 0 : i32
      %dma_wait3A_169 = tpu.memref_slice %arg15[%add3A_8, %dma_wait3A_168] : memref<10000x128xf32, #tpu.memory_space<vmem_shared>> -> memref<48x128xf32, #tpu.memory_space<vmem_shared>>
      %dma_wait3A_170 = arith.constant 0 : i32
      %dma_wait3A_171 = tpu.memref_slice %arg15[%add3A_8, %dma_wait3A_170] : memref<10000x128xf32, #tpu.memory_space<vmem_shared>> -> memref<48x128xf32, #tpu.memory_space<vmem_shared>>
      tpu.wait_dma2 semaphore(%run_scoped3A_163 : memref<!tpu.dma_semaphore, #tpu.memory_space<semaphore_mem>>) src(%arg14 : memref<48x128xf32, #tpu.memory_space<vmem>>) dst(%dma_wait3A_171 : memref<48x128xf32, #tpu.memory_space<vmem_shared>>)
      tpu.yield
    }) : () -> ()
    %add3A_9 = arith.constant 96 : i32
    %add3A_10 = arith.addi %mul3A_2, %add3A_9 : i32
    "tpu.region"() ({
      %run_scoped3A_163 = tpu.sem_alloc : memref<!tpu.dma_semaphore, #tpu.memory_space<semaphore_mem>>
      %dma_start3A_164 = arith.constant 0 : i32
      %dma_start3A_165 = tpu.memref_slice %arg15[%add3A_10, %dma_start3A_164] : memref<10000x128xf32, #tpu.memory_space<vmem_shared>> -> memref<48x128xf32, #tpu.memory_space<vmem_shared>>
      %dma_start3A_166 = arith.constant 0 : i32
      %dma_start3A_167 = tpu.memref_slice %arg15[%add3A_10, %dma_start3A_166] : memref<10000x128xf32, #tpu.memory_space<vmem_shared>> -> memref<48x128xf32, #tpu.memory_space<vmem_shared>>
      tpu.enqueue_dma source(%arg14 : memref<48x128xf32, #tpu.memory_space<vmem>>) target(%dma_start3A_167 : memref<48x128xf32, #tpu.memory_space<vmem_shared>>) target_semaphore(%run_scoped3A_163 : memref<!tpu.dma_semaphore, #tpu.memory_space<semaphore_mem>>)
      %dma_wait3A_168 = arith.constant 0 : i32
      %dma_wait3A_169 = tpu.memref_slice %arg15[%add3A_10, %dma_wait3A_168] : memref<10000x128xf32, #tpu.memory_space<vmem_shared>> -> memref<48x128xf32, #tpu.memory_space<vmem_shared>>
      %dma_wait3A_170 = arith.constant 0 : i32
      %dma_wait3A_171 = tpu.memref_slice %arg15[%add3A_10, %dma_wait3A_170] : memref<10000x128xf32, #tpu.memory_space<vmem_shared>> -> memref<48x128xf32, #tpu.memory_space<vmem_shared>>
      tpu.wait_dma2 semaphore(%run_scoped3A_163 : memref<!tpu.dma_semaphore, #tpu.memory_space<semaphore_mem>>) src(%arg14 : memref<48x128xf32, #tpu.memory_space<vmem>>) dst(%dma_wait3A_171 : memref<48x128xf32, #tpu.memory_space<vmem_shared>>)
      tpu.yield
    }) : () -> ()
    %add3A_11 = arith.constant 144 : i32
    %add3A_12 = arith.addi %mul3A_2, %add3A_11 : i32
    "tpu.region"() ({
      %run_scoped3A_163 = tpu.sem_alloc : memref<!tpu.dma_semaphore, #tpu.memory_space<semaphore_mem>>
      %dma_start3A_164 = arith.constant 0 : i32
      %dma_start3A_165 = tpu.memref_slice %arg15[%add3A_12, %dma_start3A_164] : memref<10000x128xf32, #tpu.memory_space<vmem_shared>> -> memref<48x128xf32, #tpu.memory_space<vmem_shared>>
      %dma_start3A_166 = arith.constant 0 : i32
      %dma_start3A_167 = tpu.memref_slice %arg15[%add3A_12, %dma_start3A_166] : memref<10000x128xf32, #tpu.memory_space<vmem_shared>> -> memref<48x128xf32, #tpu.memory_space<vmem_shared>>
      tpu.enqueue_dma source(%arg14 : memref<48x128xf32, #tpu.memory_space<vmem>>) target(%dma_start3A_167 : memref<48x128xf32, #tpu.memory_space<vmem_shared>>) target_semaphore(%run_scoped3A_163 : memref<!tpu.dma_semaphore, #tpu.memory_space<semaphore_mem>>)
      %dma_wait3A_168 = arith.constant 0 : i32
      %dma_wait3A_169 = tpu.memref_slice %arg15[%add3A_12, %dma_wait3A_168] : memref<10000x128xf32, #tpu.memory_space<vmem_shared>> -> memref<48x128xf32, #tpu.memory_space<vmem_shared>>
      %dma_wait3A_170 = arith.constant 0 : i32
      %dma_wait3A_171 = tpu.memref_slice %arg15[%add3A_12, %dma_wait3A_170] : memref<10000x128xf32, #tpu.memory_space<vmem_shared>> -> memref<48x128xf32, #tpu.memory_space<vmem_shared>>
      tpu.wait_dma2 semaphore(%run_scoped3A_163 : memref<!tpu.dma_semaphore, #tpu.memory_space<semaphore_mem>>) src(%arg14 : memref<48x128xf32, #tpu.memory_space<vmem>>) dst(%dma_wait3A_171 : memref<48x128xf32, #tpu.memory_space<vmem_shared>>)
      tpu.yield
    }) : () -> ()
    %add3A_13 = arith.constant 192 : i32
    %add3A_14 = arith.addi %mul3A_2, %add3A_13 : i32
    "tpu.region"() ({
      %run_scoped3A_163 = tpu.sem_alloc : memref<!tpu.dma_semaphore, #tpu.memory_space<semaphore_mem>>
      %dma_start3A_164 = arith.constant 0 : i32
      %dma_start3A_165 = tpu.memref_slice %arg15[%add3A_14, %dma_start3A_164] : memref<10000x128xf32, #tpu.memory_space<vmem_shared>> -> memref<48x128xf32, #tpu.memory_space<vmem_shared>>
      %dma_start3A_166 = arith.constant 0 : i32
      %dma_start3A_167 = tpu.memref_slice %arg15[%add3A_14, %dma_start3A_166] : memref<10000x128xf32, #tpu.memory_space<vmem_shared>> -> memref<48x128xf32, #tpu.memory_space<vmem_shared>>
      tpu.enqueue_dma source(%arg14 : memref<48x128xf32, #tpu.memory_space<vmem>>) target(%dma_start3A_167 : memref<48x128xf32, #tpu.memory_space<vmem_shared>>) target_semaphore(%run_scoped3A_163 : memref<!tpu.dma_semaphore, #tpu.memory_space<semaphore_mem>>)
      %dma_wait3A_168 = arith.constant 0 : i32
      %dma_wait3A_169 = tpu.memref_slice %arg15[%add3A_14, %dma_wait3A_168] : memref<10000x128xf32, #tpu.memory_space<vmem_shared>> -> memref<48x128xf32, #tpu.memory_space<vmem_shared>>
      %dma_wait3A_170 = arith.constant 0 : i32
      %dma_wait3A_171 = tpu.memref_slice %arg15[%add3A_14, %dma_wait3A_170] : memref<10000x128xf32, #tpu.memory_space<vmem_shared>> -> memref<48x128xf32, #tpu.memory_space<vmem_shared>>
      tpu.wait_dma2 semaphore(%run_scoped3A_163 : memref<!tpu.dma_semaphore, #tpu.memory_space<semaphore_mem>>) src(%arg14 : memref<48x128xf32, #tpu.memory_space<vmem>>) dst(%dma_wait3A_171 : memref<48x128xf32, #tpu.memory_space<vmem_shared>>)
      tpu.yield
    }) : () -> ()
    %add3A_15 = arith.constant 240 : i32
    %add3A_16 = arith.addi %mul3A_2, %add3A_15 : i32
    "tpu.region"() ({
      %run_scoped3A_163 = tpu.sem_alloc : memref<!tpu.dma_semaphore, #tpu.memory_space<semaphore_mem>>
      %dma_start3A_164 = arith.constant 0 : i32
      %dma_start3A_165 = tpu.memref_slice %arg15[%add3A_16, %dma_start3A_164] : memref<10000x128xf32, #tpu.memory_space<vmem_shared>> -> memref<48x128xf32, #tpu.memory_space<vmem_shared>>
      %dma_start3A_166 = arith.constant 0 : i32
      %dma_start3A_167 = tpu.memref_slice %arg15[%add3A_16, %dma_start3A_166] : memref<10000x128xf32, #tpu.memory_space<vmem_shared>> -> memref<48x128xf32, #tpu.memory_space<vmem_shared>>
      tpu.enqueue_dma source(%arg14 : memref<48x128xf32, #tpu.memory_space<vmem>>) target(%dma_start3A_167 : memref<48x128xf32, #tpu.memory_space<vmem_shared>>) target_semaphore(%run_scoped3A_163 : memref<!tpu.dma_semaphore, #tpu.memory_space<semaphore_mem>>)
      %dma_wait3A_168 = arith.constant 0 : i32
      %dma_wait3A_169 = tpu.memref_slice %arg15[%add3A_16, %dma_wait3A_168] : memref<10000x128xf32, #tpu.memory_space<vmem_shared>> -> memref<48x128xf32, #tpu.memory_space<vmem_shared>>
      %dma_wait3A_170 = arith.constant 0 : i32
      %dma_wait3A_171 = tpu.memref_slice %arg15[%add3A_16, %dma_wait3A_170] : memref<10000x128xf32, #tpu.memory_space<vmem_shared>> -> memref<48x128xf32, #tpu.memory_space<vmem_shared>>
      tpu.wait_dma2 semaphore(%run_scoped3A_163 : memref<!tpu.dma_semaphore, #tpu.memory_space<semaphore_mem>>) src(%arg14 : memref<48x128xf32, #tpu.memory_space<vmem>>) dst(%dma_wait3A_171 : memref<48x128xf32, #tpu.memory_space<vmem_shared>>)
      tpu.yield
    }) : () -> ()
    %add3A_17 = arith.constant 288 : i32
    %add3A_18 = arith.addi %mul3A_2, %add3A_17 : i32
    "tpu.region"() ({
      %run_scoped3A_163 = tpu.sem_alloc : memref<!tpu.dma_semaphore, #tpu.memory_space<semaphore_mem>>
      %dma_start3A_164 = arith.constant 0 : i32
      %dma_start3A_165 = tpu.memref_slice %arg15[%add3A_18, %dma_start3A_164] : memref<10000x128xf32, #tpu.memory_space<vmem_shared>> -> memref<48x128xf32, #tpu.memory_space<vmem_shared>>
      %dma_start3A_166 = arith.constant 0 : i32
      %dma_start3A_167 = tpu.memref_slice %arg15[%add3A_18, %dma_start3A_166] : memref<10000x128xf32, #tpu.memory_space<vmem_shared>> -> memref<48x128xf32, #tpu.memory_space<vmem_shared>>
      tpu.enqueue_dma source(%arg14 : memref<48x128xf32, #tpu.memory_space<vmem>>) target(%dma_start3A_167 : memref<48x128xf32, #tpu.memory_space<vmem_shared>>) target_semaphore(%run_scoped3A_163 : memref<!tpu.dma_semaphore, #tpu.memory_space<semaphore_mem>>)
      %dma_wait3A_168 = arith.constant 0 : i32
      %dma_wait3A_169 = tpu.memref_slice %arg15[%add3A_18, %dma_wait3A_168] : memref<10000x128xf32, #tpu.memory_space<vmem_shared>> -> memref<48x128xf32, #tpu.memory_space<vmem_shared>>
      %dma_wait3A_170 = arith.constant 0 : i32
      %dma_wait3A_171 = tpu.memref_slice %arg15[%add3A_18, %dma_wait3A_170] : memref<10000x128xf32, #tpu.memory_space<vmem_shared>> -> memref<48x128xf32, #tpu.memory_space<vmem_shared>>
      tpu.wait_dma2 semaphore(%run_scoped3A_163 : memref<!tpu.dma_semaphore, #tpu.memory_space<semaphore_mem>>) src(%arg14 : memref<48x128xf32, #tpu.memory_space<vmem>>) dst(%dma_wait3A_171 : memref<48x128xf32, #tpu.memory_space<vmem_shared>>)
      tpu.yield
    }) : () -> ()
    %add3A_19 = arith.constant 336 : i32
    %add3A_20 = arith.addi %mul3A_2, %add3A_19 : i32
    "tpu.region"() ({
      %run_scoped3A_163 = tpu.sem_alloc : memref<!tpu.dma_semaphore, #tpu.memory_space<semaphore_mem>>
      %dma_start3A_164 = arith.constant 0 : i32
      %dma_start3A_165 = tpu.memref_slice %arg15[%add3A_20, %dma_start3A_164] : memref<10000x128xf32, #tpu.memory_space<vmem_shared>> -> memref<48x128xf32, #tpu.memory_space<vmem_shared>>
      %dma_start3A_166 = arith.constant 0 : i32
      %dma_start3A_167 = tpu.memref_slice %arg15[%add3A_20, %dma_start3A_166] : memref<10000x128xf32, #tpu.memory_space<vmem_shared>> -> memref<48x128xf32, #tpu.memory_space<vmem_shared>>
      tpu.enqueue_dma source(%arg14 : memref<48x128xf32, #tpu.memory_space<vmem>>) target(%dma_start3A_167 : memref<48x128xf32, #tpu.memory_space<vmem_shared>>) target_semaphore(%run_scoped3A_163 : memref<!tpu.dma_semaphore, #tpu.memory_space<semaphore_mem>>)
      %dma_wait3A_168 = arith.constant 0 : i32
      %dma_wait3A_169 = tpu.memref_slice %arg15[%add3A_20, %dma_wait3A_168] : memref<10000x128xf32, #tpu.memory_space<vmem_shared>> -> memref<48x128xf32, #tpu.memory_space<vmem_shared>>
      %dma_wait3A_170 = arith.constant 0 : i32
      %dma_wait3A_171 = tpu.memref_slice %arg15[%add3A_20, %dma_wait3A_170] : memref<10000x128xf32, #tpu.memory_space<vmem_shared>> -> memref<48x128xf32, #tpu.memory_space<vmem_shared>>
      tpu.wait_dma2 semaphore(%run_scoped3A_163 : memref<!tpu.dma_semaphore, #tpu.memory_space<semaphore_mem>>) src(%arg14 : memref<48x128xf32, #tpu.memory_space<vmem>>) dst(%dma_wait3A_171 : memref<48x128xf32, #tpu.memory_space<vmem_shared>>)
      tpu.yield
    }) : () -> ()
    %add3A_21 = arith.constant 384 : i32
    %add3A_22 = arith.addi %mul3A_2, %add3A_21 : i32
    "tpu.region"() ({
      %run_scoped3A_163 = tpu.sem_alloc : memref<!tpu.dma_semaphore, #tpu.memory_space<semaphore_mem>>
      %dma_start3A_164 = arith.constant 0 : i32
      %dma_start3A_165 = tpu.memref_slice %arg15[%add3A_22, %dma_start3A_164] : memref<10000x128xf32, #tpu.memory_space<vmem_shared>> -> memref<48x128xf32, #tpu.memory_space<vmem_shared>>
      %dma_start3A_166 = arith.constant 0 : i32
      %dma_start3A_167 = tpu.memref_slice %arg15[%add3A_22, %dma_start3A_166] : memref<10000x128xf32, #tpu.memory_space<vmem_shared>> -> memref<48x128xf32, #tpu.memory_space<vmem_shared>>
      tpu.enqueue_dma source(%arg14 : memref<48x128xf32, #tpu.memory_space<vmem>>) target(%dma_start3A_167 : memref<48x128xf32, #tpu.memory_space<vmem_shared>>) target_semaphore(%run_scoped3A_163 : memref<!tpu.dma_semaphore, #tpu.memory_space<semaphore_mem>>)
      %dma_wait3A_168 = arith.constant 0 : i32
      %dma_wait3A_169 = tpu.memref_slice %arg15[%add3A_22, %dma_wait3A_168] : memref<10000x128xf32, #tpu.memory_space<vmem_shared>> -> memref<48x128xf32, #tpu.memory_space<vmem_shared>>
      %dma_wait3A_170 = arith.constant 0 : i32
      %dma_wait3A_171 = tpu.memref_slice %arg15[%add3A_22, %dma_wait3A_170] : memref<10000x128xf32, #tpu.memory_space<vmem_shared>> -> memref<48x128xf32, #tpu.memory_space<vmem_shared>>
      tpu.wait_dma2 semaphore(%run_scoped3A_163 : memref<!tpu.dma_semaphore, #tpu.memory_space<semaphore_mem>>) src(%arg14 : memref<48x128xf32, #tpu.memory_space<vmem>>) dst(%dma_wait3A_171 : memref<48x128xf32, #tpu.memory_space<vmem_shared>>)
      tpu.yield
    }) : () -> ()
    %add3A_23 = arith.constant 432 : i32
    %add3A_24 = arith.addi %mul3A_2, %add3A_23 : i32
    "tpu.region"() ({
      %run_scoped3A_163 = tpu.sem_alloc : memref<!tpu.dma_semaphore, #tpu.memory_space<semaphore_mem>>
      %dma_start3A_164 = arith.constant 0 : i32
      %dma_start3A_165 = tpu.memref_slice %arg15[%add3A_24, %dma_start3A_164] : memref<10000x128xf32, #tpu.memory_space<vmem_shared>> -> memref<48x128xf32, #tpu.memory_space<vmem_shared>>
      %dma_start3A_166 = arith.constant 0 : i32
      %dma_start3A_167 = tpu.memref_slice %arg15[%add3A_24, %dma_start3A_166] : memref<10000x128xf32, #tpu.memory_space<vmem_shared>> -> memref<48x128xf32, #tpu.memory_space<vmem_shared>>
      tpu.enqueue_dma source(%arg14 : memref<48x128xf32, #tpu.memory_space<vmem>>) target(%dma_start3A_167 : memref<48x128xf32, #tpu.memory_space<vmem_shared>>) target_semaphore(%run_scoped3A_163 : memref<!tpu.dma_semaphore, #tpu.memory_space<semaphore_mem>>)
      %dma_wait3A_168 = arith.constant 0 : i32
      %dma_wait3A_169 = tpu.memref_slice %arg15[%add3A_24, %dma_wait3A_168] : memref<10000x128xf32, #tpu.memory_space<vmem_shared>> -> memref<48x128xf32, #tpu.memory_space<vmem_shared>>
      %dma_wait3A_170 = arith.constant 0 : i32
      %dma_wait3A_171 = tpu.memref_slice %arg15[%add3A_24, %dma_wait3A_170] : memref<10000x128xf32, #tpu.memory_space<vmem_shared>> -> memref<48x128xf32, #tpu.memory_space<vmem_shared>>
      tpu.wait_dma2 semaphore(%run_scoped3A_163 : memref<!tpu.dma_semaphore, #tpu.memory_space<semaphore_mem>>) src(%arg14 : memref<48x128xf32, #tpu.memory_space<vmem>>) dst(%dma_wait3A_171 : memref<48x128xf32, #tpu.memory_space<vmem_shared>>)
      tpu.yield
    }) : () -> ()
    %add3A_25 = arith.constant 480 : i32
    %add3A_26 = arith.addi %mul3A_2, %add3A_25 : i32
    "tpu.region"() ({
      %run_scoped3A_163 = tpu.sem_alloc : memref<!tpu.dma_semaphore, #tpu.memory_space<semaphore_mem>>
      %dma_start3A_164 = arith.constant 0 : i32
      %dma_start3A_165 = tpu.memref_slice %arg15[%add3A_26, %dma_start3A_164] : memref<10000x128xf32, #tpu.memory_space<vmem_shared>> -> memref<48x128xf32, #tpu.memory_space<vmem_shared>>
      %dma_start3A_166 = arith.constant 0 : i32
      %dma_start3A_167 = tpu.memref_slice %arg15[%add3A_26, %dma_start3A_166] : memref<10000x128xf32, #tpu.memory_space<vmem_shared>> -> memref<48x128xf32, #tpu.memory_space<vmem_shared>>
      tpu.enqueue_dma source(%arg14 : memref<48x128xf32, #tpu.memory_space<vmem>>) target(%dma_start3A_167 : memref<48x128xf32, #tpu.memory_space<vmem_shared>>) target_semaphore(%run_scoped3A_163 : memref<!tpu.dma_semaphore, #tpu.memory_space<semaphore_mem>>)
      %dma_wait3A_168 = arith.constant 0 : i32
      %dma_wait3A_169 = tpu.memref_slice %arg15[%add3A_26, %dma_wait3A_168] : memref<10000x128xf32, #tpu.memory_space<vmem_shared>> -> memref<48x128xf32, #tpu.memory_space<vmem_shared>>
      %dma_wait3A_170 = arith.constant 0 : i32
      %dma_wait3A_171 = tpu.memref_slice %arg15[%add3A_26, %dma_wait3A_170] : memref<10000x128xf32, #tpu.memory_space<vmem_shared>> -> memref<48x128xf32, #tpu.memory_space<vmem_shared>>
      tpu.wait_dma2 semaphore(%run_scoped3A_163 : memref<!tpu.dma_semaphore, #tpu.memory_space<semaphore_mem>>) src(%arg14 : memref<48x128xf32, #tpu.memory_space<vmem>>) dst(%dma_wait3A_171 : memref<48x128xf32, #tpu.memory_space<vmem_shared>>)
      tpu.yield
    }) : () -> ()
    %add3A_27 = arith.constant 528 : i32
    %add3A_28 = arith.addi %mul3A_2, %add3A_27 : i32
    "tpu.region"() ({
      %run_scoped3A_163 = tpu.sem_alloc : memref<!tpu.dma_semaphore, #tpu.memory_space<semaphore_mem>>
      %dma_start3A_164 = arith.constant 0 : i32
      %dma_start3A_165 = tpu.memref_slice %arg15[%add3A_28, %dma_start3A_164] : memref<10000x128xf32, #tpu.memory_space<vmem_shared>> -> memref<48x128xf32, #tpu.memory_space<vmem_shared>>
      %dma_start3A_166 = arith.constant 0 : i32
      %dma_start3A_167 = tpu.memref_slice %arg15[%add3A_28, %dma_start3A_166] : memref<10000x128xf32, #tpu.memory_space<vmem_shared>> -> memref<48x128xf32, #tpu.memory_space<vmem_shared>>
      tpu.enqueue_dma source(%arg14 : memref<48x128xf32, #tpu.memory_space<vmem>>) target(%dma_start3A_167 : memref<48x128xf32, #tpu.memory_space<vmem_shared>>) target_semaphore(%run_scoped3A_163 : memref<!tpu.dma_semaphore, #tpu.memory_space<semaphore_mem>>)
      %dma_wait3A_168 = arith.constant 0 : i32
      %dma_wait3A_169 = tpu.memref_slice %arg15[%add3A_28, %dma_wait3A_168] : memref<10000x128xf32, #tpu.memory_space<vmem_shared>> -> memref<48x128xf32, #tpu.memory_space<vmem_shared>>
      %dma_wait3A_170 = arith.constant 0 : i32
      %dma_wait3A_171 = tpu.memref_slice %arg15[%add3A_28, %dma_wait3A_170] : memref<10000x128xf32, #tpu.memory_space<vmem_shared>> -> memref<48x128xf32, #tpu.memory_space<vmem_shared>>
      tpu.wait_dma2 semaphore(%run_scoped3A_163 : memref<!tpu.dma_semaphore, #tpu.memory_space<semaphore_mem>>) src(%arg14 : memref<48x128xf32, #tpu.memory_space<vmem>>) dst(%dma_wait3A_171 : memref<48x128xf32, #tpu.memory_space<vmem_shared>>)
      tpu.yield
    }) : () -> ()
    %add3A_29 = arith.constant 576 : i32
    %add3A_30 = arith.addi %mul3A_2, %add3A_29 : i32
    "tpu.region"() ({
      %run_scoped3A_163 = tpu.sem_alloc : memref<!tpu.dma_semaphore, #tpu.memory_space<semaphore_mem>>
      %dma_start3A_164 = arith.constant 0 : i32
      %dma_start3A_165 = tpu.memref_slice %arg15[%add3A_30, %dma_start3A_164] : memref<10000x128xf32, #tpu.memory_space<vmem_shared>> -> memref<48x128xf32, #tpu.memory_space<vmem_shared>>
      %dma_start3A_166 = arith.constant 0 : i32
      %dma_start3A_167 = tpu.memref_slice %arg15[%add3A_30, %dma_start3A_166] : memref<10000x128xf32, #tpu.memory_space<vmem_shared>> -> memref<48x128xf32, #tpu.memory_space<vmem_shared>>
      tpu.enqueue_dma source(%arg14 : memref<48x128xf32, #tpu.memory_space<vmem>>) target(%dma_start3A_167 : memref<48x128xf32, #tpu.memory_space<vmem_shared>>) target_semaphore(%run_scoped3A_163 : memref<!tpu.dma_semaphore, #tpu.memory_space<semaphore_mem>>)
      %dma_wait3A_168 = arith.constant 0 : i32
      %dma_wait3A_169 = tpu.memref_slice %arg15[%add3A_30, %dma_wait3A_168] : memref<10000x128xf32, #tpu.memory_space<vmem_shared>> -> memref<48x128xf32, #tpu.memory_space<vmem_shared>>
      %dma_wait3A_170 = arith.constant 0 : i32
      %dma_wait3A_171 = tpu.memref_slice %arg15[%add3A_30, %dma_wait3A_170] : memref<10000x128xf32, #tpu.memory_space<vmem_shared>> -> memref<48x128xf32, #tpu.memory_space<vmem_shared>>
      tpu.wait_dma2 semaphore(%run_scoped3A_163 : memref<!tpu.dma_semaphore, #tpu.memory_space<semaphore_mem>>) src(%arg14 : memref<48x128xf32, #tpu.memory_space<vmem>>) dst(%dma_wait3A_171 : memref<48x128xf32, #tpu.memory_space<vmem_shared>>)
      tpu.yield
    }) : () -> ()
    %eq3A = arith.constant 15 : i32
    %eq3A_31 = arith.cmpi eq, %arg1, %eq3A : i32
    %convert_element_type3A = arith.extui %eq3A_31 : i1 to i32
    %cond3A = arith.constant 0 : i32
    %cond3A_32 = arith.cmpi ne, %convert_element_type3A, %cond3A : i32
    scf.if %cond3A_32 {
      "tpu.region"() ({
        %run_scoped3A_163 = tpu.sem_alloc : memref<!tpu.dma_semaphore, #tpu.memory_space<semaphore_mem>>
        %dma_start3A_164 = arith.constant 0 : i32
        %dma_start3A_165 = arith.constant 0 : i32
        %dma_start3A_166 = tpu.memref_slice %arg14[%dma_start3A_164, %dma_start3A_165] : memref<48x128xf32, #tpu.memory_space<vmem>> -> memref<16x128xf32, #tpu.memory_space<vmem>>
        %dma_start3A_167 = arith.constant 9984 : i32
        %dma_start3A_168 = arith.constant 0 : i32
        %dma_start3A_169 = tpu.memref_slice %arg15[%dma_start3A_167, %dma_start3A_168] : memref<10000x128xf32, #tpu.memory_space<vmem_shared>> -> memref<16x128xf32, #tpu.memory_space<vmem_shared>>
        %dma_start3A_170 = arith.constant 9984 : i32
        %dma_start3A_171 = arith.constant 0 : i32
        %dma_start3A_172 = tpu.memref_slice %arg15[%dma_start3A_170, %dma_start3A_171] : memref<10000x128xf32, #tpu.memory_space<vmem_shared>> -> memref<16x128xf32, #tpu.memory_space<vmem_shared>>
        %dma_start3A_173 = arith.constant 0 : i32
        %dma_start3A_174 = arith.constant 0 : i32
        %dma_start3A_175 = tpu.memref_slice %arg14[%dma_start3A_173, %dma_start3A_174] : memref<48x128xf32, #tpu.memory_space<vmem>> -> memref<16x128xf32, #tpu.memory_space<vmem>>
        tpu.enqueue_dma source(%dma_start3A_175 : memref<16x128xf32, #tpu.memory_space<vmem>>) target(%dma_start3A_172 : memref<16x128xf32, #tpu.memory_space<vmem_shared>>) target_semaphore(%run_scoped3A_163 : memref<!tpu.dma_semaphore, #tpu.memory_space<semaphore_mem>>)
        %dma_wait3A_176 = arith.constant 0 : i32
        %dma_wait3A_177 = arith.constant 0 : i32
        %dma_wait3A_178 = tpu.memref_slice %arg14[%dma_wait3A_176, %dma_wait3A_177] : memref<48x128xf32, #tpu.memory_space<vmem>> -> memref<16x128xf32, #tpu.memory_space<vmem>>
        %dma_wait3A_179 = arith.constant 9984 : i32
        %dma_wait3A_180 = arith.constant 0 : i32
        %dma_wait3A_181 = tpu.memref_slice %arg15[%dma_wait3A_179, %dma_wait3A_180] : memref<10000x128xf32, #tpu.memory_space<vmem_shared>> -> memref<16x128xf32, #tpu.memory_space<vmem_shared>>
        %dma_wait3A_182 = arith.constant 9984 : i32
        %dma_wait3A_183 = arith.constant 0 : i32
        %dma_wait3A_184 = tpu.memref_slice %arg15[%dma_wait3A_182, %dma_wait3A_183] : memref<10000x128xf32, #tpu.memory_space<vmem_shared>> -> memref<16x128xf32, #tpu.memory_space<vmem_shared>>
        %dma_wait3A_185 = arith.constant 0 : i32
        %dma_wait3A_186 = arith.constant 0 : i32
        %dma_wait3A_187 = tpu.memref_slice %arg14[%dma_wait3A_185, %dma_wait3A_186] : memref<48x128xf32, #tpu.memory_space<vmem>> -> memref<16x128xf32, #tpu.memory_space<vmem>>
        tpu.wait_dma2 semaphore(%run_scoped3A_163 : memref<!tpu.dma_semaphore, #tpu.memory_space<semaphore_mem>>) src(%dma_wait3A_187 : memref<16x128xf32, #tpu.memory_space<vmem>>) dst(%dma_wait3A_184 : memref<16x128xf32, #tpu.memory_space<vmem_shared>>)
        tpu.yield
      }) : () -> ()
    } else {
    }
    %barrier3A = arith.constant 0 : index
    tpu.barrier barrier_id(%barrier3A)
    %run_scoped3A = arith.constant 0 : i32
    "tpu.region"() ({
      %run_scoped3A_163 = tpu.sem_alloc : memref<!tpu.dma_semaphore, #tpu.memory_space<semaphore_mem>>
      %dma_start3A_164 = arith.constant 0 : i32
      %dma_start3A_165 = tpu.memref_slice %arg7[%run_scoped3A, %dma_start3A_164] : memref<2x128xi32, #tpu.memory_space<vmem>> -> memref<1x128xi32, #tpu.memory_space<vmem>>
      %dma_start3A_166 = tpu.memref_squeeze %dma_start3A_165 : memref<1x128xi32, #tpu.memory_space<vmem>> -> memref<128xi32, #tpu.memory_space<vmem>>
      %dma_start3A_167 = tpu.memref_slice %arg3[%mul3A_4] : memref<320000xi32, #tpu.memory_space<hbm>> -> memref<128xi32, #tpu.memory_space<hbm>>
      %dma_start3A_168 = arith.constant 0 : i32
      %dma_start3A_169 = tpu.memref_slice %arg7[%run_scoped3A, %dma_start3A_168] : memref<2x128xi32, #tpu.memory_space<vmem>> -> memref<1x128xi32, #tpu.memory_space<vmem>>
      %dma_start3A_170 = tpu.memref_squeeze %dma_start3A_169 : memref<1x128xi32, #tpu.memory_space<vmem>> -> memref<128xi32, #tpu.memory_space<vmem>>
      %dma_start3A_171 = tpu.memref_slice %arg3[%mul3A_4] : memref<320000xi32, #tpu.memory_space<hbm>> -> memref<128xi32, #tpu.memory_space<hbm>>
      tpu.enqueue_dma source(%dma_start3A_171 : memref<128xi32, #tpu.memory_space<hbm>>) target(%dma_start3A_170 : memref<128xi32, #tpu.memory_space<vmem>>) target_semaphore(%run_scoped3A_163 : memref<!tpu.dma_semaphore, #tpu.memory_space<semaphore_mem>>)
      %dma_wait3A_172 = arith.constant 0 : i32
      %dma_wait3A_173 = tpu.memref_slice %arg7[%run_scoped3A, %dma_wait3A_172] : memref<2x128xi32, #tpu.memory_space<vmem>> -> memref<1x128xi32, #tpu.memory_space<vmem>>
      %dma_wait3A_174 = tpu.memref_squeeze %dma_wait3A_173 : memref<1x128xi32, #tpu.memory_space<vmem>> -> memref<128xi32, #tpu.memory_space<vmem>>
      %dma_wait3A_175 = tpu.memref_slice %arg3[%mul3A_4] : memref<320000xi32, #tpu.memory_space<hbm>> -> memref<128xi32, #tpu.memory_space<hbm>>
      %dma_wait3A_176 = arith.constant 0 : i32
      %dma_wait3A_177 = tpu.memref_slice %arg7[%run_scoped3A, %dma_wait3A_176] : memref<2x128xi32, #tpu.memory_space<vmem>> -> memref<1x128xi32, #tpu.memory_space<vmem>>
      %dma_wait3A_178 = tpu.memref_squeeze %dma_wait3A_177 : memref<1x128xi32, #tpu.memory_space<vmem>> -> memref<128xi32, #tpu.memory_space<vmem>>
      %dma_wait3A_179 = tpu.memref_slice %arg3[%mul3A_4] : memref<320000xi32, #tpu.memory_space<hbm>> -> memref<128xi32, #tpu.memory_space<hbm>>
      tpu.wait_dma2 semaphore(%run_scoped3A_163 : memref<!tpu.dma_semaphore, #tpu.memory_space<semaphore_mem>>) src(%dma_wait3A_179 : memref<128xi32, #tpu.memory_space<hbm>>) dst(%dma_wait3A_178 : memref<128xi32, #tpu.memory_space<vmem>>)
      tpu.yield
    }) : () -> ()
    %run_scoped3A_33 = arith.constant 0 : i32
    "tpu.region"() ({
      %run_scoped3A_163 = tpu.sem_alloc : memref<!tpu.dma_semaphore, #tpu.memory_space<semaphore_mem>>
      %dma_start3A_164 = arith.constant 0 : i32
      %dma_start3A_165 = tpu.memref_slice %arg8[%run_scoped3A_33, %dma_start3A_164] : memref<2x128xi32, #tpu.memory_space<vmem>> -> memref<1x128xi32, #tpu.memory_space<vmem>>
      %dma_start3A_166 = tpu.memref_squeeze %dma_start3A_165 : memref<1x128xi32, #tpu.memory_space<vmem>> -> memref<128xi32, #tpu.memory_space<vmem>>
      %dma_start3A_167 = tpu.memref_slice %arg4[%mul3A_4] : memref<320000xi32, #tpu.memory_space<hbm>> -> memref<128xi32, #tpu.memory_space<hbm>>
      %dma_start3A_168 = arith.constant 0 : i32
      %dma_start3A_169 = tpu.memref_slice %arg8[%run_scoped3A_33, %dma_start3A_168] : memref<2x128xi32, #tpu.memory_space<vmem>> -> memref<1x128xi32, #tpu.memory_space<vmem>>
      %dma_start3A_170 = tpu.memref_squeeze %dma_start3A_169 : memref<1x128xi32, #tpu.memory_space<vmem>> -> memref<128xi32, #tpu.memory_space<vmem>>
      %dma_start3A_171 = tpu.memref_slice %arg4[%mul3A_4] : memref<320000xi32, #tpu.memory_space<hbm>> -> memref<128xi32, #tpu.memory_space<hbm>>
      tpu.enqueue_dma source(%dma_start3A_171 : memref<128xi32, #tpu.memory_space<hbm>>) target(%dma_start3A_170 : memref<128xi32, #tpu.memory_space<vmem>>) target_semaphore(%run_scoped3A_163 : memref<!tpu.dma_semaphore, #tpu.memory_space<semaphore_mem>>)
      %dma_wait3A_172 = arith.constant 0 : i32
      %dma_wait3A_173 = tpu.memref_slice %arg8[%run_scoped3A_33, %dma_wait3A_172] : memref<2x128xi32, #tpu.memory_space<vmem>> -> memref<1x128xi32, #tpu.memory_space<vmem>>
      %dma_wait3A_174 = tpu.memref_squeeze %dma_wait3A_173 : memref<1x128xi32, #tpu.memory_space<vmem>> -> memref<128xi32, #tpu.memory_space<vmem>>
      %dma_wait3A_175 = tpu.memref_slice %arg4[%mul3A_4] : memref<320000xi32, #tpu.memory_space<hbm>> -> memref<128xi32, #tpu.memory_space<hbm>>
      %dma_wait3A_176 = arith.constant 0 : i32
      %dma_wait3A_177 = tpu.memref_slice %arg8[%run_scoped3A_33, %dma_wait3A_176] : memref<2x128xi32, #tpu.memory_space<vmem>> -> memref<1x128xi32, #tpu.memory_space<vmem>>
      %dma_wait3A_178 = tpu.memref_squeeze %dma_wait3A_177 : memref<1x128xi32, #tpu.memory_space<vmem>> -> memref<128xi32, #tpu.memory_space<vmem>>
      %dma_wait3A_179 = tpu.memref_slice %arg4[%mul3A_4] : memref<320000xi32, #tpu.memory_space<hbm>> -> memref<128xi32, #tpu.memory_space<hbm>>
      tpu.wait_dma2 semaphore(%run_scoped3A_163 : memref<!tpu.dma_semaphore, #tpu.memory_space<semaphore_mem>>) src(%dma_wait3A_179 : memref<128xi32, #tpu.memory_space<hbm>>) dst(%dma_wait3A_178 : memref<128xi32, #tpu.memory_space<vmem>>)
      tpu.yield
    }) : () -> ()
    %dma_start3A = arith.constant 0 : i32
    %dma_start3A_34 = arith.constant 0 : i32
    %dma_start3A_35 = tpu.memref_slice %arg7[%dma_start3A, %dma_start3A_34] : memref<2x128xi32, #tpu.memory_space<vmem>> -> memref<1x128xi32, #tpu.memory_space<vmem>>
    %dma_start3A_36 = tpu.memref_squeeze %dma_start3A_35 : memref<1x128xi32, #tpu.memory_space<vmem>> -> memref<128xi32, #tpu.memory_space<vmem>>
    %dma_start3A_37 = arith.constant 0 : i32
    %dma_start3A_38 = arith.constant 0 : i32
    %dma_start3A_39 = tpu.memref_slice %arg2[%dma_start3A_37, %dma_start3A_38] : memref<10000x128xf32, #tpu.memory_space<hbm>> -> memref<10000x128xf32, #tpu.memory_space<hbm>>
    tpu.enqueue_indirect_dma source(%dma_start3A_39 : memref<10000x128xf32, #tpu.memory_space<hbm>>) target(%arg9 : memref<128x128xf32, #tpu.memory_space<vmem>>) offsets(%dma_start3A_36 : memref<128xi32, #tpu.memory_space<vmem>>) semaphore(%arg16 : memref<!tpu.dma_semaphore, #tpu.memory_space<semaphore_mem>>)
    %add3A_40 = arith.constant 128 : i32
    %add3A_41 = arith.addi %mul3A_4, %add3A_40 : i32
    %run_scoped3A_42 = arith.constant 1 : i32
    "tpu.region"() ({
      %run_scoped3A_163 = tpu.sem_alloc : memref<!tpu.dma_semaphore, #tpu.memory_space<semaphore_mem>>
      %dma_start3A_164 = arith.constant 0 : i32
      %dma_start3A_165 = tpu.memref_slice %arg7[%run_scoped3A_42, %dma_start3A_164] : memref<2x128xi32, #tpu.memory_space<vmem>> -> memref<1x128xi32, #tpu.memory_space<vmem>>
      %dma_start3A_166 = tpu.memref_squeeze %dma_start3A_165 : memref<1x128xi32, #tpu.memory_space<vmem>> -> memref<128xi32, #tpu.memory_space<vmem>>
      %dma_start3A_167 = tpu.memref_slice %arg3[%add3A_41] : memref<320000xi32, #tpu.memory_space<hbm>> -> memref<128xi32, #tpu.memory_space<hbm>>
      %dma_start3A_168 = arith.constant 0 : i32
      %dma_start3A_169 = tpu.memref_slice %arg7[%run_scoped3A_42, %dma_start3A_168] : memref<2x128xi32, #tpu.memory_space<vmem>> -> memref<1x128xi32, #tpu.memory_space<vmem>>
      %dma_start3A_170 = tpu.memref_squeeze %dma_start3A_169 : memref<1x128xi32, #tpu.memory_space<vmem>> -> memref<128xi32, #tpu.memory_space<vmem>>
      %dma_start3A_171 = tpu.memref_slice %arg3[%add3A_41] : memref<320000xi32, #tpu.memory_space<hbm>> -> memref<128xi32, #tpu.memory_space<hbm>>
      tpu.enqueue_dma source(%dma_start3A_171 : memref<128xi32, #tpu.memory_space<hbm>>) target(%dma_start3A_170 : memref<128xi32, #tpu.memory_space<vmem>>) target_semaphore(%run_scoped3A_163 : memref<!tpu.dma_semaphore, #tpu.memory_space<semaphore_mem>>)
      %dma_wait3A_172 = arith.constant 0 : i32
      %dma_wait3A_173 = tpu.memref_slice %arg7[%run_scoped3A_42, %dma_wait3A_172] : memref<2x128xi32, #tpu.memory_space<vmem>> -> memref<1x128xi32, #tpu.memory_space<vmem>>
      %dma_wait3A_174 = tpu.memref_squeeze %dma_wait3A_173 : memref<1x128xi32, #tpu.memory_space<vmem>> -> memref<128xi32, #tpu.memory_space<vmem>>
      %dma_wait3A_175 = tpu.memref_slice %arg3[%add3A_41] : memref<320000xi32, #tpu.memory_space<hbm>> -> memref<128xi32, #tpu.memory_space<hbm>>
      %dma_wait3A_176 = arith.constant 0 : i32
      %dma_wait3A_177 = tpu.memref_slice %arg7[%run_scoped3A_42, %dma_wait3A_176] : memref<2x128xi32, #tpu.memory_space<vmem>> -> memref<1x128xi32, #tpu.memory_space<vmem>>
      %dma_wait3A_178 = tpu.memref_squeeze %dma_wait3A_177 : memref<1x128xi32, #tpu.memory_space<vmem>> -> memref<128xi32, #tpu.memory_space<vmem>>
      %dma_wait3A_179 = tpu.memref_slice %arg3[%add3A_41] : memref<320000xi32, #tpu.memory_space<hbm>> -> memref<128xi32, #tpu.memory_space<hbm>>
      tpu.wait_dma2 semaphore(%run_scoped3A_163 : memref<!tpu.dma_semaphore, #tpu.memory_space<semaphore_mem>>) src(%dma_wait3A_179 : memref<128xi32, #tpu.memory_space<hbm>>) dst(%dma_wait3A_178 : memref<128xi32, #tpu.memory_space<vmem>>)
      tpu.yield
    }) : () -> ()
    %run_scoped3A_43 = arith.constant 1 : i32
    "tpu.region"() ({
      %run_scoped3A_163 = tpu.sem_alloc : memref<!tpu.dma_semaphore, #tpu.memory_space<semaphore_mem>>
      %dma_start3A_164 = arith.constant 0 : i32
      %dma_start3A_165 = tpu.memref_slice %arg8[%run_scoped3A_43, %dma_start3A_164] : memref<2x128xi32, #tpu.memory_space<vmem>> -> memref<1x128xi32, #tpu.memory_space<vmem>>
      %dma_start3A_166 = tpu.memref_squeeze %dma_start3A_165 : memref<1x128xi32, #tpu.memory_space<vmem>> -> memref<128xi32, #tpu.memory_space<vmem>>
      %dma_start3A_167 = tpu.memref_slice %arg4[%add3A_41] : memref<320000xi32, #tpu.memory_space<hbm>> -> memref<128xi32, #tpu.memory_space<hbm>>
      %dma_start3A_168 = arith.constant 0 : i32
      %dma_start3A_169 = tpu.memref_slice %arg8[%run_scoped3A_43, %dma_start3A_168] : memref<2x128xi32, #tpu.memory_space<vmem>> -> memref<1x128xi32, #tpu.memory_space<vmem>>
      %dma_start3A_170 = tpu.memref_squeeze %dma_start3A_169 : memref<1x128xi32, #tpu.memory_space<vmem>> -> memref<128xi32, #tpu.memory_space<vmem>>
      %dma_start3A_171 = tpu.memref_slice %arg4[%add3A_41] : memref<320000xi32, #tpu.memory_space<hbm>> -> memref<128xi32, #tpu.memory_space<hbm>>
      tpu.enqueue_dma source(%dma_start3A_171 : memref<128xi32, #tpu.memory_space<hbm>>) target(%dma_start3A_170 : memref<128xi32, #tpu.memory_space<vmem>>) target_semaphore(%run_scoped3A_163 : memref<!tpu.dma_semaphore, #tpu.memory_space<semaphore_mem>>)
      %dma_wait3A_172 = arith.constant 0 : i32
      %dma_wait3A_173 = tpu.memref_slice %arg8[%run_scoped3A_43, %dma_wait3A_172] : memref<2x128xi32, #tpu.memory_space<vmem>> -> memref<1x128xi32, #tpu.memory_space<vmem>>
      %dma_wait3A_174 = tpu.memref_squeeze %dma_wait3A_173 : memref<1x128xi32, #tpu.memory_space<vmem>> -> memref<128xi32, #tpu.memory_space<vmem>>
      %dma_wait3A_175 = tpu.memref_slice %arg4[%add3A_41] : memref<320000xi32, #tpu.memory_space<hbm>> -> memref<128xi32, #tpu.memory_space<hbm>>
      %dma_wait3A_176 = arith.constant 0 : i32
      %dma_wait3A_177 = tpu.memref_slice %arg8[%run_scoped3A_43, %dma_wait3A_176] : memref<2x128xi32, #tpu.memory_space<vmem>> -> memref<1x128xi32, #tpu.memory_space<vmem>>
      %dma_wait3A_178 = tpu.memref_squeeze %dma_wait3A_177 : memref<1x128xi32, #tpu.memory_space<vmem>> -> memref<128xi32, #tpu.memory_space<vmem>>
      %dma_wait3A_179 = tpu.memref_slice %arg4[%add3A_41] : memref<320000xi32, #tpu.memory_space<hbm>> -> memref<128xi32, #tpu.memory_space<hbm>>
      tpu.wait_dma2 semaphore(%run_scoped3A_163 : memref<!tpu.dma_semaphore, #tpu.memory_space<semaphore_mem>>) src(%dma_wait3A_179 : memref<128xi32, #tpu.memory_space<hbm>>) dst(%dma_wait3A_178 : memref<128xi32, #tpu.memory_space<vmem>>)
      tpu.yield
    }) : () -> ()
    %dma_start3A_44 = arith.constant 1 : i32
    %dma_start3A_45 = arith.constant 0 : i32
    %dma_start3A_46 = tpu.memref_slice %arg7[%dma_start3A_44, %dma_start3A_45] : memref<2x128xi32, #tpu.memory_space<vmem>> -> memref<1x128xi32, #tpu.memory_space<vmem>>
    %dma_start3A_47 = tpu.memref_squeeze %dma_start3A_46 : memref<1x128xi32, #tpu.memory_space<vmem>> -> memref<128xi32, #tpu.memory_space<vmem>>
    %dma_start3A_48 = arith.constant 0 : i32
    %dma_start3A_49 = arith.constant 0 : i32
    %dma_start3A_50 = tpu.memref_slice %arg2[%dma_start3A_48, %dma_start3A_49] : memref<10000x128xf32, #tpu.memory_space<hbm>> -> memref<10000x128xf32, #tpu.memory_space<hbm>>
    tpu.enqueue_indirect_dma source(%dma_start3A_50 : memref<10000x128xf32, #tpu.memory_space<hbm>>) target(%arg10 : memref<128x128xf32, #tpu.memory_space<vmem>>) offsets(%dma_start3A_47 : memref<128xi32, #tpu.memory_space<vmem>>) semaphore(%arg17 : memref<!tpu.dma_semaphore, #tpu.memory_space<semaphore_mem>>)
    %scan3A = arith.constant 0 : i32
    %scan3A_51 = arith.constant 0 : i32
    %scan3A_52 = arith.constant 38 : i32
    %scan3A_53 = arith.addi %scan3A_51, %scan3A_52 : i32
    %scan3A_54 = arith.constant 1 : i32
    scf.for %scan3A_163 = %scan3A_51 to %scan3A_53 step %scan3A_54  : i32 {
      %mul3A_164 = arith.constant 2 : i32
      %mul3A_165 = arith.muli %mul3A_164, %scan3A_163 : i32
      %dma_wait3A_166 = arith.constant 0 : i32
      %dma_wait3A_167 = arith.constant 0 : i32
      %dma_wait3A_168 = tpu.memref_slice %arg7[%dma_wait3A_166, %dma_wait3A_167] : memref<2x128xi32, #tpu.memory_space<vmem>> -> memref<1x128xi32, #tpu.memory_space<vmem>>
      %dma_wait3A_169 = tpu.memref_squeeze %dma_wait3A_168 : memref<1x128xi32, #tpu.memory_space<vmem>> -> memref<128xi32, #tpu.memory_space<vmem>>
      %dma_wait3A_170 = arith.constant 0 : i32
      %dma_wait3A_171 = arith.constant 0 : i32
      %dma_wait3A_172 = tpu.memref_slice %arg2[%dma_wait3A_170, %dma_wait3A_171] : memref<10000x128xf32, #tpu.memory_space<hbm>> -> memref<10000x128xf32, #tpu.memory_space<hbm>>
      tpu.wait_indirect_dma semaphore(%arg16 : memref<!tpu.dma_semaphore, #tpu.memory_space<semaphore_mem>>) src(%dma_wait3A_172 : memref<10000x128xf32, #tpu.memory_space<hbm>>) dst(%arg9 : memref<128x128xf32, #tpu.memory_space<vmem>>)
      %dma_start3A_173 = arith.constant 0 : i32
      %dma_start3A_174 = arith.constant 0 : i32
      %dma_start3A_175 = tpu.memref_slice %arg8[%dma_start3A_173, %dma_start3A_174] : memref<2x128xi32, #tpu.memory_space<vmem>> -> memref<1x128xi32, #tpu.memory_space<vmem>>
      %dma_start3A_176 = tpu.memref_squeeze %dma_start3A_175 : memref<1x128xi32, #tpu.memory_space<vmem>> -> memref<128xi32, #tpu.memory_space<vmem>>
      %dma_start3A_177 = arith.constant 0 : i32
      %dma_start3A_178 = arith.constant 0 : i32
      %dma_start3A_179 = tpu.memref_slice %arg15[%dma_start3A_177, %dma_start3A_178] : memref<10000x128xf32, #tpu.memory_space<vmem_shared>> -> memref<10000x128xf32, #tpu.memory_space<vmem_shared>>
      tpu.enqueue_indirect_dma source(%arg9 : memref<128x128xf32, #tpu.memory_space<vmem>>) target(%dma_start3A_179 : memref<10000x128xf32, #tpu.memory_space<vmem_shared>>) offsets(%dma_start3A_176 : memref<128xi32, #tpu.memory_space<vmem>>) semaphore(%arg18 : memref<!tpu.dma_semaphore, #tpu.memory_space<semaphore_mem>>) {add = true}
      %dma_wait3A_180 = arith.constant 1 : i32
      %dma_wait3A_181 = arith.constant 0 : i32
      %dma_wait3A_182 = tpu.memref_slice %arg7[%dma_wait3A_180, %dma_wait3A_181] : memref<2x128xi32, #tpu.memory_space<vmem>> -> memref<1x128xi32, #tpu.memory_space<vmem>>
      %dma_wait3A_183 = tpu.memref_squeeze %dma_wait3A_182 : memref<1x128xi32, #tpu.memory_space<vmem>> -> memref<128xi32, #tpu.memory_space<vmem>>
      %dma_wait3A_184 = arith.constant 0 : i32
      %dma_wait3A_185 = arith.constant 0 : i32
      %dma_wait3A_186 = tpu.memref_slice %arg2[%dma_wait3A_184, %dma_wait3A_185] : memref<10000x128xf32, #tpu.memory_space<hbm>> -> memref<10000x128xf32, #tpu.memory_space<hbm>>
      tpu.wait_indirect_dma semaphore(%arg17 : memref<!tpu.dma_semaphore, #tpu.memory_space<semaphore_mem>>) src(%dma_wait3A_186 : memref<10000x128xf32, #tpu.memory_space<hbm>>) dst(%arg10 : memref<128x128xf32, #tpu.memory_space<vmem>>)
      %dma_start3A_187 = arith.constant 1 : i32
      %dma_start3A_188 = arith.constant 0 : i32
      %dma_start3A_189 = tpu.memref_slice %arg8[%dma_start3A_187, %dma_start3A_188] : memref<2x128xi32, #tpu.memory_space<vmem>> -> memref<1x128xi32, #tpu.memory_space<vmem>>
      %dma_start3A_190 = tpu.memref_squeeze %dma_start3A_189 : memref<1x128xi32, #tpu.memory_space<vmem>> -> memref<128xi32, #tpu.memory_space<vmem>>
      %dma_start3A_191 = arith.constant 0 : i32
      %dma_start3A_192 = arith.constant 0 : i32
      %dma_start3A_193 = tpu.memref_slice %arg15[%dma_start3A_191, %dma_start3A_192] : memref<10000x128xf32, #tpu.memory_space<vmem_shared>> -> memref<10000x128xf32, #tpu.memory_space<vmem_shared>>
      tpu.enqueue_indirect_dma source(%arg10 : memref<128x128xf32, #tpu.memory_space<vmem>>) target(%dma_start3A_193 : memref<10000x128xf32, #tpu.memory_space<vmem_shared>>) offsets(%dma_start3A_190 : memref<128xi32, #tpu.memory_space<vmem>>) semaphore(%arg19 : memref<!tpu.dma_semaphore, #tpu.memory_space<semaphore_mem>>) {add = true}
      %dma_wait3A_194 = arith.constant 0 : i32
      %dma_wait3A_195 = arith.constant 0 : i32
      %dma_wait3A_196 = tpu.memref_slice %arg8[%dma_wait3A_194, %dma_wait3A_195] : memref<2x128xi32, #tpu.memory_space<vmem>> -> memref<1x128xi32, #tpu.memory_space<vmem>>
      %dma_wait3A_197 = tpu.memref_squeeze %dma_wait3A_196 : memref<1x128xi32, #tpu.memory_space<vmem>> -> memref<128xi32, #tpu.memory_space<vmem>>
      %dma_wait3A_198 = arith.constant 0 : i32
      %dma_wait3A_199 = arith.constant 0 : i32
      %dma_wait3A_200 = tpu.memref_slice %arg15[%dma_wait3A_198, %dma_wait3A_199] : memref<10000x128xf32, #tpu.memory_space<vmem_shared>> -> memref<10000x128xf32, #tpu.memory_space<vmem_shared>>
      tpu.wait_indirect_dma semaphore(%arg18 : memref<!tpu.dma_semaphore, #tpu.memory_space<semaphore_mem>>) src(%arg9 : memref<128x128xf32, #tpu.memory_space<vmem>>) dst(%dma_wait3A_200 : memref<10000x128xf32, #tpu.memory_space<vmem_shared>>)
      %add3A_201 = arith.constant 2 : i32
      %add3A_202 = arith.addi %mul3A_165, %add3A_201 : i32
      %mul3A_203 = arith.constant 128 : i32
      %mul3A_204 = arith.muli %add3A_202, %mul3A_203 : i32
      %add3A_205 = arith.addi %mul3A_4, %mul3A_204 : i32
      %run_scoped3A_206 = arith.constant 0 : i32
      "tpu.region"() ({
        %run_scoped3A_236 = tpu.sem_alloc : memref<!tpu.dma_semaphore, #tpu.memory_space<semaphore_mem>>
        %dma_start3A_237 = arith.constant 0 : i32
        %dma_start3A_238 = tpu.memref_slice %arg7[%run_scoped3A_206, %dma_start3A_237] : memref<2x128xi32, #tpu.memory_space<vmem>> -> memref<1x128xi32, #tpu.memory_space<vmem>>
        %dma_start3A_239 = tpu.memref_squeeze %dma_start3A_238 : memref<1x128xi32, #tpu.memory_space<vmem>> -> memref<128xi32, #tpu.memory_space<vmem>>
        %dma_start3A_240 = tpu.memref_slice %arg3[%add3A_205] : memref<320000xi32, #tpu.memory_space<hbm>> -> memref<128xi32, #tpu.memory_space<hbm>>
        %dma_start3A_241 = arith.constant 0 : i32
        %dma_start3A_242 = tpu.memref_slice %arg7[%run_scoped3A_206, %dma_start3A_241] : memref<2x128xi32, #tpu.memory_space<vmem>> -> memref<1x128xi32, #tpu.memory_space<vmem>>
        %dma_start3A_243 = tpu.memref_squeeze %dma_start3A_242 : memref<1x128xi32, #tpu.memory_space<vmem>> -> memref<128xi32, #tpu.memory_space<vmem>>
        %dma_start3A_244 = tpu.memref_slice %arg3[%add3A_205] : memref<320000xi32, #tpu.memory_space<hbm>> -> memref<128xi32, #tpu.memory_space<hbm>>
        tpu.enqueue_dma source(%dma_start3A_244 : memref<128xi32, #tpu.memory_space<hbm>>) target(%dma_start3A_243 : memref<128xi32, #tpu.memory_space<vmem>>) target_semaphore(%run_scoped3A_236 : memref<!tpu.dma_semaphore, #tpu.memory_space<semaphore_mem>>)
        %dma_wait3A_245 = arith.constant 0 : i32
        %dma_wait3A_246 = tpu.memref_slice %arg7[%run_scoped3A_206, %dma_wait3A_245] : memref<2x128xi32, #tpu.memory_space<vmem>> -> memref<1x128xi32, #tpu.memory_space<vmem>>
        %dma_wait3A_247 = tpu.memref_squeeze %dma_wait3A_246 : memref<1x128xi32, #tpu.memory_space<vmem>> -> memref<128xi32, #tpu.memory_space<vmem>>
        %dma_wait3A_248 = tpu.memref_slice %arg3[%add3A_205] : memref<320000xi32, #tpu.memory_space<hbm>> -> memref<128xi32, #tpu.memory_space<hbm>>
        %dma_wait3A_249 = arith.constant 0 : i32
        %dma_wait3A_250 = tpu.memref_slice %arg7[%run_scoped3A_206, %dma_wait3A_249] : memref<2x128xi32, #tpu.memory_space<vmem>> -> memref<1x128xi32, #tpu.memory_space<vmem>>
        %dma_wait3A_251 = tpu.memref_squeeze %dma_wait3A_250 : memref<1x128xi32, #tpu.memory_space<vmem>> -> memref<128xi32, #tpu.memory_space<vmem>>
        %dma_wait3A_252 = tpu.memref_slice %arg3[%add3A_205] : memref<320000xi32, #tpu.memory_space<hbm>> -> memref<128xi32, #tpu.memory_space<hbm>>
        tpu.wait_dma2 semaphore(%run_scoped3A_236 : memref<!tpu.dma_semaphore, #tpu.memory_space<semaphore_mem>>) src(%dma_wait3A_252 : memref<128xi32, #tpu.memory_space<hbm>>) dst(%dma_wait3A_251 : memref<128xi32, #tpu.memory_space<vmem>>)
        tpu.yield
      }) : () -> ()
      %run_scoped3A_207 = arith.constant 0 : i32
      "tpu.region"() ({
        %run_scoped3A_236 = tpu.sem_alloc : memref<!tpu.dma_semaphore, #tpu.memory_space<semaphore_mem>>
        %dma_start3A_237 = arith.constant 0 : i32
        %dma_start3A_238 = tpu.memref_slice %arg8[%run_scoped3A_207, %dma_start3A_237] : memref<2x128xi32, #tpu.memory_space<vmem>> -> memref<1x128xi32, #tpu.memory_space<vmem>>
        %dma_start3A_239 = tpu.memref_squeeze %dma_start3A_238 : memref<1x128xi32, #tpu.memory_space<vmem>> -> memref<128xi32, #tpu.memory_space<vmem>>
        %dma_start3A_240 = tpu.memref_slice %arg4[%add3A_205] : memref<320000xi32, #tpu.memory_space<hbm>> -> memref<128xi32, #tpu.memory_space<hbm>>
        %dma_start3A_241 = arith.constant 0 : i32
        %dma_start3A_242 = tpu.memref_slice %arg8[%run_scoped3A_207, %dma_start3A_241] : memref<2x128xi32, #tpu.memory_space<vmem>> -> memref<1x128xi32, #tpu.memory_space<vmem>>
        %dma_start3A_243 = tpu.memref_squeeze %dma_start3A_242 : memref<1x128xi32, #tpu.memory_space<vmem>> -> memref<128xi32, #tpu.memory_space<vmem>>
        %dma_start3A_244 = tpu.memref_slice %arg4[%add3A_205] : memref<320000xi32, #tpu.memory_space<hbm>> -> memref<128xi32, #tpu.memory_space<hbm>>
        tpu.enqueue_dma source(%dma_start3A_244 : memref<128xi32, #tpu.memory_space<hbm>>) target(%dma_start3A_243 : memref<128xi32, #tpu.memory_space<vmem>>) target_semaphore(%run_scoped3A_236 : memref<!tpu.dma_semaphore, #tpu.memory_space<semaphore_mem>>)
        %dma_wait3A_245 = arith.constant 0 : i32
        %dma_wait3A_246 = tpu.memref_slice %arg8[%run_scoped3A_207, %dma_wait3A_245] : memref<2x128xi32, #tpu.memory_space<vmem>> -> memref<1x128xi32, #tpu.memory_space<vmem>>
        %dma_wait3A_247 = tpu.memref_squeeze %dma_wait3A_246 : memref<1x128xi32, #tpu.memory_space<vmem>> -> memref<128xi32, #tpu.memory_space<vmem>>
        %dma_wait3A_248 = tpu.memref_slice %arg4[%add3A_205] : memref<320000xi32, #tpu.memory_space<hbm>> -> memref<128xi32, #tpu.memory_space<hbm>>
        %dma_wait3A_249 = arith.constant 0 : i32
        %dma_wait3A_250 = tpu.memref_slice %arg8[%run_scoped3A_207, %dma_wait3A_249] : memref<2x128xi32, #tpu.memory_space<vmem>> -> memref<1x128xi32, #tpu.memory_space<vmem>>
        %dma_wait3A_251 = tpu.memref_squeeze %dma_wait3A_250 : memref<1x128xi32, #tpu.memory_space<vmem>> -> memref<128xi32, #tpu.memory_space<vmem>>
        %dma_wait3A_252 = tpu.memref_slice %arg4[%add3A_205] : memref<320000xi32, #tpu.memory_space<hbm>> -> memref<128xi32, #tpu.memory_space<hbm>>
        tpu.wait_dma2 semaphore(%run_scoped3A_236 : memref<!tpu.dma_semaphore, #tpu.memory_space<semaphore_mem>>) src(%dma_wait3A_252 : memref<128xi32, #tpu.memory_space<hbm>>) dst(%dma_wait3A_251 : memref<128xi32, #tpu.memory_space<vmem>>)
        tpu.yield
      }) : () -> ()
      %dma_start3A_208 = arith.constant 0 : i32
      %dma_start3A_209 = arith.constant 0 : i32
      %dma_start3A_210 = tpu.memref_slice %arg7[%dma_start3A_208, %dma_start3A_209] : memref<2x128xi32, #tpu.memory_space<vmem>> -> memref<1x128xi32, #tpu.memory_space<vmem>>
      %dma_start3A_211 = tpu.memref_squeeze %dma_start3A_210 : memref<1x128xi32, #tpu.memory_space<vmem>> -> memref<128xi32, #tpu.memory_space<vmem>>
      %dma_start3A_212 = arith.constant 0 : i32
      %dma_start3A_213 = arith.constant 0 : i32
      %dma_start3A_214 = tpu.memref_slice %arg2[%dma_start3A_212, %dma_start3A_213] : memref<10000x128xf32, #tpu.memory_space<hbm>> -> memref<10000x128xf32, #tpu.memory_space<hbm>>
      tpu.enqueue_indirect_dma source(%dma_start3A_214 : memref<10000x128xf32, #tpu.memory_space<hbm>>) target(%arg9 : memref<128x128xf32, #tpu.memory_space<vmem>>) offsets(%dma_start3A_211 : memref<128xi32, #tpu.memory_space<vmem>>) semaphore(%arg16 : memref<!tpu.dma_semaphore, #tpu.memory_space<semaphore_mem>>)
      %dma_wait3A_215 = arith.constant 1 : i32
      %dma_wait3A_216 = arith.constant 0 : i32
      %dma_wait3A_217 = tpu.memref_slice %arg8[%dma_wait3A_215, %dma_wait3A_216] : memref<2x128xi32, #tpu.memory_space<vmem>> -> memref<1x128xi32, #tpu.memory_space<vmem>>
      %dma_wait3A_218 = tpu.memref_squeeze %dma_wait3A_217 : memref<1x128xi32, #tpu.memory_space<vmem>> -> memref<128xi32, #tpu.memory_space<vmem>>
      %dma_wait3A_219 = arith.constant 0 : i32
      %dma_wait3A_220 = arith.constant 0 : i32
      %dma_wait3A_221 = tpu.memref_slice %arg15[%dma_wait3A_219, %dma_wait3A_220] : memref<10000x128xf32, #tpu.memory_space<vmem_shared>> -> memref<10000x128xf32, #tpu.memory_space<vmem_shared>>
      tpu.wait_indirect_dma semaphore(%arg19 : memref<!tpu.dma_semaphore, #tpu.memory_space<semaphore_mem>>) src(%arg10 : memref<128x128xf32, #tpu.memory_space<vmem>>) dst(%dma_wait3A_221 : memref<10000x128xf32, #tpu.memory_space<vmem_shared>>)
      %add3A_222 = arith.constant 3 : i32
      %add3A_223 = arith.addi %mul3A_165, %add3A_222 : i32
      %mul3A_224 = arith.constant 128 : i32
      %mul3A_225 = arith.muli %add3A_223, %mul3A_224 : i32
      %add3A_226 = arith.addi %mul3A_4, %mul3A_225 : i32
      %run_scoped3A_227 = arith.constant 1 : i32
      "tpu.region"() ({
        %run_scoped3A_236 = tpu.sem_alloc : memref<!tpu.dma_semaphore, #tpu.memory_space<semaphore_mem>>
        %dma_start3A_237 = arith.constant 0 : i32
        %dma_start3A_238 = tpu.memref_slice %arg7[%run_scoped3A_227, %dma_start3A_237] : memref<2x128xi32, #tpu.memory_space<vmem>> -> memref<1x128xi32, #tpu.memory_space<vmem>>
        %dma_start3A_239 = tpu.memref_squeeze %dma_start3A_238 : memref<1x128xi32, #tpu.memory_space<vmem>> -> memref<128xi32, #tpu.memory_space<vmem>>
        %dma_start3A_240 = tpu.memref_slice %arg3[%add3A_226] : memref<320000xi32, #tpu.memory_space<hbm>> -> memref<128xi32, #tpu.memory_space<hbm>>
        %dma_start3A_241 = arith.constant 0 : i32
        %dma_start3A_242 = tpu.memref_slice %arg7[%run_scoped3A_227, %dma_start3A_241] : memref<2x128xi32, #tpu.memory_space<vmem>> -> memref<1x128xi32, #tpu.memory_space<vmem>>
        %dma_start3A_243 = tpu.memref_squeeze %dma_start3A_242 : memref<1x128xi32, #tpu.memory_space<vmem>> -> memref<128xi32, #tpu.memory_space<vmem>>
        %dma_start3A_244 = tpu.memref_slice %arg3[%add3A_226] : memref<320000xi32, #tpu.memory_space<hbm>> -> memref<128xi32, #tpu.memory_space<hbm>>
        tpu.enqueue_dma source(%dma_start3A_244 : memref<128xi32, #tpu.memory_space<hbm>>) target(%dma_start3A_243 : memref<128xi32, #tpu.memory_space<vmem>>) target_semaphore(%run_scoped3A_236 : memref<!tpu.dma_semaphore, #tpu.memory_space<semaphore_mem>>)
        %dma_wait3A_245 = arith.constant 0 : i32
        %dma_wait3A_246 = tpu.memref_slice %arg7[%run_scoped3A_227, %dma_wait3A_245] : memref<2x128xi32, #tpu.memory_space<vmem>> -> memref<1x128xi32, #tpu.memory_space<vmem>>
        %dma_wait3A_247 = tpu.memref_squeeze %dma_wait3A_246 : memref<1x128xi32, #tpu.memory_space<vmem>> -> memref<128xi32, #tpu.memory_space<vmem>>
        %dma_wait3A_248 = tpu.memref_slice %arg3[%add3A_226] : memref<320000xi32, #tpu.memory_space<hbm>> -> memref<128xi32, #tpu.memory_space<hbm>>
        %dma_wait3A_249 = arith.constant 0 : i32
        %dma_wait3A_250 = tpu.memref_slice %arg7[%run_scoped3A_227, %dma_wait3A_249] : memref<2x128xi32, #tpu.memory_space<vmem>> -> memref<1x128xi32, #tpu.memory_space<vmem>>
        %dma_wait3A_251 = tpu.memref_squeeze %dma_wait3A_250 : memref<1x128xi32, #tpu.memory_space<vmem>> -> memref<128xi32, #tpu.memory_space<vmem>>
        %dma_wait3A_252 = tpu.memref_slice %arg3[%add3A_226] : memref<320000xi32, #tpu.memory_space<hbm>> -> memref<128xi32, #tpu.memory_space<hbm>>
        tpu.wait_dma2 semaphore(%run_scoped3A_236 : memref<!tpu.dma_semaphore, #tpu.memory_space<semaphore_mem>>) src(%dma_wait3A_252 : memref<128xi32, #tpu.memory_space<hbm>>) dst(%dma_wait3A_251 : memref<128xi32, #tpu.memory_space<vmem>>)
        tpu.yield
      }) : () -> ()
      %run_scoped3A_228 = arith.constant 1 : i32
      "tpu.region"() ({
        %run_scoped3A_236 = tpu.sem_alloc : memref<!tpu.dma_semaphore, #tpu.memory_space<semaphore_mem>>
        %dma_start3A_237 = arith.constant 0 : i32
        %dma_start3A_238 = tpu.memref_slice %arg8[%run_scoped3A_228, %dma_start3A_237] : memref<2x128xi32, #tpu.memory_space<vmem>> -> memref<1x128xi32, #tpu.memory_space<vmem>>
        %dma_start3A_239 = tpu.memref_squeeze %dma_start3A_238 : memref<1x128xi32, #tpu.memory_space<vmem>> -> memref<128xi32, #tpu.memory_space<vmem>>
        %dma_start3A_240 = tpu.memref_slice %arg4[%add3A_226] : memref<320000xi32, #tpu.memory_space<hbm>> -> memref<128xi32, #tpu.memory_space<hbm>>
        %dma_start3A_241 = arith.constant 0 : i32
        %dma_start3A_242 = tpu.memref_slice %arg8[%run_scoped3A_228, %dma_start3A_241] : memref<2x128xi32, #tpu.memory_space<vmem>> -> memref<1x128xi32, #tpu.memory_space<vmem>>
        %dma_start3A_243 = tpu.memref_squeeze %dma_start3A_242 : memref<1x128xi32, #tpu.memory_space<vmem>> -> memref<128xi32, #tpu.memory_space<vmem>>
        %dma_start3A_244 = tpu.memref_slice %arg4[%add3A_226] : memref<320000xi32, #tpu.memory_space<hbm>> -> memref<128xi32, #tpu.memory_space<hbm>>
        tpu.enqueue_dma source(%dma_start3A_244 : memref<128xi32, #tpu.memory_space<hbm>>) target(%dma_start3A_243 : memref<128xi32, #tpu.memory_space<vmem>>) target_semaphore(%run_scoped3A_236 : memref<!tpu.dma_semaphore, #tpu.memory_space<semaphore_mem>>)
        %dma_wait3A_245 = arith.constant 0 : i32
        %dma_wait3A_246 = tpu.memref_slice %arg8[%run_scoped3A_228, %dma_wait3A_245] : memref<2x128xi32, #tpu.memory_space<vmem>> -> memref<1x128xi32, #tpu.memory_space<vmem>>
        %dma_wait3A_247 = tpu.memref_squeeze %dma_wait3A_246 : memref<1x128xi32, #tpu.memory_space<vmem>> -> memref<128xi32, #tpu.memory_space<vmem>>
        %dma_wait3A_248 = tpu.memref_slice %arg4[%add3A_226] : memref<320000xi32, #tpu.memory_space<hbm>> -> memref<128xi32, #tpu.memory_space<hbm>>
        %dma_wait3A_249 = arith.constant 0 : i32
        %dma_wait3A_250 = tpu.memref_slice %arg8[%run_scoped3A_228, %dma_wait3A_249] : memref<2x128xi32, #tpu.memory_space<vmem>> -> memref<1x128xi32, #tpu.memory_space<vmem>>
        %dma_wait3A_251 = tpu.memref_squeeze %dma_wait3A_250 : memref<1x128xi32, #tpu.memory_space<vmem>> -> memref<128xi32, #tpu.memory_space<vmem>>
        %dma_wait3A_252 = tpu.memref_slice %arg4[%add3A_226] : memref<320000xi32, #tpu.memory_space<hbm>> -> memref<128xi32, #tpu.memory_space<hbm>>
        tpu.wait_dma2 semaphore(%run_scoped3A_236 : memref<!tpu.dma_semaphore, #tpu.memory_space<semaphore_mem>>) src(%dma_wait3A_252 : memref<128xi32, #tpu.memory_space<hbm>>) dst(%dma_wait3A_251 : memref<128xi32, #tpu.memory_space<vmem>>)
        tpu.yield
      }) : () -> ()
      %dma_start3A_229 = arith.constant 1 : i32
      %dma_start3A_230 = arith.constant 0 : i32
      %dma_start3A_231 = tpu.memref_slice %arg7[%dma_start3A_229, %dma_start3A_230] : memref<2x128xi32, #tpu.memory_space<vmem>> -> memref<1x128xi32, #tpu.memory_space<vmem>>
      %dma_start3A_232 = tpu.memref_squeeze %dma_start3A_231 : memref<1x128xi32, #tpu.memory_space<vmem>> -> memref<128xi32, #tpu.memory_space<vmem>>
      %dma_start3A_233 = arith.constant 0 : i32
      %dma_start3A_234 = arith.constant 0 : i32
      %dma_start3A_235 = tpu.memref_slice %arg2[%dma_start3A_233, %dma_start3A_234] : memref<10000x128xf32, #tpu.memory_space<hbm>> -> memref<10000x128xf32, #tpu.memory_space<hbm>>
      tpu.enqueue_indirect_dma source(%dma_start3A_235 : memref<10000x128xf32, #tpu.memory_space<hbm>>) target(%arg10 : memref<128x128xf32, #tpu.memory_space<vmem>>) offsets(%dma_start3A_232 : memref<128xi32, #tpu.memory_space<vmem>>) semaphore(%arg17 : memref<!tpu.dma_semaphore, #tpu.memory_space<semaphore_mem>>)
    }
    %scan3A_55 = arith.constant 38 : i32
    %dma_wait3A = arith.constant 0 : i32
    %dma_wait3A_56 = arith.constant 0 : i32
    %dma_wait3A_57 = tpu.memref_slice %arg7[%dma_wait3A, %dma_wait3A_56] : memref<2x128xi32, #tpu.memory_space<vmem>> -> memref<1x128xi32, #tpu.memory_space<vmem>>
    %dma_wait3A_58 = tpu.memref_squeeze %dma_wait3A_57 : memref<1x128xi32, #tpu.memory_space<vmem>> -> memref<128xi32, #tpu.memory_space<vmem>>
    %dma_wait3A_59 = arith.constant 0 : i32
    %dma_wait3A_60 = arith.constant 0 : i32
    %dma_wait3A_61 = tpu.memref_slice %arg2[%dma_wait3A_59, %dma_wait3A_60] : memref<10000x128xf32, #tpu.memory_space<hbm>> -> memref<10000x128xf32, #tpu.memory_space<hbm>>
    tpu.wait_indirect_dma semaphore(%arg16 : memref<!tpu.dma_semaphore, #tpu.memory_space<semaphore_mem>>) src(%dma_wait3A_61 : memref<10000x128xf32, #tpu.memory_space<hbm>>) dst(%arg9 : memref<128x128xf32, #tpu.memory_space<vmem>>)
    %dma_start3A_62 = arith.constant 0 : i32
    %dma_start3A_63 = arith.constant 0 : i32
    %dma_start3A_64 = tpu.memref_slice %arg8[%dma_start3A_62, %dma_start3A_63] : memref<2x128xi32, #tpu.memory_space<vmem>> -> memref<1x128xi32, #tpu.memory_space<vmem>>
    %dma_start3A_65 = tpu.memref_squeeze %dma_start3A_64 : memref<1x128xi32, #tpu.memory_space<vmem>> -> memref<128xi32, #tpu.memory_space<vmem>>
    %dma_start3A_66 = arith.constant 0 : i32
    %dma_start3A_67 = arith.constant 0 : i32
    %dma_start3A_68 = tpu.memref_slice %arg15[%dma_start3A_66, %dma_start3A_67] : memref<10000x128xf32, #tpu.memory_space<vmem_shared>> -> memref<10000x128xf32, #tpu.memory_space<vmem_shared>>
    tpu.enqueue_indirect_dma source(%arg9 : memref<128x128xf32, #tpu.memory_space<vmem>>) target(%dma_start3A_68 : memref<10000x128xf32, #tpu.memory_space<vmem_shared>>) offsets(%dma_start3A_65 : memref<128xi32, #tpu.memory_space<vmem>>) semaphore(%arg18 : memref<!tpu.dma_semaphore, #tpu.memory_space<semaphore_mem>>) {add = true}
    %dma_wait3A_69 = arith.constant 1 : i32
    %dma_wait3A_70 = arith.constant 0 : i32
    %dma_wait3A_71 = tpu.memref_slice %arg7[%dma_wait3A_69, %dma_wait3A_70] : memref<2x128xi32, #tpu.memory_space<vmem>> -> memref<1x128xi32, #tpu.memory_space<vmem>>
    %dma_wait3A_72 = tpu.memref_squeeze %dma_wait3A_71 : memref<1x128xi32, #tpu.memory_space<vmem>> -> memref<128xi32, #tpu.memory_space<vmem>>
    %dma_wait3A_73 = arith.constant 0 : i32
    %dma_wait3A_74 = arith.constant 0 : i32
    %dma_wait3A_75 = tpu.memref_slice %arg2[%dma_wait3A_73, %dma_wait3A_74] : memref<10000x128xf32, #tpu.memory_space<hbm>> -> memref<10000x128xf32, #tpu.memory_space<hbm>>
    tpu.wait_indirect_dma semaphore(%arg17 : memref<!tpu.dma_semaphore, #tpu.memory_space<semaphore_mem>>) src(%dma_wait3A_75 : memref<10000x128xf32, #tpu.memory_space<hbm>>) dst(%arg10 : memref<128x128xf32, #tpu.memory_space<vmem>>)
    %dma_start3A_76 = arith.constant 1 : i32
    %dma_start3A_77 = arith.constant 0 : i32
    %dma_start3A_78 = tpu.memref_slice %arg8[%dma_start3A_76, %dma_start3A_77] : memref<2x128xi32, #tpu.memory_space<vmem>> -> memref<1x128xi32, #tpu.memory_space<vmem>>
    %dma_start3A_79 = tpu.memref_squeeze %dma_start3A_78 : memref<1x128xi32, #tpu.memory_space<vmem>> -> memref<128xi32, #tpu.memory_space<vmem>>
    %dma_start3A_80 = arith.constant 0 : i32
    %dma_start3A_81 = arith.constant 0 : i32
    %dma_start3A_82 = tpu.memref_slice %arg15[%dma_start3A_80, %dma_start3A_81] : memref<10000x128xf32, #tpu.memory_space<vmem_shared>> -> memref<10000x128xf32, #tpu.memory_space<vmem_shared>>
    tpu.enqueue_indirect_dma source(%arg10 : memref<128x128xf32, #tpu.memory_space<vmem>>) target(%dma_start3A_82 : memref<10000x128xf32, #tpu.memory_space<vmem_shared>>) offsets(%dma_start3A_79 : memref<128xi32, #tpu.memory_space<vmem>>) semaphore(%arg19 : memref<!tpu.dma_semaphore, #tpu.memory_space<semaphore_mem>>) {add = true}
    %add3A_83 = arith.constant 9984 : i32
    %add3A_84 = arith.addi %mul3A_4, %add3A_83 : i32
    "tpu.region"() ({
      %run_scoped3A_163 = tpu.sem_alloc : memref<!tpu.dma_semaphore, #tpu.memory_space<semaphore_mem>>
      %dma_start3A_164 = tpu.memref_slice %arg3[%add3A_84] : memref<320000xi32, #tpu.memory_space<hbm>> -> memref<16xi32, #tpu.memory_space<hbm>>
      %dma_start3A_165 = tpu.memref_slice %arg3[%add3A_84] : memref<320000xi32, #tpu.memory_space<hbm>> -> memref<16xi32, #tpu.memory_space<hbm>>
      tpu.enqueue_dma source(%dma_start3A_165 : memref<16xi32, #tpu.memory_space<hbm>>) target(%arg11 : memref<16xi32, #tpu.memory_space<vmem>>) target_semaphore(%run_scoped3A_163 : memref<!tpu.dma_semaphore, #tpu.memory_space<semaphore_mem>>)
      %dma_wait3A_166 = tpu.memref_slice %arg3[%add3A_84] : memref<320000xi32, #tpu.memory_space<hbm>> -> memref<16xi32, #tpu.memory_space<hbm>>
      %dma_wait3A_167 = tpu.memref_slice %arg3[%add3A_84] : memref<320000xi32, #tpu.memory_space<hbm>> -> memref<16xi32, #tpu.memory_space<hbm>>
      tpu.wait_dma2 semaphore(%run_scoped3A_163 : memref<!tpu.dma_semaphore, #tpu.memory_space<semaphore_mem>>) src(%dma_wait3A_167 : memref<16xi32, #tpu.memory_space<hbm>>) dst(%arg11 : memref<16xi32, #tpu.memory_space<vmem>>)
      tpu.yield
    }) : () -> ()
    "tpu.region"() ({
      %run_scoped3A_163 = tpu.sem_alloc : memref<!tpu.dma_semaphore, #tpu.memory_space<semaphore_mem>>
      %dma_start3A_164 = tpu.memref_slice %arg4[%add3A_84] : memref<320000xi32, #tpu.memory_space<hbm>> -> memref<16xi32, #tpu.memory_space<hbm>>
      %dma_start3A_165 = tpu.memref_slice %arg4[%add3A_84] : memref<320000xi32, #tpu.memory_space<hbm>> -> memref<16xi32, #tpu.memory_space<hbm>>
      tpu.enqueue_dma source(%dma_start3A_165 : memref<16xi32, #tpu.memory_space<hbm>>) target(%arg12 : memref<16xi32, #tpu.memory_space<vmem>>) target_semaphore(%run_scoped3A_163 : memref<!tpu.dma_semaphore, #tpu.memory_space<semaphore_mem>>)
      %dma_wait3A_166 = tpu.memref_slice %arg4[%add3A_84] : memref<320000xi32, #tpu.memory_space<hbm>> -> memref<16xi32, #tpu.memory_space<hbm>>
      %dma_wait3A_167 = tpu.memref_slice %arg4[%add3A_84] : memref<320000xi32, #tpu.memory_space<hbm>> -> memref<16xi32, #tpu.memory_space<hbm>>
      tpu.wait_dma2 semaphore(%run_scoped3A_163 : memref<!tpu.dma_semaphore, #tpu.memory_space<semaphore_mem>>) src(%dma_wait3A_167 : memref<16xi32, #tpu.memory_space<hbm>>) dst(%arg12 : memref<16xi32, #tpu.memory_space<vmem>>)
      tpu.yield
    }) : () -> ()
    %dma_start3A_85 = arith.constant 0 : i32
    %dma_start3A_86 = arith.constant 0 : i32
    %dma_start3A_87 = tpu.memref_slice %arg2[%dma_start3A_85, %dma_start3A_86] : memref<10000x128xf32, #tpu.memory_space<hbm>> -> memref<10000x128xf32, #tpu.memory_space<hbm>>
    tpu.enqueue_indirect_dma source(%dma_start3A_87 : memref<10000x128xf32, #tpu.memory_space<hbm>>) target(%arg13 : memref<16x128xf32, #tpu.memory_space<vmem>>) offsets(%arg11 : memref<16xi32, #tpu.memory_space<vmem>>) semaphore(%arg16 : memref<!tpu.dma_semaphore, #tpu.memory_space<semaphore_mem>>)
    %dma_wait3A_88 = arith.constant 0 : i32
    %dma_wait3A_89 = arith.constant 0 : i32
    %dma_wait3A_90 = tpu.memref_slice %arg8[%dma_wait3A_88, %dma_wait3A_89] : memref<2x128xi32, #tpu.memory_space<vmem>> -> memref<1x128xi32, #tpu.memory_space<vmem>>
    %dma_wait3A_91 = tpu.memref_squeeze %dma_wait3A_90 : memref<1x128xi32, #tpu.memory_space<vmem>> -> memref<128xi32, #tpu.memory_space<vmem>>
    %dma_wait3A_92 = arith.constant 0 : i32
    %dma_wait3A_93 = arith.constant 0 : i32
    %dma_wait3A_94 = tpu.memref_slice %arg15[%dma_wait3A_92, %dma_wait3A_93] : memref<10000x128xf32, #tpu.memory_space<vmem_shared>> -> memref<10000x128xf32, #tpu.memory_space<vmem_shared>>
    tpu.wait_indirect_dma semaphore(%arg18 : memref<!tpu.dma_semaphore, #tpu.memory_space<semaphore_mem>>) src(%arg9 : memref<128x128xf32, #tpu.memory_space<vmem>>) dst(%dma_wait3A_94 : memref<10000x128xf32, #tpu.memory_space<vmem_shared>>)
    %dma_wait3A_95 = arith.constant 1 : i32
    %dma_wait3A_96 = arith.constant 0 : i32
    %dma_wait3A_97 = tpu.memref_slice %arg8[%dma_wait3A_95, %dma_wait3A_96] : memref<2x128xi32, #tpu.memory_space<vmem>> -> memref<1x128xi32, #tpu.memory_space<vmem>>
    %dma_wait3A_98 = tpu.memref_squeeze %dma_wait3A_97 : memref<1x128xi32, #tpu.memory_space<vmem>> -> memref<128xi32, #tpu.memory_space<vmem>>
    %dma_wait3A_99 = arith.constant 0 : i32
    %dma_wait3A_100 = arith.constant 0 : i32
    %dma_wait3A_101 = tpu.memref_slice %arg15[%dma_wait3A_99, %dma_wait3A_100] : memref<10000x128xf32, #tpu.memory_space<vmem_shared>> -> memref<10000x128xf32, #tpu.memory_space<vmem_shared>>
    tpu.wait_indirect_dma semaphore(%arg19 : memref<!tpu.dma_semaphore, #tpu.memory_space<semaphore_mem>>) src(%arg10 : memref<128x128xf32, #tpu.memory_space<vmem>>) dst(%dma_wait3A_101 : memref<10000x128xf32, #tpu.memory_space<vmem_shared>>)
    %dma_wait3A_102 = arith.constant 0 : i32
    %dma_wait3A_103 = arith.constant 0 : i32
    %dma_wait3A_104 = tpu.memref_slice %arg2[%dma_wait3A_102, %dma_wait3A_103] : memref<10000x128xf32, #tpu.memory_space<hbm>> -> memref<10000x128xf32, #tpu.memory_space<hbm>>
    tpu.wait_indirect_dma semaphore(%arg16 : memref<!tpu.dma_semaphore, #tpu.memory_space<semaphore_mem>>) src(%dma_wait3A_104 : memref<10000x128xf32, #tpu.memory_space<hbm>>) dst(%arg13 : memref<16x128xf32, #tpu.memory_space<vmem>>)
    "tpu.region"() ({
      %run_scoped3A_163 = tpu.sem_alloc : memref<!tpu.dma_semaphore, #tpu.memory_space<semaphore_mem>>
      %dma_start3A_164 = arith.constant 0 : i32
      %dma_start3A_165 = arith.constant 0 : i32
      %dma_start3A_166 = tpu.memref_slice %arg15[%dma_start3A_164, %dma_start3A_165] : memref<10000x128xf32, #tpu.memory_space<vmem_shared>> -> memref<10000x128xf32, #tpu.memory_space<vmem_shared>>
      tpu.enqueue_indirect_dma source(%arg13 : memref<16x128xf32, #tpu.memory_space<vmem>>) target(%dma_start3A_166 : memref<10000x128xf32, #tpu.memory_space<vmem_shared>>) offsets(%arg12 : memref<16xi32, #tpu.memory_space<vmem>>) semaphore(%run_scoped3A_163 : memref<!tpu.dma_semaphore, #tpu.memory_space<semaphore_mem>>) {add = true}
      %dma_wait3A_167 = arith.constant 0 : i32
      %dma_wait3A_168 = arith.constant 0 : i32
      %dma_wait3A_169 = tpu.memref_slice %arg15[%dma_wait3A_167, %dma_wait3A_168] : memref<10000x128xf32, #tpu.memory_space<vmem_shared>> -> memref<10000x128xf32, #tpu.memory_space<vmem_shared>>
      tpu.wait_indirect_dma semaphore(%run_scoped3A_163 : memref<!tpu.dma_semaphore, #tpu.memory_space<semaphore_mem>>) src(%arg13 : memref<16x128xf32, #tpu.memory_space<vmem>>) dst(%dma_wait3A_169 : memref<10000x128xf32, #tpu.memory_space<vmem_shared>>)
      tpu.yield
    }) : () -> ()
    %barrier3A_105 = arith.constant 0 : index
    tpu.barrier barrier_id(%barrier3A_105)
    %add3A_106 = arith.constant 0 : i32
    %add3A_107 = arith.addi %mul3A_2, %add3A_106 : i32
    "tpu.region"() ({
      %run_scoped3A_163 = tpu.sem_alloc : memref<!tpu.dma_semaphore, #tpu.memory_space<semaphore_mem>>
      %dma_start3A_164 = arith.constant 0 : i32
      %dma_start3A_165 = tpu.memref_slice %arg15[%add3A_107, %dma_start3A_164] : memref<10000x128xf32, #tpu.memory_space<vmem_shared>> -> memref<48x128xf32, #tpu.memory_space<vmem_shared>>
      %dma_start3A_166 = arith.constant 0 : i32
      %dma_start3A_167 = tpu.memref_slice %arg15[%add3A_107, %dma_start3A_166] : memref<10000x128xf32, #tpu.memory_space<vmem_shared>> -> memref<48x128xf32, #tpu.memory_space<vmem_shared>>
      tpu.enqueue_dma source(%dma_start3A_167 : memref<48x128xf32, #tpu.memory_space<vmem_shared>>) target(%arg14 : memref<48x128xf32, #tpu.memory_space<vmem>>) target_semaphore(%run_scoped3A_163 : memref<!tpu.dma_semaphore, #tpu.memory_space<semaphore_mem>>)
      %dma_wait3A_168 = arith.constant 0 : i32
      %dma_wait3A_169 = tpu.memref_slice %arg15[%add3A_107, %dma_wait3A_168] : memref<10000x128xf32, #tpu.memory_space<vmem_shared>> -> memref<48x128xf32, #tpu.memory_space<vmem_shared>>
      %dma_wait3A_170 = arith.constant 0 : i32
      %dma_wait3A_171 = tpu.memref_slice %arg15[%add3A_107, %dma_wait3A_170] : memref<10000x128xf32, #tpu.memory_space<vmem_shared>> -> memref<48x128xf32, #tpu.memory_space<vmem_shared>>
      tpu.wait_dma2 semaphore(%run_scoped3A_163 : memref<!tpu.dma_semaphore, #tpu.memory_space<semaphore_mem>>) src(%dma_wait3A_171 : memref<48x128xf32, #tpu.memory_space<vmem_shared>>) dst(%arg14 : memref<48x128xf32, #tpu.memory_space<vmem>>)
      tpu.yield
    }) : () -> ()
    %add3A_108 = arith.constant 0 : i32
    %add3A_109 = arith.addi %mul3A_2, %add3A_108 : i32
    "tpu.region"() ({
      %run_scoped3A_163 = tpu.sem_alloc : memref<!tpu.dma_semaphore, #tpu.memory_space<semaphore_mem>>
      %dma_start3A_164 = arith.constant 0 : i32
      %dma_start3A_165 = tpu.memref_slice %arg6[%arg0, %add3A_109, %dma_start3A_164] : memref<2x10000x128xf32, #tpu.memory_space<hbm>> -> memref<1x48x128xf32, #tpu.memory_space<hbm>>
      %dma_start3A_166 = tpu.memref_squeeze %dma_start3A_165 : memref<1x48x128xf32, #tpu.memory_space<hbm>> -> memref<48x128xf32, #tpu.memory_space<hbm>>
      %dma_start3A_167 = arith.constant 0 : i32
      %dma_start3A_168 = tpu.memref_slice %arg6[%arg0, %add3A_109, %dma_start3A_167] : memref<2x10000x128xf32, #tpu.memory_space<hbm>> -> memref<1x48x128xf32, #tpu.memory_space<hbm>>
      %dma_start3A_169 = tpu.memref_squeeze %dma_start3A_168 : memref<1x48x128xf32, #tpu.memory_space<hbm>> -> memref<48x128xf32, #tpu.memory_space<hbm>>
      tpu.enqueue_dma source(%arg14 : memref<48x128xf32, #tpu.memory_space<vmem>>) target(%dma_start3A_169 : memref<48x128xf32, #tpu.memory_space<hbm>>) target_semaphore(%run_scoped3A_163 : memref<!tpu.dma_semaphore, #tpu.memory_space<semaphore_mem>>)
      %dma_wait3A_170 = arith.constant 0 : i32
      %dma_wait3A_171 = tpu.memref_slice %arg6[%arg0, %add3A_109, %dma_wait3A_170] : memref<2x10000x128xf32, #tpu.memory_space<hbm>> -> memref<1x48x128xf32, #tpu.memory_space<hbm>>
      %dma_wait3A_172 = tpu.memref_squeeze %dma_wait3A_171 : memref<1x48x128xf32, #tpu.memory_space<hbm>> -> memref<48x128xf32, #tpu.memory_space<hbm>>
      %dma_wait3A_173 = arith.constant 0 : i32
      %dma_wait3A_174 = tpu.memref_slice %arg6[%arg0, %add3A_109, %dma_wait3A_173] : memref<2x10000x128xf32, #tpu.memory_space<hbm>> -> memref<1x48x128xf32, #tpu.memory_space<hbm>>
      %dma_wait3A_175 = tpu.memref_squeeze %dma_wait3A_174 : memref<1x48x128xf32, #tpu.memory_space<hbm>> -> memref<48x128xf32, #tpu.memory_space<hbm>>
      tpu.wait_dma2 semaphore(%run_scoped3A_163 : memref<!tpu.dma_semaphore, #tpu.memory_space<semaphore_mem>>) src(%arg14 : memref<48x128xf32, #tpu.memory_space<vmem>>) dst(%dma_wait3A_175 : memref<48x128xf32, #tpu.memory_space<hbm>>)
      tpu.yield
    }) : () -> ()
    %add3A_110 = arith.constant 48 : i32
    %add3A_111 = arith.addi %mul3A_2, %add3A_110 : i32
    "tpu.region"() ({
      %run_scoped3A_163 = tpu.sem_alloc : memref<!tpu.dma_semaphore, #tpu.memory_space<semaphore_mem>>
      %dma_start3A_164 = arith.constant 0 : i32
      %dma_start3A_165 = tpu.memref_slice %arg15[%add3A_111, %dma_start3A_164] : memref<10000x128xf32, #tpu.memory_space<vmem_shared>> -> memref<48x128xf32, #tpu.memory_space<vmem_shared>>
      %dma_start3A_166 = arith.constant 0 : i32
      %dma_start3A_167 = tpu.memref_slice %arg15[%add3A_111, %dma_start3A_166] : memref<10000x128xf32, #tpu.memory_space<vmem_shared>> -> memref<48x128xf32, #tpu.memory_space<vmem_shared>>
      tpu.enqueue_dma source(%dma_start3A_167 : memref<48x128xf32, #tpu.memory_space<vmem_shared>>) target(%arg14 : memref<48x128xf32, #tpu.memory_space<vmem>>) target_semaphore(%run_scoped3A_163 : memref<!tpu.dma_semaphore, #tpu.memory_space<semaphore_mem>>)
      %dma_wait3A_168 = arith.constant 0 : i32
      %dma_wait3A_169 = tpu.memref_slice %arg15[%add3A_111, %dma_wait3A_168] : memref<10000x128xf32, #tpu.memory_space<vmem_shared>> -> memref<48x128xf32, #tpu.memory_space<vmem_shared>>
      %dma_wait3A_170 = arith.constant 0 : i32
      %dma_wait3A_171 = tpu.memref_slice %arg15[%add3A_111, %dma_wait3A_170] : memref<10000x128xf32, #tpu.memory_space<vmem_shared>> -> memref<48x128xf32, #tpu.memory_space<vmem_shared>>
      tpu.wait_dma2 semaphore(%run_scoped3A_163 : memref<!tpu.dma_semaphore, #tpu.memory_space<semaphore_mem>>) src(%dma_wait3A_171 : memref<48x128xf32, #tpu.memory_space<vmem_shared>>) dst(%arg14 : memref<48x128xf32, #tpu.memory_space<vmem>>)
      tpu.yield
    }) : () -> ()
    %add3A_112 = arith.constant 48 : i32
    %add3A_113 = arith.addi %mul3A_2, %add3A_112 : i32
    "tpu.region"() ({
      %run_scoped3A_163 = tpu.sem_alloc : memref<!tpu.dma_semaphore, #tpu.memory_space<semaphore_mem>>
      %dma_start3A_164 = arith.constant 0 : i32
      %dma_start3A_165 = tpu.memref_slice %arg6[%arg0, %add3A_113, %dma_start3A_164] : memref<2x10000x128xf32, #tpu.memory_space<hbm>> -> memref<1x48x128xf32, #tpu.memory_space<hbm>>
      %dma_start3A_166 = tpu.memref_squeeze %dma_start3A_165 : memref<1x48x128xf32, #tpu.memory_space<hbm>> -> memref<48x128xf32, #tpu.memory_space<hbm>>
      %dma_start3A_167 = arith.constant 0 : i32
      %dma_start3A_168 = tpu.memref_slice %arg6[%arg0, %add3A_113, %dma_start3A_167] : memref<2x10000x128xf32, #tpu.memory_space<hbm>> -> memref<1x48x128xf32, #tpu.memory_space<hbm>>
      %dma_start3A_169 = tpu.memref_squeeze %dma_start3A_168 : memref<1x48x128xf32, #tpu.memory_space<hbm>> -> memref<48x128xf32, #tpu.memory_space<hbm>>
      tpu.enqueue_dma source(%arg14 : memref<48x128xf32, #tpu.memory_space<vmem>>) target(%dma_start3A_169 : memref<48x128xf32, #tpu.memory_space<hbm>>) target_semaphore(%run_scoped3A_163 : memref<!tpu.dma_semaphore, #tpu.memory_space<semaphore_mem>>)
      %dma_wait3A_170 = arith.constant 0 : i32
      %dma_wait3A_171 = tpu.memref_slice %arg6[%arg0, %add3A_113, %dma_wait3A_170] : memref<2x10000x128xf32, #tpu.memory_space<hbm>> -> memref<1x48x128xf32, #tpu.memory_space<hbm>>
      %dma_wait3A_172 = tpu.memref_squeeze %dma_wait3A_171 : memref<1x48x128xf32, #tpu.memory_space<hbm>> -> memref<48x128xf32, #tpu.memory_space<hbm>>
      %dma_wait3A_173 = arith.constant 0 : i32
      %dma_wait3A_174 = tpu.memref_slice %arg6[%arg0, %add3A_113, %dma_wait3A_173] : memref<2x10000x128xf32, #tpu.memory_space<hbm>> -> memref<1x48x128xf32, #tpu.memory_space<hbm>>
      %dma_wait3A_175 = tpu.memref_squeeze %dma_wait3A_174 : memref<1x48x128xf32, #tpu.memory_space<hbm>> -> memref<48x128xf32, #tpu.memory_space<hbm>>
      tpu.wait_dma2 semaphore(%run_scoped3A_163 : memref<!tpu.dma_semaphore, #tpu.memory_space<semaphore_mem>>) src(%arg14 : memref<48x128xf32, #tpu.memory_space<vmem>>) dst(%dma_wait3A_175 : memref<48x128xf32, #tpu.memory_space<hbm>>)
      tpu.yield
    }) : () -> ()
    %add3A_114 = arith.constant 96 : i32
    %add3A_115 = arith.addi %mul3A_2, %add3A_114 : i32
    "tpu.region"() ({
      %run_scoped3A_163 = tpu.sem_alloc : memref<!tpu.dma_semaphore, #tpu.memory_space<semaphore_mem>>
      %dma_start3A_164 = arith.constant 0 : i32
      %dma_start3A_165 = tpu.memref_slice %arg15[%add3A_115, %dma_start3A_164] : memref<10000x128xf32, #tpu.memory_space<vmem_shared>> -> memref<48x128xf32, #tpu.memory_space<vmem_shared>>
      %dma_start3A_166 = arith.constant 0 : i32
      %dma_start3A_167 = tpu.memref_slice %arg15[%add3A_115, %dma_start3A_166] : memref<10000x128xf32, #tpu.memory_space<vmem_shared>> -> memref<48x128xf32, #tpu.memory_space<vmem_shared>>
      tpu.enqueue_dma source(%dma_start3A_167 : memref<48x128xf32, #tpu.memory_space<vmem_shared>>) target(%arg14 : memref<48x128xf32, #tpu.memory_space<vmem>>) target_semaphore(%run_scoped3A_163 : memref<!tpu.dma_semaphore, #tpu.memory_space<semaphore_mem>>)
      %dma_wait3A_168 = arith.constant 0 : i32
      %dma_wait3A_169 = tpu.memref_slice %arg15[%add3A_115, %dma_wait3A_168] : memref<10000x128xf32, #tpu.memory_space<vmem_shared>> -> memref<48x128xf32, #tpu.memory_space<vmem_shared>>
      %dma_wait3A_170 = arith.constant 0 : i32
      %dma_wait3A_171 = tpu.memref_slice %arg15[%add3A_115, %dma_wait3A_170] : memref<10000x128xf32, #tpu.memory_space<vmem_shared>> -> memref<48x128xf32, #tpu.memory_space<vmem_shared>>
      tpu.wait_dma2 semaphore(%run_scoped3A_163 : memref<!tpu.dma_semaphore, #tpu.memory_space<semaphore_mem>>) src(%dma_wait3A_171 : memref<48x128xf32, #tpu.memory_space<vmem_shared>>) dst(%arg14 : memref<48x128xf32, #tpu.memory_space<vmem>>)
      tpu.yield
    }) : () -> ()
    %add3A_116 = arith.constant 96 : i32
    %add3A_117 = arith.addi %mul3A_2, %add3A_116 : i32
    "tpu.region"() ({
      %run_scoped3A_163 = tpu.sem_alloc : memref<!tpu.dma_semaphore, #tpu.memory_space<semaphore_mem>>
      %dma_start3A_164 = arith.constant 0 : i32
      %dma_start3A_165 = tpu.memref_slice %arg6[%arg0, %add3A_117, %dma_start3A_164] : memref<2x10000x128xf32, #tpu.memory_space<hbm>> -> memref<1x48x128xf32, #tpu.memory_space<hbm>>
      %dma_start3A_166 = tpu.memref_squeeze %dma_start3A_165 : memref<1x48x128xf32, #tpu.memory_space<hbm>> -> memref<48x128xf32, #tpu.memory_space<hbm>>
      %dma_start3A_167 = arith.constant 0 : i32
      %dma_start3A_168 = tpu.memref_slice %arg6[%arg0, %add3A_117, %dma_start3A_167] : memref<2x10000x128xf32, #tpu.memory_space<hbm>> -> memref<1x48x128xf32, #tpu.memory_space<hbm>>
      %dma_start3A_169 = tpu.memref_squeeze %dma_start3A_168 : memref<1x48x128xf32, #tpu.memory_space<hbm>> -> memref<48x128xf32, #tpu.memory_space<hbm>>
      tpu.enqueue_dma source(%arg14 : memref<48x128xf32, #tpu.memory_space<vmem>>) target(%dma_start3A_169 : memref<48x128xf32, #tpu.memory_space<hbm>>) target_semaphore(%run_scoped3A_163 : memref<!tpu.dma_semaphore, #tpu.memory_space<semaphore_mem>>)
      %dma_wait3A_170 = arith.constant 0 : i32
      %dma_wait3A_171 = tpu.memref_slice %arg6[%arg0, %add3A_117, %dma_wait3A_170] : memref<2x10000x128xf32, #tpu.memory_space<hbm>> -> memref<1x48x128xf32, #tpu.memory_space<hbm>>
      %dma_wait3A_172 = tpu.memref_squeeze %dma_wait3A_171 : memref<1x48x128xf32, #tpu.memory_space<hbm>> -> memref<48x128xf32, #tpu.memory_space<hbm>>
      %dma_wait3A_173 = arith.constant 0 : i32
      %dma_wait3A_174 = tpu.memref_slice %arg6[%arg0, %add3A_117, %dma_wait3A_173] : memref<2x10000x128xf32, #tpu.memory_space<hbm>> -> memref<1x48x128xf32, #tpu.memory_space<hbm>>
      %dma_wait3A_175 = tpu.memref_squeeze %dma_wait3A_174 : memref<1x48x128xf32, #tpu.memory_space<hbm>> -> memref<48x128xf32, #tpu.memory_space<hbm>>
      tpu.wait_dma2 semaphore(%run_scoped3A_163 : memref<!tpu.dma_semaphore, #tpu.memory_space<semaphore_mem>>) src(%arg14 : memref<48x128xf32, #tpu.memory_space<vmem>>) dst(%dma_wait3A_175 : memref<48x128xf32, #tpu.memory_space<hbm>>)
      tpu.yield
    }) : () -> ()
    %add3A_118 = arith.constant 144 : i32
    %add3A_119 = arith.addi %mul3A_2, %add3A_118 : i32
    "tpu.region"() ({
      %run_scoped3A_163 = tpu.sem_alloc : memref<!tpu.dma_semaphore, #tpu.memory_space<semaphore_mem>>
      %dma_start3A_164 = arith.constant 0 : i32
      %dma_start3A_165 = tpu.memref_slice %arg15[%add3A_119, %dma_start3A_164] : memref<10000x128xf32, #tpu.memory_space<vmem_shared>> -> memref<48x128xf32, #tpu.memory_space<vmem_shared>>
      %dma_start3A_166 = arith.constant 0 : i32
      %dma_start3A_167 = tpu.memref_slice %arg15[%add3A_119, %dma_start3A_166] : memref<10000x128xf32, #tpu.memory_space<vmem_shared>> -> memref<48x128xf32, #tpu.memory_space<vmem_shared>>
      tpu.enqueue_dma source(%dma_start3A_167 : memref<48x128xf32, #tpu.memory_space<vmem_shared>>) target(%arg14 : memref<48x128xf32, #tpu.memory_space<vmem>>) target_semaphore(%run_scoped3A_163 : memref<!tpu.dma_semaphore, #tpu.memory_space<semaphore_mem>>)
      %dma_wait3A_168 = arith.constant 0 : i32
      %dma_wait3A_169 = tpu.memref_slice %arg15[%add3A_119, %dma_wait3A_168] : memref<10000x128xf32, #tpu.memory_space<vmem_shared>> -> memref<48x128xf32, #tpu.memory_space<vmem_shared>>
      %dma_wait3A_170 = arith.constant 0 : i32
      %dma_wait3A_171 = tpu.memref_slice %arg15[%add3A_119, %dma_wait3A_170] : memref<10000x128xf32, #tpu.memory_space<vmem_shared>> -> memref<48x128xf32, #tpu.memory_space<vmem_shared>>
      tpu.wait_dma2 semaphore(%run_scoped3A_163 : memref<!tpu.dma_semaphore, #tpu.memory_space<semaphore_mem>>) src(%dma_wait3A_171 : memref<48x128xf32, #tpu.memory_space<vmem_shared>>) dst(%arg14 : memref<48x128xf32, #tpu.memory_space<vmem>>)
      tpu.yield
    }) : () -> ()
    %add3A_120 = arith.constant 144 : i32
    %add3A_121 = arith.addi %mul3A_2, %add3A_120 : i32
    "tpu.region"() ({
      %run_scoped3A_163 = tpu.sem_alloc : memref<!tpu.dma_semaphore, #tpu.memory_space<semaphore_mem>>
      %dma_start3A_164 = arith.constant 0 : i32
      %dma_start3A_165 = tpu.memref_slice %arg6[%arg0, %add3A_121, %dma_start3A_164] : memref<2x10000x128xf32, #tpu.memory_space<hbm>> -> memref<1x48x128xf32, #tpu.memory_space<hbm>>
      %dma_start3A_166 = tpu.memref_squeeze %dma_start3A_165 : memref<1x48x128xf32, #tpu.memory_space<hbm>> -> memref<48x128xf32, #tpu.memory_space<hbm>>
      %dma_start3A_167 = arith.constant 0 : i32
      %dma_start3A_168 = tpu.memref_slice %arg6[%arg0, %add3A_121, %dma_start3A_167] : memref<2x10000x128xf32, #tpu.memory_space<hbm>> -> memref<1x48x128xf32, #tpu.memory_space<hbm>>
      %dma_start3A_169 = tpu.memref_squeeze %dma_start3A_168 : memref<1x48x128xf32, #tpu.memory_space<hbm>> -> memref<48x128xf32, #tpu.memory_space<hbm>>
      tpu.enqueue_dma source(%arg14 : memref<48x128xf32, #tpu.memory_space<vmem>>) target(%dma_start3A_169 : memref<48x128xf32, #tpu.memory_space<hbm>>) target_semaphore(%run_scoped3A_163 : memref<!tpu.dma_semaphore, #tpu.memory_space<semaphore_mem>>)
      %dma_wait3A_170 = arith.constant 0 : i32
      %dma_wait3A_171 = tpu.memref_slice %arg6[%arg0, %add3A_121, %dma_wait3A_170] : memref<2x10000x128xf32, #tpu.memory_space<hbm>> -> memref<1x48x128xf32, #tpu.memory_space<hbm>>
      %dma_wait3A_172 = tpu.memref_squeeze %dma_wait3A_171 : memref<1x48x128xf32, #tpu.memory_space<hbm>> -> memref<48x128xf32, #tpu.memory_space<hbm>>
      %dma_wait3A_173 = arith.constant 0 : i32
      %dma_wait3A_174 = tpu.memref_slice %arg6[%arg0, %add3A_121, %dma_wait3A_173] : memref<2x10000x128xf32, #tpu.memory_space<hbm>> -> memref<1x48x128xf32, #tpu.memory_space<hbm>>
      %dma_wait3A_175 = tpu.memref_squeeze %dma_wait3A_174 : memref<1x48x128xf32, #tpu.memory_space<hbm>> -> memref<48x128xf32, #tpu.memory_space<hbm>>
      tpu.wait_dma2 semaphore(%run_scoped3A_163 : memref<!tpu.dma_semaphore, #tpu.memory_space<semaphore_mem>>) src(%arg14 : memref<48x128xf32, #tpu.memory_space<vmem>>) dst(%dma_wait3A_175 : memref<48x128xf32, #tpu.memory_space<hbm>>)
      tpu.yield
    }) : () -> ()
    %add3A_122 = arith.constant 192 : i32
    %add3A_123 = arith.addi %mul3A_2, %add3A_122 : i32
    "tpu.region"() ({
      %run_scoped3A_163 = tpu.sem_alloc : memref<!tpu.dma_semaphore, #tpu.memory_space<semaphore_mem>>
      %dma_start3A_164 = arith.constant 0 : i32
      %dma_start3A_165 = tpu.memref_slice %arg15[%add3A_123, %dma_start3A_164] : memref<10000x128xf32, #tpu.memory_space<vmem_shared>> -> memref<48x128xf32, #tpu.memory_space<vmem_shared>>
      %dma_start3A_166 = arith.constant 0 : i32
      %dma_start3A_167 = tpu.memref_slice %arg15[%add3A_123, %dma_start3A_166] : memref<10000x128xf32, #tpu.memory_space<vmem_shared>> -> memref<48x128xf32, #tpu.memory_space<vmem_shared>>
      tpu.enqueue_dma source(%dma_start3A_167 : memref<48x128xf32, #tpu.memory_space<vmem_shared>>) target(%arg14 : memref<48x128xf32, #tpu.memory_space<vmem>>) target_semaphore(%run_scoped3A_163 : memref<!tpu.dma_semaphore, #tpu.memory_space<semaphore_mem>>)
      %dma_wait3A_168 = arith.constant 0 : i32
      %dma_wait3A_169 = tpu.memref_slice %arg15[%add3A_123, %dma_wait3A_168] : memref<10000x128xf32, #tpu.memory_space<vmem_shared>> -> memref<48x128xf32, #tpu.memory_space<vmem_shared>>
      %dma_wait3A_170 = arith.constant 0 : i32
      %dma_wait3A_171 = tpu.memref_slice %arg15[%add3A_123, %dma_wait3A_170] : memref<10000x128xf32, #tpu.memory_space<vmem_shared>> -> memref<48x128xf32, #tpu.memory_space<vmem_shared>>
      tpu.wait_dma2 semaphore(%run_scoped3A_163 : memref<!tpu.dma_semaphore, #tpu.memory_space<semaphore_mem>>) src(%dma_wait3A_171 : memref<48x128xf32, #tpu.memory_space<vmem_shared>>) dst(%arg14 : memref<48x128xf32, #tpu.memory_space<vmem>>)
      tpu.yield
    }) : () -> ()
    %add3A_124 = arith.constant 192 : i32
    %add3A_125 = arith.addi %mul3A_2, %add3A_124 : i32
    "tpu.region"() ({
      %run_scoped3A_163 = tpu.sem_alloc : memref<!tpu.dma_semaphore, #tpu.memory_space<semaphore_mem>>
      %dma_start3A_164 = arith.constant 0 : i32
      %dma_start3A_165 = tpu.memref_slice %arg6[%arg0, %add3A_125, %dma_start3A_164] : memref<2x10000x128xf32, #tpu.memory_space<hbm>> -> memref<1x48x128xf32, #tpu.memory_space<hbm>>
      %dma_start3A_166 = tpu.memref_squeeze %dma_start3A_165 : memref<1x48x128xf32, #tpu.memory_space<hbm>> -> memref<48x128xf32, #tpu.memory_space<hbm>>
      %dma_start3A_167 = arith.constant 0 : i32
      %dma_start3A_168 = tpu.memref_slice %arg6[%arg0, %add3A_125, %dma_start3A_167] : memref<2x10000x128xf32, #tpu.memory_space<hbm>> -> memref<1x48x128xf32, #tpu.memory_space<hbm>>
      %dma_start3A_169 = tpu.memref_squeeze %dma_start3A_168 : memref<1x48x128xf32, #tpu.memory_space<hbm>> -> memref<48x128xf32, #tpu.memory_space<hbm>>
      tpu.enqueue_dma source(%arg14 : memref<48x128xf32, #tpu.memory_space<vmem>>) target(%dma_start3A_169 : memref<48x128xf32, #tpu.memory_space<hbm>>) target_semaphore(%run_scoped3A_163 : memref<!tpu.dma_semaphore, #tpu.memory_space<semaphore_mem>>)
      %dma_wait3A_170 = arith.constant 0 : i32
      %dma_wait3A_171 = tpu.memref_slice %arg6[%arg0, %add3A_125, %dma_wait3A_170] : memref<2x10000x128xf32, #tpu.memory_space<hbm>> -> memref<1x48x128xf32, #tpu.memory_space<hbm>>
      %dma_wait3A_172 = tpu.memref_squeeze %dma_wait3A_171 : memref<1x48x128xf32, #tpu.memory_space<hbm>> -> memref<48x128xf32, #tpu.memory_space<hbm>>
      %dma_wait3A_173 = arith.constant 0 : i32
      %dma_wait3A_174 = tpu.memref_slice %arg6[%arg0, %add3A_125, %dma_wait3A_173] : memref<2x10000x128xf32, #tpu.memory_space<hbm>> -> memref<1x48x128xf32, #tpu.memory_space<hbm>>
      %dma_wait3A_175 = tpu.memref_squeeze %dma_wait3A_174 : memref<1x48x128xf32, #tpu.memory_space<hbm>> -> memref<48x128xf32, #tpu.memory_space<hbm>>
      tpu.wait_dma2 semaphore(%run_scoped3A_163 : memref<!tpu.dma_semaphore, #tpu.memory_space<semaphore_mem>>) src(%arg14 : memref<48x128xf32, #tpu.memory_space<vmem>>) dst(%dma_wait3A_175 : memref<48x128xf32, #tpu.memory_space<hbm>>)
      tpu.yield
    }) : () -> ()
    %add3A_126 = arith.constant 240 : i32
    %add3A_127 = arith.addi %mul3A_2, %add3A_126 : i32
    "tpu.region"() ({
      %run_scoped3A_163 = tpu.sem_alloc : memref<!tpu.dma_semaphore, #tpu.memory_space<semaphore_mem>>
      %dma_start3A_164 = arith.constant 0 : i32
      %dma_start3A_165 = tpu.memref_slice %arg15[%add3A_127, %dma_start3A_164] : memref<10000x128xf32, #tpu.memory_space<vmem_shared>> -> memref<48x128xf32, #tpu.memory_space<vmem_shared>>
      %dma_start3A_166 = arith.constant 0 : i32
      %dma_start3A_167 = tpu.memref_slice %arg15[%add3A_127, %dma_start3A_166] : memref<10000x128xf32, #tpu.memory_space<vmem_shared>> -> memref<48x128xf32, #tpu.memory_space<vmem_shared>>
      tpu.enqueue_dma source(%dma_start3A_167 : memref<48x128xf32, #tpu.memory_space<vmem_shared>>) target(%arg14 : memref<48x128xf32, #tpu.memory_space<vmem>>) target_semaphore(%run_scoped3A_163 : memref<!tpu.dma_semaphore, #tpu.memory_space<semaphore_mem>>)
      %dma_wait3A_168 = arith.constant 0 : i32
      %dma_wait3A_169 = tpu.memref_slice %arg15[%add3A_127, %dma_wait3A_168] : memref<10000x128xf32, #tpu.memory_space<vmem_shared>> -> memref<48x128xf32, #tpu.memory_space<vmem_shared>>
      %dma_wait3A_170 = arith.constant 0 : i32
      %dma_wait3A_171 = tpu.memref_slice %arg15[%add3A_127, %dma_wait3A_170] : memref<10000x128xf32, #tpu.memory_space<vmem_shared>> -> memref<48x128xf32, #tpu.memory_space<vmem_shared>>
      tpu.wait_dma2 semaphore(%run_scoped3A_163 : memref<!tpu.dma_semaphore, #tpu.memory_space<semaphore_mem>>) src(%dma_wait3A_171 : memref<48x128xf32, #tpu.memory_space<vmem_shared>>) dst(%arg14 : memref<48x128xf32, #tpu.memory_space<vmem>>)
      tpu.yield
    }) : () -> ()
    %add3A_128 = arith.constant 240 : i32
    %add3A_129 = arith.addi %mul3A_2, %add3A_128 : i32
    "tpu.region"() ({
      %run_scoped3A_163 = tpu.sem_alloc : memref<!tpu.dma_semaphore, #tpu.memory_space<semaphore_mem>>
      %dma_start3A_164 = arith.constant 0 : i32
      %dma_start3A_165 = tpu.memref_slice %arg6[%arg0, %add3A_129, %dma_start3A_164] : memref<2x10000x128xf32, #tpu.memory_space<hbm>> -> memref<1x48x128xf32, #tpu.memory_space<hbm>>
      %dma_start3A_166 = tpu.memref_squeeze %dma_start3A_165 : memref<1x48x128xf32, #tpu.memory_space<hbm>> -> memref<48x128xf32, #tpu.memory_space<hbm>>
      %dma_start3A_167 = arith.constant 0 : i32
      %dma_start3A_168 = tpu.memref_slice %arg6[%arg0, %add3A_129, %dma_start3A_167] : memref<2x10000x128xf32, #tpu.memory_space<hbm>> -> memref<1x48x128xf32, #tpu.memory_space<hbm>>
      %dma_start3A_169 = tpu.memref_squeeze %dma_start3A_168 : memref<1x48x128xf32, #tpu.memory_space<hbm>> -> memref<48x128xf32, #tpu.memory_space<hbm>>
      tpu.enqueue_dma source(%arg14 : memref<48x128xf32, #tpu.memory_space<vmem>>) target(%dma_start3A_169 : memref<48x128xf32, #tpu.memory_space<hbm>>) target_semaphore(%run_scoped3A_163 : memref<!tpu.dma_semaphore, #tpu.memory_space<semaphore_mem>>)
      %dma_wait3A_170 = arith.constant 0 : i32
      %dma_wait3A_171 = tpu.memref_slice %arg6[%arg0, %add3A_129, %dma_wait3A_170] : memref<2x10000x128xf32, #tpu.memory_space<hbm>> -> memref<1x48x128xf32, #tpu.memory_space<hbm>>
      %dma_wait3A_172 = tpu.memref_squeeze %dma_wait3A_171 : memref<1x48x128xf32, #tpu.memory_space<hbm>> -> memref<48x128xf32, #tpu.memory_space<hbm>>
      %dma_wait3A_173 = arith.constant 0 : i32
      %dma_wait3A_174 = tpu.memref_slice %arg6[%arg0, %add3A_129, %dma_wait3A_173] : memref<2x10000x128xf32, #tpu.memory_space<hbm>> -> memref<1x48x128xf32, #tpu.memory_space<hbm>>
      %dma_wait3A_175 = tpu.memref_squeeze %dma_wait3A_174 : memref<1x48x128xf32, #tpu.memory_space<hbm>> -> memref<48x128xf32, #tpu.memory_space<hbm>>
      tpu.wait_dma2 semaphore(%run_scoped3A_163 : memref<!tpu.dma_semaphore, #tpu.memory_space<semaphore_mem>>) src(%arg14 : memref<48x128xf32, #tpu.memory_space<vmem>>) dst(%dma_wait3A_175 : memref<48x128xf32, #tpu.memory_space<hbm>>)
      tpu.yield
    }) : () -> ()
    %add3A_130 = arith.constant 288 : i32
    %add3A_131 = arith.addi %mul3A_2, %add3A_130 : i32
    "tpu.region"() ({
      %run_scoped3A_163 = tpu.sem_alloc : memref<!tpu.dma_semaphore, #tpu.memory_space<semaphore_mem>>
      %dma_start3A_164 = arith.constant 0 : i32
      %dma_start3A_165 = tpu.memref_slice %arg15[%add3A_131, %dma_start3A_164] : memref<10000x128xf32, #tpu.memory_space<vmem_shared>> -> memref<48x128xf32, #tpu.memory_space<vmem_shared>>
      %dma_start3A_166 = arith.constant 0 : i32
      %dma_start3A_167 = tpu.memref_slice %arg15[%add3A_131, %dma_start3A_166] : memref<10000x128xf32, #tpu.memory_space<vmem_shared>> -> memref<48x128xf32, #tpu.memory_space<vmem_shared>>
      tpu.enqueue_dma source(%dma_start3A_167 : memref<48x128xf32, #tpu.memory_space<vmem_shared>>) target(%arg14 : memref<48x128xf32, #tpu.memory_space<vmem>>) target_semaphore(%run_scoped3A_163 : memref<!tpu.dma_semaphore, #tpu.memory_space<semaphore_mem>>)
      %dma_wait3A_168 = arith.constant 0 : i32
      %dma_wait3A_169 = tpu.memref_slice %arg15[%add3A_131, %dma_wait3A_168] : memref<10000x128xf32, #tpu.memory_space<vmem_shared>> -> memref<48x128xf32, #tpu.memory_space<vmem_shared>>
      %dma_wait3A_170 = arith.constant 0 : i32
      %dma_wait3A_171 = tpu.memref_slice %arg15[%add3A_131, %dma_wait3A_170] : memref<10000x128xf32, #tpu.memory_space<vmem_shared>> -> memref<48x128xf32, #tpu.memory_space<vmem_shared>>
      tpu.wait_dma2 semaphore(%run_scoped3A_163 : memref<!tpu.dma_semaphore, #tpu.memory_space<semaphore_mem>>) src(%dma_wait3A_171 : memref<48x128xf32, #tpu.memory_space<vmem_shared>>) dst(%arg14 : memref<48x128xf32, #tpu.memory_space<vmem>>)
      tpu.yield
    }) : () -> ()
    %add3A_132 = arith.constant 288 : i32
    %add3A_133 = arith.addi %mul3A_2, %add3A_132 : i32
    "tpu.region"() ({
      %run_scoped3A_163 = tpu.sem_alloc : memref<!tpu.dma_semaphore, #tpu.memory_space<semaphore_mem>>
      %dma_start3A_164 = arith.constant 0 : i32
      %dma_start3A_165 = tpu.memref_slice %arg6[%arg0, %add3A_133, %dma_start3A_164] : memref<2x10000x128xf32, #tpu.memory_space<hbm>> -> memref<1x48x128xf32, #tpu.memory_space<hbm>>
      %dma_start3A_166 = tpu.memref_squeeze %dma_start3A_165 : memref<1x48x128xf32, #tpu.memory_space<hbm>> -> memref<48x128xf32, #tpu.memory_space<hbm>>
      %dma_start3A_167 = arith.constant 0 : i32
      %dma_start3A_168 = tpu.memref_slice %arg6[%arg0, %add3A_133, %dma_start3A_167] : memref<2x10000x128xf32, #tpu.memory_space<hbm>> -> memref<1x48x128xf32, #tpu.memory_space<hbm>>
      %dma_start3A_169 = tpu.memref_squeeze %dma_start3A_168 : memref<1x48x128xf32, #tpu.memory_space<hbm>> -> memref<48x128xf32, #tpu.memory_space<hbm>>
      tpu.enqueue_dma source(%arg14 : memref<48x128xf32, #tpu.memory_space<vmem>>) target(%dma_start3A_169 : memref<48x128xf32, #tpu.memory_space<hbm>>) target_semaphore(%run_scoped3A_163 : memref<!tpu.dma_semaphore, #tpu.memory_space<semaphore_mem>>)
      %dma_wait3A_170 = arith.constant 0 : i32
      %dma_wait3A_171 = tpu.memref_slice %arg6[%arg0, %add3A_133, %dma_wait3A_170] : memref<2x10000x128xf32, #tpu.memory_space<hbm>> -> memref<1x48x128xf32, #tpu.memory_space<hbm>>
      %dma_wait3A_172 = tpu.memref_squeeze %dma_wait3A_171 : memref<1x48x128xf32, #tpu.memory_space<hbm>> -> memref<48x128xf32, #tpu.memory_space<hbm>>
      %dma_wait3A_173 = arith.constant 0 : i32
      %dma_wait3A_174 = tpu.memref_slice %arg6[%arg0, %add3A_133, %dma_wait3A_173] : memref<2x10000x128xf32, #tpu.memory_space<hbm>> -> memref<1x48x128xf32, #tpu.memory_space<hbm>>
      %dma_wait3A_175 = tpu.memref_squeeze %dma_wait3A_174 : memref<1x48x128xf32, #tpu.memory_space<hbm>> -> memref<48x128xf32, #tpu.memory_space<hbm>>
      tpu.wait_dma2 semaphore(%run_scoped3A_163 : memref<!tpu.dma_semaphore, #tpu.memory_space<semaphore_mem>>) src(%arg14 : memref<48x128xf32, #tpu.memory_space<vmem>>) dst(%dma_wait3A_175 : memref<48x128xf32, #tpu.memory_space<hbm>>)
      tpu.yield
    }) : () -> ()
    %add3A_134 = arith.constant 336 : i32
    %add3A_135 = arith.addi %mul3A_2, %add3A_134 : i32
    "tpu.region"() ({
      %run_scoped3A_163 = tpu.sem_alloc : memref<!tpu.dma_semaphore, #tpu.memory_space<semaphore_mem>>
      %dma_start3A_164 = arith.constant 0 : i32
      %dma_start3A_165 = tpu.memref_slice %arg15[%add3A_135, %dma_start3A_164] : memref<10000x128xf32, #tpu.memory_space<vmem_shared>> -> memref<48x128xf32, #tpu.memory_space<vmem_shared>>
      %dma_start3A_166 = arith.constant 0 : i32
      %dma_start3A_167 = tpu.memref_slice %arg15[%add3A_135, %dma_start3A_166] : memref<10000x128xf32, #tpu.memory_space<vmem_shared>> -> memref<48x128xf32, #tpu.memory_space<vmem_shared>>
      tpu.enqueue_dma source(%dma_start3A_167 : memref<48x128xf32, #tpu.memory_space<vmem_shared>>) target(%arg14 : memref<48x128xf32, #tpu.memory_space<vmem>>) target_semaphore(%run_scoped3A_163 : memref<!tpu.dma_semaphore, #tpu.memory_space<semaphore_mem>>)
      %dma_wait3A_168 = arith.constant 0 : i32
      %dma_wait3A_169 = tpu.memref_slice %arg15[%add3A_135, %dma_wait3A_168] : memref<10000x128xf32, #tpu.memory_space<vmem_shared>> -> memref<48x128xf32, #tpu.memory_space<vmem_shared>>
      %dma_wait3A_170 = arith.constant 0 : i32
      %dma_wait3A_171 = tpu.memref_slice %arg15[%add3A_135, %dma_wait3A_170] : memref<10000x128xf32, #tpu.memory_space<vmem_shared>> -> memref<48x128xf32, #tpu.memory_space<vmem_shared>>
      tpu.wait_dma2 semaphore(%run_scoped3A_163 : memref<!tpu.dma_semaphore, #tpu.memory_space<semaphore_mem>>) src(%dma_wait3A_171 : memref<48x128xf32, #tpu.memory_space<vmem_shared>>) dst(%arg14 : memref<48x128xf32, #tpu.memory_space<vmem>>)
      tpu.yield
    }) : () -> ()
    %add3A_136 = arith.constant 336 : i32
    %add3A_137 = arith.addi %mul3A_2, %add3A_136 : i32
    "tpu.region"() ({
      %run_scoped3A_163 = tpu.sem_alloc : memref<!tpu.dma_semaphore, #tpu.memory_space<semaphore_mem>>
      %dma_start3A_164 = arith.constant 0 : i32
      %dma_start3A_165 = tpu.memref_slice %arg6[%arg0, %add3A_137, %dma_start3A_164] : memref<2x10000x128xf32, #tpu.memory_space<hbm>> -> memref<1x48x128xf32, #tpu.memory_space<hbm>>
      %dma_start3A_166 = tpu.memref_squeeze %dma_start3A_165 : memref<1x48x128xf32, #tpu.memory_space<hbm>> -> memref<48x128xf32, #tpu.memory_space<hbm>>
      %dma_start3A_167 = arith.constant 0 : i32
      %dma_start3A_168 = tpu.memref_slice %arg6[%arg0, %add3A_137, %dma_start3A_167] : memref<2x10000x128xf32, #tpu.memory_space<hbm>> -> memref<1x48x128xf32, #tpu.memory_space<hbm>>
      %dma_start3A_169 = tpu.memref_squeeze %dma_start3A_168 : memref<1x48x128xf32, #tpu.memory_space<hbm>> -> memref<48x128xf32, #tpu.memory_space<hbm>>
      tpu.enqueue_dma source(%arg14 : memref<48x128xf32, #tpu.memory_space<vmem>>) target(%dma_start3A_169 : memref<48x128xf32, #tpu.memory_space<hbm>>) target_semaphore(%run_scoped3A_163 : memref<!tpu.dma_semaphore, #tpu.memory_space<semaphore_mem>>)
      %dma_wait3A_170 = arith.constant 0 : i32
      %dma_wait3A_171 = tpu.memref_slice %arg6[%arg0, %add3A_137, %dma_wait3A_170] : memref<2x10000x128xf32, #tpu.memory_space<hbm>> -> memref<1x48x128xf32, #tpu.memory_space<hbm>>
      %dma_wait3A_172 = tpu.memref_squeeze %dma_wait3A_171 : memref<1x48x128xf32, #tpu.memory_space<hbm>> -> memref<48x128xf32, #tpu.memory_space<hbm>>
      %dma_wait3A_173 = arith.constant 0 : i32
      %dma_wait3A_174 = tpu.memref_slice %arg6[%arg0, %add3A_137, %dma_wait3A_173] : memref<2x10000x128xf32, #tpu.memory_space<hbm>> -> memref<1x48x128xf32, #tpu.memory_space<hbm>>
      %dma_wait3A_175 = tpu.memref_squeeze %dma_wait3A_174 : memref<1x48x128xf32, #tpu.memory_space<hbm>> -> memref<48x128xf32, #tpu.memory_space<hbm>>
      tpu.wait_dma2 semaphore(%run_scoped3A_163 : memref<!tpu.dma_semaphore, #tpu.memory_space<semaphore_mem>>) src(%arg14 : memref<48x128xf32, #tpu.memory_space<vmem>>) dst(%dma_wait3A_175 : memref<48x128xf32, #tpu.memory_space<hbm>>)
      tpu.yield
    }) : () -> ()
    %add3A_138 = arith.constant 384 : i32
    %add3A_139 = arith.addi %mul3A_2, %add3A_138 : i32
    "tpu.region"() ({
      %run_scoped3A_163 = tpu.sem_alloc : memref<!tpu.dma_semaphore, #tpu.memory_space<semaphore_mem>>
      %dma_start3A_164 = arith.constant 0 : i32
      %dma_start3A_165 = tpu.memref_slice %arg15[%add3A_139, %dma_start3A_164] : memref<10000x128xf32, #tpu.memory_space<vmem_shared>> -> memref<48x128xf32, #tpu.memory_space<vmem_shared>>
      %dma_start3A_166 = arith.constant 0 : i32
      %dma_start3A_167 = tpu.memref_slice %arg15[%add3A_139, %dma_start3A_166] : memref<10000x128xf32, #tpu.memory_space<vmem_shared>> -> memref<48x128xf32, #tpu.memory_space<vmem_shared>>
      tpu.enqueue_dma source(%dma_start3A_167 : memref<48x128xf32, #tpu.memory_space<vmem_shared>>) target(%arg14 : memref<48x128xf32, #tpu.memory_space<vmem>>) target_semaphore(%run_scoped3A_163 : memref<!tpu.dma_semaphore, #tpu.memory_space<semaphore_mem>>)
      %dma_wait3A_168 = arith.constant 0 : i32
      %dma_wait3A_169 = tpu.memref_slice %arg15[%add3A_139, %dma_wait3A_168] : memref<10000x128xf32, #tpu.memory_space<vmem_shared>> -> memref<48x128xf32, #tpu.memory_space<vmem_shared>>
      %dma_wait3A_170 = arith.constant 0 : i32
      %dma_wait3A_171 = tpu.memref_slice %arg15[%add3A_139, %dma_wait3A_170] : memref<10000x128xf32, #tpu.memory_space<vmem_shared>> -> memref<48x128xf32, #tpu.memory_space<vmem_shared>>
      tpu.wait_dma2 semaphore(%run_scoped3A_163 : memref<!tpu.dma_semaphore, #tpu.memory_space<semaphore_mem>>) src(%dma_wait3A_171 : memref<48x128xf32, #tpu.memory_space<vmem_shared>>) dst(%arg14 : memref<48x128xf32, #tpu.memory_space<vmem>>)
      tpu.yield
    }) : () -> ()
    %add3A_140 = arith.constant 384 : i32
    %add3A_141 = arith.addi %mul3A_2, %add3A_140 : i32
    "tpu.region"() ({
      %run_scoped3A_163 = tpu.sem_alloc : memref<!tpu.dma_semaphore, #tpu.memory_space<semaphore_mem>>
      %dma_start3A_164 = arith.constant 0 : i32
      %dma_start3A_165 = tpu.memref_slice %arg6[%arg0, %add3A_141, %dma_start3A_164] : memref<2x10000x128xf32, #tpu.memory_space<hbm>> -> memref<1x48x128xf32, #tpu.memory_space<hbm>>
      %dma_start3A_166 = tpu.memref_squeeze %dma_start3A_165 : memref<1x48x128xf32, #tpu.memory_space<hbm>> -> memref<48x128xf32, #tpu.memory_space<hbm>>
      %dma_start3A_167 = arith.constant 0 : i32
      %dma_start3A_168 = tpu.memref_slice %arg6[%arg0, %add3A_141, %dma_start3A_167] : memref<2x10000x128xf32, #tpu.memory_space<hbm>> -> memref<1x48x128xf32, #tpu.memory_space<hbm>>
      %dma_start3A_169 = tpu.memref_squeeze %dma_start3A_168 : memref<1x48x128xf32, #tpu.memory_space<hbm>> -> memref<48x128xf32, #tpu.memory_space<hbm>>
      tpu.enqueue_dma source(%arg14 : memref<48x128xf32, #tpu.memory_space<vmem>>) target(%dma_start3A_169 : memref<48x128xf32, #tpu.memory_space<hbm>>) target_semaphore(%run_scoped3A_163 : memref<!tpu.dma_semaphore, #tpu.memory_space<semaphore_mem>>)
      %dma_wait3A_170 = arith.constant 0 : i32
      %dma_wait3A_171 = tpu.memref_slice %arg6[%arg0, %add3A_141, %dma_wait3A_170] : memref<2x10000x128xf32, #tpu.memory_space<hbm>> -> memref<1x48x128xf32, #tpu.memory_space<hbm>>
      %dma_wait3A_172 = tpu.memref_squeeze %dma_wait3A_171 : memref<1x48x128xf32, #tpu.memory_space<hbm>> -> memref<48x128xf32, #tpu.memory_space<hbm>>
      %dma_wait3A_173 = arith.constant 0 : i32
      %dma_wait3A_174 = tpu.memref_slice %arg6[%arg0, %add3A_141, %dma_wait3A_173] : memref<2x10000x128xf32, #tpu.memory_space<hbm>> -> memref<1x48x128xf32, #tpu.memory_space<hbm>>
      %dma_wait3A_175 = tpu.memref_squeeze %dma_wait3A_174 : memref<1x48x128xf32, #tpu.memory_space<hbm>> -> memref<48x128xf32, #tpu.memory_space<hbm>>
      tpu.wait_dma2 semaphore(%run_scoped3A_163 : memref<!tpu.dma_semaphore, #tpu.memory_space<semaphore_mem>>) src(%arg14 : memref<48x128xf32, #tpu.memory_space<vmem>>) dst(%dma_wait3A_175 : memref<48x128xf32, #tpu.memory_space<hbm>>)
      tpu.yield
    }) : () -> ()
    %add3A_142 = arith.constant 432 : i32
    %add3A_143 = arith.addi %mul3A_2, %add3A_142 : i32
    "tpu.region"() ({
      %run_scoped3A_163 = tpu.sem_alloc : memref<!tpu.dma_semaphore, #tpu.memory_space<semaphore_mem>>
      %dma_start3A_164 = arith.constant 0 : i32
      %dma_start3A_165 = tpu.memref_slice %arg15[%add3A_143, %dma_start3A_164] : memref<10000x128xf32, #tpu.memory_space<vmem_shared>> -> memref<48x128xf32, #tpu.memory_space<vmem_shared>>
      %dma_start3A_166 = arith.constant 0 : i32
      %dma_start3A_167 = tpu.memref_slice %arg15[%add3A_143, %dma_start3A_166] : memref<10000x128xf32, #tpu.memory_space<vmem_shared>> -> memref<48x128xf32, #tpu.memory_space<vmem_shared>>
      tpu.enqueue_dma source(%dma_start3A_167 : memref<48x128xf32, #tpu.memory_space<vmem_shared>>) target(%arg14 : memref<48x128xf32, #tpu.memory_space<vmem>>) target_semaphore(%run_scoped3A_163 : memref<!tpu.dma_semaphore, #tpu.memory_space<semaphore_mem>>)
      %dma_wait3A_168 = arith.constant 0 : i32
      %dma_wait3A_169 = tpu.memref_slice %arg15[%add3A_143, %dma_wait3A_168] : memref<10000x128xf32, #tpu.memory_space<vmem_shared>> -> memref<48x128xf32, #tpu.memory_space<vmem_shared>>
      %dma_wait3A_170 = arith.constant 0 : i32
      %dma_wait3A_171 = tpu.memref_slice %arg15[%add3A_143, %dma_wait3A_170] : memref<10000x128xf32, #tpu.memory_space<vmem_shared>> -> memref<48x128xf32, #tpu.memory_space<vmem_shared>>
      tpu.wait_dma2 semaphore(%run_scoped3A_163 : memref<!tpu.dma_semaphore, #tpu.memory_space<semaphore_mem>>) src(%dma_wait3A_171 : memref<48x128xf32, #tpu.memory_space<vmem_shared>>) dst(%arg14 : memref<48x128xf32, #tpu.memory_space<vmem>>)
      tpu.yield
    }) : () -> ()
    %add3A_144 = arith.constant 432 : i32
    %add3A_145 = arith.addi %mul3A_2, %add3A_144 : i32
    "tpu.region"() ({
      %run_scoped3A_163 = tpu.sem_alloc : memref<!tpu.dma_semaphore, #tpu.memory_space<semaphore_mem>>
      %dma_start3A_164 = arith.constant 0 : i32
      %dma_start3A_165 = tpu.memref_slice %arg6[%arg0, %add3A_145, %dma_start3A_164] : memref<2x10000x128xf32, #tpu.memory_space<hbm>> -> memref<1x48x128xf32, #tpu.memory_space<hbm>>
      %dma_start3A_166 = tpu.memref_squeeze %dma_start3A_165 : memref<1x48x128xf32, #tpu.memory_space<hbm>> -> memref<48x128xf32, #tpu.memory_space<hbm>>
      %dma_start3A_167 = arith.constant 0 : i32
      %dma_start3A_168 = tpu.memref_slice %arg6[%arg0, %add3A_145, %dma_start3A_167] : memref<2x10000x128xf32, #tpu.memory_space<hbm>> -> memref<1x48x128xf32, #tpu.memory_space<hbm>>
      %dma_start3A_169 = tpu.memref_squeeze %dma_start3A_168 : memref<1x48x128xf32, #tpu.memory_space<hbm>> -> memref<48x128xf32, #tpu.memory_space<hbm>>
      tpu.enqueue_dma source(%arg14 : memref<48x128xf32, #tpu.memory_space<vmem>>) target(%dma_start3A_169 : memref<48x128xf32, #tpu.memory_space<hbm>>) target_semaphore(%run_scoped3A_163 : memref<!tpu.dma_semaphore, #tpu.memory_space<semaphore_mem>>)
      %dma_wait3A_170 = arith.constant 0 : i32
      %dma_wait3A_171 = tpu.memref_slice %arg6[%arg0, %add3A_145, %dma_wait3A_170] : memref<2x10000x128xf32, #tpu.memory_space<hbm>> -> memref<1x48x128xf32, #tpu.memory_space<hbm>>
      %dma_wait3A_172 = tpu.memref_squeeze %dma_wait3A_171 : memref<1x48x128xf32, #tpu.memory_space<hbm>> -> memref<48x128xf32, #tpu.memory_space<hbm>>
      %dma_wait3A_173 = arith.constant 0 : i32
      %dma_wait3A_174 = tpu.memref_slice %arg6[%arg0, %add3A_145, %dma_wait3A_173] : memref<2x10000x128xf32, #tpu.memory_space<hbm>> -> memref<1x48x128xf32, #tpu.memory_space<hbm>>
      %dma_wait3A_175 = tpu.memref_squeeze %dma_wait3A_174 : memref<1x48x128xf32, #tpu.memory_space<hbm>> -> memref<48x128xf32, #tpu.memory_space<hbm>>
      tpu.wait_dma2 semaphore(%run_scoped3A_163 : memref<!tpu.dma_semaphore, #tpu.memory_space<semaphore_mem>>) src(%arg14 : memref<48x128xf32, #tpu.memory_space<vmem>>) dst(%dma_wait3A_175 : memref<48x128xf32, #tpu.memory_space<hbm>>)
      tpu.yield
    }) : () -> ()
    %add3A_146 = arith.constant 480 : i32
    %add3A_147 = arith.addi %mul3A_2, %add3A_146 : i32
    "tpu.region"() ({
      %run_scoped3A_163 = tpu.sem_alloc : memref<!tpu.dma_semaphore, #tpu.memory_space<semaphore_mem>>
      %dma_start3A_164 = arith.constant 0 : i32
      %dma_start3A_165 = tpu.memref_slice %arg15[%add3A_147, %dma_start3A_164] : memref<10000x128xf32, #tpu.memory_space<vmem_shared>> -> memref<48x128xf32, #tpu.memory_space<vmem_shared>>
      %dma_start3A_166 = arith.constant 0 : i32
      %dma_start3A_167 = tpu.memref_slice %arg15[%add3A_147, %dma_start3A_166] : memref<10000x128xf32, #tpu.memory_space<vmem_shared>> -> memref<48x128xf32, #tpu.memory_space<vmem_shared>>
      tpu.enqueue_dma source(%dma_start3A_167 : memref<48x128xf32, #tpu.memory_space<vmem_shared>>) target(%arg14 : memref<48x128xf32, #tpu.memory_space<vmem>>) target_semaphore(%run_scoped3A_163 : memref<!tpu.dma_semaphore, #tpu.memory_space<semaphore_mem>>)
      %dma_wait3A_168 = arith.constant 0 : i32
      %dma_wait3A_169 = tpu.memref_slice %arg15[%add3A_147, %dma_wait3A_168] : memref<10000x128xf32, #tpu.memory_space<vmem_shared>> -> memref<48x128xf32, #tpu.memory_space<vmem_shared>>
      %dma_wait3A_170 = arith.constant 0 : i32
      %dma_wait3A_171 = tpu.memref_slice %arg15[%add3A_147, %dma_wait3A_170] : memref<10000x128xf32, #tpu.memory_space<vmem_shared>> -> memref<48x128xf32, #tpu.memory_space<vmem_shared>>
      tpu.wait_dma2 semaphore(%run_scoped3A_163 : memref<!tpu.dma_semaphore, #tpu.memory_space<semaphore_mem>>) src(%dma_wait3A_171 : memref<48x128xf32, #tpu.memory_space<vmem_shared>>) dst(%arg14 : memref<48x128xf32, #tpu.memory_space<vmem>>)
      tpu.yield
    }) : () -> ()
    %add3A_148 = arith.constant 480 : i32
    %add3A_149 = arith.addi %mul3A_2, %add3A_148 : i32
    "tpu.region"() ({
      %run_scoped3A_163 = tpu.sem_alloc : memref<!tpu.dma_semaphore, #tpu.memory_space<semaphore_mem>>
      %dma_start3A_164 = arith.constant 0 : i32
      %dma_start3A_165 = tpu.memref_slice %arg6[%arg0, %add3A_149, %dma_start3A_164] : memref<2x10000x128xf32, #tpu.memory_space<hbm>> -> memref<1x48x128xf32, #tpu.memory_space<hbm>>
      %dma_start3A_166 = tpu.memref_squeeze %dma_start3A_165 : memref<1x48x128xf32, #tpu.memory_space<hbm>> -> memref<48x128xf32, #tpu.memory_space<hbm>>
      %dma_start3A_167 = arith.constant 0 : i32
      %dma_start3A_168 = tpu.memref_slice %arg6[%arg0, %add3A_149, %dma_start3A_167] : memref<2x10000x128xf32, #tpu.memory_space<hbm>> -> memref<1x48x128xf32, #tpu.memory_space<hbm>>
      %dma_start3A_169 = tpu.memref_squeeze %dma_start3A_168 : memref<1x48x128xf32, #tpu.memory_space<hbm>> -> memref<48x128xf32, #tpu.memory_space<hbm>>
      tpu.enqueue_dma source(%arg14 : memref<48x128xf32, #tpu.memory_space<vmem>>) target(%dma_start3A_169 : memref<48x128xf32, #tpu.memory_space<hbm>>) target_semaphore(%run_scoped3A_163 : memref<!tpu.dma_semaphore, #tpu.memory_space<semaphore_mem>>)
      %dma_wait3A_170 = arith.constant 0 : i32
      %dma_wait3A_171 = tpu.memref_slice %arg6[%arg0, %add3A_149, %dma_wait3A_170] : memref<2x10000x128xf32, #tpu.memory_space<hbm>> -> memref<1x48x128xf32, #tpu.memory_space<hbm>>
      %dma_wait3A_172 = tpu.memref_squeeze %dma_wait3A_171 : memref<1x48x128xf32, #tpu.memory_space<hbm>> -> memref<48x128xf32, #tpu.memory_space<hbm>>
      %dma_wait3A_173 = arith.constant 0 : i32
      %dma_wait3A_174 = tpu.memref_slice %arg6[%arg0, %add3A_149, %dma_wait3A_173] : memref<2x10000x128xf32, #tpu.memory_space<hbm>> -> memref<1x48x128xf32, #tpu.memory_space<hbm>>
      %dma_wait3A_175 = tpu.memref_squeeze %dma_wait3A_174 : memref<1x48x128xf32, #tpu.memory_space<hbm>> -> memref<48x128xf32, #tpu.memory_space<hbm>>
      tpu.wait_dma2 semaphore(%run_scoped3A_163 : memref<!tpu.dma_semaphore, #tpu.memory_space<semaphore_mem>>) src(%arg14 : memref<48x128xf32, #tpu.memory_space<vmem>>) dst(%dma_wait3A_175 : memref<48x128xf32, #tpu.memory_space<hbm>>)
      tpu.yield
    }) : () -> ()
    %add3A_150 = arith.constant 528 : i32
    %add3A_151 = arith.addi %mul3A_2, %add3A_150 : i32
    "tpu.region"() ({
      %run_scoped3A_163 = tpu.sem_alloc : memref<!tpu.dma_semaphore, #tpu.memory_space<semaphore_mem>>
      %dma_start3A_164 = arith.constant 0 : i32
      %dma_start3A_165 = tpu.memref_slice %arg15[%add3A_151, %dma_start3A_164] : memref<10000x128xf32, #tpu.memory_space<vmem_shared>> -> memref<48x128xf32, #tpu.memory_space<vmem_shared>>
      %dma_start3A_166 = arith.constant 0 : i32
      %dma_start3A_167 = tpu.memref_slice %arg15[%add3A_151, %dma_start3A_166] : memref<10000x128xf32, #tpu.memory_space<vmem_shared>> -> memref<48x128xf32, #tpu.memory_space<vmem_shared>>
      tpu.enqueue_dma source(%dma_start3A_167 : memref<48x128xf32, #tpu.memory_space<vmem_shared>>) target(%arg14 : memref<48x128xf32, #tpu.memory_space<vmem>>) target_semaphore(%run_scoped3A_163 : memref<!tpu.dma_semaphore, #tpu.memory_space<semaphore_mem>>)
      %dma_wait3A_168 = arith.constant 0 : i32
      %dma_wait3A_169 = tpu.memref_slice %arg15[%add3A_151, %dma_wait3A_168] : memref<10000x128xf32, #tpu.memory_space<vmem_shared>> -> memref<48x128xf32, #tpu.memory_space<vmem_shared>>
      %dma_wait3A_170 = arith.constant 0 : i32
      %dma_wait3A_171 = tpu.memref_slice %arg15[%add3A_151, %dma_wait3A_170] : memref<10000x128xf32, #tpu.memory_space<vmem_shared>> -> memref<48x128xf32, #tpu.memory_space<vmem_shared>>
      tpu.wait_dma2 semaphore(%run_scoped3A_163 : memref<!tpu.dma_semaphore, #tpu.memory_space<semaphore_mem>>) src(%dma_wait3A_171 : memref<48x128xf32, #tpu.memory_space<vmem_shared>>) dst(%arg14 : memref<48x128xf32, #tpu.memory_space<vmem>>)
      tpu.yield
    }) : () -> ()
    %add3A_152 = arith.constant 528 : i32
    %add3A_153 = arith.addi %mul3A_2, %add3A_152 : i32
    "tpu.region"() ({
      %run_scoped3A_163 = tpu.sem_alloc : memref<!tpu.dma_semaphore, #tpu.memory_space<semaphore_mem>>
      %dma_start3A_164 = arith.constant 0 : i32
      %dma_start3A_165 = tpu.memref_slice %arg6[%arg0, %add3A_153, %dma_start3A_164] : memref<2x10000x128xf32, #tpu.memory_space<hbm>> -> memref<1x48x128xf32, #tpu.memory_space<hbm>>
      %dma_start3A_166 = tpu.memref_squeeze %dma_start3A_165 : memref<1x48x128xf32, #tpu.memory_space<hbm>> -> memref<48x128xf32, #tpu.memory_space<hbm>>
      %dma_start3A_167 = arith.constant 0 : i32
      %dma_start3A_168 = tpu.memref_slice %arg6[%arg0, %add3A_153, %dma_start3A_167] : memref<2x10000x128xf32, #tpu.memory_space<hbm>> -> memref<1x48x128xf32, #tpu.memory_space<hbm>>
      %dma_start3A_169 = tpu.memref_squeeze %dma_start3A_168 : memref<1x48x128xf32, #tpu.memory_space<hbm>> -> memref<48x128xf32, #tpu.memory_space<hbm>>
      tpu.enqueue_dma source(%arg14 : memref<48x128xf32, #tpu.memory_space<vmem>>) target(%dma_start3A_169 : memref<48x128xf32, #tpu.memory_space<hbm>>) target_semaphore(%run_scoped3A_163 : memref<!tpu.dma_semaphore, #tpu.memory_space<semaphore_mem>>)
      %dma_wait3A_170 = arith.constant 0 : i32
      %dma_wait3A_171 = tpu.memref_slice %arg6[%arg0, %add3A_153, %dma_wait3A_170] : memref<2x10000x128xf32, #tpu.memory_space<hbm>> -> memref<1x48x128xf32, #tpu.memory_space<hbm>>
      %dma_wait3A_172 = tpu.memref_squeeze %dma_wait3A_171 : memref<1x48x128xf32, #tpu.memory_space<hbm>> -> memref<48x128xf32, #tpu.memory_space<hbm>>
      %dma_wait3A_173 = arith.constant 0 : i32
      %dma_wait3A_174 = tpu.memref_slice %arg6[%arg0, %add3A_153, %dma_wait3A_173] : memref<2x10000x128xf32, #tpu.memory_space<hbm>> -> memref<1x48x128xf32, #tpu.memory_space<hbm>>
      %dma_wait3A_175 = tpu.memref_squeeze %dma_wait3A_174 : memref<1x48x128xf32, #tpu.memory_space<hbm>> -> memref<48x128xf32, #tpu.memory_space<hbm>>
      tpu.wait_dma2 semaphore(%run_scoped3A_163 : memref<!tpu.dma_semaphore, #tpu.memory_space<semaphore_mem>>) src(%arg14 : memref<48x128xf32, #tpu.memory_space<vmem>>) dst(%dma_wait3A_175 : memref<48x128xf32, #tpu.memory_space<hbm>>)
      tpu.yield
    }) : () -> ()
    %add3A_154 = arith.constant 576 : i32
    %add3A_155 = arith.addi %mul3A_2, %add3A_154 : i32
    "tpu.region"() ({
      %run_scoped3A_163 = tpu.sem_alloc : memref<!tpu.dma_semaphore, #tpu.memory_space<semaphore_mem>>
      %dma_start3A_164 = arith.constant 0 : i32
      %dma_start3A_165 = tpu.memref_slice %arg15[%add3A_155, %dma_start3A_164] : memref<10000x128xf32, #tpu.memory_space<vmem_shared>> -> memref<48x128xf32, #tpu.memory_space<vmem_shared>>
      %dma_start3A_166 = arith.constant 0 : i32
      %dma_start3A_167 = tpu.memref_slice %arg15[%add3A_155, %dma_start3A_166] : memref<10000x128xf32, #tpu.memory_space<vmem_shared>> -> memref<48x128xf32, #tpu.memory_space<vmem_shared>>
      tpu.enqueue_dma source(%dma_start3A_167 : memref<48x128xf32, #tpu.memory_space<vmem_shared>>) target(%arg14 : memref<48x128xf32, #tpu.memory_space<vmem>>) target_semaphore(%run_scoped3A_163 : memref<!tpu.dma_semaphore, #tpu.memory_space<semaphore_mem>>)
      %dma_wait3A_168 = arith.constant 0 : i32
      %dma_wait3A_169 = tpu.memref_slice %arg15[%add3A_155, %dma_wait3A_168] : memref<10000x128xf32, #tpu.memory_space<vmem_shared>> -> memref<48x128xf32, #tpu.memory_space<vmem_shared>>
      %dma_wait3A_170 = arith.constant 0 : i32
      %dma_wait3A_171 = tpu.memref_slice %arg15[%add3A_155, %dma_wait3A_170] : memref<10000x128xf32, #tpu.memory_space<vmem_shared>> -> memref<48x128xf32, #tpu.memory_space<vmem_shared>>
      tpu.wait_dma2 semaphore(%run_scoped3A_163 : memref<!tpu.dma_semaphore, #tpu.memory_space<semaphore_mem>>) src(%dma_wait3A_171 : memref<48x128xf32, #tpu.memory_space<vmem_shared>>) dst(%arg14 : memref<48x128xf32, #tpu.memory_space<vmem>>)
      tpu.yield
    }) : () -> ()
    %add3A_156 = arith.constant 576 : i32
    %add3A_157 = arith.addi %mul3A_2, %add3A_156 : i32
    "tpu.region"() ({
      %run_scoped3A_163 = tpu.sem_alloc : memref<!tpu.dma_semaphore, #tpu.memory_space<semaphore_mem>>
      %dma_start3A_164 = arith.constant 0 : i32
      %dma_start3A_165 = tpu.memref_slice %arg6[%arg0, %add3A_157, %dma_start3A_164] : memref<2x10000x128xf32, #tpu.memory_space<hbm>> -> memref<1x48x128xf32, #tpu.memory_space<hbm>>
      %dma_start3A_166 = tpu.memref_squeeze %dma_start3A_165 : memref<1x48x128xf32, #tpu.memory_space<hbm>> -> memref<48x128xf32, #tpu.memory_space<hbm>>
      %dma_start3A_167 = arith.constant 0 : i32
      %dma_start3A_168 = tpu.memref_slice %arg6[%arg0, %add3A_157, %dma_start3A_167] : memref<2x10000x128xf32, #tpu.memory_space<hbm>> -> memref<1x48x128xf32, #tpu.memory_space<hbm>>
      %dma_start3A_169 = tpu.memref_squeeze %dma_start3A_168 : memref<1x48x128xf32, #tpu.memory_space<hbm>> -> memref<48x128xf32, #tpu.memory_space<hbm>>
      tpu.enqueue_dma source(%arg14 : memref<48x128xf32, #tpu.memory_space<vmem>>) target(%dma_start3A_169 : memref<48x128xf32, #tpu.memory_space<hbm>>) target_semaphore(%run_scoped3A_163 : memref<!tpu.dma_semaphore, #tpu.memory_space<semaphore_mem>>)
      %dma_wait3A_170 = arith.constant 0 : i32
      %dma_wait3A_171 = tpu.memref_slice %arg6[%arg0, %add3A_157, %dma_wait3A_170] : memref<2x10000x128xf32, #tpu.memory_space<hbm>> -> memref<1x48x128xf32, #tpu.memory_space<hbm>>
      %dma_wait3A_172 = tpu.memref_squeeze %dma_wait3A_171 : memref<1x48x128xf32, #tpu.memory_space<hbm>> -> memref<48x128xf32, #tpu.memory_space<hbm>>
      %dma_wait3A_173 = arith.constant 0 : i32
      %dma_wait3A_174 = tpu.memref_slice %arg6[%arg0, %add3A_157, %dma_wait3A_173] : memref<2x10000x128xf32, #tpu.memory_space<hbm>> -> memref<1x48x128xf32, #tpu.memory_space<hbm>>
      %dma_wait3A_175 = tpu.memref_squeeze %dma_wait3A_174 : memref<1x48x128xf32, #tpu.memory_space<hbm>> -> memref<48x128xf32, #tpu.memory_space<hbm>>
      tpu.wait_dma2 semaphore(%run_scoped3A_163 : memref<!tpu.dma_semaphore, #tpu.memory_space<semaphore_mem>>) src(%arg14 : memref<48x128xf32, #tpu.memory_space<vmem>>) dst(%dma_wait3A_175 : memref<48x128xf32, #tpu.memory_space<hbm>>)
      tpu.yield
    }) : () -> ()
    %eq3A_158 = arith.constant 15 : i32
    %eq3A_159 = arith.cmpi eq, %arg1, %eq3A_158 : i32
    %convert_element_type3A_160 = arith.extui %eq3A_159 : i1 to i32
    %cond3A_161 = arith.constant 0 : i32
    %cond3A_162 = arith.cmpi ne, %convert_element_type3A_160, %cond3A_161 : i32
    scf.if %cond3A_162 {
      "tpu.region"() ({
        %run_scoped3A_163 = tpu.sem_alloc : memref<!tpu.dma_semaphore, #tpu.memory_space<semaphore_mem>>
        %dma_start3A_164 = arith.constant 0 : i32
        %dma_start3A_165 = arith.constant 0 : i32
        %dma_start3A_166 = tpu.memref_slice %arg14[%dma_start3A_164, %dma_start3A_165] : memref<48x128xf32, #tpu.memory_space<vmem>> -> memref<16x128xf32, #tpu.memory_space<vmem>>
        %dma_start3A_167 = arith.constant 9984 : i32
        %dma_start3A_168 = arith.constant 0 : i32
        %dma_start3A_169 = tpu.memref_slice %arg15[%dma_start3A_167, %dma_start3A_168] : memref<10000x128xf32, #tpu.memory_space<vmem_shared>> -> memref<16x128xf32, #tpu.memory_space<vmem_shared>>
        %dma_start3A_170 = arith.constant 0 : i32
        %dma_start3A_171 = arith.constant 0 : i32
        %dma_start3A_172 = tpu.memref_slice %arg14[%dma_start3A_170, %dma_start3A_171] : memref<48x128xf32, #tpu.memory_space<vmem>> -> memref<16x128xf32, #tpu.memory_space<vmem>>
        %dma_start3A_173 = arith.constant 9984 : i32
        %dma_start3A_174 = arith.constant 0 : i32
        %dma_start3A_175 = tpu.memref_slice %arg15[%dma_start3A_173, %dma_start3A_174] : memref<10000x128xf32, #tpu.memory_space<vmem_shared>> -> memref<16x128xf32, #tpu.memory_space<vmem_shared>>
        tpu.enqueue_dma source(%dma_start3A_175 : memref<16x128xf32, #tpu.memory_space<vmem_shared>>) target(%dma_start3A_172 : memref<16x128xf32, #tpu.memory_space<vmem>>) target_semaphore(%run_scoped3A_163 : memref<!tpu.dma_semaphore, #tpu.memory_space<semaphore_mem>>)
        %dma_wait3A_176 = arith.constant 0 : i32
        %dma_wait3A_177 = arith.constant 0 : i32
        %dma_wait3A_178 = tpu.memref_slice %arg14[%dma_wait3A_176, %dma_wait3A_177] : memref<48x128xf32, #tpu.memory_space<vmem>> -> memref<16x128xf32, #tpu.memory_space<vmem>>
        %dma_wait3A_179 = arith.constant 9984 : i32
        %dma_wait3A_180 = arith.constant 0 : i32
        %dma_wait3A_181 = tpu.memref_slice %arg15[%dma_wait3A_179, %dma_wait3A_180] : memref<10000x128xf32, #tpu.memory_space<vmem_shared>> -> memref<16x128xf32, #tpu.memory_space<vmem_shared>>
        %dma_wait3A_182 = arith.constant 0 : i32
        %dma_wait3A_183 = arith.constant 0 : i32
        %dma_wait3A_184 = tpu.memref_slice %arg14[%dma_wait3A_182, %dma_wait3A_183] : memref<48x128xf32, #tpu.memory_space<vmem>> -> memref<16x128xf32, #tpu.memory_space<vmem>>
        %dma_wait3A_185 = arith.constant 9984 : i32
        %dma_wait3A_186 = arith.constant 0 : i32
        %dma_wait3A_187 = tpu.memref_slice %arg15[%dma_wait3A_185, %dma_wait3A_186] : memref<10000x128xf32, #tpu.memory_space<vmem_shared>> -> memref<16x128xf32, #tpu.memory_space<vmem_shared>>
        tpu.wait_dma2 semaphore(%run_scoped3A_163 : memref<!tpu.dma_semaphore, #tpu.memory_space<semaphore_mem>>) src(%dma_wait3A_187 : memref<16x128xf32, #tpu.memory_space<vmem_shared>>) dst(%dma_wait3A_184 : memref<16x128xf32, #tpu.memory_space<vmem>>)
        tpu.yield
      }) : () -> ()
      "tpu.region"() ({
        %run_scoped3A_163 = tpu.sem_alloc : memref<!tpu.dma_semaphore, #tpu.memory_space<semaphore_mem>>
        %dma_start3A_164 = arith.constant 0 : i32
        %dma_start3A_165 = arith.constant 0 : i32
        %dma_start3A_166 = tpu.memref_slice %arg14[%dma_start3A_164, %dma_start3A_165] : memref<48x128xf32, #tpu.memory_space<vmem>> -> memref<16x128xf32, #tpu.memory_space<vmem>>
        %dma_start3A_167 = arith.constant 9984 : i32
        %dma_start3A_168 = arith.constant 0 : i32
        %dma_start3A_169 = tpu.memref_slice %arg6[%arg0, %dma_start3A_167, %dma_start3A_168] : memref<2x10000x128xf32, #tpu.memory_space<hbm>> -> memref<1x16x128xf32, #tpu.memory_space<hbm>>
        %dma_start3A_170 = tpu.memref_squeeze %dma_start3A_169 : memref<1x16x128xf32, #tpu.memory_space<hbm>> -> memref<16x128xf32, #tpu.memory_space<hbm>>
        %dma_start3A_171 = arith.constant 9984 : i32
        %dma_start3A_172 = arith.constant 0 : i32
        %dma_start3A_173 = tpu.memref_slice %arg6[%arg0, %dma_start3A_171, %dma_start3A_172] : memref<2x10000x128xf32, #tpu.memory_space<hbm>> -> memref<1x16x128xf32, #tpu.memory_space<hbm>>
        %dma_start3A_174 = tpu.memref_squeeze %dma_start3A_173 : memref<1x16x128xf32, #tpu.memory_space<hbm>> -> memref<16x128xf32, #tpu.memory_space<hbm>>
        %dma_start3A_175 = arith.constant 0 : i32
        %dma_start3A_176 = arith.constant 0 : i32
        %dma_start3A_177 = tpu.memref_slice %arg14[%dma_start3A_175, %dma_start3A_176] : memref<48x128xf32, #tpu.memory_space<vmem>> -> memref<16x128xf32, #tpu.memory_space<vmem>>
        tpu.enqueue_dma source(%dma_start3A_177 : memref<16x128xf32, #tpu.memory_space<vmem>>) target(%dma_start3A_174 : memref<16x128xf32, #tpu.memory_space<hbm>>) target_semaphore(%run_scoped3A_163 : memref<!tpu.dma_semaphore, #tpu.memory_space<semaphore_mem>>)
        %dma_wait3A_178 = arith.constant 0 : i32
        %dma_wait3A_179 = arith.constant 0 : i32
        %dma_wait3A_180 = tpu.memref_slice %arg14[%dma_wait3A_178, %dma_wait3A_179] : memref<48x128xf32, #tpu.memory_space<vmem>> -> memref<16x128xf32, #tpu.memory_space<vmem>>
        %dma_wait3A_181 = arith.constant 9984 : i32
        %dma_wait3A_182 = arith.constant 0 : i32
        %dma_wait3A_183 = tpu.memref_slice %arg6[%arg0, %dma_wait3A_181, %dma_wait3A_182] : memref<2x10000x128xf32, #tpu.memory_space<hbm>> -> memref<1x16x128xf32, #tpu.memory_space<hbm>>
        %dma_wait3A_184 = tpu.memref_squeeze %dma_wait3A_183 : memref<1x16x128xf32, #tpu.memory_space<hbm>> -> memref<16x128xf32, #tpu.memory_space<hbm>>
        %dma_wait3A_185 = arith.constant 9984 : i32
        %dma_wait3A_186 = arith.constant 0 : i32
        %dma_wait3A_187 = tpu.memref_slice %arg6[%arg0, %dma_wait3A_185, %dma_wait3A_186] : memref<2x10000x128xf32, #tpu.memory_space<hbm>> -> memref<1x16x128xf32, #tpu.memory_space<hbm>>
        %dma_wait3A_188 = tpu.memref_squeeze %dma_wait3A_187 : memref<1x16x128xf32, #tpu.memory_space<hbm>> -> memref<16x128xf32, #tpu.memory_space<hbm>>
        %dma_wait3A_189 = arith.constant 0 : i32
        %dma_wait3A_190 = arith.constant 0 : i32
        %dma_wait3A_191 = tpu.memref_slice %arg14[%dma_wait3A_189, %dma_wait3A_190] : memref<48x128xf32, #tpu.memory_space<vmem>> -> memref<16x128xf32, #tpu.memory_space<vmem>>
        tpu.wait_dma2 semaphore(%run_scoped3A_163 : memref<!tpu.dma_semaphore, #tpu.memory_space<semaphore_mem>>) src(%dma_wait3A_191 : memref<16x128xf32, #tpu.memory_space<vmem>>) dst(%dma_wait3A_188 : memref<16x128xf32, #tpu.memory_space<hbm>>)
        tpu.yield
      }) : () -> ()
    } else {
    }
    return
  }
}

#map = affine_map<(d0, d1) -> (0)>
#map1 = affine_map<(d0, d1) -> (0, 0, 0)>
module attributes {stable_mosaic.version = 14 : i64} {
  func.func @body(%arg0: i32, %arg1: i32, %arg2: memref<320000xi32, #tpu.memory_space<hbm>>, %arg3: memref<32x625x16xf32, #tpu.memory_space<hbm>>, %arg4: memref<2000xi32, #tpu.memory_space<vmem>>, %arg5: memref<625x16xf32, #tpu.memory_space<vmem>>, %arg6: memref<!tpu.dma_semaphore, #tpu.memory_space<semaphore_mem>>) attributes {dimension_semantics = [#tpu.dimension_semantics<core_parallel>, #tpu.dimension_semantics<subcore_parallel>], iteration_bounds = array<i64: 2, 16>, scalar_prefetch = 0 : i64, scratch_operands = 3 : i64, tpu.core_type = #tpu.core_type<sc_vector_subcore>, window_params = [{transform_indices = #map}, {transform_indices = #map1}]} {
    %mul3A = arith.constant 16 : i32
    %mul3A_0 = arith.muli %arg0, %mul3A : i32
    %add3A = arith.addi %mul3A_0, %arg1 : i32
    %mul3A_1 = arith.constant 10000 : i32
    %mul3A_2 = arith.muli %add3A, %mul3A_1 : i32
    %broadcast_in_dim3A = arith.constant 0.000000e+00 : f32
    %broadcast_in_dim3A_3 = vector.broadcast %broadcast_in_dim3A : f32 to vector<16xf32>
    %broadcast_in_dim3A_4 = arith.constant 1.000000e+00 : f32
    %broadcast_in_dim3A_5 = vector.broadcast %broadcast_in_dim3A_4 : f32 to vector<16xf32>
    %scan3A = arith.constant 0 : i32
    %scan3A_6 = arith.constant 0 : i32
    %scan3A_7 = arith.constant 625 : i32
    %scan3A_8 = arith.addi %scan3A_6, %scan3A_7 : i32
    %scan3A_9 = arith.constant 1 : i32
    scf.for %scan3A_17 = %scan3A_6 to %scan3A_8 step %scan3A_9  : i32 {
      %swap3A = arith.index_cast %scan3A_17 : i32 to index
      %swap3A_18 = arith.constant 0 : index
      %swap3A_19 = tpu.vector_load %arg5[%swap3A, %swap3A_18] {strides = array<i32>} : memref<625x16xf32, #tpu.memory_space<vmem>>, vector<16xf32>,
      tpu.vector_store %arg5[%swap3A, %swap3A_18], %broadcast_in_dim3A_3 {strides = array<i32>} : memref<625x16xf32, #tpu.memory_space<vmem>>, vector<16xf32>,
    }
    %scan3A_10 = arith.constant 625 : i32
    %scan3A_11 = arith.constant 0 : i32
    %scan3A_12 = arith.constant 0 : i32
    %scan3A_13 = arith.constant 5 : i32
    %scan3A_14 = arith.addi %scan3A_12, %scan3A_13 : i32
    %scan3A_15 = arith.constant 1 : i32
    scf.for %scan3A_17 = %scan3A_12 to %scan3A_14 step %scan3A_15  : i32 {
      %mul3A_18 = arith.constant 2000 : i32
      %mul3A_19 = arith.muli %scan3A_17, %mul3A_18 : i32
      %add3A_20 = arith.addi %mul3A_2, %mul3A_19 : i32
      "tpu.region"() ({
        %run_scoped3A = tpu.sem_alloc : memref<!tpu.dma_semaphore, #tpu.memory_space<semaphore_mem>>
        %dma_start3A = tpu.memref_slice %arg2[%add3A_20] : memref<320000xi32, #tpu.memory_space<hbm>> -> memref<2000xi32, #tpu.memory_space<hbm>>
        %dma_start3A_1018 = tpu.memref_slice %arg2[%add3A_20] : memref<320000xi32, #tpu.memory_space<hbm>> -> memref<2000xi32, #tpu.memory_space<hbm>>
        tpu.enqueue_dma source(%dma_start3A_1018 : memref<2000xi32, #tpu.memory_space<hbm>>) target(%arg4 : memref<2000xi32, #tpu.memory_space<vmem>>) target_semaphore(%run_scoped3A : memref<!tpu.dma_semaphore, #tpu.memory_space<semaphore_mem>>)
        %dma_wait3A = tpu.memref_slice %arg2[%add3A_20] : memref<320000xi32, #tpu.memory_space<hbm>> -> memref<2000xi32, #tpu.memory_space<hbm>>
        %dma_wait3A_1019 = tpu.memref_slice %arg2[%add3A_20] : memref<320000xi32, #tpu.memory_space<hbm>> -> memref<2000xi32, #tpu.memory_space<hbm>>
        tpu.wait_dma2 semaphore(%run_scoped3A : memref<!tpu.dma_semaphore, #tpu.memory_space<semaphore_mem>>) src(%dma_wait3A_1019 : memref<2000xi32, #tpu.memory_space<hbm>>) dst(%arg4 : memref<2000xi32, #tpu.memory_space<vmem>>)
        tpu.yield
      }) : () -> ()
      %get3A = arith.constant 0 : index
      %get3A_21 = tpu.vector_load %arg4[%get3A] {strides = array<i32>} : memref<2000xi32, #tpu.memory_space<vmem>>, vector<16xi32>,
      %shift_right_logical3A = arith.constant 4 : i32
      %shift_right_logical3A_22 = vector.broadcast %shift_right_logical3A : i32 to vector<16xi32>
      %shift_right_logical3A_23 = arith.shrui %get3A_21, %shift_right_logical3A_22 : vector<16xi32>
      %and3A = arith.constant 15 : i32
      %and3A_24 = vector.broadcast %and3A : i32 to vector<16xi32>
      %and3A_25 = arith.andi %get3A_21, %and3A_24 : vector<16xi32>
      tpu.vector_store_idx %arg5[%shift_right_logical3A_23, %and3A_25], %broadcast_in_dim3A_5 {add = true} : memref<625x16xf32, #tpu.memory_space<vmem>>[vector<16xi32>, vector<16xi32>], vector<16xf32>,
      %get3A_26 = arith.constant 16 : index
      %get3A_27 = tpu.vector_load %arg4[%get3A_26] {strides = array<i32>} : memref<2000xi32, #tpu.memory_space<vmem>>, vector<16xi32>,
      %shift_right_logical3A_28 = arith.constant 4 : i32
      %shift_right_logical3A_29 = vector.broadcast %shift_right_logical3A_28 : i32 to vector<16xi32>
      %shift_right_logical3A_30 = arith.shrui %get3A_27, %shift_right_logical3A_29 : vector<16xi32>
      %and3A_31 = arith.constant 15 : i32
      %and3A_32 = vector.broadcast %and3A_31 : i32 to vector<16xi32>
      %and3A_33 = arith.andi %get3A_27, %and3A_32 : vector<16xi32>
      tpu.vector_store_idx %arg5[%shift_right_logical3A_30, %and3A_33], %broadcast_in_dim3A_5 {add = true} : memref<625x16xf32, #tpu.memory_space<vmem>>[vector<16xi32>, vector<16xi32>], vector<16xf32>,
      %get3A_34 = arith.constant 32 : index
      %get3A_35 = tpu.vector_load %arg4[%get3A_34] {strides = array<i32>} : memref<2000xi32, #tpu.memory_space<vmem>>, vector<16xi32>,
      %shift_right_logical3A_36 = arith.constant 4 : i32
      %shift_right_logical3A_37 = vector.broadcast %shift_right_logical3A_36 : i32 to vector<16xi32>
      %shift_right_logical3A_38 = arith.shrui %get3A_35, %shift_right_logical3A_37 : vector<16xi32>
      %and3A_39 = arith.constant 15 : i32
      %and3A_40 = vector.broadcast %and3A_39 : i32 to vector<16xi32>
      %and3A_41 = arith.andi %get3A_35, %and3A_40 : vector<16xi32>
      tpu.vector_store_idx %arg5[%shift_right_logical3A_38, %and3A_41], %broadcast_in_dim3A_5 {add = true} : memref<625x16xf32, #tpu.memory_space<vmem>>[vector<16xi32>, vector<16xi32>], vector<16xf32>,
      %get3A_42 = arith.constant 48 : index
      %get3A_43 = tpu.vector_load %arg4[%get3A_42] {strides = array<i32>} : memref<2000xi32, #tpu.memory_space<vmem>>, vector<16xi32>,
      %shift_right_logical3A_44 = arith.constant 4 : i32
      %shift_right_logical3A_45 = vector.broadcast %shift_right_logical3A_44 : i32 to vector<16xi32>
      %shift_right_logical3A_46 = arith.shrui %get3A_43, %shift_right_logical3A_45 : vector<16xi32>
      %and3A_47 = arith.constant 15 : i32
      %and3A_48 = vector.broadcast %and3A_47 : i32 to vector<16xi32>
      %and3A_49 = arith.andi %get3A_43, %and3A_48 : vector<16xi32>
      tpu.vector_store_idx %arg5[%shift_right_logical3A_46, %and3A_49], %broadcast_in_dim3A_5 {add = true} : memref<625x16xf32, #tpu.memory_space<vmem>>[vector<16xi32>, vector<16xi32>], vector<16xf32>,
      %get3A_50 = arith.constant 64 : index
      %get3A_51 = tpu.vector_load %arg4[%get3A_50] {strides = array<i32>} : memref<2000xi32, #tpu.memory_space<vmem>>, vector<16xi32>,
      %shift_right_logical3A_52 = arith.constant 4 : i32
      %shift_right_logical3A_53 = vector.broadcast %shift_right_logical3A_52 : i32 to vector<16xi32>
      %shift_right_logical3A_54 = arith.shrui %get3A_51, %shift_right_logical3A_53 : vector<16xi32>
      %and3A_55 = arith.constant 15 : i32
      %and3A_56 = vector.broadcast %and3A_55 : i32 to vector<16xi32>
      %and3A_57 = arith.andi %get3A_51, %and3A_56 : vector<16xi32>
      tpu.vector_store_idx %arg5[%shift_right_logical3A_54, %and3A_57], %broadcast_in_dim3A_5 {add = true} : memref<625x16xf32, #tpu.memory_space<vmem>>[vector<16xi32>, vector<16xi32>], vector<16xf32>,
      %get3A_58 = arith.constant 80 : index
      %get3A_59 = tpu.vector_load %arg4[%get3A_58] {strides = array<i32>} : memref<2000xi32, #tpu.memory_space<vmem>>, vector<16xi32>,
      %shift_right_logical3A_60 = arith.constant 4 : i32
      %shift_right_logical3A_61 = vector.broadcast %shift_right_logical3A_60 : i32 to vector<16xi32>
      %shift_right_logical3A_62 = arith.shrui %get3A_59, %shift_right_logical3A_61 : vector<16xi32>
      %and3A_63 = arith.constant 15 : i32
      %and3A_64 = vector.broadcast %and3A_63 : i32 to vector<16xi32>
      %and3A_65 = arith.andi %get3A_59, %and3A_64 : vector<16xi32>
      tpu.vector_store_idx %arg5[%shift_right_logical3A_62, %and3A_65], %broadcast_in_dim3A_5 {add = true} : memref<625x16xf32, #tpu.memory_space<vmem>>[vector<16xi32>, vector<16xi32>], vector<16xf32>,
      %get3A_66 = arith.constant 96 : index
      %get3A_67 = tpu.vector_load %arg4[%get3A_66] {strides = array<i32>} : memref<2000xi32, #tpu.memory_space<vmem>>, vector<16xi32>,
      %shift_right_logical3A_68 = arith.constant 4 : i32
      %shift_right_logical3A_69 = vector.broadcast %shift_right_logical3A_68 : i32 to vector<16xi32>
      %shift_right_logical3A_70 = arith.shrui %get3A_67, %shift_right_logical3A_69 : vector<16xi32>
      %and3A_71 = arith.constant 15 : i32
      %and3A_72 = vector.broadcast %and3A_71 : i32 to vector<16xi32>
      %and3A_73 = arith.andi %get3A_67, %and3A_72 : vector<16xi32>
      tpu.vector_store_idx %arg5[%shift_right_logical3A_70, %and3A_73], %broadcast_in_dim3A_5 {add = true} : memref<625x16xf32, #tpu.memory_space<vmem>>[vector<16xi32>, vector<16xi32>], vector<16xf32>,
      %get3A_74 = arith.constant 112 : index
      %get3A_75 = tpu.vector_load %arg4[%get3A_74] {strides = array<i32>} : memref<2000xi32, #tpu.memory_space<vmem>>, vector<16xi32>,
      %shift_right_logical3A_76 = arith.constant 4 : i32
      %shift_right_logical3A_77 = vector.broadcast %shift_right_logical3A_76 : i32 to vector<16xi32>
      %shift_right_logical3A_78 = arith.shrui %get3A_75, %shift_right_logical3A_77 : vector<16xi32>
      %and3A_79 = arith.constant 15 : i32
      %and3A_80 = vector.broadcast %and3A_79 : i32 to vector<16xi32>
      %and3A_81 = arith.andi %get3A_75, %and3A_80 : vector<16xi32>
      tpu.vector_store_idx %arg5[%shift_right_logical3A_78, %and3A_81], %broadcast_in_dim3A_5 {add = true} : memref<625x16xf32, #tpu.memory_space<vmem>>[vector<16xi32>, vector<16xi32>], vector<16xf32>,
      %get3A_82 = arith.constant 128 : index
      %get3A_83 = tpu.vector_load %arg4[%get3A_82] {strides = array<i32>} : memref<2000xi32, #tpu.memory_space<vmem>>, vector<16xi32>,
      %shift_right_logical3A_84 = arith.constant 4 : i32
      %shift_right_logical3A_85 = vector.broadcast %shift_right_logical3A_84 : i32 to vector<16xi32>
      %shift_right_logical3A_86 = arith.shrui %get3A_83, %shift_right_logical3A_85 : vector<16xi32>
      %and3A_87 = arith.constant 15 : i32
      %and3A_88 = vector.broadcast %and3A_87 : i32 to vector<16xi32>
      %and3A_89 = arith.andi %get3A_83, %and3A_88 : vector<16xi32>
      tpu.vector_store_idx %arg5[%shift_right_logical3A_86, %and3A_89], %broadcast_in_dim3A_5 {add = true} : memref<625x16xf32, #tpu.memory_space<vmem>>[vector<16xi32>, vector<16xi32>], vector<16xf32>,
      %get3A_90 = arith.constant 144 : index
      %get3A_91 = tpu.vector_load %arg4[%get3A_90] {strides = array<i32>} : memref<2000xi32, #tpu.memory_space<vmem>>, vector<16xi32>,
      %shift_right_logical3A_92 = arith.constant 4 : i32
      %shift_right_logical3A_93 = vector.broadcast %shift_right_logical3A_92 : i32 to vector<16xi32>
      %shift_right_logical3A_94 = arith.shrui %get3A_91, %shift_right_logical3A_93 : vector<16xi32>
      %and3A_95 = arith.constant 15 : i32
      %and3A_96 = vector.broadcast %and3A_95 : i32 to vector<16xi32>
      %and3A_97 = arith.andi %get3A_91, %and3A_96 : vector<16xi32>
      tpu.vector_store_idx %arg5[%shift_right_logical3A_94, %and3A_97], %broadcast_in_dim3A_5 {add = true} : memref<625x16xf32, #tpu.memory_space<vmem>>[vector<16xi32>, vector<16xi32>], vector<16xf32>,
      %get3A_98 = arith.constant 160 : index
      %get3A_99 = tpu.vector_load %arg4[%get3A_98] {strides = array<i32>} : memref<2000xi32, #tpu.memory_space<vmem>>, vector<16xi32>,
      %shift_right_logical3A_100 = arith.constant 4 : i32
      %shift_right_logical3A_101 = vector.broadcast %shift_right_logical3A_100 : i32 to vector<16xi32>
      %shift_right_logical3A_102 = arith.shrui %get3A_99, %shift_right_logical3A_101 : vector<16xi32>
      %and3A_103 = arith.constant 15 : i32
      %and3A_104 = vector.broadcast %and3A_103 : i32 to vector<16xi32>
      %and3A_105 = arith.andi %get3A_99, %and3A_104 : vector<16xi32>
      tpu.vector_store_idx %arg5[%shift_right_logical3A_102, %and3A_105], %broadcast_in_dim3A_5 {add = true} : memref<625x16xf32, #tpu.memory_space<vmem>>[vector<16xi32>, vector<16xi32>], vector<16xf32>,
      %get3A_106 = arith.constant 176 : index
      %get3A_107 = tpu.vector_load %arg4[%get3A_106] {strides = array<i32>} : memref<2000xi32, #tpu.memory_space<vmem>>, vector<16xi32>,
      %shift_right_logical3A_108 = arith.constant 4 : i32
      %shift_right_logical3A_109 = vector.broadcast %shift_right_logical3A_108 : i32 to vector<16xi32>
      %shift_right_logical3A_110 = arith.shrui %get3A_107, %shift_right_logical3A_109 : vector<16xi32>
      %and3A_111 = arith.constant 15 : i32
      %and3A_112 = vector.broadcast %and3A_111 : i32 to vector<16xi32>
      %and3A_113 = arith.andi %get3A_107, %and3A_112 : vector<16xi32>
      tpu.vector_store_idx %arg5[%shift_right_logical3A_110, %and3A_113], %broadcast_in_dim3A_5 {add = true} : memref<625x16xf32, #tpu.memory_space<vmem>>[vector<16xi32>, vector<16xi32>], vector<16xf32>,
      %get3A_114 = arith.constant 192 : index
      %get3A_115 = tpu.vector_load %arg4[%get3A_114] {strides = array<i32>} : memref<2000xi32, #tpu.memory_space<vmem>>, vector<16xi32>,
      %shift_right_logical3A_116 = arith.constant 4 : i32
      %shift_right_logical3A_117 = vector.broadcast %shift_right_logical3A_116 : i32 to vector<16xi32>
      %shift_right_logical3A_118 = arith.shrui %get3A_115, %shift_right_logical3A_117 : vector<16xi32>
      %and3A_119 = arith.constant 15 : i32
      %and3A_120 = vector.broadcast %and3A_119 : i32 to vector<16xi32>
      %and3A_121 = arith.andi %get3A_115, %and3A_120 : vector<16xi32>
      tpu.vector_store_idx %arg5[%shift_right_logical3A_118, %and3A_121], %broadcast_in_dim3A_5 {add = true} : memref<625x16xf32, #tpu.memory_space<vmem>>[vector<16xi32>, vector<16xi32>], vector<16xf32>,
      %get3A_122 = arith.constant 208 : index
      %get3A_123 = tpu.vector_load %arg4[%get3A_122] {strides = array<i32>} : memref<2000xi32, #tpu.memory_space<vmem>>, vector<16xi32>,
      %shift_right_logical3A_124 = arith.constant 4 : i32
      %shift_right_logical3A_125 = vector.broadcast %shift_right_logical3A_124 : i32 to vector<16xi32>
      %shift_right_logical3A_126 = arith.shrui %get3A_123, %shift_right_logical3A_125 : vector<16xi32>
      %and3A_127 = arith.constant 15 : i32
      %and3A_128 = vector.broadcast %and3A_127 : i32 to vector<16xi32>
      %and3A_129 = arith.andi %get3A_123, %and3A_128 : vector<16xi32>
      tpu.vector_store_idx %arg5[%shift_right_logical3A_126, %and3A_129], %broadcast_in_dim3A_5 {add = true} : memref<625x16xf32, #tpu.memory_space<vmem>>[vector<16xi32>, vector<16xi32>], vector<16xf32>,
      %get3A_130 = arith.constant 224 : index
      %get3A_131 = tpu.vector_load %arg4[%get3A_130] {strides = array<i32>} : memref<2000xi32, #tpu.memory_space<vmem>>, vector<16xi32>,
      %shift_right_logical3A_132 = arith.constant 4 : i32
      %shift_right_logical3A_133 = vector.broadcast %shift_right_logical3A_132 : i32 to vector<16xi32>
      %shift_right_logical3A_134 = arith.shrui %get3A_131, %shift_right_logical3A_133 : vector<16xi32>
      %and3A_135 = arith.constant 15 : i32
      %and3A_136 = vector.broadcast %and3A_135 : i32 to vector<16xi32>
      %and3A_137 = arith.andi %get3A_131, %and3A_136 : vector<16xi32>
      tpu.vector_store_idx %arg5[%shift_right_logical3A_134, %and3A_137], %broadcast_in_dim3A_5 {add = true} : memref<625x16xf32, #tpu.memory_space<vmem>>[vector<16xi32>, vector<16xi32>], vector<16xf32>,
      %get3A_138 = arith.constant 240 : index
      %get3A_139 = tpu.vector_load %arg4[%get3A_138] {strides = array<i32>} : memref<2000xi32, #tpu.memory_space<vmem>>, vector<16xi32>,
      %shift_right_logical3A_140 = arith.constant 4 : i32
      %shift_right_logical3A_141 = vector.broadcast %shift_right_logical3A_140 : i32 to vector<16xi32>
      %shift_right_logical3A_142 = arith.shrui %get3A_139, %shift_right_logical3A_141 : vector<16xi32>
      %and3A_143 = arith.constant 15 : i32
      %and3A_144 = vector.broadcast %and3A_143 : i32 to vector<16xi32>
      %and3A_145 = arith.andi %get3A_139, %and3A_144 : vector<16xi32>
      tpu.vector_store_idx %arg5[%shift_right_logical3A_142, %and3A_145], %broadcast_in_dim3A_5 {add = true} : memref<625x16xf32, #tpu.memory_space<vmem>>[vector<16xi32>, vector<16xi32>], vector<16xf32>,
      %get3A_146 = arith.constant 256 : index
      %get3A_147 = tpu.vector_load %arg4[%get3A_146] {strides = array<i32>} : memref<2000xi32, #tpu.memory_space<vmem>>, vector<16xi32>,
      %shift_right_logical3A_148 = arith.constant 4 : i32
      %shift_right_logical3A_149 = vector.broadcast %shift_right_logical3A_148 : i32 to vector<16xi32>
      %shift_right_logical3A_150 = arith.shrui %get3A_147, %shift_right_logical3A_149 : vector<16xi32>
      %and3A_151 = arith.constant 15 : i32
      %and3A_152 = vector.broadcast %and3A_151 : i32 to vector<16xi32>
      %and3A_153 = arith.andi %get3A_147, %and3A_152 : vector<16xi32>
      tpu.vector_store_idx %arg5[%shift_right_logical3A_150, %and3A_153], %broadcast_in_dim3A_5 {add = true} : memref<625x16xf32, #tpu.memory_space<vmem>>[vector<16xi32>, vector<16xi32>], vector<16xf32>,
      %get3A_154 = arith.constant 272 : index
      %get3A_155 = tpu.vector_load %arg4[%get3A_154] {strides = array<i32>} : memref<2000xi32, #tpu.memory_space<vmem>>, vector<16xi32>,
      %shift_right_logical3A_156 = arith.constant 4 : i32
      %shift_right_logical3A_157 = vector.broadcast %shift_right_logical3A_156 : i32 to vector<16xi32>
      %shift_right_logical3A_158 = arith.shrui %get3A_155, %shift_right_logical3A_157 : vector<16xi32>
      %and3A_159 = arith.constant 15 : i32
      %and3A_160 = vector.broadcast %and3A_159 : i32 to vector<16xi32>
      %and3A_161 = arith.andi %get3A_155, %and3A_160 : vector<16xi32>
      tpu.vector_store_idx %arg5[%shift_right_logical3A_158, %and3A_161], %broadcast_in_dim3A_5 {add = true} : memref<625x16xf32, #tpu.memory_space<vmem>>[vector<16xi32>, vector<16xi32>], vector<16xf32>,
      %get3A_162 = arith.constant 288 : index
      %get3A_163 = tpu.vector_load %arg4[%get3A_162] {strides = array<i32>} : memref<2000xi32, #tpu.memory_space<vmem>>, vector<16xi32>,
      %shift_right_logical3A_164 = arith.constant 4 : i32
      %shift_right_logical3A_165 = vector.broadcast %shift_right_logical3A_164 : i32 to vector<16xi32>
      %shift_right_logical3A_166 = arith.shrui %get3A_163, %shift_right_logical3A_165 : vector<16xi32>
      %and3A_167 = arith.constant 15 : i32
      %and3A_168 = vector.broadcast %and3A_167 : i32 to vector<16xi32>
      %and3A_169 = arith.andi %get3A_163, %and3A_168 : vector<16xi32>
      tpu.vector_store_idx %arg5[%shift_right_logical3A_166, %and3A_169], %broadcast_in_dim3A_5 {add = true} : memref<625x16xf32, #tpu.memory_space<vmem>>[vector<16xi32>, vector<16xi32>], vector<16xf32>,
      %get3A_170 = arith.constant 304 : index
      %get3A_171 = tpu.vector_load %arg4[%get3A_170] {strides = array<i32>} : memref<2000xi32, #tpu.memory_space<vmem>>, vector<16xi32>,
      %shift_right_logical3A_172 = arith.constant 4 : i32
      %shift_right_logical3A_173 = vector.broadcast %shift_right_logical3A_172 : i32 to vector<16xi32>
      %shift_right_logical3A_174 = arith.shrui %get3A_171, %shift_right_logical3A_173 : vector<16xi32>
      %and3A_175 = arith.constant 15 : i32
      %and3A_176 = vector.broadcast %and3A_175 : i32 to vector<16xi32>
      %and3A_177 = arith.andi %get3A_171, %and3A_176 : vector<16xi32>
      tpu.vector_store_idx %arg5[%shift_right_logical3A_174, %and3A_177], %broadcast_in_dim3A_5 {add = true} : memref<625x16xf32, #tpu.memory_space<vmem>>[vector<16xi32>, vector<16xi32>], vector<16xf32>,
      %get3A_178 = arith.constant 320 : index
      %get3A_179 = tpu.vector_load %arg4[%get3A_178] {strides = array<i32>} : memref<2000xi32, #tpu.memory_space<vmem>>, vector<16xi32>,
      %shift_right_logical3A_180 = arith.constant 4 : i32
      %shift_right_logical3A_181 = vector.broadcast %shift_right_logical3A_180 : i32 to vector<16xi32>
      %shift_right_logical3A_182 = arith.shrui %get3A_179, %shift_right_logical3A_181 : vector<16xi32>
      %and3A_183 = arith.constant 15 : i32
      %and3A_184 = vector.broadcast %and3A_183 : i32 to vector<16xi32>
      %and3A_185 = arith.andi %get3A_179, %and3A_184 : vector<16xi32>
      tpu.vector_store_idx %arg5[%shift_right_logical3A_182, %and3A_185], %broadcast_in_dim3A_5 {add = true} : memref<625x16xf32, #tpu.memory_space<vmem>>[vector<16xi32>, vector<16xi32>], vector<16xf32>,
      %get3A_186 = arith.constant 336 : index
      %get3A_187 = tpu.vector_load %arg4[%get3A_186] {strides = array<i32>} : memref<2000xi32, #tpu.memory_space<vmem>>, vector<16xi32>,
      %shift_right_logical3A_188 = arith.constant 4 : i32
      %shift_right_logical3A_189 = vector.broadcast %shift_right_logical3A_188 : i32 to vector<16xi32>
      %shift_right_logical3A_190 = arith.shrui %get3A_187, %shift_right_logical3A_189 : vector<16xi32>
      %and3A_191 = arith.constant 15 : i32
      %and3A_192 = vector.broadcast %and3A_191 : i32 to vector<16xi32>
      %and3A_193 = arith.andi %get3A_187, %and3A_192 : vector<16xi32>
      tpu.vector_store_idx %arg5[%shift_right_logical3A_190, %and3A_193], %broadcast_in_dim3A_5 {add = true} : memref<625x16xf32, #tpu.memory_space<vmem>>[vector<16xi32>, vector<16xi32>], vector<16xf32>,
      %get3A_194 = arith.constant 352 : index
      %get3A_195 = tpu.vector_load %arg4[%get3A_194] {strides = array<i32>} : memref<2000xi32, #tpu.memory_space<vmem>>, vector<16xi32>,
      %shift_right_logical3A_196 = arith.constant 4 : i32
      %shift_right_logical3A_197 = vector.broadcast %shift_right_logical3A_196 : i32 to vector<16xi32>
      %shift_right_logical3A_198 = arith.shrui %get3A_195, %shift_right_logical3A_197 : vector<16xi32>
      %and3A_199 = arith.constant 15 : i32
      %and3A_200 = vector.broadcast %and3A_199 : i32 to vector<16xi32>
      %and3A_201 = arith.andi %get3A_195, %and3A_200 : vector<16xi32>
      tpu.vector_store_idx %arg5[%shift_right_logical3A_198, %and3A_201], %broadcast_in_dim3A_5 {add = true} : memref<625x16xf32, #tpu.memory_space<vmem>>[vector<16xi32>, vector<16xi32>], vector<16xf32>,
      %get3A_202 = arith.constant 368 : index
      %get3A_203 = tpu.vector_load %arg4[%get3A_202] {strides = array<i32>} : memref<2000xi32, #tpu.memory_space<vmem>>, vector<16xi32>,
      %shift_right_logical3A_204 = arith.constant 4 : i32
      %shift_right_logical3A_205 = vector.broadcast %shift_right_logical3A_204 : i32 to vector<16xi32>
      %shift_right_logical3A_206 = arith.shrui %get3A_203, %shift_right_logical3A_205 : vector<16xi32>
      %and3A_207 = arith.constant 15 : i32
      %and3A_208 = vector.broadcast %and3A_207 : i32 to vector<16xi32>
      %and3A_209 = arith.andi %get3A_203, %and3A_208 : vector<16xi32>
      tpu.vector_store_idx %arg5[%shift_right_logical3A_206, %and3A_209], %broadcast_in_dim3A_5 {add = true} : memref<625x16xf32, #tpu.memory_space<vmem>>[vector<16xi32>, vector<16xi32>], vector<16xf32>,
      %get3A_210 = arith.constant 384 : index
      %get3A_211 = tpu.vector_load %arg4[%get3A_210] {strides = array<i32>} : memref<2000xi32, #tpu.memory_space<vmem>>, vector<16xi32>,
      %shift_right_logical3A_212 = arith.constant 4 : i32
      %shift_right_logical3A_213 = vector.broadcast %shift_right_logical3A_212 : i32 to vector<16xi32>
      %shift_right_logical3A_214 = arith.shrui %get3A_211, %shift_right_logical3A_213 : vector<16xi32>
      %and3A_215 = arith.constant 15 : i32
      %and3A_216 = vector.broadcast %and3A_215 : i32 to vector<16xi32>
      %and3A_217 = arith.andi %get3A_211, %and3A_216 : vector<16xi32>
      tpu.vector_store_idx %arg5[%shift_right_logical3A_214, %and3A_217], %broadcast_in_dim3A_5 {add = true} : memref<625x16xf32, #tpu.memory_space<vmem>>[vector<16xi32>, vector<16xi32>], vector<16xf32>,
      %get3A_218 = arith.constant 400 : index
      %get3A_219 = tpu.vector_load %arg4[%get3A_218] {strides = array<i32>} : memref<2000xi32, #tpu.memory_space<vmem>>, vector<16xi32>,
      %shift_right_logical3A_220 = arith.constant 4 : i32
      %shift_right_logical3A_221 = vector.broadcast %shift_right_logical3A_220 : i32 to vector<16xi32>
      %shift_right_logical3A_222 = arith.shrui %get3A_219, %shift_right_logical3A_221 : vector<16xi32>
      %and3A_223 = arith.constant 15 : i32
      %and3A_224 = vector.broadcast %and3A_223 : i32 to vector<16xi32>
      %and3A_225 = arith.andi %get3A_219, %and3A_224 : vector<16xi32>
      tpu.vector_store_idx %arg5[%shift_right_logical3A_222, %and3A_225], %broadcast_in_dim3A_5 {add = true} : memref<625x16xf32, #tpu.memory_space<vmem>>[vector<16xi32>, vector<16xi32>], vector<16xf32>,
      %get3A_226 = arith.constant 416 : index
      %get3A_227 = tpu.vector_load %arg4[%get3A_226] {strides = array<i32>} : memref<2000xi32, #tpu.memory_space<vmem>>, vector<16xi32>,
      %shift_right_logical3A_228 = arith.constant 4 : i32
      %shift_right_logical3A_229 = vector.broadcast %shift_right_logical3A_228 : i32 to vector<16xi32>
      %shift_right_logical3A_230 = arith.shrui %get3A_227, %shift_right_logical3A_229 : vector<16xi32>
      %and3A_231 = arith.constant 15 : i32
      %and3A_232 = vector.broadcast %and3A_231 : i32 to vector<16xi32>
      %and3A_233 = arith.andi %get3A_227, %and3A_232 : vector<16xi32>
      tpu.vector_store_idx %arg5[%shift_right_logical3A_230, %and3A_233], %broadcast_in_dim3A_5 {add = true} : memref<625x16xf32, #tpu.memory_space<vmem>>[vector<16xi32>, vector<16xi32>], vector<16xf32>,
      %get3A_234 = arith.constant 432 : index
      %get3A_235 = tpu.vector_load %arg4[%get3A_234] {strides = array<i32>} : memref<2000xi32, #tpu.memory_space<vmem>>, vector<16xi32>,
      %shift_right_logical3A_236 = arith.constant 4 : i32
      %shift_right_logical3A_237 = vector.broadcast %shift_right_logical3A_236 : i32 to vector<16xi32>
      %shift_right_logical3A_238 = arith.shrui %get3A_235, %shift_right_logical3A_237 : vector<16xi32>
      %and3A_239 = arith.constant 15 : i32
      %and3A_240 = vector.broadcast %and3A_239 : i32 to vector<16xi32>
      %and3A_241 = arith.andi %get3A_235, %and3A_240 : vector<16xi32>
      tpu.vector_store_idx %arg5[%shift_right_logical3A_238, %and3A_241], %broadcast_in_dim3A_5 {add = true} : memref<625x16xf32, #tpu.memory_space<vmem>>[vector<16xi32>, vector<16xi32>], vector<16xf32>,
      %get3A_242 = arith.constant 448 : index
      %get3A_243 = tpu.vector_load %arg4[%get3A_242] {strides = array<i32>} : memref<2000xi32, #tpu.memory_space<vmem>>, vector<16xi32>,
      %shift_right_logical3A_244 = arith.constant 4 : i32
      %shift_right_logical3A_245 = vector.broadcast %shift_right_logical3A_244 : i32 to vector<16xi32>
      %shift_right_logical3A_246 = arith.shrui %get3A_243, %shift_right_logical3A_245 : vector<16xi32>
      %and3A_247 = arith.constant 15 : i32
      %and3A_248 = vector.broadcast %and3A_247 : i32 to vector<16xi32>
      %and3A_249 = arith.andi %get3A_243, %and3A_248 : vector<16xi32>
      tpu.vector_store_idx %arg5[%shift_right_logical3A_246, %and3A_249], %broadcast_in_dim3A_5 {add = true} : memref<625x16xf32, #tpu.memory_space<vmem>>[vector<16xi32>, vector<16xi32>], vector<16xf32>,
      %get3A_250 = arith.constant 464 : index
      %get3A_251 = tpu.vector_load %arg4[%get3A_250] {strides = array<i32>} : memref<2000xi32, #tpu.memory_space<vmem>>, vector<16xi32>,
      %shift_right_logical3A_252 = arith.constant 4 : i32
      %shift_right_logical3A_253 = vector.broadcast %shift_right_logical3A_252 : i32 to vector<16xi32>
      %shift_right_logical3A_254 = arith.shrui %get3A_251, %shift_right_logical3A_253 : vector<16xi32>
      %and3A_255 = arith.constant 15 : i32
      %and3A_256 = vector.broadcast %and3A_255 : i32 to vector<16xi32>
      %and3A_257 = arith.andi %get3A_251, %and3A_256 : vector<16xi32>
      tpu.vector_store_idx %arg5[%shift_right_logical3A_254, %and3A_257], %broadcast_in_dim3A_5 {add = true} : memref<625x16xf32, #tpu.memory_space<vmem>>[vector<16xi32>, vector<16xi32>], vector<16xf32>,
      %get3A_258 = arith.constant 480 : index
      %get3A_259 = tpu.vector_load %arg4[%get3A_258] {strides = array<i32>} : memref<2000xi32, #tpu.memory_space<vmem>>, vector<16xi32>,
      %shift_right_logical3A_260 = arith.constant 4 : i32
      %shift_right_logical3A_261 = vector.broadcast %shift_right_logical3A_260 : i32 to vector<16xi32>
      %shift_right_logical3A_262 = arith.shrui %get3A_259, %shift_right_logical3A_261 : vector<16xi32>
      %and3A_263 = arith.constant 15 : i32
      %and3A_264 = vector.broadcast %and3A_263 : i32 to vector<16xi32>
      %and3A_265 = arith.andi %get3A_259, %and3A_264 : vector<16xi32>
      tpu.vector_store_idx %arg5[%shift_right_logical3A_262, %and3A_265], %broadcast_in_dim3A_5 {add = true} : memref<625x16xf32, #tpu.memory_space<vmem>>[vector<16xi32>, vector<16xi32>], vector<16xf32>,
      %get3A_266 = arith.constant 496 : index
      %get3A_267 = tpu.vector_load %arg4[%get3A_266] {strides = array<i32>} : memref<2000xi32, #tpu.memory_space<vmem>>, vector<16xi32>,
      %shift_right_logical3A_268 = arith.constant 4 : i32
      %shift_right_logical3A_269 = vector.broadcast %shift_right_logical3A_268 : i32 to vector<16xi32>
      %shift_right_logical3A_270 = arith.shrui %get3A_267, %shift_right_logical3A_269 : vector<16xi32>
      %and3A_271 = arith.constant 15 : i32
      %and3A_272 = vector.broadcast %and3A_271 : i32 to vector<16xi32>
      %and3A_273 = arith.andi %get3A_267, %and3A_272 : vector<16xi32>
      tpu.vector_store_idx %arg5[%shift_right_logical3A_270, %and3A_273], %broadcast_in_dim3A_5 {add = true} : memref<625x16xf32, #tpu.memory_space<vmem>>[vector<16xi32>, vector<16xi32>], vector<16xf32>,
      %get3A_274 = arith.constant 512 : index
      %get3A_275 = tpu.vector_load %arg4[%get3A_274] {strides = array<i32>} : memref<2000xi32, #tpu.memory_space<vmem>>, vector<16xi32>,
      %shift_right_logical3A_276 = arith.constant 4 : i32
      %shift_right_logical3A_277 = vector.broadcast %shift_right_logical3A_276 : i32 to vector<16xi32>
      %shift_right_logical3A_278 = arith.shrui %get3A_275, %shift_right_logical3A_277 : vector<16xi32>
      %and3A_279 = arith.constant 15 : i32
      %and3A_280 = vector.broadcast %and3A_279 : i32 to vector<16xi32>
      %and3A_281 = arith.andi %get3A_275, %and3A_280 : vector<16xi32>
      tpu.vector_store_idx %arg5[%shift_right_logical3A_278, %and3A_281], %broadcast_in_dim3A_5 {add = true} : memref<625x16xf32, #tpu.memory_space<vmem>>[vector<16xi32>, vector<16xi32>], vector<16xf32>,
      %get3A_282 = arith.constant 528 : index
      %get3A_283 = tpu.vector_load %arg4[%get3A_282] {strides = array<i32>} : memref<2000xi32, #tpu.memory_space<vmem>>, vector<16xi32>,
      %shift_right_logical3A_284 = arith.constant 4 : i32
      %shift_right_logical3A_285 = vector.broadcast %shift_right_logical3A_284 : i32 to vector<16xi32>
      %shift_right_logical3A_286 = arith.shrui %get3A_283, %shift_right_logical3A_285 : vector<16xi32>
      %and3A_287 = arith.constant 15 : i32
      %and3A_288 = vector.broadcast %and3A_287 : i32 to vector<16xi32>
      %and3A_289 = arith.andi %get3A_283, %and3A_288 : vector<16xi32>
      tpu.vector_store_idx %arg5[%shift_right_logical3A_286, %and3A_289], %broadcast_in_dim3A_5 {add = true} : memref<625x16xf32, #tpu.memory_space<vmem>>[vector<16xi32>, vector<16xi32>], vector<16xf32>,
      %get3A_290 = arith.constant 544 : index
      %get3A_291 = tpu.vector_load %arg4[%get3A_290] {strides = array<i32>} : memref<2000xi32, #tpu.memory_space<vmem>>, vector<16xi32>,
      %shift_right_logical3A_292 = arith.constant 4 : i32
      %shift_right_logical3A_293 = vector.broadcast %shift_right_logical3A_292 : i32 to vector<16xi32>
      %shift_right_logical3A_294 = arith.shrui %get3A_291, %shift_right_logical3A_293 : vector<16xi32>
      %and3A_295 = arith.constant 15 : i32
      %and3A_296 = vector.broadcast %and3A_295 : i32 to vector<16xi32>
      %and3A_297 = arith.andi %get3A_291, %and3A_296 : vector<16xi32>
      tpu.vector_store_idx %arg5[%shift_right_logical3A_294, %and3A_297], %broadcast_in_dim3A_5 {add = true} : memref<625x16xf32, #tpu.memory_space<vmem>>[vector<16xi32>, vector<16xi32>], vector<16xf32>,
      %get3A_298 = arith.constant 560 : index
      %get3A_299 = tpu.vector_load %arg4[%get3A_298] {strides = array<i32>} : memref<2000xi32, #tpu.memory_space<vmem>>, vector<16xi32>,
      %shift_right_logical3A_300 = arith.constant 4 : i32
      %shift_right_logical3A_301 = vector.broadcast %shift_right_logical3A_300 : i32 to vector<16xi32>
      %shift_right_logical3A_302 = arith.shrui %get3A_299, %shift_right_logical3A_301 : vector<16xi32>
      %and3A_303 = arith.constant 15 : i32
      %and3A_304 = vector.broadcast %and3A_303 : i32 to vector<16xi32>
      %and3A_305 = arith.andi %get3A_299, %and3A_304 : vector<16xi32>
      tpu.vector_store_idx %arg5[%shift_right_logical3A_302, %and3A_305], %broadcast_in_dim3A_5 {add = true} : memref<625x16xf32, #tpu.memory_space<vmem>>[vector<16xi32>, vector<16xi32>], vector<16xf32>,
      %get3A_306 = arith.constant 576 : index
      %get3A_307 = tpu.vector_load %arg4[%get3A_306] {strides = array<i32>} : memref<2000xi32, #tpu.memory_space<vmem>>, vector<16xi32>,
      %shift_right_logical3A_308 = arith.constant 4 : i32
      %shift_right_logical3A_309 = vector.broadcast %shift_right_logical3A_308 : i32 to vector<16xi32>
      %shift_right_logical3A_310 = arith.shrui %get3A_307, %shift_right_logical3A_309 : vector<16xi32>
      %and3A_311 = arith.constant 15 : i32
      %and3A_312 = vector.broadcast %and3A_311 : i32 to vector<16xi32>
      %and3A_313 = arith.andi %get3A_307, %and3A_312 : vector<16xi32>
      tpu.vector_store_idx %arg5[%shift_right_logical3A_310, %and3A_313], %broadcast_in_dim3A_5 {add = true} : memref<625x16xf32, #tpu.memory_space<vmem>>[vector<16xi32>, vector<16xi32>], vector<16xf32>,
      %get3A_314 = arith.constant 592 : index
      %get3A_315 = tpu.vector_load %arg4[%get3A_314] {strides = array<i32>} : memref<2000xi32, #tpu.memory_space<vmem>>, vector<16xi32>,
      %shift_right_logical3A_316 = arith.constant 4 : i32
      %shift_right_logical3A_317 = vector.broadcast %shift_right_logical3A_316 : i32 to vector<16xi32>
      %shift_right_logical3A_318 = arith.shrui %get3A_315, %shift_right_logical3A_317 : vector<16xi32>
      %and3A_319 = arith.constant 15 : i32
      %and3A_320 = vector.broadcast %and3A_319 : i32 to vector<16xi32>
      %and3A_321 = arith.andi %get3A_315, %and3A_320 : vector<16xi32>
      tpu.vector_store_idx %arg5[%shift_right_logical3A_318, %and3A_321], %broadcast_in_dim3A_5 {add = true} : memref<625x16xf32, #tpu.memory_space<vmem>>[vector<16xi32>, vector<16xi32>], vector<16xf32>,
      %get3A_322 = arith.constant 608 : index
      %get3A_323 = tpu.vector_load %arg4[%get3A_322] {strides = array<i32>} : memref<2000xi32, #tpu.memory_space<vmem>>, vector<16xi32>,
      %shift_right_logical3A_324 = arith.constant 4 : i32
      %shift_right_logical3A_325 = vector.broadcast %shift_right_logical3A_324 : i32 to vector<16xi32>
      %shift_right_logical3A_326 = arith.shrui %get3A_323, %shift_right_logical3A_325 : vector<16xi32>
      %and3A_327 = arith.constant 15 : i32
      %and3A_328 = vector.broadcast %and3A_327 : i32 to vector<16xi32>
      %and3A_329 = arith.andi %get3A_323, %and3A_328 : vector<16xi32>
      tpu.vector_store_idx %arg5[%shift_right_logical3A_326, %and3A_329], %broadcast_in_dim3A_5 {add = true} : memref<625x16xf32, #tpu.memory_space<vmem>>[vector<16xi32>, vector<16xi32>], vector<16xf32>,
      %get3A_330 = arith.constant 624 : index
      %get3A_331 = tpu.vector_load %arg4[%get3A_330] {strides = array<i32>} : memref<2000xi32, #tpu.memory_space<vmem>>, vector<16xi32>,
      %shift_right_logical3A_332 = arith.constant 4 : i32
      %shift_right_logical3A_333 = vector.broadcast %shift_right_logical3A_332 : i32 to vector<16xi32>
      %shift_right_logical3A_334 = arith.shrui %get3A_331, %shift_right_logical3A_333 : vector<16xi32>
      %and3A_335 = arith.constant 15 : i32
      %and3A_336 = vector.broadcast %and3A_335 : i32 to vector<16xi32>
      %and3A_337 = arith.andi %get3A_331, %and3A_336 : vector<16xi32>
      tpu.vector_store_idx %arg5[%shift_right_logical3A_334, %and3A_337], %broadcast_in_dim3A_5 {add = true} : memref<625x16xf32, #tpu.memory_space<vmem>>[vector<16xi32>, vector<16xi32>], vector<16xf32>,
      %get3A_338 = arith.constant 640 : index
      %get3A_339 = tpu.vector_load %arg4[%get3A_338] {strides = array<i32>} : memref<2000xi32, #tpu.memory_space<vmem>>, vector<16xi32>,
      %shift_right_logical3A_340 = arith.constant 4 : i32
      %shift_right_logical3A_341 = vector.broadcast %shift_right_logical3A_340 : i32 to vector<16xi32>
      %shift_right_logical3A_342 = arith.shrui %get3A_339, %shift_right_logical3A_341 : vector<16xi32>
      %and3A_343 = arith.constant 15 : i32
      %and3A_344 = vector.broadcast %and3A_343 : i32 to vector<16xi32>
      %and3A_345 = arith.andi %get3A_339, %and3A_344 : vector<16xi32>
      tpu.vector_store_idx %arg5[%shift_right_logical3A_342, %and3A_345], %broadcast_in_dim3A_5 {add = true} : memref<625x16xf32, #tpu.memory_space<vmem>>[vector<16xi32>, vector<16xi32>], vector<16xf32>,
      %get3A_346 = arith.constant 656 : index
      %get3A_347 = tpu.vector_load %arg4[%get3A_346] {strides = array<i32>} : memref<2000xi32, #tpu.memory_space<vmem>>, vector<16xi32>,
      %shift_right_logical3A_348 = arith.constant 4 : i32
      %shift_right_logical3A_349 = vector.broadcast %shift_right_logical3A_348 : i32 to vector<16xi32>
      %shift_right_logical3A_350 = arith.shrui %get3A_347, %shift_right_logical3A_349 : vector<16xi32>
      %and3A_351 = arith.constant 15 : i32
      %and3A_352 = vector.broadcast %and3A_351 : i32 to vector<16xi32>
      %and3A_353 = arith.andi %get3A_347, %and3A_352 : vector<16xi32>
      tpu.vector_store_idx %arg5[%shift_right_logical3A_350, %and3A_353], %broadcast_in_dim3A_5 {add = true} : memref<625x16xf32, #tpu.memory_space<vmem>>[vector<16xi32>, vector<16xi32>], vector<16xf32>,
      %get3A_354 = arith.constant 672 : index
      %get3A_355 = tpu.vector_load %arg4[%get3A_354] {strides = array<i32>} : memref<2000xi32, #tpu.memory_space<vmem>>, vector<16xi32>,
      %shift_right_logical3A_356 = arith.constant 4 : i32
      %shift_right_logical3A_357 = vector.broadcast %shift_right_logical3A_356 : i32 to vector<16xi32>
      %shift_right_logical3A_358 = arith.shrui %get3A_355, %shift_right_logical3A_357 : vector<16xi32>
      %and3A_359 = arith.constant 15 : i32
      %and3A_360 = vector.broadcast %and3A_359 : i32 to vector<16xi32>
      %and3A_361 = arith.andi %get3A_355, %and3A_360 : vector<16xi32>
      tpu.vector_store_idx %arg5[%shift_right_logical3A_358, %and3A_361], %broadcast_in_dim3A_5 {add = true} : memref<625x16xf32, #tpu.memory_space<vmem>>[vector<16xi32>, vector<16xi32>], vector<16xf32>,
      %get3A_362 = arith.constant 688 : index
      %get3A_363 = tpu.vector_load %arg4[%get3A_362] {strides = array<i32>} : memref<2000xi32, #tpu.memory_space<vmem>>, vector<16xi32>,
      %shift_right_logical3A_364 = arith.constant 4 : i32
      %shift_right_logical3A_365 = vector.broadcast %shift_right_logical3A_364 : i32 to vector<16xi32>
      %shift_right_logical3A_366 = arith.shrui %get3A_363, %shift_right_logical3A_365 : vector<16xi32>
      %and3A_367 = arith.constant 15 : i32
      %and3A_368 = vector.broadcast %and3A_367 : i32 to vector<16xi32>
      %and3A_369 = arith.andi %get3A_363, %and3A_368 : vector<16xi32>
      tpu.vector_store_idx %arg5[%shift_right_logical3A_366, %and3A_369], %broadcast_in_dim3A_5 {add = true} : memref<625x16xf32, #tpu.memory_space<vmem>>[vector<16xi32>, vector<16xi32>], vector<16xf32>,
      %get3A_370 = arith.constant 704 : index
      %get3A_371 = tpu.vector_load %arg4[%get3A_370] {strides = array<i32>} : memref<2000xi32, #tpu.memory_space<vmem>>, vector<16xi32>,
      %shift_right_logical3A_372 = arith.constant 4 : i32
      %shift_right_logical3A_373 = vector.broadcast %shift_right_logical3A_372 : i32 to vector<16xi32>
      %shift_right_logical3A_374 = arith.shrui %get3A_371, %shift_right_logical3A_373 : vector<16xi32>
      %and3A_375 = arith.constant 15 : i32
      %and3A_376 = vector.broadcast %and3A_375 : i32 to vector<16xi32>
      %and3A_377 = arith.andi %get3A_371, %and3A_376 : vector<16xi32>
      tpu.vector_store_idx %arg5[%shift_right_logical3A_374, %and3A_377], %broadcast_in_dim3A_5 {add = true} : memref<625x16xf32, #tpu.memory_space<vmem>>[vector<16xi32>, vector<16xi32>], vector<16xf32>,
      %get3A_378 = arith.constant 720 : index
      %get3A_379 = tpu.vector_load %arg4[%get3A_378] {strides = array<i32>} : memref<2000xi32, #tpu.memory_space<vmem>>, vector<16xi32>,
      %shift_right_logical3A_380 = arith.constant 4 : i32
      %shift_right_logical3A_381 = vector.broadcast %shift_right_logical3A_380 : i32 to vector<16xi32>
      %shift_right_logical3A_382 = arith.shrui %get3A_379, %shift_right_logical3A_381 : vector<16xi32>
      %and3A_383 = arith.constant 15 : i32
      %and3A_384 = vector.broadcast %and3A_383 : i32 to vector<16xi32>
      %and3A_385 = arith.andi %get3A_379, %and3A_384 : vector<16xi32>
      tpu.vector_store_idx %arg5[%shift_right_logical3A_382, %and3A_385], %broadcast_in_dim3A_5 {add = true} : memref<625x16xf32, #tpu.memory_space<vmem>>[vector<16xi32>, vector<16xi32>], vector<16xf32>,
      %get3A_386 = arith.constant 736 : index
      %get3A_387 = tpu.vector_load %arg4[%get3A_386] {strides = array<i32>} : memref<2000xi32, #tpu.memory_space<vmem>>, vector<16xi32>,
      %shift_right_logical3A_388 = arith.constant 4 : i32
      %shift_right_logical3A_389 = vector.broadcast %shift_right_logical3A_388 : i32 to vector<16xi32>
      %shift_right_logical3A_390 = arith.shrui %get3A_387, %shift_right_logical3A_389 : vector<16xi32>
      %and3A_391 = arith.constant 15 : i32
      %and3A_392 = vector.broadcast %and3A_391 : i32 to vector<16xi32>
      %and3A_393 = arith.andi %get3A_387, %and3A_392 : vector<16xi32>
      tpu.vector_store_idx %arg5[%shift_right_logical3A_390, %and3A_393], %broadcast_in_dim3A_5 {add = true} : memref<625x16xf32, #tpu.memory_space<vmem>>[vector<16xi32>, vector<16xi32>], vector<16xf32>,
      %get3A_394 = arith.constant 752 : index
      %get3A_395 = tpu.vector_load %arg4[%get3A_394] {strides = array<i32>} : memref<2000xi32, #tpu.memory_space<vmem>>, vector<16xi32>,
      %shift_right_logical3A_396 = arith.constant 4 : i32
      %shift_right_logical3A_397 = vector.broadcast %shift_right_logical3A_396 : i32 to vector<16xi32>
      %shift_right_logical3A_398 = arith.shrui %get3A_395, %shift_right_logical3A_397 : vector<16xi32>
      %and3A_399 = arith.constant 15 : i32
      %and3A_400 = vector.broadcast %and3A_399 : i32 to vector<16xi32>
      %and3A_401 = arith.andi %get3A_395, %and3A_400 : vector<16xi32>
      tpu.vector_store_idx %arg5[%shift_right_logical3A_398, %and3A_401], %broadcast_in_dim3A_5 {add = true} : memref<625x16xf32, #tpu.memory_space<vmem>>[vector<16xi32>, vector<16xi32>], vector<16xf32>,
      %get3A_402 = arith.constant 768 : index
      %get3A_403 = tpu.vector_load %arg4[%get3A_402] {strides = array<i32>} : memref<2000xi32, #tpu.memory_space<vmem>>, vector<16xi32>,
      %shift_right_logical3A_404 = arith.constant 4 : i32
      %shift_right_logical3A_405 = vector.broadcast %shift_right_logical3A_404 : i32 to vector<16xi32>
      %shift_right_logical3A_406 = arith.shrui %get3A_403, %shift_right_logical3A_405 : vector<16xi32>
      %and3A_407 = arith.constant 15 : i32
      %and3A_408 = vector.broadcast %and3A_407 : i32 to vector<16xi32>
      %and3A_409 = arith.andi %get3A_403, %and3A_408 : vector<16xi32>
      tpu.vector_store_idx %arg5[%shift_right_logical3A_406, %and3A_409], %broadcast_in_dim3A_5 {add = true} : memref<625x16xf32, #tpu.memory_space<vmem>>[vector<16xi32>, vector<16xi32>], vector<16xf32>,
      %get3A_410 = arith.constant 784 : index
      %get3A_411 = tpu.vector_load %arg4[%get3A_410] {strides = array<i32>} : memref<2000xi32, #tpu.memory_space<vmem>>, vector<16xi32>,
      %shift_right_logical3A_412 = arith.constant 4 : i32
      %shift_right_logical3A_413 = vector.broadcast %shift_right_logical3A_412 : i32 to vector<16xi32>
      %shift_right_logical3A_414 = arith.shrui %get3A_411, %shift_right_logical3A_413 : vector<16xi32>
      %and3A_415 = arith.constant 15 : i32
      %and3A_416 = vector.broadcast %and3A_415 : i32 to vector<16xi32>
      %and3A_417 = arith.andi %get3A_411, %and3A_416 : vector<16xi32>
      tpu.vector_store_idx %arg5[%shift_right_logical3A_414, %and3A_417], %broadcast_in_dim3A_5 {add = true} : memref<625x16xf32, #tpu.memory_space<vmem>>[vector<16xi32>, vector<16xi32>], vector<16xf32>,
      %get3A_418 = arith.constant 800 : index
      %get3A_419 = tpu.vector_load %arg4[%get3A_418] {strides = array<i32>} : memref<2000xi32, #tpu.memory_space<vmem>>, vector<16xi32>,
      %shift_right_logical3A_420 = arith.constant 4 : i32
      %shift_right_logical3A_421 = vector.broadcast %shift_right_logical3A_420 : i32 to vector<16xi32>
      %shift_right_logical3A_422 = arith.shrui %get3A_419, %shift_right_logical3A_421 : vector<16xi32>
      %and3A_423 = arith.constant 15 : i32
      %and3A_424 = vector.broadcast %and3A_423 : i32 to vector<16xi32>
      %and3A_425 = arith.andi %get3A_419, %and3A_424 : vector<16xi32>
      tpu.vector_store_idx %arg5[%shift_right_logical3A_422, %and3A_425], %broadcast_in_dim3A_5 {add = true} : memref<625x16xf32, #tpu.memory_space<vmem>>[vector<16xi32>, vector<16xi32>], vector<16xf32>,
      %get3A_426 = arith.constant 816 : index
      %get3A_427 = tpu.vector_load %arg4[%get3A_426] {strides = array<i32>} : memref<2000xi32, #tpu.memory_space<vmem>>, vector<16xi32>,
      %shift_right_logical3A_428 = arith.constant 4 : i32
      %shift_right_logical3A_429 = vector.broadcast %shift_right_logical3A_428 : i32 to vector<16xi32>
      %shift_right_logical3A_430 = arith.shrui %get3A_427, %shift_right_logical3A_429 : vector<16xi32>
      %and3A_431 = arith.constant 15 : i32
      %and3A_432 = vector.broadcast %and3A_431 : i32 to vector<16xi32>
      %and3A_433 = arith.andi %get3A_427, %and3A_432 : vector<16xi32>
      tpu.vector_store_idx %arg5[%shift_right_logical3A_430, %and3A_433], %broadcast_in_dim3A_5 {add = true} : memref<625x16xf32, #tpu.memory_space<vmem>>[vector<16xi32>, vector<16xi32>], vector<16xf32>,
      %get3A_434 = arith.constant 832 : index
      %get3A_435 = tpu.vector_load %arg4[%get3A_434] {strides = array<i32>} : memref<2000xi32, #tpu.memory_space<vmem>>, vector<16xi32>,
      %shift_right_logical3A_436 = arith.constant 4 : i32
      %shift_right_logical3A_437 = vector.broadcast %shift_right_logical3A_436 : i32 to vector<16xi32>
      %shift_right_logical3A_438 = arith.shrui %get3A_435, %shift_right_logical3A_437 : vector<16xi32>
      %and3A_439 = arith.constant 15 : i32
      %and3A_440 = vector.broadcast %and3A_439 : i32 to vector<16xi32>
      %and3A_441 = arith.andi %get3A_435, %and3A_440 : vector<16xi32>
      tpu.vector_store_idx %arg5[%shift_right_logical3A_438, %and3A_441], %broadcast_in_dim3A_5 {add = true} : memref<625x16xf32, #tpu.memory_space<vmem>>[vector<16xi32>, vector<16xi32>], vector<16xf32>,
      %get3A_442 = arith.constant 848 : index
      %get3A_443 = tpu.vector_load %arg4[%get3A_442] {strides = array<i32>} : memref<2000xi32, #tpu.memory_space<vmem>>, vector<16xi32>,
      %shift_right_logical3A_444 = arith.constant 4 : i32
      %shift_right_logical3A_445 = vector.broadcast %shift_right_logical3A_444 : i32 to vector<16xi32>
      %shift_right_logical3A_446 = arith.shrui %get3A_443, %shift_right_logical3A_445 : vector<16xi32>
      %and3A_447 = arith.constant 15 : i32
      %and3A_448 = vector.broadcast %and3A_447 : i32 to vector<16xi32>
      %and3A_449 = arith.andi %get3A_443, %and3A_448 : vector<16xi32>
      tpu.vector_store_idx %arg5[%shift_right_logical3A_446, %and3A_449], %broadcast_in_dim3A_5 {add = true} : memref<625x16xf32, #tpu.memory_space<vmem>>[vector<16xi32>, vector<16xi32>], vector<16xf32>,
      %get3A_450 = arith.constant 864 : index
      %get3A_451 = tpu.vector_load %arg4[%get3A_450] {strides = array<i32>} : memref<2000xi32, #tpu.memory_space<vmem>>, vector<16xi32>,
      %shift_right_logical3A_452 = arith.constant 4 : i32
      %shift_right_logical3A_453 = vector.broadcast %shift_right_logical3A_452 : i32 to vector<16xi32>
      %shift_right_logical3A_454 = arith.shrui %get3A_451, %shift_right_logical3A_453 : vector<16xi32>
      %and3A_455 = arith.constant 15 : i32
      %and3A_456 = vector.broadcast %and3A_455 : i32 to vector<16xi32>
      %and3A_457 = arith.andi %get3A_451, %and3A_456 : vector<16xi32>
      tpu.vector_store_idx %arg5[%shift_right_logical3A_454, %and3A_457], %broadcast_in_dim3A_5 {add = true} : memref<625x16xf32, #tpu.memory_space<vmem>>[vector<16xi32>, vector<16xi32>], vector<16xf32>,
      %get3A_458 = arith.constant 880 : index
      %get3A_459 = tpu.vector_load %arg4[%get3A_458] {strides = array<i32>} : memref<2000xi32, #tpu.memory_space<vmem>>, vector<16xi32>,
      %shift_right_logical3A_460 = arith.constant 4 : i32
      %shift_right_logical3A_461 = vector.broadcast %shift_right_logical3A_460 : i32 to vector<16xi32>
      %shift_right_logical3A_462 = arith.shrui %get3A_459, %shift_right_logical3A_461 : vector<16xi32>
      %and3A_463 = arith.constant 15 : i32
      %and3A_464 = vector.broadcast %and3A_463 : i32 to vector<16xi32>
      %and3A_465 = arith.andi %get3A_459, %and3A_464 : vector<16xi32>
      tpu.vector_store_idx %arg5[%shift_right_logical3A_462, %and3A_465], %broadcast_in_dim3A_5 {add = true} : memref<625x16xf32, #tpu.memory_space<vmem>>[vector<16xi32>, vector<16xi32>], vector<16xf32>,
      %get3A_466 = arith.constant 896 : index
      %get3A_467 = tpu.vector_load %arg4[%get3A_466] {strides = array<i32>} : memref<2000xi32, #tpu.memory_space<vmem>>, vector<16xi32>,
      %shift_right_logical3A_468 = arith.constant 4 : i32
      %shift_right_logical3A_469 = vector.broadcast %shift_right_logical3A_468 : i32 to vector<16xi32>
      %shift_right_logical3A_470 = arith.shrui %get3A_467, %shift_right_logical3A_469 : vector<16xi32>
      %and3A_471 = arith.constant 15 : i32
      %and3A_472 = vector.broadcast %and3A_471 : i32 to vector<16xi32>
      %and3A_473 = arith.andi %get3A_467, %and3A_472 : vector<16xi32>
      tpu.vector_store_idx %arg5[%shift_right_logical3A_470, %and3A_473], %broadcast_in_dim3A_5 {add = true} : memref<625x16xf32, #tpu.memory_space<vmem>>[vector<16xi32>, vector<16xi32>], vector<16xf32>,
      %get3A_474 = arith.constant 912 : index
      %get3A_475 = tpu.vector_load %arg4[%get3A_474] {strides = array<i32>} : memref<2000xi32, #tpu.memory_space<vmem>>, vector<16xi32>,
      %shift_right_logical3A_476 = arith.constant 4 : i32
      %shift_right_logical3A_477 = vector.broadcast %shift_right_logical3A_476 : i32 to vector<16xi32>
      %shift_right_logical3A_478 = arith.shrui %get3A_475, %shift_right_logical3A_477 : vector<16xi32>
      %and3A_479 = arith.constant 15 : i32
      %and3A_480 = vector.broadcast %and3A_479 : i32 to vector<16xi32>
      %and3A_481 = arith.andi %get3A_475, %and3A_480 : vector<16xi32>
      tpu.vector_store_idx %arg5[%shift_right_logical3A_478, %and3A_481], %broadcast_in_dim3A_5 {add = true} : memref<625x16xf32, #tpu.memory_space<vmem>>[vector<16xi32>, vector<16xi32>], vector<16xf32>,
      %get3A_482 = arith.constant 928 : index
      %get3A_483 = tpu.vector_load %arg4[%get3A_482] {strides = array<i32>} : memref<2000xi32, #tpu.memory_space<vmem>>, vector<16xi32>,
      %shift_right_logical3A_484 = arith.constant 4 : i32
      %shift_right_logical3A_485 = vector.broadcast %shift_right_logical3A_484 : i32 to vector<16xi32>
      %shift_right_logical3A_486 = arith.shrui %get3A_483, %shift_right_logical3A_485 : vector<16xi32>
      %and3A_487 = arith.constant 15 : i32
      %and3A_488 = vector.broadcast %and3A_487 : i32 to vector<16xi32>
      %and3A_489 = arith.andi %get3A_483, %and3A_488 : vector<16xi32>
      tpu.vector_store_idx %arg5[%shift_right_logical3A_486, %and3A_489], %broadcast_in_dim3A_5 {add = true} : memref<625x16xf32, #tpu.memory_space<vmem>>[vector<16xi32>, vector<16xi32>], vector<16xf32>,
      %get3A_490 = arith.constant 944 : index
      %get3A_491 = tpu.vector_load %arg4[%get3A_490] {strides = array<i32>} : memref<2000xi32, #tpu.memory_space<vmem>>, vector<16xi32>,
      %shift_right_logical3A_492 = arith.constant 4 : i32
      %shift_right_logical3A_493 = vector.broadcast %shift_right_logical3A_492 : i32 to vector<16xi32>
      %shift_right_logical3A_494 = arith.shrui %get3A_491, %shift_right_logical3A_493 : vector<16xi32>
      %and3A_495 = arith.constant 15 : i32
      %and3A_496 = vector.broadcast %and3A_495 : i32 to vector<16xi32>
      %and3A_497 = arith.andi %get3A_491, %and3A_496 : vector<16xi32>
      tpu.vector_store_idx %arg5[%shift_right_logical3A_494, %and3A_497], %broadcast_in_dim3A_5 {add = true} : memref<625x16xf32, #tpu.memory_space<vmem>>[vector<16xi32>, vector<16xi32>], vector<16xf32>,
      %get3A_498 = arith.constant 960 : index
      %get3A_499 = tpu.vector_load %arg4[%get3A_498] {strides = array<i32>} : memref<2000xi32, #tpu.memory_space<vmem>>, vector<16xi32>,
      %shift_right_logical3A_500 = arith.constant 4 : i32
      %shift_right_logical3A_501 = vector.broadcast %shift_right_logical3A_500 : i32 to vector<16xi32>
      %shift_right_logical3A_502 = arith.shrui %get3A_499, %shift_right_logical3A_501 : vector<16xi32>
      %and3A_503 = arith.constant 15 : i32
      %and3A_504 = vector.broadcast %and3A_503 : i32 to vector<16xi32>
      %and3A_505 = arith.andi %get3A_499, %and3A_504 : vector<16xi32>
      tpu.vector_store_idx %arg5[%shift_right_logical3A_502, %and3A_505], %broadcast_in_dim3A_5 {add = true} : memref<625x16xf32, #tpu.memory_space<vmem>>[vector<16xi32>, vector<16xi32>], vector<16xf32>,
      %get3A_506 = arith.constant 976 : index
      %get3A_507 = tpu.vector_load %arg4[%get3A_506] {strides = array<i32>} : memref<2000xi32, #tpu.memory_space<vmem>>, vector<16xi32>,
      %shift_right_logical3A_508 = arith.constant 4 : i32
      %shift_right_logical3A_509 = vector.broadcast %shift_right_logical3A_508 : i32 to vector<16xi32>
      %shift_right_logical3A_510 = arith.shrui %get3A_507, %shift_right_logical3A_509 : vector<16xi32>
      %and3A_511 = arith.constant 15 : i32
      %and3A_512 = vector.broadcast %and3A_511 : i32 to vector<16xi32>
      %and3A_513 = arith.andi %get3A_507, %and3A_512 : vector<16xi32>
      tpu.vector_store_idx %arg5[%shift_right_logical3A_510, %and3A_513], %broadcast_in_dim3A_5 {add = true} : memref<625x16xf32, #tpu.memory_space<vmem>>[vector<16xi32>, vector<16xi32>], vector<16xf32>,
      %get3A_514 = arith.constant 992 : index
      %get3A_515 = tpu.vector_load %arg4[%get3A_514] {strides = array<i32>} : memref<2000xi32, #tpu.memory_space<vmem>>, vector<16xi32>,
      %shift_right_logical3A_516 = arith.constant 4 : i32
      %shift_right_logical3A_517 = vector.broadcast %shift_right_logical3A_516 : i32 to vector<16xi32>
      %shift_right_logical3A_518 = arith.shrui %get3A_515, %shift_right_logical3A_517 : vector<16xi32>
      %and3A_519 = arith.constant 15 : i32
      %and3A_520 = vector.broadcast %and3A_519 : i32 to vector<16xi32>
      %and3A_521 = arith.andi %get3A_515, %and3A_520 : vector<16xi32>
      tpu.vector_store_idx %arg5[%shift_right_logical3A_518, %and3A_521], %broadcast_in_dim3A_5 {add = true} : memref<625x16xf32, #tpu.memory_space<vmem>>[vector<16xi32>, vector<16xi32>], vector<16xf32>,
      %get3A_522 = arith.constant 1008 : index
      %get3A_523 = tpu.vector_load %arg4[%get3A_522] {strides = array<i32>} : memref<2000xi32, #tpu.memory_space<vmem>>, vector<16xi32>,
      %shift_right_logical3A_524 = arith.constant 4 : i32
      %shift_right_logical3A_525 = vector.broadcast %shift_right_logical3A_524 : i32 to vector<16xi32>
      %shift_right_logical3A_526 = arith.shrui %get3A_523, %shift_right_logical3A_525 : vector<16xi32>
      %and3A_527 = arith.constant 15 : i32
      %and3A_528 = vector.broadcast %and3A_527 : i32 to vector<16xi32>
      %and3A_529 = arith.andi %get3A_523, %and3A_528 : vector<16xi32>
      tpu.vector_store_idx %arg5[%shift_right_logical3A_526, %and3A_529], %broadcast_in_dim3A_5 {add = true} : memref<625x16xf32, #tpu.memory_space<vmem>>[vector<16xi32>, vector<16xi32>], vector<16xf32>,
      %get3A_530 = arith.constant 1024 : index
      %get3A_531 = tpu.vector_load %arg4[%get3A_530] {strides = array<i32>} : memref<2000xi32, #tpu.memory_space<vmem>>, vector<16xi32>,
      %shift_right_logical3A_532 = arith.constant 4 : i32
      %shift_right_logical3A_533 = vector.broadcast %shift_right_logical3A_532 : i32 to vector<16xi32>
      %shift_right_logical3A_534 = arith.shrui %get3A_531, %shift_right_logical3A_533 : vector<16xi32>
      %and3A_535 = arith.constant 15 : i32
      %and3A_536 = vector.broadcast %and3A_535 : i32 to vector<16xi32>
      %and3A_537 = arith.andi %get3A_531, %and3A_536 : vector<16xi32>
      tpu.vector_store_idx %arg5[%shift_right_logical3A_534, %and3A_537], %broadcast_in_dim3A_5 {add = true} : memref<625x16xf32, #tpu.memory_space<vmem>>[vector<16xi32>, vector<16xi32>], vector<16xf32>,
      %get3A_538 = arith.constant 1040 : index
      %get3A_539 = tpu.vector_load %arg4[%get3A_538] {strides = array<i32>} : memref<2000xi32, #tpu.memory_space<vmem>>, vector<16xi32>,
      %shift_right_logical3A_540 = arith.constant 4 : i32
      %shift_right_logical3A_541 = vector.broadcast %shift_right_logical3A_540 : i32 to vector<16xi32>
      %shift_right_logical3A_542 = arith.shrui %get3A_539, %shift_right_logical3A_541 : vector<16xi32>
      %and3A_543 = arith.constant 15 : i32
      %and3A_544 = vector.broadcast %and3A_543 : i32 to vector<16xi32>
      %and3A_545 = arith.andi %get3A_539, %and3A_544 : vector<16xi32>
      tpu.vector_store_idx %arg5[%shift_right_logical3A_542, %and3A_545], %broadcast_in_dim3A_5 {add = true} : memref<625x16xf32, #tpu.memory_space<vmem>>[vector<16xi32>, vector<16xi32>], vector<16xf32>,
      %get3A_546 = arith.constant 1056 : index
      %get3A_547 = tpu.vector_load %arg4[%get3A_546] {strides = array<i32>} : memref<2000xi32, #tpu.memory_space<vmem>>, vector<16xi32>,
      %shift_right_logical3A_548 = arith.constant 4 : i32
      %shift_right_logical3A_549 = vector.broadcast %shift_right_logical3A_548 : i32 to vector<16xi32>
      %shift_right_logical3A_550 = arith.shrui %get3A_547, %shift_right_logical3A_549 : vector<16xi32>
      %and3A_551 = arith.constant 15 : i32
      %and3A_552 = vector.broadcast %and3A_551 : i32 to vector<16xi32>
      %and3A_553 = arith.andi %get3A_547, %and3A_552 : vector<16xi32>
      tpu.vector_store_idx %arg5[%shift_right_logical3A_550, %and3A_553], %broadcast_in_dim3A_5 {add = true} : memref<625x16xf32, #tpu.memory_space<vmem>>[vector<16xi32>, vector<16xi32>], vector<16xf32>,
      %get3A_554 = arith.constant 1072 : index
      %get3A_555 = tpu.vector_load %arg4[%get3A_554] {strides = array<i32>} : memref<2000xi32, #tpu.memory_space<vmem>>, vector<16xi32>,
      %shift_right_logical3A_556 = arith.constant 4 : i32
      %shift_right_logical3A_557 = vector.broadcast %shift_right_logical3A_556 : i32 to vector<16xi32>
      %shift_right_logical3A_558 = arith.shrui %get3A_555, %shift_right_logical3A_557 : vector<16xi32>
      %and3A_559 = arith.constant 15 : i32
      %and3A_560 = vector.broadcast %and3A_559 : i32 to vector<16xi32>
      %and3A_561 = arith.andi %get3A_555, %and3A_560 : vector<16xi32>
      tpu.vector_store_idx %arg5[%shift_right_logical3A_558, %and3A_561], %broadcast_in_dim3A_5 {add = true} : memref<625x16xf32, #tpu.memory_space<vmem>>[vector<16xi32>, vector<16xi32>], vector<16xf32>,
      %get3A_562 = arith.constant 1088 : index
      %get3A_563 = tpu.vector_load %arg4[%get3A_562] {strides = array<i32>} : memref<2000xi32, #tpu.memory_space<vmem>>, vector<16xi32>,
      %shift_right_logical3A_564 = arith.constant 4 : i32
      %shift_right_logical3A_565 = vector.broadcast %shift_right_logical3A_564 : i32 to vector<16xi32>
      %shift_right_logical3A_566 = arith.shrui %get3A_563, %shift_right_logical3A_565 : vector<16xi32>
      %and3A_567 = arith.constant 15 : i32
      %and3A_568 = vector.broadcast %and3A_567 : i32 to vector<16xi32>
      %and3A_569 = arith.andi %get3A_563, %and3A_568 : vector<16xi32>
      tpu.vector_store_idx %arg5[%shift_right_logical3A_566, %and3A_569], %broadcast_in_dim3A_5 {add = true} : memref<625x16xf32, #tpu.memory_space<vmem>>[vector<16xi32>, vector<16xi32>], vector<16xf32>,
      %get3A_570 = arith.constant 1104 : index
      %get3A_571 = tpu.vector_load %arg4[%get3A_570] {strides = array<i32>} : memref<2000xi32, #tpu.memory_space<vmem>>, vector<16xi32>,
      %shift_right_logical3A_572 = arith.constant 4 : i32
      %shift_right_logical3A_573 = vector.broadcast %shift_right_logical3A_572 : i32 to vector<16xi32>
      %shift_right_logical3A_574 = arith.shrui %get3A_571, %shift_right_logical3A_573 : vector<16xi32>
      %and3A_575 = arith.constant 15 : i32
      %and3A_576 = vector.broadcast %and3A_575 : i32 to vector<16xi32>
      %and3A_577 = arith.andi %get3A_571, %and3A_576 : vector<16xi32>
      tpu.vector_store_idx %arg5[%shift_right_logical3A_574, %and3A_577], %broadcast_in_dim3A_5 {add = true} : memref<625x16xf32, #tpu.memory_space<vmem>>[vector<16xi32>, vector<16xi32>], vector<16xf32>,
      %get3A_578 = arith.constant 1120 : index
      %get3A_579 = tpu.vector_load %arg4[%get3A_578] {strides = array<i32>} : memref<2000xi32, #tpu.memory_space<vmem>>, vector<16xi32>,
      %shift_right_logical3A_580 = arith.constant 4 : i32
      %shift_right_logical3A_581 = vector.broadcast %shift_right_logical3A_580 : i32 to vector<16xi32>
      %shift_right_logical3A_582 = arith.shrui %get3A_579, %shift_right_logical3A_581 : vector<16xi32>
      %and3A_583 = arith.constant 15 : i32
      %and3A_584 = vector.broadcast %and3A_583 : i32 to vector<16xi32>
      %and3A_585 = arith.andi %get3A_579, %and3A_584 : vector<16xi32>
      tpu.vector_store_idx %arg5[%shift_right_logical3A_582, %and3A_585], %broadcast_in_dim3A_5 {add = true} : memref<625x16xf32, #tpu.memory_space<vmem>>[vector<16xi32>, vector<16xi32>], vector<16xf32>,
      %get3A_586 = arith.constant 1136 : index
      %get3A_587 = tpu.vector_load %arg4[%get3A_586] {strides = array<i32>} : memref<2000xi32, #tpu.memory_space<vmem>>, vector<16xi32>,
      %shift_right_logical3A_588 = arith.constant 4 : i32
      %shift_right_logical3A_589 = vector.broadcast %shift_right_logical3A_588 : i32 to vector<16xi32>
      %shift_right_logical3A_590 = arith.shrui %get3A_587, %shift_right_logical3A_589 : vector<16xi32>
      %and3A_591 = arith.constant 15 : i32
      %and3A_592 = vector.broadcast %and3A_591 : i32 to vector<16xi32>
      %and3A_593 = arith.andi %get3A_587, %and3A_592 : vector<16xi32>
      tpu.vector_store_idx %arg5[%shift_right_logical3A_590, %and3A_593], %broadcast_in_dim3A_5 {add = true} : memref<625x16xf32, #tpu.memory_space<vmem>>[vector<16xi32>, vector<16xi32>], vector<16xf32>,
      %get3A_594 = arith.constant 1152 : index
      %get3A_595 = tpu.vector_load %arg4[%get3A_594] {strides = array<i32>} : memref<2000xi32, #tpu.memory_space<vmem>>, vector<16xi32>,
      %shift_right_logical3A_596 = arith.constant 4 : i32
      %shift_right_logical3A_597 = vector.broadcast %shift_right_logical3A_596 : i32 to vector<16xi32>
      %shift_right_logical3A_598 = arith.shrui %get3A_595, %shift_right_logical3A_597 : vector<16xi32>
      %and3A_599 = arith.constant 15 : i32
      %and3A_600 = vector.broadcast %and3A_599 : i32 to vector<16xi32>
      %and3A_601 = arith.andi %get3A_595, %and3A_600 : vector<16xi32>
      tpu.vector_store_idx %arg5[%shift_right_logical3A_598, %and3A_601], %broadcast_in_dim3A_5 {add = true} : memref<625x16xf32, #tpu.memory_space<vmem>>[vector<16xi32>, vector<16xi32>], vector<16xf32>,
      %get3A_602 = arith.constant 1168 : index
      %get3A_603 = tpu.vector_load %arg4[%get3A_602] {strides = array<i32>} : memref<2000xi32, #tpu.memory_space<vmem>>, vector<16xi32>,
      %shift_right_logical3A_604 = arith.constant 4 : i32
      %shift_right_logical3A_605 = vector.broadcast %shift_right_logical3A_604 : i32 to vector<16xi32>
      %shift_right_logical3A_606 = arith.shrui %get3A_603, %shift_right_logical3A_605 : vector<16xi32>
      %and3A_607 = arith.constant 15 : i32
      %and3A_608 = vector.broadcast %and3A_607 : i32 to vector<16xi32>
      %and3A_609 = arith.andi %get3A_603, %and3A_608 : vector<16xi32>
      tpu.vector_store_idx %arg5[%shift_right_logical3A_606, %and3A_609], %broadcast_in_dim3A_5 {add = true} : memref<625x16xf32, #tpu.memory_space<vmem>>[vector<16xi32>, vector<16xi32>], vector<16xf32>,
      %get3A_610 = arith.constant 1184 : index
      %get3A_611 = tpu.vector_load %arg4[%get3A_610] {strides = array<i32>} : memref<2000xi32, #tpu.memory_space<vmem>>, vector<16xi32>,
      %shift_right_logical3A_612 = arith.constant 4 : i32
      %shift_right_logical3A_613 = vector.broadcast %shift_right_logical3A_612 : i32 to vector<16xi32>
      %shift_right_logical3A_614 = arith.shrui %get3A_611, %shift_right_logical3A_613 : vector<16xi32>
      %and3A_615 = arith.constant 15 : i32
      %and3A_616 = vector.broadcast %and3A_615 : i32 to vector<16xi32>
      %and3A_617 = arith.andi %get3A_611, %and3A_616 : vector<16xi32>
      tpu.vector_store_idx %arg5[%shift_right_logical3A_614, %and3A_617], %broadcast_in_dim3A_5 {add = true} : memref<625x16xf32, #tpu.memory_space<vmem>>[vector<16xi32>, vector<16xi32>], vector<16xf32>,
      %get3A_618 = arith.constant 1200 : index
      %get3A_619 = tpu.vector_load %arg4[%get3A_618] {strides = array<i32>} : memref<2000xi32, #tpu.memory_space<vmem>>, vector<16xi32>,
      %shift_right_logical3A_620 = arith.constant 4 : i32
      %shift_right_logical3A_621 = vector.broadcast %shift_right_logical3A_620 : i32 to vector<16xi32>
      %shift_right_logical3A_622 = arith.shrui %get3A_619, %shift_right_logical3A_621 : vector<16xi32>
      %and3A_623 = arith.constant 15 : i32
      %and3A_624 = vector.broadcast %and3A_623 : i32 to vector<16xi32>
      %and3A_625 = arith.andi %get3A_619, %and3A_624 : vector<16xi32>
      tpu.vector_store_idx %arg5[%shift_right_logical3A_622, %and3A_625], %broadcast_in_dim3A_5 {add = true} : memref<625x16xf32, #tpu.memory_space<vmem>>[vector<16xi32>, vector<16xi32>], vector<16xf32>,
      %get3A_626 = arith.constant 1216 : index
      %get3A_627 = tpu.vector_load %arg4[%get3A_626] {strides = array<i32>} : memref<2000xi32, #tpu.memory_space<vmem>>, vector<16xi32>,
      %shift_right_logical3A_628 = arith.constant 4 : i32
      %shift_right_logical3A_629 = vector.broadcast %shift_right_logical3A_628 : i32 to vector<16xi32>
      %shift_right_logical3A_630 = arith.shrui %get3A_627, %shift_right_logical3A_629 : vector<16xi32>
      %and3A_631 = arith.constant 15 : i32
      %and3A_632 = vector.broadcast %and3A_631 : i32 to vector<16xi32>
      %and3A_633 = arith.andi %get3A_627, %and3A_632 : vector<16xi32>
      tpu.vector_store_idx %arg5[%shift_right_logical3A_630, %and3A_633], %broadcast_in_dim3A_5 {add = true} : memref<625x16xf32, #tpu.memory_space<vmem>>[vector<16xi32>, vector<16xi32>], vector<16xf32>,
      %get3A_634 = arith.constant 1232 : index
      %get3A_635 = tpu.vector_load %arg4[%get3A_634] {strides = array<i32>} : memref<2000xi32, #tpu.memory_space<vmem>>, vector<16xi32>,
      %shift_right_logical3A_636 = arith.constant 4 : i32
      %shift_right_logical3A_637 = vector.broadcast %shift_right_logical3A_636 : i32 to vector<16xi32>
      %shift_right_logical3A_638 = arith.shrui %get3A_635, %shift_right_logical3A_637 : vector<16xi32>
      %and3A_639 = arith.constant 15 : i32
      %and3A_640 = vector.broadcast %and3A_639 : i32 to vector<16xi32>
      %and3A_641 = arith.andi %get3A_635, %and3A_640 : vector<16xi32>
      tpu.vector_store_idx %arg5[%shift_right_logical3A_638, %and3A_641], %broadcast_in_dim3A_5 {add = true} : memref<625x16xf32, #tpu.memory_space<vmem>>[vector<16xi32>, vector<16xi32>], vector<16xf32>,
      %get3A_642 = arith.constant 1248 : index
      %get3A_643 = tpu.vector_load %arg4[%get3A_642] {strides = array<i32>} : memref<2000xi32, #tpu.memory_space<vmem>>, vector<16xi32>,
      %shift_right_logical3A_644 = arith.constant 4 : i32
      %shift_right_logical3A_645 = vector.broadcast %shift_right_logical3A_644 : i32 to vector<16xi32>
      %shift_right_logical3A_646 = arith.shrui %get3A_643, %shift_right_logical3A_645 : vector<16xi32>
      %and3A_647 = arith.constant 15 : i32
      %and3A_648 = vector.broadcast %and3A_647 : i32 to vector<16xi32>
      %and3A_649 = arith.andi %get3A_643, %and3A_648 : vector<16xi32>
      tpu.vector_store_idx %arg5[%shift_right_logical3A_646, %and3A_649], %broadcast_in_dim3A_5 {add = true} : memref<625x16xf32, #tpu.memory_space<vmem>>[vector<16xi32>, vector<16xi32>], vector<16xf32>,
      %get3A_650 = arith.constant 1264 : index
      %get3A_651 = tpu.vector_load %arg4[%get3A_650] {strides = array<i32>} : memref<2000xi32, #tpu.memory_space<vmem>>, vector<16xi32>,
      %shift_right_logical3A_652 = arith.constant 4 : i32
      %shift_right_logical3A_653 = vector.broadcast %shift_right_logical3A_652 : i32 to vector<16xi32>
      %shift_right_logical3A_654 = arith.shrui %get3A_651, %shift_right_logical3A_653 : vector<16xi32>
      %and3A_655 = arith.constant 15 : i32
      %and3A_656 = vector.broadcast %and3A_655 : i32 to vector<16xi32>
      %and3A_657 = arith.andi %get3A_651, %and3A_656 : vector<16xi32>
      tpu.vector_store_idx %arg5[%shift_right_logical3A_654, %and3A_657], %broadcast_in_dim3A_5 {add = true} : memref<625x16xf32, #tpu.memory_space<vmem>>[vector<16xi32>, vector<16xi32>], vector<16xf32>,
      %get3A_658 = arith.constant 1280 : index
      %get3A_659 = tpu.vector_load %arg4[%get3A_658] {strides = array<i32>} : memref<2000xi32, #tpu.memory_space<vmem>>, vector<16xi32>,
      %shift_right_logical3A_660 = arith.constant 4 : i32
      %shift_right_logical3A_661 = vector.broadcast %shift_right_logical3A_660 : i32 to vector<16xi32>
      %shift_right_logical3A_662 = arith.shrui %get3A_659, %shift_right_logical3A_661 : vector<16xi32>
      %and3A_663 = arith.constant 15 : i32
      %and3A_664 = vector.broadcast %and3A_663 : i32 to vector<16xi32>
      %and3A_665 = arith.andi %get3A_659, %and3A_664 : vector<16xi32>
      tpu.vector_store_idx %arg5[%shift_right_logical3A_662, %and3A_665], %broadcast_in_dim3A_5 {add = true} : memref<625x16xf32, #tpu.memory_space<vmem>>[vector<16xi32>, vector<16xi32>], vector<16xf32>,
      %get3A_666 = arith.constant 1296 : index
      %get3A_667 = tpu.vector_load %arg4[%get3A_666] {strides = array<i32>} : memref<2000xi32, #tpu.memory_space<vmem>>, vector<16xi32>,
      %shift_right_logical3A_668 = arith.constant 4 : i32
      %shift_right_logical3A_669 = vector.broadcast %shift_right_logical3A_668 : i32 to vector<16xi32>
      %shift_right_logical3A_670 = arith.shrui %get3A_667, %shift_right_logical3A_669 : vector<16xi32>
      %and3A_671 = arith.constant 15 : i32
      %and3A_672 = vector.broadcast %and3A_671 : i32 to vector<16xi32>
      %and3A_673 = arith.andi %get3A_667, %and3A_672 : vector<16xi32>
      tpu.vector_store_idx %arg5[%shift_right_logical3A_670, %and3A_673], %broadcast_in_dim3A_5 {add = true} : memref<625x16xf32, #tpu.memory_space<vmem>>[vector<16xi32>, vector<16xi32>], vector<16xf32>,
      %get3A_674 = arith.constant 1312 : index
      %get3A_675 = tpu.vector_load %arg4[%get3A_674] {strides = array<i32>} : memref<2000xi32, #tpu.memory_space<vmem>>, vector<16xi32>,
      %shift_right_logical3A_676 = arith.constant 4 : i32
      %shift_right_logical3A_677 = vector.broadcast %shift_right_logical3A_676 : i32 to vector<16xi32>
      %shift_right_logical3A_678 = arith.shrui %get3A_675, %shift_right_logical3A_677 : vector<16xi32>
      %and3A_679 = arith.constant 15 : i32
      %and3A_680 = vector.broadcast %and3A_679 : i32 to vector<16xi32>
      %and3A_681 = arith.andi %get3A_675, %and3A_680 : vector<16xi32>
      tpu.vector_store_idx %arg5[%shift_right_logical3A_678, %and3A_681], %broadcast_in_dim3A_5 {add = true} : memref<625x16xf32, #tpu.memory_space<vmem>>[vector<16xi32>, vector<16xi32>], vector<16xf32>,
      %get3A_682 = arith.constant 1328 : index
      %get3A_683 = tpu.vector_load %arg4[%get3A_682] {strides = array<i32>} : memref<2000xi32, #tpu.memory_space<vmem>>, vector<16xi32>,
      %shift_right_logical3A_684 = arith.constant 4 : i32
      %shift_right_logical3A_685 = vector.broadcast %shift_right_logical3A_684 : i32 to vector<16xi32>
      %shift_right_logical3A_686 = arith.shrui %get3A_683, %shift_right_logical3A_685 : vector<16xi32>
      %and3A_687 = arith.constant 15 : i32
      %and3A_688 = vector.broadcast %and3A_687 : i32 to vector<16xi32>
      %and3A_689 = arith.andi %get3A_683, %and3A_688 : vector<16xi32>
      tpu.vector_store_idx %arg5[%shift_right_logical3A_686, %and3A_689], %broadcast_in_dim3A_5 {add = true} : memref<625x16xf32, #tpu.memory_space<vmem>>[vector<16xi32>, vector<16xi32>], vector<16xf32>,
      %get3A_690 = arith.constant 1344 : index
      %get3A_691 = tpu.vector_load %arg4[%get3A_690] {strides = array<i32>} : memref<2000xi32, #tpu.memory_space<vmem>>, vector<16xi32>,
      %shift_right_logical3A_692 = arith.constant 4 : i32
      %shift_right_logical3A_693 = vector.broadcast %shift_right_logical3A_692 : i32 to vector<16xi32>
      %shift_right_logical3A_694 = arith.shrui %get3A_691, %shift_right_logical3A_693 : vector<16xi32>
      %and3A_695 = arith.constant 15 : i32
      %and3A_696 = vector.broadcast %and3A_695 : i32 to vector<16xi32>
      %and3A_697 = arith.andi %get3A_691, %and3A_696 : vector<16xi32>
      tpu.vector_store_idx %arg5[%shift_right_logical3A_694, %and3A_697], %broadcast_in_dim3A_5 {add = true} : memref<625x16xf32, #tpu.memory_space<vmem>>[vector<16xi32>, vector<16xi32>], vector<16xf32>,
      %get3A_698 = arith.constant 1360 : index
      %get3A_699 = tpu.vector_load %arg4[%get3A_698] {strides = array<i32>} : memref<2000xi32, #tpu.memory_space<vmem>>, vector<16xi32>,
      %shift_right_logical3A_700 = arith.constant 4 : i32
      %shift_right_logical3A_701 = vector.broadcast %shift_right_logical3A_700 : i32 to vector<16xi32>
      %shift_right_logical3A_702 = arith.shrui %get3A_699, %shift_right_logical3A_701 : vector<16xi32>
      %and3A_703 = arith.constant 15 : i32
      %and3A_704 = vector.broadcast %and3A_703 : i32 to vector<16xi32>
      %and3A_705 = arith.andi %get3A_699, %and3A_704 : vector<16xi32>
      tpu.vector_store_idx %arg5[%shift_right_logical3A_702, %and3A_705], %broadcast_in_dim3A_5 {add = true} : memref<625x16xf32, #tpu.memory_space<vmem>>[vector<16xi32>, vector<16xi32>], vector<16xf32>,
      %get3A_706 = arith.constant 1376 : index
      %get3A_707 = tpu.vector_load %arg4[%get3A_706] {strides = array<i32>} : memref<2000xi32, #tpu.memory_space<vmem>>, vector<16xi32>,
      %shift_right_logical3A_708 = arith.constant 4 : i32
      %shift_right_logical3A_709 = vector.broadcast %shift_right_logical3A_708 : i32 to vector<16xi32>
      %shift_right_logical3A_710 = arith.shrui %get3A_707, %shift_right_logical3A_709 : vector<16xi32>
      %and3A_711 = arith.constant 15 : i32
      %and3A_712 = vector.broadcast %and3A_711 : i32 to vector<16xi32>
      %and3A_713 = arith.andi %get3A_707, %and3A_712 : vector<16xi32>
      tpu.vector_store_idx %arg5[%shift_right_logical3A_710, %and3A_713], %broadcast_in_dim3A_5 {add = true} : memref<625x16xf32, #tpu.memory_space<vmem>>[vector<16xi32>, vector<16xi32>], vector<16xf32>,
      %get3A_714 = arith.constant 1392 : index
      %get3A_715 = tpu.vector_load %arg4[%get3A_714] {strides = array<i32>} : memref<2000xi32, #tpu.memory_space<vmem>>, vector<16xi32>,
      %shift_right_logical3A_716 = arith.constant 4 : i32
      %shift_right_logical3A_717 = vector.broadcast %shift_right_logical3A_716 : i32 to vector<16xi32>
      %shift_right_logical3A_718 = arith.shrui %get3A_715, %shift_right_logical3A_717 : vector<16xi32>
      %and3A_719 = arith.constant 15 : i32
      %and3A_720 = vector.broadcast %and3A_719 : i32 to vector<16xi32>
      %and3A_721 = arith.andi %get3A_715, %and3A_720 : vector<16xi32>
      tpu.vector_store_idx %arg5[%shift_right_logical3A_718, %and3A_721], %broadcast_in_dim3A_5 {add = true} : memref<625x16xf32, #tpu.memory_space<vmem>>[vector<16xi32>, vector<16xi32>], vector<16xf32>,
      %get3A_722 = arith.constant 1408 : index
      %get3A_723 = tpu.vector_load %arg4[%get3A_722] {strides = array<i32>} : memref<2000xi32, #tpu.memory_space<vmem>>, vector<16xi32>,
      %shift_right_logical3A_724 = arith.constant 4 : i32
      %shift_right_logical3A_725 = vector.broadcast %shift_right_logical3A_724 : i32 to vector<16xi32>
      %shift_right_logical3A_726 = arith.shrui %get3A_723, %shift_right_logical3A_725 : vector<16xi32>
      %and3A_727 = arith.constant 15 : i32
      %and3A_728 = vector.broadcast %and3A_727 : i32 to vector<16xi32>
      %and3A_729 = arith.andi %get3A_723, %and3A_728 : vector<16xi32>
      tpu.vector_store_idx %arg5[%shift_right_logical3A_726, %and3A_729], %broadcast_in_dim3A_5 {add = true} : memref<625x16xf32, #tpu.memory_space<vmem>>[vector<16xi32>, vector<16xi32>], vector<16xf32>,
      %get3A_730 = arith.constant 1424 : index
      %get3A_731 = tpu.vector_load %arg4[%get3A_730] {strides = array<i32>} : memref<2000xi32, #tpu.memory_space<vmem>>, vector<16xi32>,
      %shift_right_logical3A_732 = arith.constant 4 : i32
      %shift_right_logical3A_733 = vector.broadcast %shift_right_logical3A_732 : i32 to vector<16xi32>
      %shift_right_logical3A_734 = arith.shrui %get3A_731, %shift_right_logical3A_733 : vector<16xi32>
      %and3A_735 = arith.constant 15 : i32
      %and3A_736 = vector.broadcast %and3A_735 : i32 to vector<16xi32>
      %and3A_737 = arith.andi %get3A_731, %and3A_736 : vector<16xi32>
      tpu.vector_store_idx %arg5[%shift_right_logical3A_734, %and3A_737], %broadcast_in_dim3A_5 {add = true} : memref<625x16xf32, #tpu.memory_space<vmem>>[vector<16xi32>, vector<16xi32>], vector<16xf32>,
      %get3A_738 = arith.constant 1440 : index
      %get3A_739 = tpu.vector_load %arg4[%get3A_738] {strides = array<i32>} : memref<2000xi32, #tpu.memory_space<vmem>>, vector<16xi32>,
      %shift_right_logical3A_740 = arith.constant 4 : i32
      %shift_right_logical3A_741 = vector.broadcast %shift_right_logical3A_740 : i32 to vector<16xi32>
      %shift_right_logical3A_742 = arith.shrui %get3A_739, %shift_right_logical3A_741 : vector<16xi32>
      %and3A_743 = arith.constant 15 : i32
      %and3A_744 = vector.broadcast %and3A_743 : i32 to vector<16xi32>
      %and3A_745 = arith.andi %get3A_739, %and3A_744 : vector<16xi32>
      tpu.vector_store_idx %arg5[%shift_right_logical3A_742, %and3A_745], %broadcast_in_dim3A_5 {add = true} : memref<625x16xf32, #tpu.memory_space<vmem>>[vector<16xi32>, vector<16xi32>], vector<16xf32>,
      %get3A_746 = arith.constant 1456 : index
      %get3A_747 = tpu.vector_load %arg4[%get3A_746] {strides = array<i32>} : memref<2000xi32, #tpu.memory_space<vmem>>, vector<16xi32>,
      %shift_right_logical3A_748 = arith.constant 4 : i32
      %shift_right_logical3A_749 = vector.broadcast %shift_right_logical3A_748 : i32 to vector<16xi32>
      %shift_right_logical3A_750 = arith.shrui %get3A_747, %shift_right_logical3A_749 : vector<16xi32>
      %and3A_751 = arith.constant 15 : i32
      %and3A_752 = vector.broadcast %and3A_751 : i32 to vector<16xi32>
      %and3A_753 = arith.andi %get3A_747, %and3A_752 : vector<16xi32>
      tpu.vector_store_idx %arg5[%shift_right_logical3A_750, %and3A_753], %broadcast_in_dim3A_5 {add = true} : memref<625x16xf32, #tpu.memory_space<vmem>>[vector<16xi32>, vector<16xi32>], vector<16xf32>,
      %get3A_754 = arith.constant 1472 : index
      %get3A_755 = tpu.vector_load %arg4[%get3A_754] {strides = array<i32>} : memref<2000xi32, #tpu.memory_space<vmem>>, vector<16xi32>,
      %shift_right_logical3A_756 = arith.constant 4 : i32
      %shift_right_logical3A_757 = vector.broadcast %shift_right_logical3A_756 : i32 to vector<16xi32>
      %shift_right_logical3A_758 = arith.shrui %get3A_755, %shift_right_logical3A_757 : vector<16xi32>
      %and3A_759 = arith.constant 15 : i32
      %and3A_760 = vector.broadcast %and3A_759 : i32 to vector<16xi32>
      %and3A_761 = arith.andi %get3A_755, %and3A_760 : vector<16xi32>
      tpu.vector_store_idx %arg5[%shift_right_logical3A_758, %and3A_761], %broadcast_in_dim3A_5 {add = true} : memref<625x16xf32, #tpu.memory_space<vmem>>[vector<16xi32>, vector<16xi32>], vector<16xf32>,
      %get3A_762 = arith.constant 1488 : index
      %get3A_763 = tpu.vector_load %arg4[%get3A_762] {strides = array<i32>} : memref<2000xi32, #tpu.memory_space<vmem>>, vector<16xi32>,
      %shift_right_logical3A_764 = arith.constant 4 : i32
      %shift_right_logical3A_765 = vector.broadcast %shift_right_logical3A_764 : i32 to vector<16xi32>
      %shift_right_logical3A_766 = arith.shrui %get3A_763, %shift_right_logical3A_765 : vector<16xi32>
      %and3A_767 = arith.constant 15 : i32
      %and3A_768 = vector.broadcast %and3A_767 : i32 to vector<16xi32>
      %and3A_769 = arith.andi %get3A_763, %and3A_768 : vector<16xi32>
      tpu.vector_store_idx %arg5[%shift_right_logical3A_766, %and3A_769], %broadcast_in_dim3A_5 {add = true} : memref<625x16xf32, #tpu.memory_space<vmem>>[vector<16xi32>, vector<16xi32>], vector<16xf32>,
      %get3A_770 = arith.constant 1504 : index
      %get3A_771 = tpu.vector_load %arg4[%get3A_770] {strides = array<i32>} : memref<2000xi32, #tpu.memory_space<vmem>>, vector<16xi32>,
      %shift_right_logical3A_772 = arith.constant 4 : i32
      %shift_right_logical3A_773 = vector.broadcast %shift_right_logical3A_772 : i32 to vector<16xi32>
      %shift_right_logical3A_774 = arith.shrui %get3A_771, %shift_right_logical3A_773 : vector<16xi32>
      %and3A_775 = arith.constant 15 : i32
      %and3A_776 = vector.broadcast %and3A_775 : i32 to vector<16xi32>
      %and3A_777 = arith.andi %get3A_771, %and3A_776 : vector<16xi32>
      tpu.vector_store_idx %arg5[%shift_right_logical3A_774, %and3A_777], %broadcast_in_dim3A_5 {add = true} : memref<625x16xf32, #tpu.memory_space<vmem>>[vector<16xi32>, vector<16xi32>], vector<16xf32>,
      %get3A_778 = arith.constant 1520 : index
      %get3A_779 = tpu.vector_load %arg4[%get3A_778] {strides = array<i32>} : memref<2000xi32, #tpu.memory_space<vmem>>, vector<16xi32>,
      %shift_right_logical3A_780 = arith.constant 4 : i32
      %shift_right_logical3A_781 = vector.broadcast %shift_right_logical3A_780 : i32 to vector<16xi32>
      %shift_right_logical3A_782 = arith.shrui %get3A_779, %shift_right_logical3A_781 : vector<16xi32>
      %and3A_783 = arith.constant 15 : i32
      %and3A_784 = vector.broadcast %and3A_783 : i32 to vector<16xi32>
      %and3A_785 = arith.andi %get3A_779, %and3A_784 : vector<16xi32>
      tpu.vector_store_idx %arg5[%shift_right_logical3A_782, %and3A_785], %broadcast_in_dim3A_5 {add = true} : memref<625x16xf32, #tpu.memory_space<vmem>>[vector<16xi32>, vector<16xi32>], vector<16xf32>,
      %get3A_786 = arith.constant 1536 : index
      %get3A_787 = tpu.vector_load %arg4[%get3A_786] {strides = array<i32>} : memref<2000xi32, #tpu.memory_space<vmem>>, vector<16xi32>,
      %shift_right_logical3A_788 = arith.constant 4 : i32
      %shift_right_logical3A_789 = vector.broadcast %shift_right_logical3A_788 : i32 to vector<16xi32>
      %shift_right_logical3A_790 = arith.shrui %get3A_787, %shift_right_logical3A_789 : vector<16xi32>
      %and3A_791 = arith.constant 15 : i32
      %and3A_792 = vector.broadcast %and3A_791 : i32 to vector<16xi32>
      %and3A_793 = arith.andi %get3A_787, %and3A_792 : vector<16xi32>
      tpu.vector_store_idx %arg5[%shift_right_logical3A_790, %and3A_793], %broadcast_in_dim3A_5 {add = true} : memref<625x16xf32, #tpu.memory_space<vmem>>[vector<16xi32>, vector<16xi32>], vector<16xf32>,
      %get3A_794 = arith.constant 1552 : index
      %get3A_795 = tpu.vector_load %arg4[%get3A_794] {strides = array<i32>} : memref<2000xi32, #tpu.memory_space<vmem>>, vector<16xi32>,
      %shift_right_logical3A_796 = arith.constant 4 : i32
      %shift_right_logical3A_797 = vector.broadcast %shift_right_logical3A_796 : i32 to vector<16xi32>
      %shift_right_logical3A_798 = arith.shrui %get3A_795, %shift_right_logical3A_797 : vector<16xi32>
      %and3A_799 = arith.constant 15 : i32
      %and3A_800 = vector.broadcast %and3A_799 : i32 to vector<16xi32>
      %and3A_801 = arith.andi %get3A_795, %and3A_800 : vector<16xi32>
      tpu.vector_store_idx %arg5[%shift_right_logical3A_798, %and3A_801], %broadcast_in_dim3A_5 {add = true} : memref<625x16xf32, #tpu.memory_space<vmem>>[vector<16xi32>, vector<16xi32>], vector<16xf32>,
      %get3A_802 = arith.constant 1568 : index
      %get3A_803 = tpu.vector_load %arg4[%get3A_802] {strides = array<i32>} : memref<2000xi32, #tpu.memory_space<vmem>>, vector<16xi32>,
      %shift_right_logical3A_804 = arith.constant 4 : i32
      %shift_right_logical3A_805 = vector.broadcast %shift_right_logical3A_804 : i32 to vector<16xi32>
      %shift_right_logical3A_806 = arith.shrui %get3A_803, %shift_right_logical3A_805 : vector<16xi32>
      %and3A_807 = arith.constant 15 : i32
      %and3A_808 = vector.broadcast %and3A_807 : i32 to vector<16xi32>
      %and3A_809 = arith.andi %get3A_803, %and3A_808 : vector<16xi32>
      tpu.vector_store_idx %arg5[%shift_right_logical3A_806, %and3A_809], %broadcast_in_dim3A_5 {add = true} : memref<625x16xf32, #tpu.memory_space<vmem>>[vector<16xi32>, vector<16xi32>], vector<16xf32>,
      %get3A_810 = arith.constant 1584 : index
      %get3A_811 = tpu.vector_load %arg4[%get3A_810] {strides = array<i32>} : memref<2000xi32, #tpu.memory_space<vmem>>, vector<16xi32>,
      %shift_right_logical3A_812 = arith.constant 4 : i32
      %shift_right_logical3A_813 = vector.broadcast %shift_right_logical3A_812 : i32 to vector<16xi32>
      %shift_right_logical3A_814 = arith.shrui %get3A_811, %shift_right_logical3A_813 : vector<16xi32>
      %and3A_815 = arith.constant 15 : i32
      %and3A_816 = vector.broadcast %and3A_815 : i32 to vector<16xi32>
      %and3A_817 = arith.andi %get3A_811, %and3A_816 : vector<16xi32>
      tpu.vector_store_idx %arg5[%shift_right_logical3A_814, %and3A_817], %broadcast_in_dim3A_5 {add = true} : memref<625x16xf32, #tpu.memory_space<vmem>>[vector<16xi32>, vector<16xi32>], vector<16xf32>,
      %get3A_818 = arith.constant 1600 : index
      %get3A_819 = tpu.vector_load %arg4[%get3A_818] {strides = array<i32>} : memref<2000xi32, #tpu.memory_space<vmem>>, vector<16xi32>,
      %shift_right_logical3A_820 = arith.constant 4 : i32
      %shift_right_logical3A_821 = vector.broadcast %shift_right_logical3A_820 : i32 to vector<16xi32>
      %shift_right_logical3A_822 = arith.shrui %get3A_819, %shift_right_logical3A_821 : vector<16xi32>
      %and3A_823 = arith.constant 15 : i32
      %and3A_824 = vector.broadcast %and3A_823 : i32 to vector<16xi32>
      %and3A_825 = arith.andi %get3A_819, %and3A_824 : vector<16xi32>
      tpu.vector_store_idx %arg5[%shift_right_logical3A_822, %and3A_825], %broadcast_in_dim3A_5 {add = true} : memref<625x16xf32, #tpu.memory_space<vmem>>[vector<16xi32>, vector<16xi32>], vector<16xf32>,
      %get3A_826 = arith.constant 1616 : index
      %get3A_827 = tpu.vector_load %arg4[%get3A_826] {strides = array<i32>} : memref<2000xi32, #tpu.memory_space<vmem>>, vector<16xi32>,
      %shift_right_logical3A_828 = arith.constant 4 : i32
      %shift_right_logical3A_829 = vector.broadcast %shift_right_logical3A_828 : i32 to vector<16xi32>
      %shift_right_logical3A_830 = arith.shrui %get3A_827, %shift_right_logical3A_829 : vector<16xi32>
      %and3A_831 = arith.constant 15 : i32
      %and3A_832 = vector.broadcast %and3A_831 : i32 to vector<16xi32>
      %and3A_833 = arith.andi %get3A_827, %and3A_832 : vector<16xi32>
      tpu.vector_store_idx %arg5[%shift_right_logical3A_830, %and3A_833], %broadcast_in_dim3A_5 {add = true} : memref<625x16xf32, #tpu.memory_space<vmem>>[vector<16xi32>, vector<16xi32>], vector<16xf32>,
      %get3A_834 = arith.constant 1632 : index
      %get3A_835 = tpu.vector_load %arg4[%get3A_834] {strides = array<i32>} : memref<2000xi32, #tpu.memory_space<vmem>>, vector<16xi32>,
      %shift_right_logical3A_836 = arith.constant 4 : i32
      %shift_right_logical3A_837 = vector.broadcast %shift_right_logical3A_836 : i32 to vector<16xi32>
      %shift_right_logical3A_838 = arith.shrui %get3A_835, %shift_right_logical3A_837 : vector<16xi32>
      %and3A_839 = arith.constant 15 : i32
      %and3A_840 = vector.broadcast %and3A_839 : i32 to vector<16xi32>
      %and3A_841 = arith.andi %get3A_835, %and3A_840 : vector<16xi32>
      tpu.vector_store_idx %arg5[%shift_right_logical3A_838, %and3A_841], %broadcast_in_dim3A_5 {add = true} : memref<625x16xf32, #tpu.memory_space<vmem>>[vector<16xi32>, vector<16xi32>], vector<16xf32>,
      %get3A_842 = arith.constant 1648 : index
      %get3A_843 = tpu.vector_load %arg4[%get3A_842] {strides = array<i32>} : memref<2000xi32, #tpu.memory_space<vmem>>, vector<16xi32>,
      %shift_right_logical3A_844 = arith.constant 4 : i32
      %shift_right_logical3A_845 = vector.broadcast %shift_right_logical3A_844 : i32 to vector<16xi32>
      %shift_right_logical3A_846 = arith.shrui %get3A_843, %shift_right_logical3A_845 : vector<16xi32>
      %and3A_847 = arith.constant 15 : i32
      %and3A_848 = vector.broadcast %and3A_847 : i32 to vector<16xi32>
      %and3A_849 = arith.andi %get3A_843, %and3A_848 : vector<16xi32>
      tpu.vector_store_idx %arg5[%shift_right_logical3A_846, %and3A_849], %broadcast_in_dim3A_5 {add = true} : memref<625x16xf32, #tpu.memory_space<vmem>>[vector<16xi32>, vector<16xi32>], vector<16xf32>,
      %get3A_850 = arith.constant 1664 : index
      %get3A_851 = tpu.vector_load %arg4[%get3A_850] {strides = array<i32>} : memref<2000xi32, #tpu.memory_space<vmem>>, vector<16xi32>,
      %shift_right_logical3A_852 = arith.constant 4 : i32
      %shift_right_logical3A_853 = vector.broadcast %shift_right_logical3A_852 : i32 to vector<16xi32>
      %shift_right_logical3A_854 = arith.shrui %get3A_851, %shift_right_logical3A_853 : vector<16xi32>
      %and3A_855 = arith.constant 15 : i32
      %and3A_856 = vector.broadcast %and3A_855 : i32 to vector<16xi32>
      %and3A_857 = arith.andi %get3A_851, %and3A_856 : vector<16xi32>
      tpu.vector_store_idx %arg5[%shift_right_logical3A_854, %and3A_857], %broadcast_in_dim3A_5 {add = true} : memref<625x16xf32, #tpu.memory_space<vmem>>[vector<16xi32>, vector<16xi32>], vector<16xf32>,
      %get3A_858 = arith.constant 1680 : index
      %get3A_859 = tpu.vector_load %arg4[%get3A_858] {strides = array<i32>} : memref<2000xi32, #tpu.memory_space<vmem>>, vector<16xi32>,
      %shift_right_logical3A_860 = arith.constant 4 : i32
      %shift_right_logical3A_861 = vector.broadcast %shift_right_logical3A_860 : i32 to vector<16xi32>
      %shift_right_logical3A_862 = arith.shrui %get3A_859, %shift_right_logical3A_861 : vector<16xi32>
      %and3A_863 = arith.constant 15 : i32
      %and3A_864 = vector.broadcast %and3A_863 : i32 to vector<16xi32>
      %and3A_865 = arith.andi %get3A_859, %and3A_864 : vector<16xi32>
      tpu.vector_store_idx %arg5[%shift_right_logical3A_862, %and3A_865], %broadcast_in_dim3A_5 {add = true} : memref<625x16xf32, #tpu.memory_space<vmem>>[vector<16xi32>, vector<16xi32>], vector<16xf32>,
      %get3A_866 = arith.constant 1696 : index
      %get3A_867 = tpu.vector_load %arg4[%get3A_866] {strides = array<i32>} : memref<2000xi32, #tpu.memory_space<vmem>>, vector<16xi32>,
      %shift_right_logical3A_868 = arith.constant 4 : i32
      %shift_right_logical3A_869 = vector.broadcast %shift_right_logical3A_868 : i32 to vector<16xi32>
      %shift_right_logical3A_870 = arith.shrui %get3A_867, %shift_right_logical3A_869 : vector<16xi32>
      %and3A_871 = arith.constant 15 : i32
      %and3A_872 = vector.broadcast %and3A_871 : i32 to vector<16xi32>
      %and3A_873 = arith.andi %get3A_867, %and3A_872 : vector<16xi32>
      tpu.vector_store_idx %arg5[%shift_right_logical3A_870, %and3A_873], %broadcast_in_dim3A_5 {add = true} : memref<625x16xf32, #tpu.memory_space<vmem>>[vector<16xi32>, vector<16xi32>], vector<16xf32>,
      %get3A_874 = arith.constant 1712 : index
      %get3A_875 = tpu.vector_load %arg4[%get3A_874] {strides = array<i32>} : memref<2000xi32, #tpu.memory_space<vmem>>, vector<16xi32>,
      %shift_right_logical3A_876 = arith.constant 4 : i32
      %shift_right_logical3A_877 = vector.broadcast %shift_right_logical3A_876 : i32 to vector<16xi32>
      %shift_right_logical3A_878 = arith.shrui %get3A_875, %shift_right_logical3A_877 : vector<16xi32>
      %and3A_879 = arith.constant 15 : i32
      %and3A_880 = vector.broadcast %and3A_879 : i32 to vector<16xi32>
      %and3A_881 = arith.andi %get3A_875, %and3A_880 : vector<16xi32>
      tpu.vector_store_idx %arg5[%shift_right_logical3A_878, %and3A_881], %broadcast_in_dim3A_5 {add = true} : memref<625x16xf32, #tpu.memory_space<vmem>>[vector<16xi32>, vector<16xi32>], vector<16xf32>,
      %get3A_882 = arith.constant 1728 : index
      %get3A_883 = tpu.vector_load %arg4[%get3A_882] {strides = array<i32>} : memref<2000xi32, #tpu.memory_space<vmem>>, vector<16xi32>,
      %shift_right_logical3A_884 = arith.constant 4 : i32
      %shift_right_logical3A_885 = vector.broadcast %shift_right_logical3A_884 : i32 to vector<16xi32>
      %shift_right_logical3A_886 = arith.shrui %get3A_883, %shift_right_logical3A_885 : vector<16xi32>
      %and3A_887 = arith.constant 15 : i32
      %and3A_888 = vector.broadcast %and3A_887 : i32 to vector<16xi32>
      %and3A_889 = arith.andi %get3A_883, %and3A_888 : vector<16xi32>
      tpu.vector_store_idx %arg5[%shift_right_logical3A_886, %and3A_889], %broadcast_in_dim3A_5 {add = true} : memref<625x16xf32, #tpu.memory_space<vmem>>[vector<16xi32>, vector<16xi32>], vector<16xf32>,
      %get3A_890 = arith.constant 1744 : index
      %get3A_891 = tpu.vector_load %arg4[%get3A_890] {strides = array<i32>} : memref<2000xi32, #tpu.memory_space<vmem>>, vector<16xi32>,
      %shift_right_logical3A_892 = arith.constant 4 : i32
      %shift_right_logical3A_893 = vector.broadcast %shift_right_logical3A_892 : i32 to vector<16xi32>
      %shift_right_logical3A_894 = arith.shrui %get3A_891, %shift_right_logical3A_893 : vector<16xi32>
      %and3A_895 = arith.constant 15 : i32
      %and3A_896 = vector.broadcast %and3A_895 : i32 to vector<16xi32>
      %and3A_897 = arith.andi %get3A_891, %and3A_896 : vector<16xi32>
      tpu.vector_store_idx %arg5[%shift_right_logical3A_894, %and3A_897], %broadcast_in_dim3A_5 {add = true} : memref<625x16xf32, #tpu.memory_space<vmem>>[vector<16xi32>, vector<16xi32>], vector<16xf32>,
      %get3A_898 = arith.constant 1760 : index
      %get3A_899 = tpu.vector_load %arg4[%get3A_898] {strides = array<i32>} : memref<2000xi32, #tpu.memory_space<vmem>>, vector<16xi32>,
      %shift_right_logical3A_900 = arith.constant 4 : i32
      %shift_right_logical3A_901 = vector.broadcast %shift_right_logical3A_900 : i32 to vector<16xi32>
      %shift_right_logical3A_902 = arith.shrui %get3A_899, %shift_right_logical3A_901 : vector<16xi32>
      %and3A_903 = arith.constant 15 : i32
      %and3A_904 = vector.broadcast %and3A_903 : i32 to vector<16xi32>
      %and3A_905 = arith.andi %get3A_899, %and3A_904 : vector<16xi32>
      tpu.vector_store_idx %arg5[%shift_right_logical3A_902, %and3A_905], %broadcast_in_dim3A_5 {add = true} : memref<625x16xf32, #tpu.memory_space<vmem>>[vector<16xi32>, vector<16xi32>], vector<16xf32>,
      %get3A_906 = arith.constant 1776 : index
      %get3A_907 = tpu.vector_load %arg4[%get3A_906] {strides = array<i32>} : memref<2000xi32, #tpu.memory_space<vmem>>, vector<16xi32>,
      %shift_right_logical3A_908 = arith.constant 4 : i32
      %shift_right_logical3A_909 = vector.broadcast %shift_right_logical3A_908 : i32 to vector<16xi32>
      %shift_right_logical3A_910 = arith.shrui %get3A_907, %shift_right_logical3A_909 : vector<16xi32>
      %and3A_911 = arith.constant 15 : i32
      %and3A_912 = vector.broadcast %and3A_911 : i32 to vector<16xi32>
      %and3A_913 = arith.andi %get3A_907, %and3A_912 : vector<16xi32>
      tpu.vector_store_idx %arg5[%shift_right_logical3A_910, %and3A_913], %broadcast_in_dim3A_5 {add = true} : memref<625x16xf32, #tpu.memory_space<vmem>>[vector<16xi32>, vector<16xi32>], vector<16xf32>,
      %get3A_914 = arith.constant 1792 : index
      %get3A_915 = tpu.vector_load %arg4[%get3A_914] {strides = array<i32>} : memref<2000xi32, #tpu.memory_space<vmem>>, vector<16xi32>,
      %shift_right_logical3A_916 = arith.constant 4 : i32
      %shift_right_logical3A_917 = vector.broadcast %shift_right_logical3A_916 : i32 to vector<16xi32>
      %shift_right_logical3A_918 = arith.shrui %get3A_915, %shift_right_logical3A_917 : vector<16xi32>
      %and3A_919 = arith.constant 15 : i32
      %and3A_920 = vector.broadcast %and3A_919 : i32 to vector<16xi32>
      %and3A_921 = arith.andi %get3A_915, %and3A_920 : vector<16xi32>
      tpu.vector_store_idx %arg5[%shift_right_logical3A_918, %and3A_921], %broadcast_in_dim3A_5 {add = true} : memref<625x16xf32, #tpu.memory_space<vmem>>[vector<16xi32>, vector<16xi32>], vector<16xf32>,
      %get3A_922 = arith.constant 1808 : index
      %get3A_923 = tpu.vector_load %arg4[%get3A_922] {strides = array<i32>} : memref<2000xi32, #tpu.memory_space<vmem>>, vector<16xi32>,
      %shift_right_logical3A_924 = arith.constant 4 : i32
      %shift_right_logical3A_925 = vector.broadcast %shift_right_logical3A_924 : i32 to vector<16xi32>
      %shift_right_logical3A_926 = arith.shrui %get3A_923, %shift_right_logical3A_925 : vector<16xi32>
      %and3A_927 = arith.constant 15 : i32
      %and3A_928 = vector.broadcast %and3A_927 : i32 to vector<16xi32>
      %and3A_929 = arith.andi %get3A_923, %and3A_928 : vector<16xi32>
      tpu.vector_store_idx %arg5[%shift_right_logical3A_926, %and3A_929], %broadcast_in_dim3A_5 {add = true} : memref<625x16xf32, #tpu.memory_space<vmem>>[vector<16xi32>, vector<16xi32>], vector<16xf32>,
      %get3A_930 = arith.constant 1824 : index
      %get3A_931 = tpu.vector_load %arg4[%get3A_930] {strides = array<i32>} : memref<2000xi32, #tpu.memory_space<vmem>>, vector<16xi32>,
      %shift_right_logical3A_932 = arith.constant 4 : i32
      %shift_right_logical3A_933 = vector.broadcast %shift_right_logical3A_932 : i32 to vector<16xi32>
      %shift_right_logical3A_934 = arith.shrui %get3A_931, %shift_right_logical3A_933 : vector<16xi32>
      %and3A_935 = arith.constant 15 : i32
      %and3A_936 = vector.broadcast %and3A_935 : i32 to vector<16xi32>
      %and3A_937 = arith.andi %get3A_931, %and3A_936 : vector<16xi32>
      tpu.vector_store_idx %arg5[%shift_right_logical3A_934, %and3A_937], %broadcast_in_dim3A_5 {add = true} : memref<625x16xf32, #tpu.memory_space<vmem>>[vector<16xi32>, vector<16xi32>], vector<16xf32>,
      %get3A_938 = arith.constant 1840 : index
      %get3A_939 = tpu.vector_load %arg4[%get3A_938] {strides = array<i32>} : memref<2000xi32, #tpu.memory_space<vmem>>, vector<16xi32>,
      %shift_right_logical3A_940 = arith.constant 4 : i32
      %shift_right_logical3A_941 = vector.broadcast %shift_right_logical3A_940 : i32 to vector<16xi32>
      %shift_right_logical3A_942 = arith.shrui %get3A_939, %shift_right_logical3A_941 : vector<16xi32>
      %and3A_943 = arith.constant 15 : i32
      %and3A_944 = vector.broadcast %and3A_943 : i32 to vector<16xi32>
      %and3A_945 = arith.andi %get3A_939, %and3A_944 : vector<16xi32>
      tpu.vector_store_idx %arg5[%shift_right_logical3A_942, %and3A_945], %broadcast_in_dim3A_5 {add = true} : memref<625x16xf32, #tpu.memory_space<vmem>>[vector<16xi32>, vector<16xi32>], vector<16xf32>,
      %get3A_946 = arith.constant 1856 : index
      %get3A_947 = tpu.vector_load %arg4[%get3A_946] {strides = array<i32>} : memref<2000xi32, #tpu.memory_space<vmem>>, vector<16xi32>,
      %shift_right_logical3A_948 = arith.constant 4 : i32
      %shift_right_logical3A_949 = vector.broadcast %shift_right_logical3A_948 : i32 to vector<16xi32>
      %shift_right_logical3A_950 = arith.shrui %get3A_947, %shift_right_logical3A_949 : vector<16xi32>
      %and3A_951 = arith.constant 15 : i32
      %and3A_952 = vector.broadcast %and3A_951 : i32 to vector<16xi32>
      %and3A_953 = arith.andi %get3A_947, %and3A_952 : vector<16xi32>
      tpu.vector_store_idx %arg5[%shift_right_logical3A_950, %and3A_953], %broadcast_in_dim3A_5 {add = true} : memref<625x16xf32, #tpu.memory_space<vmem>>[vector<16xi32>, vector<16xi32>], vector<16xf32>,
      %get3A_954 = arith.constant 1872 : index
      %get3A_955 = tpu.vector_load %arg4[%get3A_954] {strides = array<i32>} : memref<2000xi32, #tpu.memory_space<vmem>>, vector<16xi32>,
      %shift_right_logical3A_956 = arith.constant 4 : i32
      %shift_right_logical3A_957 = vector.broadcast %shift_right_logical3A_956 : i32 to vector<16xi32>
      %shift_right_logical3A_958 = arith.shrui %get3A_955, %shift_right_logical3A_957 : vector<16xi32>
      %and3A_959 = arith.constant 15 : i32
      %and3A_960 = vector.broadcast %and3A_959 : i32 to vector<16xi32>
      %and3A_961 = arith.andi %get3A_955, %and3A_960 : vector<16xi32>
      tpu.vector_store_idx %arg5[%shift_right_logical3A_958, %and3A_961], %broadcast_in_dim3A_5 {add = true} : memref<625x16xf32, #tpu.memory_space<vmem>>[vector<16xi32>, vector<16xi32>], vector<16xf32>,
      %get3A_962 = arith.constant 1888 : index
      %get3A_963 = tpu.vector_load %arg4[%get3A_962] {strides = array<i32>} : memref<2000xi32, #tpu.memory_space<vmem>>, vector<16xi32>,
      %shift_right_logical3A_964 = arith.constant 4 : i32
      %shift_right_logical3A_965 = vector.broadcast %shift_right_logical3A_964 : i32 to vector<16xi32>
      %shift_right_logical3A_966 = arith.shrui %get3A_963, %shift_right_logical3A_965 : vector<16xi32>
      %and3A_967 = arith.constant 15 : i32
      %and3A_968 = vector.broadcast %and3A_967 : i32 to vector<16xi32>
      %and3A_969 = arith.andi %get3A_963, %and3A_968 : vector<16xi32>
      tpu.vector_store_idx %arg5[%shift_right_logical3A_966, %and3A_969], %broadcast_in_dim3A_5 {add = true} : memref<625x16xf32, #tpu.memory_space<vmem>>[vector<16xi32>, vector<16xi32>], vector<16xf32>,
      %get3A_970 = arith.constant 1904 : index
      %get3A_971 = tpu.vector_load %arg4[%get3A_970] {strides = array<i32>} : memref<2000xi32, #tpu.memory_space<vmem>>, vector<16xi32>,
      %shift_right_logical3A_972 = arith.constant 4 : i32
      %shift_right_logical3A_973 = vector.broadcast %shift_right_logical3A_972 : i32 to vector<16xi32>
      %shift_right_logical3A_974 = arith.shrui %get3A_971, %shift_right_logical3A_973 : vector<16xi32>
      %and3A_975 = arith.constant 15 : i32
      %and3A_976 = vector.broadcast %and3A_975 : i32 to vector<16xi32>
      %and3A_977 = arith.andi %get3A_971, %and3A_976 : vector<16xi32>
      tpu.vector_store_idx %arg5[%shift_right_logical3A_974, %and3A_977], %broadcast_in_dim3A_5 {add = true} : memref<625x16xf32, #tpu.memory_space<vmem>>[vector<16xi32>, vector<16xi32>], vector<16xf32>,
      %get3A_978 = arith.constant 1920 : index
      %get3A_979 = tpu.vector_load %arg4[%get3A_978] {strides = array<i32>} : memref<2000xi32, #tpu.memory_space<vmem>>, vector<16xi32>,
      %shift_right_logical3A_980 = arith.constant 4 : i32
      %shift_right_logical3A_981 = vector.broadcast %shift_right_logical3A_980 : i32 to vector<16xi32>
      %shift_right_logical3A_982 = arith.shrui %get3A_979, %shift_right_logical3A_981 : vector<16xi32>
      %and3A_983 = arith.constant 15 : i32
      %and3A_984 = vector.broadcast %and3A_983 : i32 to vector<16xi32>
      %and3A_985 = arith.andi %get3A_979, %and3A_984 : vector<16xi32>
      tpu.vector_store_idx %arg5[%shift_right_logical3A_982, %and3A_985], %broadcast_in_dim3A_5 {add = true} : memref<625x16xf32, #tpu.memory_space<vmem>>[vector<16xi32>, vector<16xi32>], vector<16xf32>,
      %get3A_986 = arith.constant 1936 : index
      %get3A_987 = tpu.vector_load %arg4[%get3A_986] {strides = array<i32>} : memref<2000xi32, #tpu.memory_space<vmem>>, vector<16xi32>,
      %shift_right_logical3A_988 = arith.constant 4 : i32
      %shift_right_logical3A_989 = vector.broadcast %shift_right_logical3A_988 : i32 to vector<16xi32>
      %shift_right_logical3A_990 = arith.shrui %get3A_987, %shift_right_logical3A_989 : vector<16xi32>
      %and3A_991 = arith.constant 15 : i32
      %and3A_992 = vector.broadcast %and3A_991 : i32 to vector<16xi32>
      %and3A_993 = arith.andi %get3A_987, %and3A_992 : vector<16xi32>
      tpu.vector_store_idx %arg5[%shift_right_logical3A_990, %and3A_993], %broadcast_in_dim3A_5 {add = true} : memref<625x16xf32, #tpu.memory_space<vmem>>[vector<16xi32>, vector<16xi32>], vector<16xf32>,
      %get3A_994 = arith.constant 1952 : index
      %get3A_995 = tpu.vector_load %arg4[%get3A_994] {strides = array<i32>} : memref<2000xi32, #tpu.memory_space<vmem>>, vector<16xi32>,
      %shift_right_logical3A_996 = arith.constant 4 : i32
      %shift_right_logical3A_997 = vector.broadcast %shift_right_logical3A_996 : i32 to vector<16xi32>
      %shift_right_logical3A_998 = arith.shrui %get3A_995, %shift_right_logical3A_997 : vector<16xi32>
      %and3A_999 = arith.constant 15 : i32
      %and3A_1000 = vector.broadcast %and3A_999 : i32 to vector<16xi32>
      %and3A_1001 = arith.andi %get3A_995, %and3A_1000 : vector<16xi32>
      tpu.vector_store_idx %arg5[%shift_right_logical3A_998, %and3A_1001], %broadcast_in_dim3A_5 {add = true} : memref<625x16xf32, #tpu.memory_space<vmem>>[vector<16xi32>, vector<16xi32>], vector<16xf32>,
      %get3A_1002 = arith.constant 1968 : index
      %get3A_1003 = tpu.vector_load %arg4[%get3A_1002] {strides = array<i32>} : memref<2000xi32, #tpu.memory_space<vmem>>, vector<16xi32>,
      %shift_right_logical3A_1004 = arith.constant 4 : i32
      %shift_right_logical3A_1005 = vector.broadcast %shift_right_logical3A_1004 : i32 to vector<16xi32>
      %shift_right_logical3A_1006 = arith.shrui %get3A_1003, %shift_right_logical3A_1005 : vector<16xi32>
      %and3A_1007 = arith.constant 15 : i32
      %and3A_1008 = vector.broadcast %and3A_1007 : i32 to vector<16xi32>
      %and3A_1009 = arith.andi %get3A_1003, %and3A_1008 : vector<16xi32>
      tpu.vector_store_idx %arg5[%shift_right_logical3A_1006, %and3A_1009], %broadcast_in_dim3A_5 {add = true} : memref<625x16xf32, #tpu.memory_space<vmem>>[vector<16xi32>, vector<16xi32>], vector<16xf32>,
      %get3A_1010 = arith.constant 1984 : index
      %get3A_1011 = tpu.vector_load %arg4[%get3A_1010] {strides = array<i32>} : memref<2000xi32, #tpu.memory_space<vmem>>, vector<16xi32>,
      %shift_right_logical3A_1012 = arith.constant 4 : i32
      %shift_right_logical3A_1013 = vector.broadcast %shift_right_logical3A_1012 : i32 to vector<16xi32>
      %shift_right_logical3A_1014 = arith.shrui %get3A_1011, %shift_right_logical3A_1013 : vector<16xi32>
      %and3A_1015 = arith.constant 15 : i32
      %and3A_1016 = vector.broadcast %and3A_1015 : i32 to vector<16xi32>
      %and3A_1017 = arith.andi %get3A_1011, %and3A_1016 : vector<16xi32>
      tpu.vector_store_idx %arg5[%shift_right_logical3A_1014, %and3A_1017], %broadcast_in_dim3A_5 {add = true} : memref<625x16xf32, #tpu.memory_space<vmem>>[vector<16xi32>, vector<16xi32>], vector<16xf32>,
    }
    %scan3A_16 = arith.constant 5 : i32
    "tpu.region"() ({
      %run_scoped3A = tpu.sem_alloc : memref<!tpu.dma_semaphore, #tpu.memory_space<semaphore_mem>>
      %dma_start3A = arith.constant 0 : i32
      %dma_start3A_17 = arith.constant 0 : i32
      %dma_start3A_18 = tpu.memref_slice %arg3[%add3A, %dma_start3A, %dma_start3A_17] : memref<32x625x16xf32, #tpu.memory_space<hbm>> -> memref<1x625x16xf32, #tpu.memory_space<hbm>>
      %dma_start3A_19 = tpu.memref_squeeze %dma_start3A_18 : memref<1x625x16xf32, #tpu.memory_space<hbm>> -> memref<625x16xf32, #tpu.memory_space<hbm>>
      %dma_start3A_20 = arith.constant 0 : i32
      %dma_start3A_21 = arith.constant 0 : i32
      %dma_start3A_22 = tpu.memref_slice %arg3[%add3A, %dma_start3A_20, %dma_start3A_21] : memref<32x625x16xf32, #tpu.memory_space<hbm>> -> memref<1x625x16xf32, #tpu.memory_space<hbm>>
      %dma_start3A_23 = tpu.memref_squeeze %dma_start3A_22 : memref<1x625x16xf32, #tpu.memory_space<hbm>> -> memref<625x16xf32, #tpu.memory_space<hbm>>
      tpu.enqueue_dma source(%arg5 : memref<625x16xf32, #tpu.memory_space<vmem>>) target(%dma_start3A_23 : memref<625x16xf32, #tpu.memory_space<hbm>>) target_semaphore(%run_scoped3A : memref<!tpu.dma_semaphore, #tpu.memory_space<semaphore_mem>>)
      %dma_wait3A = arith.constant 0 : i32
      %dma_wait3A_24 = arith.constant 0 : i32
      %dma_wait3A_25 = tpu.memref_slice %arg3[%add3A, %dma_wait3A, %dma_wait3A_24] : memref<32x625x16xf32, #tpu.memory_space<hbm>> -> memref<1x625x16xf32, #tpu.memory_space<hbm>>
      %dma_wait3A_26 = tpu.memref_squeeze %dma_wait3A_25 : memref<1x625x16xf32, #tpu.memory_space<hbm>> -> memref<625x16xf32, #tpu.memory_space<hbm>>
      %dma_wait3A_27 = arith.constant 0 : i32
      %dma_wait3A_28 = arith.constant 0 : i32
      %dma_wait3A_29 = tpu.memref_slice %arg3[%add3A, %dma_wait3A_27, %dma_wait3A_28] : memref<32x625x16xf32, #tpu.memory_space<hbm>> -> memref<1x625x16xf32, #tpu.memory_space<hbm>>
      %dma_wait3A_30 = tpu.memref_squeeze %dma_wait3A_29 : memref<1x625x16xf32, #tpu.memory_space<hbm>> -> memref<625x16xf32, #tpu.memory_space<hbm>>
      tpu.wait_dma2 semaphore(%run_scoped3A : memref<!tpu.dma_semaphore, #tpu.memory_space<semaphore_mem>>) src(%arg5 : memref<625x16xf32, #tpu.memory_space<vmem>>) dst(%dma_wait3A_30 : memref<625x16xf32, #tpu.memory_space<hbm>>)
      tpu.yield
    }) : () -> ()
    return
  }
}

#map = affine_map<(d0, d1) -> (0, 0)>
#map1 = affine_map<(d0, d1) -> (0)>
#map2 = affine_map<(d0, d1) -> (0, 0, 0)>
module attributes {stable_mosaic.version = 14 : i64} {
  func.func @body(%arg0: i32, %arg1: i32, %arg2: memref<10000x128xf32, #tpu.memory_space<hbm>>, %arg3: memref<320000xi32, #tpu.memory_space<hbm>>, %arg4: memref<320000xi32, #tpu.memory_space<hbm>>, %arg5: memref<48x128xf32, #tpu.memory_space<hbm>>, %arg6: memref<2x10000x128xf32, #tpu.memory_space<hbm>>, %arg7: memref<2x128xi32, #tpu.memory_space<vmem>>, %arg8: memref<2x128xi32, #tpu.memory_space<vmem>>, %arg9: memref<128x128xf32, #tpu.memory_space<vmem>>, %arg10: memref<128x128xf32, #tpu.memory_space<vmem>>, %arg11: memref<16xi32, #tpu.memory_space<vmem>>, %arg12: memref<16xi32, #tpu.memory_space<vmem>>, %arg13: memref<16x128xf32, #tpu.memory_space<vmem>>, %arg14: memref<48x128xf32, #tpu.memory_space<vmem>>, %arg15: memref<10000x128xf32, #tpu.memory_space<vmem_shared>>, %arg16: memref<!tpu.dma_semaphore, #tpu.memory_space<semaphore_mem>>, %arg17: memref<!tpu.dma_semaphore, #tpu.memory_space<semaphore_mem>>, %arg18: memref<!tpu.dma_semaphore, #tpu.memory_space<semaphore_mem>>, %arg19: memref<!tpu.dma_semaphore, #tpu.memory_space<semaphore_mem>>) attributes {dimension_semantics = [#tpu.dimension_semantics<core_parallel>, #tpu.dimension_semantics<subcore_parallel>], iteration_bounds = array<i64: 2, 16>, scalar_prefetch = 0 : i64, scratch_operands = 13 : i64, tpu.core_type = #tpu.core_type<sc_vector_subcore>, window_params = [{transform_indices = #map}, {transform_indices = #map1}, {transform_indices = #map1}, {transform_indices = #map}, {transform_indices = #map2}]} {
    %mul3A = arith.constant 16 : i32
    %mul3A_0 = arith.muli %arg0, %mul3A : i32
    %add3A = arith.addi %mul3A_0, %arg1 : i32
    %mul3A_1 = arith.constant 624 : i32
    %mul3A_2 = arith.muli %arg1, %mul3A_1 : i32
    %mul3A_3 = arith.constant 10000 : i32
    %mul3A_4 = arith.muli %add3A, %mul3A_3 : i32
    "tpu.region"() ({
      %run_scoped3A_163 = tpu.sem_alloc : memref<!tpu.dma_semaphore, #tpu.memory_space<semaphore_mem>>
      tpu.enqueue_dma source(%arg5 : memref<48x128xf32, #tpu.memory_space<hbm>>) target(%arg14 : memref<48x128xf32, #tpu.memory_space<vmem>>) target_semaphore(%run_scoped3A_163 : memref<!tpu.dma_semaphore, #tpu.memory_space<semaphore_mem>>)
      tpu.wait_dma2 semaphore(%run_scoped3A_163 : memref<!tpu.dma_semaphore, #tpu.memory_space<semaphore_mem>>) src(%arg5 : memref<48x128xf32, #tpu.memory_space<hbm>>) dst(%arg14 : memref<48x128xf32, #tpu.memory_space<vmem>>)
      tpu.yield
    }) : () -> ()
    %add3A_5 = arith.constant 0 : i32
    %add3A_6 = arith.addi %mul3A_2, %add3A_5 : i32
    "tpu.region"() ({
      %run_scoped3A_163 = tpu.sem_alloc : memref<!tpu.dma_semaphore, #tpu.memory_space<semaphore_mem>>
      %dma_start3A_164 = arith.constant 0 : i32
      %dma_start3A_165 = tpu.memref_slice %arg15[%add3A_6, %dma_start3A_164] : memref<10000x128xf32, #tpu.memory_space<vmem_shared>> -> memref<48x128xf32, #tpu.memory_space<vmem_shared>>
      %dma_start3A_166 = arith.constant 0 : i32
      %dma_start3A_167 = tpu.memref_slice %arg15[%add3A_6, %dma_start3A_166] : memref<10000x128xf32, #tpu.memory_space<vmem_shared>> -> memref<48x128xf32, #tpu.memory_space<vmem_shared>>
      tpu.enqueue_dma source(%arg14 : memref<48x128xf32, #tpu.memory_space<vmem>>) target(%dma_start3A_167 : memref<48x128xf32, #tpu.memory_space<vmem_shared>>) target_semaphore(%run_scoped3A_163 : memref<!tpu.dma_semaphore, #tpu.memory_space<semaphore_mem>>)
      %dma_wait3A_168 = arith.constant 0 : i32
      %dma_wait3A_169 = tpu.memref_slice %arg15[%add3A_6, %dma_wait3A_168] : memref<10000x128xf32, #tpu.memory_space<vmem_shared>> -> memref<48x128xf32, #tpu.memory_space<vmem_shared>>
      %dma_wait3A_170 = arith.constant 0 : i32
      %dma_wait3A_171 = tpu.memref_slice %arg15[%add3A_6, %dma_wait3A_170] : memref<10000x128xf32, #tpu.memory_space<vmem_shared>> -> memref<48x128xf32, #tpu.memory_space<vmem_shared>>
      tpu.wait_dma2 semaphore(%run_scoped3A_163 : memref<!tpu.dma_semaphore, #tpu.memory_space<semaphore_mem>>) src(%arg14 : memref<48x128xf32, #tpu.memory_space<vmem>>) dst(%dma_wait3A_171 : memref<48x128xf32, #tpu.memory_space<vmem_shared>>)
      tpu.yield
    }) : () -> ()
    %add3A_7 = arith.constant 48 : i32
    %add3A_8 = arith.addi %mul3A_2, %add3A_7 : i32
    "tpu.region"() ({
      %run_scoped3A_163 = tpu.sem_alloc : memref<!tpu.dma_semaphore, #tpu.memory_space<semaphore_mem>>
      %dma_start3A_164 = arith.constant 0 : i32
      %dma_start3A_165 = tpu.memref_slice %arg15[%add3A_8, %dma_start3A_164] : memref<10000x128xf32, #tpu.memory_space<vmem_shared>> -> memref<48x128xf32, #tpu.memory_space<vmem_shared>>
      %dma_start3A_166 = arith.constant 0 : i32
      %dma_start3A_167 = tpu.memref_slice %arg15[%add3A_8, %dma_start3A_166] : memref<10000x128xf32, #tpu.memory_space<vmem_shared>> -> memref<48x128xf32, #tpu.memory_space<vmem_shared>>
      tpu.enqueue_dma source(%arg14 : memref<48x128xf32, #tpu.memory_space<vmem>>) target(%dma_start3A_167 : memref<48x128xf32, #tpu.memory_space<vmem_shared>>) target_semaphore(%run_scoped3A_163 : memref<!tpu.dma_semaphore, #tpu.memory_space<semaphore_mem>>)
      %dma_wait3A_168 = arith.constant 0 : i32
      %dma_wait3A_169 = tpu.memref_slice %arg15[%add3A_8, %dma_wait3A_168] : memref<10000x128xf32, #tpu.memory_space<vmem_shared>> -> memref<48x128xf32, #tpu.memory_space<vmem_shared>>
      %dma_wait3A_170 = arith.constant 0 : i32
      %dma_wait3A_171 = tpu.memref_slice %arg15[%add3A_8, %dma_wait3A_170] : memref<10000x128xf32, #tpu.memory_space<vmem_shared>> -> memref<48x128xf32, #tpu.memory_space<vmem_shared>>
      tpu.wait_dma2 semaphore(%run_scoped3A_163 : memref<!tpu.dma_semaphore, #tpu.memory_space<semaphore_mem>>) src(%arg14 : memref<48x128xf32, #tpu.memory_space<vmem>>) dst(%dma_wait3A_171 : memref<48x128xf32, #tpu.memory_space<vmem_shared>>)
      tpu.yield
    }) : () -> ()
    %add3A_9 = arith.constant 96 : i32
    %add3A_10 = arith.addi %mul3A_2, %add3A_9 : i32
    "tpu.region"() ({
      %run_scoped3A_163 = tpu.sem_alloc : memref<!tpu.dma_semaphore, #tpu.memory_space<semaphore_mem>>
      %dma_start3A_164 = arith.constant 0 : i32
      %dma_start3A_165 = tpu.memref_slice %arg15[%add3A_10, %dma_start3A_164] : memref<10000x128xf32, #tpu.memory_space<vmem_shared>> -> memref<48x128xf32, #tpu.memory_space<vmem_shared>>
      %dma_start3A_166 = arith.constant 0 : i32
      %dma_start3A_167 = tpu.memref_slice %arg15[%add3A_10, %dma_start3A_166] : memref<10000x128xf32, #tpu.memory_space<vmem_shared>> -> memref<48x128xf32, #tpu.memory_space<vmem_shared>>
      tpu.enqueue_dma source(%arg14 : memref<48x128xf32, #tpu.memory_space<vmem>>) target(%dma_start3A_167 : memref<48x128xf32, #tpu.memory_space<vmem_shared>>) target_semaphore(%run_scoped3A_163 : memref<!tpu.dma_semaphore, #tpu.memory_space<semaphore_mem>>)
      %dma_wait3A_168 = arith.constant 0 : i32
      %dma_wait3A_169 = tpu.memref_slice %arg15[%add3A_10, %dma_wait3A_168] : memref<10000x128xf32, #tpu.memory_space<vmem_shared>> -> memref<48x128xf32, #tpu.memory_space<vmem_shared>>
      %dma_wait3A_170 = arith.constant 0 : i32
      %dma_wait3A_171 = tpu.memref_slice %arg15[%add3A_10, %dma_wait3A_170] : memref<10000x128xf32, #tpu.memory_space<vmem_shared>> -> memref<48x128xf32, #tpu.memory_space<vmem_shared>>
      tpu.wait_dma2 semaphore(%run_scoped3A_163 : memref<!tpu.dma_semaphore, #tpu.memory_space<semaphore_mem>>) src(%arg14 : memref<48x128xf32, #tpu.memory_space<vmem>>) dst(%dma_wait3A_171 : memref<48x128xf32, #tpu.memory_space<vmem_shared>>)
      tpu.yield
    }) : () -> ()
    %add3A_11 = arith.constant 144 : i32
    %add3A_12 = arith.addi %mul3A_2, %add3A_11 : i32
    "tpu.region"() ({
      %run_scoped3A_163 = tpu.sem_alloc : memref<!tpu.dma_semaphore, #tpu.memory_space<semaphore_mem>>
      %dma_start3A_164 = arith.constant 0 : i32
      %dma_start3A_165 = tpu.memref_slice %arg15[%add3A_12, %dma_start3A_164] : memref<10000x128xf32, #tpu.memory_space<vmem_shared>> -> memref<48x128xf32, #tpu.memory_space<vmem_shared>>
      %dma_start3A_166 = arith.constant 0 : i32
      %dma_start3A_167 = tpu.memref_slice %arg15[%add3A_12, %dma_start3A_166] : memref<10000x128xf32, #tpu.memory_space<vmem_shared>> -> memref<48x128xf32, #tpu.memory_space<vmem_shared>>
      tpu.enqueue_dma source(%arg14 : memref<48x128xf32, #tpu.memory_space<vmem>>) target(%dma_start3A_167 : memref<48x128xf32, #tpu.memory_space<vmem_shared>>) target_semaphore(%run_scoped3A_163 : memref<!tpu.dma_semaphore, #tpu.memory_space<semaphore_mem>>)
      %dma_wait3A_168 = arith.constant 0 : i32
      %dma_wait3A_169 = tpu.memref_slice %arg15[%add3A_12, %dma_wait3A_168] : memref<10000x128xf32, #tpu.memory_space<vmem_shared>> -> memref<48x128xf32, #tpu.memory_space<vmem_shared>>
      %dma_wait3A_170 = arith.constant 0 : i32
      %dma_wait3A_171 = tpu.memref_slice %arg15[%add3A_12, %dma_wait3A_170] : memref<10000x128xf32, #tpu.memory_space<vmem_shared>> -> memref<48x128xf32, #tpu.memory_space<vmem_shared>>
      tpu.wait_dma2 semaphore(%run_scoped3A_163 : memref<!tpu.dma_semaphore, #tpu.memory_space<semaphore_mem>>) src(%arg14 : memref<48x128xf32, #tpu.memory_space<vmem>>) dst(%dma_wait3A_171 : memref<48x128xf32, #tpu.memory_space<vmem_shared>>)
      tpu.yield
    }) : () -> ()
    %add3A_13 = arith.constant 192 : i32
    %add3A_14 = arith.addi %mul3A_2, %add3A_13 : i32
    "tpu.region"() ({
      %run_scoped3A_163 = tpu.sem_alloc : memref<!tpu.dma_semaphore, #tpu.memory_space<semaphore_mem>>
      %dma_start3A_164 = arith.constant 0 : i32
      %dma_start3A_165 = tpu.memref_slice %arg15[%add3A_14, %dma_start3A_164] : memref<10000x128xf32, #tpu.memory_space<vmem_shared>> -> memref<48x128xf32, #tpu.memory_space<vmem_shared>>
      %dma_start3A_166 = arith.constant 0 : i32
      %dma_start3A_167 = tpu.memref_slice %arg15[%add3A_14, %dma_start3A_166] : memref<10000x128xf32, #tpu.memory_space<vmem_shared>> -> memref<48x128xf32, #tpu.memory_space<vmem_shared>>
      tpu.enqueue_dma source(%arg14 : memref<48x128xf32, #tpu.memory_space<vmem>>) target(%dma_start3A_167 : memref<48x128xf32, #tpu.memory_space<vmem_shared>>) target_semaphore(%run_scoped3A_163 : memref<!tpu.dma_semaphore, #tpu.memory_space<semaphore_mem>>)
      %dma_wait3A_168 = arith.constant 0 : i32
      %dma_wait3A_169 = tpu.memref_slice %arg15[%add3A_14, %dma_wait3A_168] : memref<10000x128xf32, #tpu.memory_space<vmem_shared>> -> memref<48x128xf32, #tpu.memory_space<vmem_shared>>
      %dma_wait3A_170 = arith.constant 0 : i32
      %dma_wait3A_171 = tpu.memref_slice %arg15[%add3A_14, %dma_wait3A_170] : memref<10000x128xf32, #tpu.memory_space<vmem_shared>> -> memref<48x128xf32, #tpu.memory_space<vmem_shared>>
      tpu.wait_dma2 semaphore(%run_scoped3A_163 : memref<!tpu.dma_semaphore, #tpu.memory_space<semaphore_mem>>) src(%arg14 : memref<48x128xf32, #tpu.memory_space<vmem>>) dst(%dma_wait3A_171 : memref<48x128xf32, #tpu.memory_space<vmem_shared>>)
      tpu.yield
    }) : () -> ()
    %add3A_15 = arith.constant 240 : i32
    %add3A_16 = arith.addi %mul3A_2, %add3A_15 : i32
    "tpu.region"() ({
      %run_scoped3A_163 = tpu.sem_alloc : memref<!tpu.dma_semaphore, #tpu.memory_space<semaphore_mem>>
      %dma_start3A_164 = arith.constant 0 : i32
      %dma_start3A_165 = tpu.memref_slice %arg15[%add3A_16, %dma_start3A_164] : memref<10000x128xf32, #tpu.memory_space<vmem_shared>> -> memref<48x128xf32, #tpu.memory_space<vmem_shared>>
      %dma_start3A_166 = arith.constant 0 : i32
      %dma_start3A_167 = tpu.memref_slice %arg15[%add3A_16, %dma_start3A_166] : memref<10000x128xf32, #tpu.memory_space<vmem_shared>> -> memref<48x128xf32, #tpu.memory_space<vmem_shared>>
      tpu.enqueue_dma source(%arg14 : memref<48x128xf32, #tpu.memory_space<vmem>>) target(%dma_start3A_167 : memref<48x128xf32, #tpu.memory_space<vmem_shared>>) target_semaphore(%run_scoped3A_163 : memref<!tpu.dma_semaphore, #tpu.memory_space<semaphore_mem>>)
      %dma_wait3A_168 = arith.constant 0 : i32
      %dma_wait3A_169 = tpu.memref_slice %arg15[%add3A_16, %dma_wait3A_168] : memref<10000x128xf32, #tpu.memory_space<vmem_shared>> -> memref<48x128xf32, #tpu.memory_space<vmem_shared>>
      %dma_wait3A_170 = arith.constant 0 : i32
      %dma_wait3A_171 = tpu.memref_slice %arg15[%add3A_16, %dma_wait3A_170] : memref<10000x128xf32, #tpu.memory_space<vmem_shared>> -> memref<48x128xf32, #tpu.memory_space<vmem_shared>>
      tpu.wait_dma2 semaphore(%run_scoped3A_163 : memref<!tpu.dma_semaphore, #tpu.memory_space<semaphore_mem>>) src(%arg14 : memref<48x128xf32, #tpu.memory_space<vmem>>) dst(%dma_wait3A_171 : memref<48x128xf32, #tpu.memory_space<vmem_shared>>)
      tpu.yield
    }) : () -> ()
    %add3A_17 = arith.constant 288 : i32
    %add3A_18 = arith.addi %mul3A_2, %add3A_17 : i32
    "tpu.region"() ({
      %run_scoped3A_163 = tpu.sem_alloc : memref<!tpu.dma_semaphore, #tpu.memory_space<semaphore_mem>>
      %dma_start3A_164 = arith.constant 0 : i32
      %dma_start3A_165 = tpu.memref_slice %arg15[%add3A_18, %dma_start3A_164] : memref<10000x128xf32, #tpu.memory_space<vmem_shared>> -> memref<48x128xf32, #tpu.memory_space<vmem_shared>>
      %dma_start3A_166 = arith.constant 0 : i32
      %dma_start3A_167 = tpu.memref_slice %arg15[%add3A_18, %dma_start3A_166] : memref<10000x128xf32, #tpu.memory_space<vmem_shared>> -> memref<48x128xf32, #tpu.memory_space<vmem_shared>>
      tpu.enqueue_dma source(%arg14 : memref<48x128xf32, #tpu.memory_space<vmem>>) target(%dma_start3A_167 : memref<48x128xf32, #tpu.memory_space<vmem_shared>>) target_semaphore(%run_scoped3A_163 : memref<!tpu.dma_semaphore, #tpu.memory_space<semaphore_mem>>)
      %dma_wait3A_168 = arith.constant 0 : i32
      %dma_wait3A_169 = tpu.memref_slice %arg15[%add3A_18, %dma_wait3A_168] : memref<10000x128xf32, #tpu.memory_space<vmem_shared>> -> memref<48x128xf32, #tpu.memory_space<vmem_shared>>
      %dma_wait3A_170 = arith.constant 0 : i32
      %dma_wait3A_171 = tpu.memref_slice %arg15[%add3A_18, %dma_wait3A_170] : memref<10000x128xf32, #tpu.memory_space<vmem_shared>> -> memref<48x128xf32, #tpu.memory_space<vmem_shared>>
      tpu.wait_dma2 semaphore(%run_scoped3A_163 : memref<!tpu.dma_semaphore, #tpu.memory_space<semaphore_mem>>) src(%arg14 : memref<48x128xf32, #tpu.memory_space<vmem>>) dst(%dma_wait3A_171 : memref<48x128xf32, #tpu.memory_space<vmem_shared>>)
      tpu.yield
    }) : () -> ()
    %add3A_19 = arith.constant 336 : i32
    %add3A_20 = arith.addi %mul3A_2, %add3A_19 : i32
    "tpu.region"() ({
      %run_scoped3A_163 = tpu.sem_alloc : memref<!tpu.dma_semaphore, #tpu.memory_space<semaphore_mem>>
      %dma_start3A_164 = arith.constant 0 : i32
      %dma_start3A_165 = tpu.memref_slice %arg15[%add3A_20, %dma_start3A_164] : memref<10000x128xf32, #tpu.memory_space<vmem_shared>> -> memref<48x128xf32, #tpu.memory_space<vmem_shared>>
      %dma_start3A_166 = arith.constant 0 : i32
      %dma_start3A_167 = tpu.memref_slice %arg15[%add3A_20, %dma_start3A_166] : memref<10000x128xf32, #tpu.memory_space<vmem_shared>> -> memref<48x128xf32, #tpu.memory_space<vmem_shared>>
      tpu.enqueue_dma source(%arg14 : memref<48x128xf32, #tpu.memory_space<vmem>>) target(%dma_start3A_167 : memref<48x128xf32, #tpu.memory_space<vmem_shared>>) target_semaphore(%run_scoped3A_163 : memref<!tpu.dma_semaphore, #tpu.memory_space<semaphore_mem>>)
      %dma_wait3A_168 = arith.constant 0 : i32
      %dma_wait3A_169 = tpu.memref_slice %arg15[%add3A_20, %dma_wait3A_168] : memref<10000x128xf32, #tpu.memory_space<vmem_shared>> -> memref<48x128xf32, #tpu.memory_space<vmem_shared>>
      %dma_wait3A_170 = arith.constant 0 : i32
      %dma_wait3A_171 = tpu.memref_slice %arg15[%add3A_20, %dma_wait3A_170] : memref<10000x128xf32, #tpu.memory_space<vmem_shared>> -> memref<48x128xf32, #tpu.memory_space<vmem_shared>>
      tpu.wait_dma2 semaphore(%run_scoped3A_163 : memref<!tpu.dma_semaphore, #tpu.memory_space<semaphore_mem>>) src(%arg14 : memref<48x128xf32, #tpu.memory_space<vmem>>) dst(%dma_wait3A_171 : memref<48x128xf32, #tpu.memory_space<vmem_shared>>)
      tpu.yield
    }) : () -> ()
    %add3A_21 = arith.constant 384 : i32
    %add3A_22 = arith.addi %mul3A_2, %add3A_21 : i32
    "tpu.region"() ({
      %run_scoped3A_163 = tpu.sem_alloc : memref<!tpu.dma_semaphore, #tpu.memory_space<semaphore_mem>>
      %dma_start3A_164 = arith.constant 0 : i32
      %dma_start3A_165 = tpu.memref_slice %arg15[%add3A_22, %dma_start3A_164] : memref<10000x128xf32, #tpu.memory_space<vmem_shared>> -> memref<48x128xf32, #tpu.memory_space<vmem_shared>>
      %dma_start3A_166 = arith.constant 0 : i32
      %dma_start3A_167 = tpu.memref_slice %arg15[%add3A_22, %dma_start3A_166] : memref<10000x128xf32, #tpu.memory_space<vmem_shared>> -> memref<48x128xf32, #tpu.memory_space<vmem_shared>>
      tpu.enqueue_dma source(%arg14 : memref<48x128xf32, #tpu.memory_space<vmem>>) target(%dma_start3A_167 : memref<48x128xf32, #tpu.memory_space<vmem_shared>>) target_semaphore(%run_scoped3A_163 : memref<!tpu.dma_semaphore, #tpu.memory_space<semaphore_mem>>)
      %dma_wait3A_168 = arith.constant 0 : i32
      %dma_wait3A_169 = tpu.memref_slice %arg15[%add3A_22, %dma_wait3A_168] : memref<10000x128xf32, #tpu.memory_space<vmem_shared>> -> memref<48x128xf32, #tpu.memory_space<vmem_shared>>
      %dma_wait3A_170 = arith.constant 0 : i32
      %dma_wait3A_171 = tpu.memref_slice %arg15[%add3A_22, %dma_wait3A_170] : memref<10000x128xf32, #tpu.memory_space<vmem_shared>> -> memref<48x128xf32, #tpu.memory_space<vmem_shared>>
      tpu.wait_dma2 semaphore(%run_scoped3A_163 : memref<!tpu.dma_semaphore, #tpu.memory_space<semaphore_mem>>) src(%arg14 : memref<48x128xf32, #tpu.memory_space<vmem>>) dst(%dma_wait3A_171 : memref<48x128xf32, #tpu.memory_space<vmem_shared>>)
      tpu.yield
    }) : () -> ()
    %add3A_23 = arith.constant 432 : i32
    %add3A_24 = arith.addi %mul3A_2, %add3A_23 : i32
    "tpu.region"() ({
      %run_scoped3A_163 = tpu.sem_alloc : memref<!tpu.dma_semaphore, #tpu.memory_space<semaphore_mem>>
      %dma_start3A_164 = arith.constant 0 : i32
      %dma_start3A_165 = tpu.memref_slice %arg15[%add3A_24, %dma_start3A_164] : memref<10000x128xf32, #tpu.memory_space<vmem_shared>> -> memref<48x128xf32, #tpu.memory_space<vmem_shared>>
      %dma_start3A_166 = arith.constant 0 : i32
      %dma_start3A_167 = tpu.memref_slice %arg15[%add3A_24, %dma_start3A_166] : memref<10000x128xf32, #tpu.memory_space<vmem_shared>> -> memref<48x128xf32, #tpu.memory_space<vmem_shared>>
      tpu.enqueue_dma source(%arg14 : memref<48x128xf32, #tpu.memory_space<vmem>>) target(%dma_start3A_167 : memref<48x128xf32, #tpu.memory_space<vmem_shared>>) target_semaphore(%run_scoped3A_163 : memref<!tpu.dma_semaphore, #tpu.memory_space<semaphore_mem>>)
      %dma_wait3A_168 = arith.constant 0 : i32
      %dma_wait3A_169 = tpu.memref_slice %arg15[%add3A_24, %dma_wait3A_168] : memref<10000x128xf32, #tpu.memory_space<vmem_shared>> -> memref<48x128xf32, #tpu.memory_space<vmem_shared>>
      %dma_wait3A_170 = arith.constant 0 : i32
      %dma_wait3A_171 = tpu.memref_slice %arg15[%add3A_24, %dma_wait3A_170] : memref<10000x128xf32, #tpu.memory_space<vmem_shared>> -> memref<48x128xf32, #tpu.memory_space<vmem_shared>>
      tpu.wait_dma2 semaphore(%run_scoped3A_163 : memref<!tpu.dma_semaphore, #tpu.memory_space<semaphore_mem>>) src(%arg14 : memref<48x128xf32, #tpu.memory_space<vmem>>) dst(%dma_wait3A_171 : memref<48x128xf32, #tpu.memory_space<vmem_shared>>)
      tpu.yield
    }) : () -> ()
    %add3A_25 = arith.constant 480 : i32
    %add3A_26 = arith.addi %mul3A_2, %add3A_25 : i32
    "tpu.region"() ({
      %run_scoped3A_163 = tpu.sem_alloc : memref<!tpu.dma_semaphore, #tpu.memory_space<semaphore_mem>>
      %dma_start3A_164 = arith.constant 0 : i32
      %dma_start3A_165 = tpu.memref_slice %arg15[%add3A_26, %dma_start3A_164] : memref<10000x128xf32, #tpu.memory_space<vmem_shared>> -> memref<48x128xf32, #tpu.memory_space<vmem_shared>>
      %dma_start3A_166 = arith.constant 0 : i32
      %dma_start3A_167 = tpu.memref_slice %arg15[%add3A_26, %dma_start3A_166] : memref<10000x128xf32, #tpu.memory_space<vmem_shared>> -> memref<48x128xf32, #tpu.memory_space<vmem_shared>>
      tpu.enqueue_dma source(%arg14 : memref<48x128xf32, #tpu.memory_space<vmem>>) target(%dma_start3A_167 : memref<48x128xf32, #tpu.memory_space<vmem_shared>>) target_semaphore(%run_scoped3A_163 : memref<!tpu.dma_semaphore, #tpu.memory_space<semaphore_mem>>)
      %dma_wait3A_168 = arith.constant 0 : i32
      %dma_wait3A_169 = tpu.memref_slice %arg15[%add3A_26, %dma_wait3A_168] : memref<10000x128xf32, #tpu.memory_space<vmem_shared>> -> memref<48x128xf32, #tpu.memory_space<vmem_shared>>
      %dma_wait3A_170 = arith.constant 0 : i32
      %dma_wait3A_171 = tpu.memref_slice %arg15[%add3A_26, %dma_wait3A_170] : memref<10000x128xf32, #tpu.memory_space<vmem_shared>> -> memref<48x128xf32, #tpu.memory_space<vmem_shared>>
      tpu.wait_dma2 semaphore(%run_scoped3A_163 : memref<!tpu.dma_semaphore, #tpu.memory_space<semaphore_mem>>) src(%arg14 : memref<48x128xf32, #tpu.memory_space<vmem>>) dst(%dma_wait3A_171 : memref<48x128xf32, #tpu.memory_space<vmem_shared>>)
      tpu.yield
    }) : () -> ()
    %add3A_27 = arith.constant 528 : i32
    %add3A_28 = arith.addi %mul3A_2, %add3A_27 : i32
    "tpu.region"() ({
      %run_scoped3A_163 = tpu.sem_alloc : memref<!tpu.dma_semaphore, #tpu.memory_space<semaphore_mem>>
      %dma_start3A_164 = arith.constant 0 : i32
      %dma_start3A_165 = tpu.memref_slice %arg15[%add3A_28, %dma_start3A_164] : memref<10000x128xf32, #tpu.memory_space<vmem_shared>> -> memref<48x128xf32, #tpu.memory_space<vmem_shared>>
      %dma_start3A_166 = arith.constant 0 : i32
      %dma_start3A_167 = tpu.memref_slice %arg15[%add3A_28, %dma_start3A_166] : memref<10000x128xf32, #tpu.memory_space<vmem_shared>> -> memref<48x128xf32, #tpu.memory_space<vmem_shared>>
      tpu.enqueue_dma source(%arg14 : memref<48x128xf32, #tpu.memory_space<vmem>>) target(%dma_start3A_167 : memref<48x128xf32, #tpu.memory_space<vmem_shared>>) target_semaphore(%run_scoped3A_163 : memref<!tpu.dma_semaphore, #tpu.memory_space<semaphore_mem>>)
      %dma_wait3A_168 = arith.constant 0 : i32
      %dma_wait3A_169 = tpu.memref_slice %arg15[%add3A_28, %dma_wait3A_168] : memref<10000x128xf32, #tpu.memory_space<vmem_shared>> -> memref<48x128xf32, #tpu.memory_space<vmem_shared>>
      %dma_wait3A_170 = arith.constant 0 : i32
      %dma_wait3A_171 = tpu.memref_slice %arg15[%add3A_28, %dma_wait3A_170] : memref<10000x128xf32, #tpu.memory_space<vmem_shared>> -> memref<48x128xf32, #tpu.memory_space<vmem_shared>>
      tpu.wait_dma2 semaphore(%run_scoped3A_163 : memref<!tpu.dma_semaphore, #tpu.memory_space<semaphore_mem>>) src(%arg14 : memref<48x128xf32, #tpu.memory_space<vmem>>) dst(%dma_wait3A_171 : memref<48x128xf32, #tpu.memory_space<vmem_shared>>)
      tpu.yield
    }) : () -> ()
    %add3A_29 = arith.constant 576 : i32
    %add3A_30 = arith.addi %mul3A_2, %add3A_29 : i32
    "tpu.region"() ({
      %run_scoped3A_163 = tpu.sem_alloc : memref<!tpu.dma_semaphore, #tpu.memory_space<semaphore_mem>>
      %dma_start3A_164 = arith.constant 0 : i32
      %dma_start3A_165 = tpu.memref_slice %arg15[%add3A_30, %dma_start3A_164] : memref<10000x128xf32, #tpu.memory_space<vmem_shared>> -> memref<48x128xf32, #tpu.memory_space<vmem_shared>>
      %dma_start3A_166 = arith.constant 0 : i32
      %dma_start3A_167 = tpu.memref_slice %arg15[%add3A_30, %dma_start3A_166] : memref<10000x128xf32, #tpu.memory_space<vmem_shared>> -> memref<48x128xf32, #tpu.memory_space<vmem_shared>>
      tpu.enqueue_dma source(%arg14 : memref<48x128xf32, #tpu.memory_space<vmem>>) target(%dma_start3A_167 : memref<48x128xf32, #tpu.memory_space<vmem_shared>>) target_semaphore(%run_scoped3A_163 : memref<!tpu.dma_semaphore, #tpu.memory_space<semaphore_mem>>)
      %dma_wait3A_168 = arith.constant 0 : i32
      %dma_wait3A_169 = tpu.memref_slice %arg15[%add3A_30, %dma_wait3A_168] : memref<10000x128xf32, #tpu.memory_space<vmem_shared>> -> memref<48x128xf32, #tpu.memory_space<vmem_shared>>
      %dma_wait3A_170 = arith.constant 0 : i32
      %dma_wait3A_171 = tpu.memref_slice %arg15[%add3A_30, %dma_wait3A_170] : memref<10000x128xf32, #tpu.memory_space<vmem_shared>> -> memref<48x128xf32, #tpu.memory_space<vmem_shared>>
      tpu.wait_dma2 semaphore(%run_scoped3A_163 : memref<!tpu.dma_semaphore, #tpu.memory_space<semaphore_mem>>) src(%arg14 : memref<48x128xf32, #tpu.memory_space<vmem>>) dst(%dma_wait3A_171 : memref<48x128xf32, #tpu.memory_space<vmem_shared>>)
      tpu.yield
    }) : () -> ()
    %eq3A = arith.constant 15 : i32
    %eq3A_31 = arith.cmpi eq, %arg1, %eq3A : i32
    %convert_element_type3A = arith.extui %eq3A_31 : i1 to i32
    %cond3A = arith.constant 0 : i32
    %cond3A_32 = arith.cmpi ne, %convert_element_type3A, %cond3A : i32
    scf.if %cond3A_32 {
      "tpu.region"() ({
        %run_scoped3A_163 = tpu.sem_alloc : memref<!tpu.dma_semaphore, #tpu.memory_space<semaphore_mem>>
        %dma_start3A_164 = arith.constant 0 : i32
        %dma_start3A_165 = arith.constant 0 : i32
        %dma_start3A_166 = tpu.memref_slice %arg14[%dma_start3A_164, %dma_start3A_165] : memref<48x128xf32, #tpu.memory_space<vmem>> -> memref<16x128xf32, #tpu.memory_space<vmem>>
        %dma_start3A_167 = arith.constant 9984 : i32
        %dma_start3A_168 = arith.constant 0 : i32
        %dma_start3A_169 = tpu.memref_slice %arg15[%dma_start3A_167, %dma_start3A_168] : memref<10000x128xf32, #tpu.memory_space<vmem_shared>> -> memref<16x128xf32, #tpu.memory_space<vmem_shared>>
        %dma_start3A_170 = arith.constant 9984 : i32
        %dma_start3A_171 = arith.constant 0 : i32
        %dma_start3A_172 = tpu.memref_slice %arg15[%dma_start3A_170, %dma_start3A_171] : memref<10000x128xf32, #tpu.memory_space<vmem_shared>> -> memref<16x128xf32, #tpu.memory_space<vmem_shared>>
        %dma_start3A_173 = arith.constant 0 : i32
        %dma_start3A_174 = arith.constant 0 : i32
        %dma_start3A_175 = tpu.memref_slice %arg14[%dma_start3A_173, %dma_start3A_174] : memref<48x128xf32, #tpu.memory_space<vmem>> -> memref<16x128xf32, #tpu.memory_space<vmem>>
        tpu.enqueue_dma source(%dma_start3A_175 : memref<16x128xf32, #tpu.memory_space<vmem>>) target(%dma_start3A_172 : memref<16x128xf32, #tpu.memory_space<vmem_shared>>) target_semaphore(%run_scoped3A_163 : memref<!tpu.dma_semaphore, #tpu.memory_space<semaphore_mem>>)
        %dma_wait3A_176 = arith.constant 0 : i32
        %dma_wait3A_177 = arith.constant 0 : i32
        %dma_wait3A_178 = tpu.memref_slice %arg14[%dma_wait3A_176, %dma_wait3A_177] : memref<48x128xf32, #tpu.memory_space<vmem>> -> memref<16x128xf32, #tpu.memory_space<vmem>>
        %dma_wait3A_179 = arith.constant 9984 : i32
        %dma_wait3A_180 = arith.constant 0 : i32
        %dma_wait3A_181 = tpu.memref_slice %arg15[%dma_wait3A_179, %dma_wait3A_180] : memref<10000x128xf32, #tpu.memory_space<vmem_shared>> -> memref<16x128xf32, #tpu.memory_space<vmem_shared>>
        %dma_wait3A_182 = arith.constant 9984 : i32
        %dma_wait3A_183 = arith.constant 0 : i32
        %dma_wait3A_184 = tpu.memref_slice %arg15[%dma_wait3A_182, %dma_wait3A_183] : memref<10000x128xf32, #tpu.memory_space<vmem_shared>> -> memref<16x128xf32, #tpu.memory_space<vmem_shared>>
        %dma_wait3A_185 = arith.constant 0 : i32
        %dma_wait3A_186 = arith.constant 0 : i32
        %dma_wait3A_187 = tpu.memref_slice %arg14[%dma_wait3A_185, %dma_wait3A_186] : memref<48x128xf32, #tpu.memory_space<vmem>> -> memref<16x128xf32, #tpu.memory_space<vmem>>
        tpu.wait_dma2 semaphore(%run_scoped3A_163 : memref<!tpu.dma_semaphore, #tpu.memory_space<semaphore_mem>>) src(%dma_wait3A_187 : memref<16x128xf32, #tpu.memory_space<vmem>>) dst(%dma_wait3A_184 : memref<16x128xf32, #tpu.memory_space<vmem_shared>>)
        tpu.yield
      }) : () -> ()
    } else {
    }
    %barrier3A = arith.constant 0 : index
    tpu.barrier barrier_id(%barrier3A)
    %run_scoped3A = arith.constant 0 : i32
    "tpu.region"() ({
      %run_scoped3A_163 = tpu.sem_alloc : memref<!tpu.dma_semaphore, #tpu.memory_space<semaphore_mem>>
      %dma_start3A_164 = arith.constant 0 : i32
      %dma_start3A_165 = tpu.memref_slice %arg7[%run_scoped3A, %dma_start3A_164] : memref<2x128xi32, #tpu.memory_space<vmem>> -> memref<1x128xi32, #tpu.memory_space<vmem>>
      %dma_start3A_166 = tpu.memref_squeeze %dma_start3A_165 : memref<1x128xi32, #tpu.memory_space<vmem>> -> memref<128xi32, #tpu.memory_space<vmem>>
      %dma_start3A_167 = tpu.memref_slice %arg3[%mul3A_4] : memref<320000xi32, #tpu.memory_space<hbm>> -> memref<128xi32, #tpu.memory_space<hbm>>
      %dma_start3A_168 = arith.constant 0 : i32
      %dma_start3A_169 = tpu.memref_slice %arg7[%run_scoped3A, %dma_start3A_168] : memref<2x128xi32, #tpu.memory_space<vmem>> -> memref<1x128xi32, #tpu.memory_space<vmem>>
      %dma_start3A_170 = tpu.memref_squeeze %dma_start3A_169 : memref<1x128xi32, #tpu.memory_space<vmem>> -> memref<128xi32, #tpu.memory_space<vmem>>
      %dma_start3A_171 = tpu.memref_slice %arg3[%mul3A_4] : memref<320000xi32, #tpu.memory_space<hbm>> -> memref<128xi32, #tpu.memory_space<hbm>>
      tpu.enqueue_dma source(%dma_start3A_171 : memref<128xi32, #tpu.memory_space<hbm>>) target(%dma_start3A_170 : memref<128xi32, #tpu.memory_space<vmem>>) target_semaphore(%run_scoped3A_163 : memref<!tpu.dma_semaphore, #tpu.memory_space<semaphore_mem>>)
      %dma_wait3A_172 = arith.constant 0 : i32
      %dma_wait3A_173 = tpu.memref_slice %arg7[%run_scoped3A, %dma_wait3A_172] : memref<2x128xi32, #tpu.memory_space<vmem>> -> memref<1x128xi32, #tpu.memory_space<vmem>>
      %dma_wait3A_174 = tpu.memref_squeeze %dma_wait3A_173 : memref<1x128xi32, #tpu.memory_space<vmem>> -> memref<128xi32, #tpu.memory_space<vmem>>
      %dma_wait3A_175 = tpu.memref_slice %arg3[%mul3A_4] : memref<320000xi32, #tpu.memory_space<hbm>> -> memref<128xi32, #tpu.memory_space<hbm>>
      %dma_wait3A_176 = arith.constant 0 : i32
      %dma_wait3A_177 = tpu.memref_slice %arg7[%run_scoped3A, %dma_wait3A_176] : memref<2x128xi32, #tpu.memory_space<vmem>> -> memref<1x128xi32, #tpu.memory_space<vmem>>
      %dma_wait3A_178 = tpu.memref_squeeze %dma_wait3A_177 : memref<1x128xi32, #tpu.memory_space<vmem>> -> memref<128xi32, #tpu.memory_space<vmem>>
      %dma_wait3A_179 = tpu.memref_slice %arg3[%mul3A_4] : memref<320000xi32, #tpu.memory_space<hbm>> -> memref<128xi32, #tpu.memory_space<hbm>>
      tpu.wait_dma2 semaphore(%run_scoped3A_163 : memref<!tpu.dma_semaphore, #tpu.memory_space<semaphore_mem>>) src(%dma_wait3A_179 : memref<128xi32, #tpu.memory_space<hbm>>) dst(%dma_wait3A_178 : memref<128xi32, #tpu.memory_space<vmem>>)
      tpu.yield
    }) : () -> ()
    %run_scoped3A_33 = arith.constant 0 : i32
    "tpu.region"() ({
      %run_scoped3A_163 = tpu.sem_alloc : memref<!tpu.dma_semaphore, #tpu.memory_space<semaphore_mem>>
      %dma_start3A_164 = arith.constant 0 : i32
      %dma_start3A_165 = tpu.memref_slice %arg8[%run_scoped3A_33, %dma_start3A_164] : memref<2x128xi32, #tpu.memory_space<vmem>> -> memref<1x128xi32, #tpu.memory_space<vmem>>
      %dma_start3A_166 = tpu.memref_squeeze %dma_start3A_165 : memref<1x128xi32, #tpu.memory_space<vmem>> -> memref<128xi32, #tpu.memory_space<vmem>>
      %dma_start3A_167 = tpu.memref_slice %arg4[%mul3A_4] : memref<320000xi32, #tpu.memory_space<hbm>> -> memref<128xi32, #tpu.memory_space<hbm>>
      %dma_start3A_168 = arith.constant 0 : i32
      %dma_start3A_169 = tpu.memref_slice %arg8[%run_scoped3A_33, %dma_start3A_168] : memref<2x128xi32, #tpu.memory_space<vmem>> -> memref<1x128xi32, #tpu.memory_space<vmem>>
      %dma_start3A_170 = tpu.memref_squeeze %dma_start3A_169 : memref<1x128xi32, #tpu.memory_space<vmem>> -> memref<128xi32, #tpu.memory_space<vmem>>
      %dma_start3A_171 = tpu.memref_slice %arg4[%mul3A_4] : memref<320000xi32, #tpu.memory_space<hbm>> -> memref<128xi32, #tpu.memory_space<hbm>>
      tpu.enqueue_dma source(%dma_start3A_171 : memref<128xi32, #tpu.memory_space<hbm>>) target(%dma_start3A_170 : memref<128xi32, #tpu.memory_space<vmem>>) target_semaphore(%run_scoped3A_163 : memref<!tpu.dma_semaphore, #tpu.memory_space<semaphore_mem>>)
      %dma_wait3A_172 = arith.constant 0 : i32
      %dma_wait3A_173 = tpu.memref_slice %arg8[%run_scoped3A_33, %dma_wait3A_172] : memref<2x128xi32, #tpu.memory_space<vmem>> -> memref<1x128xi32, #tpu.memory_space<vmem>>
      %dma_wait3A_174 = tpu.memref_squeeze %dma_wait3A_173 : memref<1x128xi32, #tpu.memory_space<vmem>> -> memref<128xi32, #tpu.memory_space<vmem>>
      %dma_wait3A_175 = tpu.memref_slice %arg4[%mul3A_4] : memref<320000xi32, #tpu.memory_space<hbm>> -> memref<128xi32, #tpu.memory_space<hbm>>
      %dma_wait3A_176 = arith.constant 0 : i32
      %dma_wait3A_177 = tpu.memref_slice %arg8[%run_scoped3A_33, %dma_wait3A_176] : memref<2x128xi32, #tpu.memory_space<vmem>> -> memref<1x128xi32, #tpu.memory_space<vmem>>
      %dma_wait3A_178 = tpu.memref_squeeze %dma_wait3A_177 : memref<1x128xi32, #tpu.memory_space<vmem>> -> memref<128xi32, #tpu.memory_space<vmem>>
      %dma_wait3A_179 = tpu.memref_slice %arg4[%mul3A_4] : memref<320000xi32, #tpu.memory_space<hbm>> -> memref<128xi32, #tpu.memory_space<hbm>>
      tpu.wait_dma2 semaphore(%run_scoped3A_163 : memref<!tpu.dma_semaphore, #tpu.memory_space<semaphore_mem>>) src(%dma_wait3A_179 : memref<128xi32, #tpu.memory_space<hbm>>) dst(%dma_wait3A_178 : memref<128xi32, #tpu.memory_space<vmem>>)
      tpu.yield
    }) : () -> ()
    %dma_start3A = arith.constant 0 : i32
    %dma_start3A_34 = arith.constant 0 : i32
    %dma_start3A_35 = tpu.memref_slice %arg7[%dma_start3A, %dma_start3A_34] : memref<2x128xi32, #tpu.memory_space<vmem>> -> memref<1x128xi32, #tpu.memory_space<vmem>>
    %dma_start3A_36 = tpu.memref_squeeze %dma_start3A_35 : memref<1x128xi32, #tpu.memory_space<vmem>> -> memref<128xi32, #tpu.memory_space<vmem>>
    %dma_start3A_37 = arith.constant 0 : i32
    %dma_start3A_38 = arith.constant 0 : i32
    %dma_start3A_39 = tpu.memref_slice %arg2[%dma_start3A_37, %dma_start3A_38] : memref<10000x128xf32, #tpu.memory_space<hbm>> -> memref<10000x128xf32, #tpu.memory_space<hbm>>
    tpu.enqueue_indirect_dma source(%dma_start3A_39 : memref<10000x128xf32, #tpu.memory_space<hbm>>) target(%arg9 : memref<128x128xf32, #tpu.memory_space<vmem>>) offsets(%dma_start3A_36 : memref<128xi32, #tpu.memory_space<vmem>>) semaphore(%arg16 : memref<!tpu.dma_semaphore, #tpu.memory_space<semaphore_mem>>)
    %add3A_40 = arith.constant 128 : i32
    %add3A_41 = arith.addi %mul3A_4, %add3A_40 : i32
    %run_scoped3A_42 = arith.constant 1 : i32
    "tpu.region"() ({
      %run_scoped3A_163 = tpu.sem_alloc : memref<!tpu.dma_semaphore, #tpu.memory_space<semaphore_mem>>
      %dma_start3A_164 = arith.constant 0 : i32
      %dma_start3A_165 = tpu.memref_slice %arg7[%run_scoped3A_42, %dma_start3A_164] : memref<2x128xi32, #tpu.memory_space<vmem>> -> memref<1x128xi32, #tpu.memory_space<vmem>>
      %dma_start3A_166 = tpu.memref_squeeze %dma_start3A_165 : memref<1x128xi32, #tpu.memory_space<vmem>> -> memref<128xi32, #tpu.memory_space<vmem>>
      %dma_start3A_167 = tpu.memref_slice %arg3[%add3A_41] : memref<320000xi32, #tpu.memory_space<hbm>> -> memref<128xi32, #tpu.memory_space<hbm>>
      %dma_start3A_168 = arith.constant 0 : i32
      %dma_start3A_169 = tpu.memref_slice %arg7[%run_scoped3A_42, %dma_start3A_168] : memref<2x128xi32, #tpu.memory_space<vmem>> -> memref<1x128xi32, #tpu.memory_space<vmem>>
      %dma_start3A_170 = tpu.memref_squeeze %dma_start3A_169 : memref<1x128xi32, #tpu.memory_space<vmem>> -> memref<128xi32, #tpu.memory_space<vmem>>
      %dma_start3A_171 = tpu.memref_slice %arg3[%add3A_41] : memref<320000xi32, #tpu.memory_space<hbm>> -> memref<128xi32, #tpu.memory_space<hbm>>
      tpu.enqueue_dma source(%dma_start3A_171 : memref<128xi32, #tpu.memory_space<hbm>>) target(%dma_start3A_170 : memref<128xi32, #tpu.memory_space<vmem>>) target_semaphore(%run_scoped3A_163 : memref<!tpu.dma_semaphore, #tpu.memory_space<semaphore_mem>>)
      %dma_wait3A_172 = arith.constant 0 : i32
      %dma_wait3A_173 = tpu.memref_slice %arg7[%run_scoped3A_42, %dma_wait3A_172] : memref<2x128xi32, #tpu.memory_space<vmem>> -> memref<1x128xi32, #tpu.memory_space<vmem>>
      %dma_wait3A_174 = tpu.memref_squeeze %dma_wait3A_173 : memref<1x128xi32, #tpu.memory_space<vmem>> -> memref<128xi32, #tpu.memory_space<vmem>>
      %dma_wait3A_175 = tpu.memref_slice %arg3[%add3A_41] : memref<320000xi32, #tpu.memory_space<hbm>> -> memref<128xi32, #tpu.memory_space<hbm>>
      %dma_wait3A_176 = arith.constant 0 : i32
      %dma_wait3A_177 = tpu.memref_slice %arg7[%run_scoped3A_42, %dma_wait3A_176] : memref<2x128xi32, #tpu.memory_space<vmem>> -> memref<1x128xi32, #tpu.memory_space<vmem>>
      %dma_wait3A_178 = tpu.memref_squeeze %dma_wait3A_177 : memref<1x128xi32, #tpu.memory_space<vmem>> -> memref<128xi32, #tpu.memory_space<vmem>>
      %dma_wait3A_179 = tpu.memref_slice %arg3[%add3A_41] : memref<320000xi32, #tpu.memory_space<hbm>> -> memref<128xi32, #tpu.memory_space<hbm>>
      tpu.wait_dma2 semaphore(%run_scoped3A_163 : memref<!tpu.dma_semaphore, #tpu.memory_space<semaphore_mem>>) src(%dma_wait3A_179 : memref<128xi32, #tpu.memory_space<hbm>>) dst(%dma_wait3A_178 : memref<128xi32, #tpu.memory_space<vmem>>)
      tpu.yield
    }) : () -> ()
    %run_scoped3A_43 = arith.constant 1 : i32
    "tpu.region"() ({
      %run_scoped3A_163 = tpu.sem_alloc : memref<!tpu.dma_semaphore, #tpu.memory_space<semaphore_mem>>
      %dma_start3A_164 = arith.constant 0 : i32
      %dma_start3A_165 = tpu.memref_slice %arg8[%run_scoped3A_43, %dma_start3A_164] : memref<2x128xi32, #tpu.memory_space<vmem>> -> memref<1x128xi32, #tpu.memory_space<vmem>>
      %dma_start3A_166 = tpu.memref_squeeze %dma_start3A_165 : memref<1x128xi32, #tpu.memory_space<vmem>> -> memref<128xi32, #tpu.memory_space<vmem>>
      %dma_start3A_167 = tpu.memref_slice %arg4[%add3A_41] : memref<320000xi32, #tpu.memory_space<hbm>> -> memref<128xi32, #tpu.memory_space<hbm>>
      %dma_start3A_168 = arith.constant 0 : i32
      %dma_start3A_169 = tpu.memref_slice %arg8[%run_scoped3A_43, %dma_start3A_168] : memref<2x128xi32, #tpu.memory_space<vmem>> -> memref<1x128xi32, #tpu.memory_space<vmem>>
      %dma_start3A_170 = tpu.memref_squeeze %dma_start3A_169 : memref<1x128xi32, #tpu.memory_space<vmem>> -> memref<128xi32, #tpu.memory_space<vmem>>
      %dma_start3A_171 = tpu.memref_slice %arg4[%add3A_41] : memref<320000xi32, #tpu.memory_space<hbm>> -> memref<128xi32, #tpu.memory_space<hbm>>
      tpu.enqueue_dma source(%dma_start3A_171 : memref<128xi32, #tpu.memory_space<hbm>>) target(%dma_start3A_170 : memref<128xi32, #tpu.memory_space<vmem>>) target_semaphore(%run_scoped3A_163 : memref<!tpu.dma_semaphore, #tpu.memory_space<semaphore_mem>>)
      %dma_wait3A_172 = arith.constant 0 : i32
      %dma_wait3A_173 = tpu.memref_slice %arg8[%run_scoped3A_43, %dma_wait3A_172] : memref<2x128xi32, #tpu.memory_space<vmem>> -> memref<1x128xi32, #tpu.memory_space<vmem>>
      %dma_wait3A_174 = tpu.memref_squeeze %dma_wait3A_173 : memref<1x128xi32, #tpu.memory_space<vmem>> -> memref<128xi32, #tpu.memory_space<vmem>>
      %dma_wait3A_175 = tpu.memref_slice %arg4[%add3A_41] : memref<320000xi32, #tpu.memory_space<hbm>> -> memref<128xi32, #tpu.memory_space<hbm>>
      %dma_wait3A_176 = arith.constant 0 : i32
      %dma_wait3A_177 = tpu.memref_slice %arg8[%run_scoped3A_43, %dma_wait3A_176] : memref<2x128xi32, #tpu.memory_space<vmem>> -> memref<1x128xi32, #tpu.memory_space<vmem>>
      %dma_wait3A_178 = tpu.memref_squeeze %dma_wait3A_177 : memref<1x128xi32, #tpu.memory_space<vmem>> -> memref<128xi32, #tpu.memory_space<vmem>>
      %dma_wait3A_179 = tpu.memref_slice %arg4[%add3A_41] : memref<320000xi32, #tpu.memory_space<hbm>> -> memref<128xi32, #tpu.memory_space<hbm>>
      tpu.wait_dma2 semaphore(%run_scoped3A_163 : memref<!tpu.dma_semaphore, #tpu.memory_space<semaphore_mem>>) src(%dma_wait3A_179 : memref<128xi32, #tpu.memory_space<hbm>>) dst(%dma_wait3A_178 : memref<128xi32, #tpu.memory_space<vmem>>)
      tpu.yield
    }) : () -> ()
    %dma_start3A_44 = arith.constant 1 : i32
    %dma_start3A_45 = arith.constant 0 : i32
    %dma_start3A_46 = tpu.memref_slice %arg7[%dma_start3A_44, %dma_start3A_45] : memref<2x128xi32, #tpu.memory_space<vmem>> -> memref<1x128xi32, #tpu.memory_space<vmem>>
    %dma_start3A_47 = tpu.memref_squeeze %dma_start3A_46 : memref<1x128xi32, #tpu.memory_space<vmem>> -> memref<128xi32, #tpu.memory_space<vmem>>
    %dma_start3A_48 = arith.constant 0 : i32
    %dma_start3A_49 = arith.constant 0 : i32
    %dma_start3A_50 = tpu.memref_slice %arg2[%dma_start3A_48, %dma_start3A_49] : memref<10000x128xf32, #tpu.memory_space<hbm>> -> memref<10000x128xf32, #tpu.memory_space<hbm>>
    tpu.enqueue_indirect_dma source(%dma_start3A_50 : memref<10000x128xf32, #tpu.memory_space<hbm>>) target(%arg10 : memref<128x128xf32, #tpu.memory_space<vmem>>) offsets(%dma_start3A_47 : memref<128xi32, #tpu.memory_space<vmem>>) semaphore(%arg17 : memref<!tpu.dma_semaphore, #tpu.memory_space<semaphore_mem>>)
    %scan3A = arith.constant 0 : i32
    %scan3A_51 = arith.constant 0 : i32
    %scan3A_52 = arith.constant 38 : i32
    %scan3A_53 = arith.addi %scan3A_51, %scan3A_52 : i32
    %scan3A_54 = arith.constant 1 : i32
    scf.for %scan3A_163 = %scan3A_51 to %scan3A_53 step %scan3A_54  : i32 {
      %mul3A_164 = arith.constant 2 : i32
      %mul3A_165 = arith.muli %mul3A_164, %scan3A_163 : i32
      %dma_wait3A_166 = arith.constant 0 : i32
      %dma_wait3A_167 = arith.constant 0 : i32
      %dma_wait3A_168 = tpu.memref_slice %arg7[%dma_wait3A_166, %dma_wait3A_167] : memref<2x128xi32, #tpu.memory_space<vmem>> -> memref<1x128xi32, #tpu.memory_space<vmem>>
      %dma_wait3A_169 = tpu.memref_squeeze %dma_wait3A_168 : memref<1x128xi32, #tpu.memory_space<vmem>> -> memref<128xi32, #tpu.memory_space<vmem>>
      %dma_wait3A_170 = arith.constant 0 : i32
      %dma_wait3A_171 = arith.constant 0 : i32
      %dma_wait3A_172 = tpu.memref_slice %arg2[%dma_wait3A_170, %dma_wait3A_171] : memref<10000x128xf32, #tpu.memory_space<hbm>> -> memref<10000x128xf32, #tpu.memory_space<hbm>>
      tpu.wait_indirect_dma semaphore(%arg16 : memref<!tpu.dma_semaphore, #tpu.memory_space<semaphore_mem>>) src(%dma_wait3A_172 : memref<10000x128xf32, #tpu.memory_space<hbm>>) dst(%arg9 : memref<128x128xf32, #tpu.memory_space<vmem>>)
      %dma_start3A_173 = arith.constant 0 : i32
      %dma_start3A_174 = arith.constant 0 : i32
      %dma_start3A_175 = tpu.memref_slice %arg8[%dma_start3A_173, %dma_start3A_174] : memref<2x128xi32, #tpu.memory_space<vmem>> -> memref<1x128xi32, #tpu.memory_space<vmem>>
      %dma_start3A_176 = tpu.memref_squeeze %dma_start3A_175 : memref<1x128xi32, #tpu.memory_space<vmem>> -> memref<128xi32, #tpu.memory_space<vmem>>
      %dma_start3A_177 = arith.constant 0 : i32
      %dma_start3A_178 = arith.constant 0 : i32
      %dma_start3A_179 = tpu.memref_slice %arg15[%dma_start3A_177, %dma_start3A_178] : memref<10000x128xf32, #tpu.memory_space<vmem_shared>> -> memref<10000x128xf32, #tpu.memory_space<vmem_shared>>
      tpu.enqueue_indirect_dma source(%arg9 : memref<128x128xf32, #tpu.memory_space<vmem>>) target(%dma_start3A_179 : memref<10000x128xf32, #tpu.memory_space<vmem_shared>>) offsets(%dma_start3A_176 : memref<128xi32, #tpu.memory_space<vmem>>) semaphore(%arg18 : memref<!tpu.dma_semaphore, #tpu.memory_space<semaphore_mem>>) {add = true}
      %dma_wait3A_180 = arith.constant 1 : i32
      %dma_wait3A_181 = arith.constant 0 : i32
      %dma_wait3A_182 = tpu.memref_slice %arg7[%dma_wait3A_180, %dma_wait3A_181] : memref<2x128xi32, #tpu.memory_space<vmem>> -> memref<1x128xi32, #tpu.memory_space<vmem>>
      %dma_wait3A_183 = tpu.memref_squeeze %dma_wait3A_182 : memref<1x128xi32, #tpu.memory_space<vmem>> -> memref<128xi32, #tpu.memory_space<vmem>>
      %dma_wait3A_184 = arith.constant 0 : i32
      %dma_wait3A_185 = arith.constant 0 : i32
      %dma_wait3A_186 = tpu.memref_slice %arg2[%dma_wait3A_184, %dma_wait3A_185] : memref<10000x128xf32, #tpu.memory_space<hbm>> -> memref<10000x128xf32, #tpu.memory_space<hbm>>
      tpu.wait_indirect_dma semaphore(%arg17 : memref<!tpu.dma_semaphore, #tpu.memory_space<semaphore_mem>>) src(%dma_wait3A_186 : memref<10000x128xf32, #tpu.memory_space<hbm>>) dst(%arg10 : memref<128x128xf32, #tpu.memory_space<vmem>>)
      %dma_start3A_187 = arith.constant 1 : i32
      %dma_start3A_188 = arith.constant 0 : i32
      %dma_start3A_189 = tpu.memref_slice %arg8[%dma_start3A_187, %dma_start3A_188] : memref<2x128xi32, #tpu.memory_space<vmem>> -> memref<1x128xi32, #tpu.memory_space<vmem>>
      %dma_start3A_190 = tpu.memref_squeeze %dma_start3A_189 : memref<1x128xi32, #tpu.memory_space<vmem>> -> memref<128xi32, #tpu.memory_space<vmem>>
      %dma_start3A_191 = arith.constant 0 : i32
      %dma_start3A_192 = arith.constant 0 : i32
      %dma_start3A_193 = tpu.memref_slice %arg15[%dma_start3A_191, %dma_start3A_192] : memref<10000x128xf32, #tpu.memory_space<vmem_shared>> -> memref<10000x128xf32, #tpu.memory_space<vmem_shared>>
      tpu.enqueue_indirect_dma source(%arg10 : memref<128x128xf32, #tpu.memory_space<vmem>>) target(%dma_start3A_193 : memref<10000x128xf32, #tpu.memory_space<vmem_shared>>) offsets(%dma_start3A_190 : memref<128xi32, #tpu.memory_space<vmem>>) semaphore(%arg19 : memref<!tpu.dma_semaphore, #tpu.memory_space<semaphore_mem>>) {add = true}
      %dma_wait3A_194 = arith.constant 0 : i32
      %dma_wait3A_195 = arith.constant 0 : i32
      %dma_wait3A_196 = tpu.memref_slice %arg8[%dma_wait3A_194, %dma_wait3A_195] : memref<2x128xi32, #tpu.memory_space<vmem>> -> memref<1x128xi32, #tpu.memory_space<vmem>>
      %dma_wait3A_197 = tpu.memref_squeeze %dma_wait3A_196 : memref<1x128xi32, #tpu.memory_space<vmem>> -> memref<128xi32, #tpu.memory_space<vmem>>
      %dma_wait3A_198 = arith.constant 0 : i32
      %dma_wait3A_199 = arith.constant 0 : i32
      %dma_wait3A_200 = tpu.memref_slice %arg15[%dma_wait3A_198, %dma_wait3A_199] : memref<10000x128xf32, #tpu.memory_space<vmem_shared>> -> memref<10000x128xf32, #tpu.memory_space<vmem_shared>>
      tpu.wait_indirect_dma semaphore(%arg18 : memref<!tpu.dma_semaphore, #tpu.memory_space<semaphore_mem>>) src(%arg9 : memref<128x128xf32, #tpu.memory_space<vmem>>) dst(%dma_wait3A_200 : memref<10000x128xf32, #tpu.memory_space<vmem_shared>>)
      %add3A_201 = arith.constant 2 : i32
      %add3A_202 = arith.addi %mul3A_165, %add3A_201 : i32
      %mul3A_203 = arith.constant 128 : i32
      %mul3A_204 = arith.muli %add3A_202, %mul3A_203 : i32
      %add3A_205 = arith.addi %mul3A_4, %mul3A_204 : i32
      %run_scoped3A_206 = arith.constant 0 : i32
      "tpu.region"() ({
        %run_scoped3A_236 = tpu.sem_alloc : memref<!tpu.dma_semaphore, #tpu.memory_space<semaphore_mem>>
        %dma_start3A_237 = arith.constant 0 : i32
        %dma_start3A_238 = tpu.memref_slice %arg7[%run_scoped3A_206, %dma_start3A_237] : memref<2x128xi32, #tpu.memory_space<vmem>> -> memref<1x128xi32, #tpu.memory_space<vmem>>
        %dma_start3A_239 = tpu.memref_squeeze %dma_start3A_238 : memref<1x128xi32, #tpu.memory_space<vmem>> -> memref<128xi32, #tpu.memory_space<vmem>>
        %dma_start3A_240 = tpu.memref_slice %arg3[%add3A_205] : memref<320000xi32, #tpu.memory_space<hbm>> -> memref<128xi32, #tpu.memory_space<hbm>>
        %dma_start3A_241 = arith.constant 0 : i32
        %dma_start3A_242 = tpu.memref_slice %arg7[%run_scoped3A_206, %dma_start3A_241] : memref<2x128xi32, #tpu.memory_space<vmem>> -> memref<1x128xi32, #tpu.memory_space<vmem>>
        %dma_start3A_243 = tpu.memref_squeeze %dma_start3A_242 : memref<1x128xi32, #tpu.memory_space<vmem>> -> memref<128xi32, #tpu.memory_space<vmem>>
        %dma_start3A_244 = tpu.memref_slice %arg3[%add3A_205] : memref<320000xi32, #tpu.memory_space<hbm>> -> memref<128xi32, #tpu.memory_space<hbm>>
        tpu.enqueue_dma source(%dma_start3A_244 : memref<128xi32, #tpu.memory_space<hbm>>) target(%dma_start3A_243 : memref<128xi32, #tpu.memory_space<vmem>>) target_semaphore(%run_scoped3A_236 : memref<!tpu.dma_semaphore, #tpu.memory_space<semaphore_mem>>)
        %dma_wait3A_245 = arith.constant 0 : i32
        %dma_wait3A_246 = tpu.memref_slice %arg7[%run_scoped3A_206, %dma_wait3A_245] : memref<2x128xi32, #tpu.memory_space<vmem>> -> memref<1x128xi32, #tpu.memory_space<vmem>>
        %dma_wait3A_247 = tpu.memref_squeeze %dma_wait3A_246 : memref<1x128xi32, #tpu.memory_space<vmem>> -> memref<128xi32, #tpu.memory_space<vmem>>
        %dma_wait3A_248 = tpu.memref_slice %arg3[%add3A_205] : memref<320000xi32, #tpu.memory_space<hbm>> -> memref<128xi32, #tpu.memory_space<hbm>>
        %dma_wait3A_249 = arith.constant 0 : i32
        %dma_wait3A_250 = tpu.memref_slice %arg7[%run_scoped3A_206, %dma_wait3A_249] : memref<2x128xi32, #tpu.memory_space<vmem>> -> memref<1x128xi32, #tpu.memory_space<vmem>>
        %dma_wait3A_251 = tpu.memref_squeeze %dma_wait3A_250 : memref<1x128xi32, #tpu.memory_space<vmem>> -> memref<128xi32, #tpu.memory_space<vmem>>
        %dma_wait3A_252 = tpu.memref_slice %arg3[%add3A_205] : memref<320000xi32, #tpu.memory_space<hbm>> -> memref<128xi32, #tpu.memory_space<hbm>>
        tpu.wait_dma2 semaphore(%run_scoped3A_236 : memref<!tpu.dma_semaphore, #tpu.memory_space<semaphore_mem>>) src(%dma_wait3A_252 : memref<128xi32, #tpu.memory_space<hbm>>) dst(%dma_wait3A_251 : memref<128xi32, #tpu.memory_space<vmem>>)
        tpu.yield
      }) : () -> ()
      %run_scoped3A_207 = arith.constant 0 : i32
      "tpu.region"() ({
        %run_scoped3A_236 = tpu.sem_alloc : memref<!tpu.dma_semaphore, #tpu.memory_space<semaphore_mem>>
        %dma_start3A_237 = arith.constant 0 : i32
        %dma_start3A_238 = tpu.memref_slice %arg8[%run_scoped3A_207, %dma_start3A_237] : memref<2x128xi32, #tpu.memory_space<vmem>> -> memref<1x128xi32, #tpu.memory_space<vmem>>
        %dma_start3A_239 = tpu.memref_squeeze %dma_start3A_238 : memref<1x128xi32, #tpu.memory_space<vmem>> -> memref<128xi32, #tpu.memory_space<vmem>>
        %dma_start3A_240 = tpu.memref_slice %arg4[%add3A_205] : memref<320000xi32, #tpu.memory_space<hbm>> -> memref<128xi32, #tpu.memory_space<hbm>>
        %dma_start3A_241 = arith.constant 0 : i32
        %dma_start3A_242 = tpu.memref_slice %arg8[%run_scoped3A_207, %dma_start3A_241] : memref<2x128xi32, #tpu.memory_space<vmem>> -> memref<1x128xi32, #tpu.memory_space<vmem>>
        %dma_start3A_243 = tpu.memref_squeeze %dma_start3A_242 : memref<1x128xi32, #tpu.memory_space<vmem>> -> memref<128xi32, #tpu.memory_space<vmem>>
        %dma_start3A_244 = tpu.memref_slice %arg4[%add3A_205] : memref<320000xi32, #tpu.memory_space<hbm>> -> memref<128xi32, #tpu.memory_space<hbm>>
        tpu.enqueue_dma source(%dma_start3A_244 : memref<128xi32, #tpu.memory_space<hbm>>) target(%dma_start3A_243 : memref<128xi32, #tpu.memory_space<vmem>>) target_semaphore(%run_scoped3A_236 : memref<!tpu.dma_semaphore, #tpu.memory_space<semaphore_mem>>)
        %dma_wait3A_245 = arith.constant 0 : i32
        %dma_wait3A_246 = tpu.memref_slice %arg8[%run_scoped3A_207, %dma_wait3A_245] : memref<2x128xi32, #tpu.memory_space<vmem>> -> memref<1x128xi32, #tpu.memory_space<vmem>>
        %dma_wait3A_247 = tpu.memref_squeeze %dma_wait3A_246 : memref<1x128xi32, #tpu.memory_space<vmem>> -> memref<128xi32, #tpu.memory_space<vmem>>
        %dma_wait3A_248 = tpu.memref_slice %arg4[%add3A_205] : memref<320000xi32, #tpu.memory_space<hbm>> -> memref<128xi32, #tpu.memory_space<hbm>>
        %dma_wait3A_249 = arith.constant 0 : i32
        %dma_wait3A_250 = tpu.memref_slice %arg8[%run_scoped3A_207, %dma_wait3A_249] : memref<2x128xi32, #tpu.memory_space<vmem>> -> memref<1x128xi32, #tpu.memory_space<vmem>>
        %dma_wait3A_251 = tpu.memref_squeeze %dma_wait3A_250 : memref<1x128xi32, #tpu.memory_space<vmem>> -> memref<128xi32, #tpu.memory_space<vmem>>
        %dma_wait3A_252 = tpu.memref_slice %arg4[%add3A_205] : memref<320000xi32, #tpu.memory_space<hbm>> -> memref<128xi32, #tpu.memory_space<hbm>>
        tpu.wait_dma2 semaphore(%run_scoped3A_236 : memref<!tpu.dma_semaphore, #tpu.memory_space<semaphore_mem>>) src(%dma_wait3A_252 : memref<128xi32, #tpu.memory_space<hbm>>) dst(%dma_wait3A_251 : memref<128xi32, #tpu.memory_space<vmem>>)
        tpu.yield
      }) : () -> ()
      %dma_start3A_208 = arith.constant 0 : i32
      %dma_start3A_209 = arith.constant 0 : i32
      %dma_start3A_210 = tpu.memref_slice %arg7[%dma_start3A_208, %dma_start3A_209] : memref<2x128xi32, #tpu.memory_space<vmem>> -> memref<1x128xi32, #tpu.memory_space<vmem>>
      %dma_start3A_211 = tpu.memref_squeeze %dma_start3A_210 : memref<1x128xi32, #tpu.memory_space<vmem>> -> memref<128xi32, #tpu.memory_space<vmem>>
      %dma_start3A_212 = arith.constant 0 : i32
      %dma_start3A_213 = arith.constant 0 : i32
      %dma_start3A_214 = tpu.memref_slice %arg2[%dma_start3A_212, %dma_start3A_213] : memref<10000x128xf32, #tpu.memory_space<hbm>> -> memref<10000x128xf32, #tpu.memory_space<hbm>>
      tpu.enqueue_indirect_dma source(%dma_start3A_214 : memref<10000x128xf32, #tpu.memory_space<hbm>>) target(%arg9 : memref<128x128xf32, #tpu.memory_space<vmem>>) offsets(%dma_start3A_211 : memref<128xi32, #tpu.memory_space<vmem>>) semaphore(%arg16 : memref<!tpu.dma_semaphore, #tpu.memory_space<semaphore_mem>>)
      %dma_wait3A_215 = arith.constant 1 : i32
      %dma_wait3A_216 = arith.constant 0 : i32
      %dma_wait3A_217 = tpu.memref_slice %arg8[%dma_wait3A_215, %dma_wait3A_216] : memref<2x128xi32, #tpu.memory_space<vmem>> -> memref<1x128xi32, #tpu.memory_space<vmem>>
      %dma_wait3A_218 = tpu.memref_squeeze %dma_wait3A_217 : memref<1x128xi32, #tpu.memory_space<vmem>> -> memref<128xi32, #tpu.memory_space<vmem>>
      %dma_wait3A_219 = arith.constant 0 : i32
      %dma_wait3A_220 = arith.constant 0 : i32
      %dma_wait3A_221 = tpu.memref_slice %arg15[%dma_wait3A_219, %dma_wait3A_220] : memref<10000x128xf32, #tpu.memory_space<vmem_shared>> -> memref<10000x128xf32, #tpu.memory_space<vmem_shared>>
      tpu.wait_indirect_dma semaphore(%arg19 : memref<!tpu.dma_semaphore, #tpu.memory_space<semaphore_mem>>) src(%arg10 : memref<128x128xf32, #tpu.memory_space<vmem>>) dst(%dma_wait3A_221 : memref<10000x128xf32, #tpu.memory_space<vmem_shared>>)
      %add3A_222 = arith.constant 3 : i32
      %add3A_223 = arith.addi %mul3A_165, %add3A_222 : i32
      %mul3A_224 = arith.constant 128 : i32
      %mul3A_225 = arith.muli %add3A_223, %mul3A_224 : i32
      %add3A_226 = arith.addi %mul3A_4, %mul3A_225 : i32
      %run_scoped3A_227 = arith.constant 1 : i32
      "tpu.region"() ({
        %run_scoped3A_236 = tpu.sem_alloc : memref<!tpu.dma_semaphore, #tpu.memory_space<semaphore_mem>>
        %dma_start3A_237 = arith.constant 0 : i32
        %dma_start3A_238 = tpu.memref_slice %arg7[%run_scoped3A_227, %dma_start3A_237] : memref<2x128xi32, #tpu.memory_space<vmem>> -> memref<1x128xi32, #tpu.memory_space<vmem>>
        %dma_start3A_239 = tpu.memref_squeeze %dma_start3A_238 : memref<1x128xi32, #tpu.memory_space<vmem>> -> memref<128xi32, #tpu.memory_space<vmem>>
        %dma_start3A_240 = tpu.memref_slice %arg3[%add3A_226] : memref<320000xi32, #tpu.memory_space<hbm>> -> memref<128xi32, #tpu.memory_space<hbm>>
        %dma_start3A_241 = arith.constant 0 : i32
        %dma_start3A_242 = tpu.memref_slice %arg7[%run_scoped3A_227, %dma_start3A_241] : memref<2x128xi32, #tpu.memory_space<vmem>> -> memref<1x128xi32, #tpu.memory_space<vmem>>
        %dma_start3A_243 = tpu.memref_squeeze %dma_start3A_242 : memref<1x128xi32, #tpu.memory_space<vmem>> -> memref<128xi32, #tpu.memory_space<vmem>>
        %dma_start3A_244 = tpu.memref_slice %arg3[%add3A_226] : memref<320000xi32, #tpu.memory_space<hbm>> -> memref<128xi32, #tpu.memory_space<hbm>>
        tpu.enqueue_dma source(%dma_start3A_244 : memref<128xi32, #tpu.memory_space<hbm>>) target(%dma_start3A_243 : memref<128xi32, #tpu.memory_space<vmem>>) target_semaphore(%run_scoped3A_236 : memref<!tpu.dma_semaphore, #tpu.memory_space<semaphore_mem>>)
        %dma_wait3A_245 = arith.constant 0 : i32
        %dma_wait3A_246 = tpu.memref_slice %arg7[%run_scoped3A_227, %dma_wait3A_245] : memref<2x128xi32, #tpu.memory_space<vmem>> -> memref<1x128xi32, #tpu.memory_space<vmem>>
        %dma_wait3A_247 = tpu.memref_squeeze %dma_wait3A_246 : memref<1x128xi32, #tpu.memory_space<vmem>> -> memref<128xi32, #tpu.memory_space<vmem>>
        %dma_wait3A_248 = tpu.memref_slice %arg3[%add3A_226] : memref<320000xi32, #tpu.memory_space<hbm>> -> memref<128xi32, #tpu.memory_space<hbm>>
        %dma_wait3A_249 = arith.constant 0 : i32
        %dma_wait3A_250 = tpu.memref_slice %arg7[%run_scoped3A_227, %dma_wait3A_249] : memref<2x128xi32, #tpu.memory_space<vmem>> -> memref<1x128xi32, #tpu.memory_space<vmem>>
        %dma_wait3A_251 = tpu.memref_squeeze %dma_wait3A_250 : memref<1x128xi32, #tpu.memory_space<vmem>> -> memref<128xi32, #tpu.memory_space<vmem>>
        %dma_wait3A_252 = tpu.memref_slice %arg3[%add3A_226] : memref<320000xi32, #tpu.memory_space<hbm>> -> memref<128xi32, #tpu.memory_space<hbm>>
        tpu.wait_dma2 semaphore(%run_scoped3A_236 : memref<!tpu.dma_semaphore, #tpu.memory_space<semaphore_mem>>) src(%dma_wait3A_252 : memref<128xi32, #tpu.memory_space<hbm>>) dst(%dma_wait3A_251 : memref<128xi32, #tpu.memory_space<vmem>>)
        tpu.yield
      }) : () -> ()
      %run_scoped3A_228 = arith.constant 1 : i32
      "tpu.region"() ({
        %run_scoped3A_236 = tpu.sem_alloc : memref<!tpu.dma_semaphore, #tpu.memory_space<semaphore_mem>>
        %dma_start3A_237 = arith.constant 0 : i32
        %dma_start3A_238 = tpu.memref_slice %arg8[%run_scoped3A_228, %dma_start3A_237] : memref<2x128xi32, #tpu.memory_space<vmem>> -> memref<1x128xi32, #tpu.memory_space<vmem>>
        %dma_start3A_239 = tpu.memref_squeeze %dma_start3A_238 : memref<1x128xi32, #tpu.memory_space<vmem>> -> memref<128xi32, #tpu.memory_space<vmem>>
        %dma_start3A_240 = tpu.memref_slice %arg4[%add3A_226] : memref<320000xi32, #tpu.memory_space<hbm>> -> memref<128xi32, #tpu.memory_space<hbm>>
        %dma_start3A_241 = arith.constant 0 : i32
        %dma_start3A_242 = tpu.memref_slice %arg8[%run_scoped3A_228, %dma_start3A_241] : memref<2x128xi32, #tpu.memory_space<vmem>> -> memref<1x128xi32, #tpu.memory_space<vmem>>
        %dma_start3A_243 = tpu.memref_squeeze %dma_start3A_242 : memref<1x128xi32, #tpu.memory_space<vmem>> -> memref<128xi32, #tpu.memory_space<vmem>>
        %dma_start3A_244 = tpu.memref_slice %arg4[%add3A_226] : memref<320000xi32, #tpu.memory_space<hbm>> -> memref<128xi32, #tpu.memory_space<hbm>>
        tpu.enqueue_dma source(%dma_start3A_244 : memref<128xi32, #tpu.memory_space<hbm>>) target(%dma_start3A_243 : memref<128xi32, #tpu.memory_space<vmem>>) target_semaphore(%run_scoped3A_236 : memref<!tpu.dma_semaphore, #tpu.memory_space<semaphore_mem>>)
        %dma_wait3A_245 = arith.constant 0 : i32
        %dma_wait3A_246 = tpu.memref_slice %arg8[%run_scoped3A_228, %dma_wait3A_245] : memref<2x128xi32, #tpu.memory_space<vmem>> -> memref<1x128xi32, #tpu.memory_space<vmem>>
        %dma_wait3A_247 = tpu.memref_squeeze %dma_wait3A_246 : memref<1x128xi32, #tpu.memory_space<vmem>> -> memref<128xi32, #tpu.memory_space<vmem>>
        %dma_wait3A_248 = tpu.memref_slice %arg4[%add3A_226] : memref<320000xi32, #tpu.memory_space<hbm>> -> memref<128xi32, #tpu.memory_space<hbm>>
        %dma_wait3A_249 = arith.constant 0 : i32
        %dma_wait3A_250 = tpu.memref_slice %arg8[%run_scoped3A_228, %dma_wait3A_249] : memref<2x128xi32, #tpu.memory_space<vmem>> -> memref<1x128xi32, #tpu.memory_space<vmem>>
        %dma_wait3A_251 = tpu.memref_squeeze %dma_wait3A_250 : memref<1x128xi32, #tpu.memory_space<vmem>> -> memref<128xi32, #tpu.memory_space<vmem>>
        %dma_wait3A_252 = tpu.memref_slice %arg4[%add3A_226] : memref<320000xi32, #tpu.memory_space<hbm>> -> memref<128xi32, #tpu.memory_space<hbm>>
        tpu.wait_dma2 semaphore(%run_scoped3A_236 : memref<!tpu.dma_semaphore, #tpu.memory_space<semaphore_mem>>) src(%dma_wait3A_252 : memref<128xi32, #tpu.memory_space<hbm>>) dst(%dma_wait3A_251 : memref<128xi32, #tpu.memory_space<vmem>>)
        tpu.yield
      }) : () -> ()
      %dma_start3A_229 = arith.constant 1 : i32
      %dma_start3A_230 = arith.constant 0 : i32
      %dma_start3A_231 = tpu.memref_slice %arg7[%dma_start3A_229, %dma_start3A_230] : memref<2x128xi32, #tpu.memory_space<vmem>> -> memref<1x128xi32, #tpu.memory_space<vmem>>
      %dma_start3A_232 = tpu.memref_squeeze %dma_start3A_231 : memref<1x128xi32, #tpu.memory_space<vmem>> -> memref<128xi32, #tpu.memory_space<vmem>>
      %dma_start3A_233 = arith.constant 0 : i32
      %dma_start3A_234 = arith.constant 0 : i32
      %dma_start3A_235 = tpu.memref_slice %arg2[%dma_start3A_233, %dma_start3A_234] : memref<10000x128xf32, #tpu.memory_space<hbm>> -> memref<10000x128xf32, #tpu.memory_space<hbm>>
      tpu.enqueue_indirect_dma source(%dma_start3A_235 : memref<10000x128xf32, #tpu.memory_space<hbm>>) target(%arg10 : memref<128x128xf32, #tpu.memory_space<vmem>>) offsets(%dma_start3A_232 : memref<128xi32, #tpu.memory_space<vmem>>) semaphore(%arg17 : memref<!tpu.dma_semaphore, #tpu.memory_space<semaphore_mem>>)
    }
    %scan3A_55 = arith.constant 38 : i32
    %dma_wait3A = arith.constant 0 : i32
    %dma_wait3A_56 = arith.constant 0 : i32
    %dma_wait3A_57 = tpu.memref_slice %arg7[%dma_wait3A, %dma_wait3A_56] : memref<2x128xi32, #tpu.memory_space<vmem>> -> memref<1x128xi32, #tpu.memory_space<vmem>>
    %dma_wait3A_58 = tpu.memref_squeeze %dma_wait3A_57 : memref<1x128xi32, #tpu.memory_space<vmem>> -> memref<128xi32, #tpu.memory_space<vmem>>
    %dma_wait3A_59 = arith.constant 0 : i32
    %dma_wait3A_60 = arith.constant 0 : i32
    %dma_wait3A_61 = tpu.memref_slice %arg2[%dma_wait3A_59, %dma_wait3A_60] : memref<10000x128xf32, #tpu.memory_space<hbm>> -> memref<10000x128xf32, #tpu.memory_space<hbm>>
    tpu.wait_indirect_dma semaphore(%arg16 : memref<!tpu.dma_semaphore, #tpu.memory_space<semaphore_mem>>) src(%dma_wait3A_61 : memref<10000x128xf32, #tpu.memory_space<hbm>>) dst(%arg9 : memref<128x128xf32, #tpu.memory_space<vmem>>)
    %dma_start3A_62 = arith.constant 0 : i32
    %dma_start3A_63 = arith.constant 0 : i32
    %dma_start3A_64 = tpu.memref_slice %arg8[%dma_start3A_62, %dma_start3A_63] : memref<2x128xi32, #tpu.memory_space<vmem>> -> memref<1x128xi32, #tpu.memory_space<vmem>>
    %dma_start3A_65 = tpu.memref_squeeze %dma_start3A_64 : memref<1x128xi32, #tpu.memory_space<vmem>> -> memref<128xi32, #tpu.memory_space<vmem>>
    %dma_start3A_66 = arith.constant 0 : i32
    %dma_start3A_67 = arith.constant 0 : i32
    %dma_start3A_68 = tpu.memref_slice %arg15[%dma_start3A_66, %dma_start3A_67] : memref<10000x128xf32, #tpu.memory_space<vmem_shared>> -> memref<10000x128xf32, #tpu.memory_space<vmem_shared>>
    tpu.enqueue_indirect_dma source(%arg9 : memref<128x128xf32, #tpu.memory_space<vmem>>) target(%dma_start3A_68 : memref<10000x128xf32, #tpu.memory_space<vmem_shared>>) offsets(%dma_start3A_65 : memref<128xi32, #tpu.memory_space<vmem>>) semaphore(%arg18 : memref<!tpu.dma_semaphore, #tpu.memory_space<semaphore_mem>>) {add = true}
    %dma_wait3A_69 = arith.constant 1 : i32
    %dma_wait3A_70 = arith.constant 0 : i32
    %dma_wait3A_71 = tpu.memref_slice %arg7[%dma_wait3A_69, %dma_wait3A_70] : memref<2x128xi32, #tpu.memory_space<vmem>> -> memref<1x128xi32, #tpu.memory_space<vmem>>
    %dma_wait3A_72 = tpu.memref_squeeze %dma_wait3A_71 : memref<1x128xi32, #tpu.memory_space<vmem>> -> memref<128xi32, #tpu.memory_space<vmem>>
    %dma_wait3A_73 = arith.constant 0 : i32
    %dma_wait3A_74 = arith.constant 0 : i32
    %dma_wait3A_75 = tpu.memref_slice %arg2[%dma_wait3A_73, %dma_wait3A_74] : memref<10000x128xf32, #tpu.memory_space<hbm>> -> memref<10000x128xf32, #tpu.memory_space<hbm>>
    tpu.wait_indirect_dma semaphore(%arg17 : memref<!tpu.dma_semaphore, #tpu.memory_space<semaphore_mem>>) src(%dma_wait3A_75 : memref<10000x128xf32, #tpu.memory_space<hbm>>) dst(%arg10 : memref<128x128xf32, #tpu.memory_space<vmem>>)
    %dma_start3A_76 = arith.constant 1 : i32
    %dma_start3A_77 = arith.constant 0 : i32
    %dma_start3A_78 = tpu.memref_slice %arg8[%dma_start3A_76, %dma_start3A_77] : memref<2x128xi32, #tpu.memory_space<vmem>> -> memref<1x128xi32, #tpu.memory_space<vmem>>
    %dma_start3A_79 = tpu.memref_squeeze %dma_start3A_78 : memref<1x128xi32, #tpu.memory_space<vmem>> -> memref<128xi32, #tpu.memory_space<vmem>>
    %dma_start3A_80 = arith.constant 0 : i32
    %dma_start3A_81 = arith.constant 0 : i32
    %dma_start3A_82 = tpu.memref_slice %arg15[%dma_start3A_80, %dma_start3A_81] : memref<10000x128xf32, #tpu.memory_space<vmem_shared>> -> memref<10000x128xf32, #tpu.memory_space<vmem_shared>>
    tpu.enqueue_indirect_dma source(%arg10 : memref<128x128xf32, #tpu.memory_space<vmem>>) target(%dma_start3A_82 : memref<10000x128xf32, #tpu.memory_space<vmem_shared>>) offsets(%dma_start3A_79 : memref<128xi32, #tpu.memory_space<vmem>>) semaphore(%arg19 : memref<!tpu.dma_semaphore, #tpu.memory_space<semaphore_mem>>) {add = true}
    %add3A_83 = arith.constant 9984 : i32
    %add3A_84 = arith.addi %mul3A_4, %add3A_83 : i32
    "tpu.region"() ({
      %run_scoped3A_163 = tpu.sem_alloc : memref<!tpu.dma_semaphore, #tpu.memory_space<semaphore_mem>>
      %dma_start3A_164 = tpu.memref_slice %arg3[%add3A_84] : memref<320000xi32, #tpu.memory_space<hbm>> -> memref<16xi32, #tpu.memory_space<hbm>>
      %dma_start3A_165 = tpu.memref_slice %arg3[%add3A_84] : memref<320000xi32, #tpu.memory_space<hbm>> -> memref<16xi32, #tpu.memory_space<hbm>>
      tpu.enqueue_dma source(%dma_start3A_165 : memref<16xi32, #tpu.memory_space<hbm>>) target(%arg11 : memref<16xi32, #tpu.memory_space<vmem>>) target_semaphore(%run_scoped3A_163 : memref<!tpu.dma_semaphore, #tpu.memory_space<semaphore_mem>>)
      %dma_wait3A_166 = tpu.memref_slice %arg3[%add3A_84] : memref<320000xi32, #tpu.memory_space<hbm>> -> memref<16xi32, #tpu.memory_space<hbm>>
      %dma_wait3A_167 = tpu.memref_slice %arg3[%add3A_84] : memref<320000xi32, #tpu.memory_space<hbm>> -> memref<16xi32, #tpu.memory_space<hbm>>
      tpu.wait_dma2 semaphore(%run_scoped3A_163 : memref<!tpu.dma_semaphore, #tpu.memory_space<semaphore_mem>>) src(%dma_wait3A_167 : memref<16xi32, #tpu.memory_space<hbm>>) dst(%arg11 : memref<16xi32, #tpu.memory_space<vmem>>)
      tpu.yield
    }) : () -> ()
    "tpu.region"() ({
      %run_scoped3A_163 = tpu.sem_alloc : memref<!tpu.dma_semaphore, #tpu.memory_space<semaphore_mem>>
      %dma_start3A_164 = tpu.memref_slice %arg4[%add3A_84] : memref<320000xi32, #tpu.memory_space<hbm>> -> memref<16xi32, #tpu.memory_space<hbm>>
      %dma_start3A_165 = tpu.memref_slice %arg4[%add3A_84] : memref<320000xi32, #tpu.memory_space<hbm>> -> memref<16xi32, #tpu.memory_space<hbm>>
      tpu.enqueue_dma source(%dma_start3A_165 : memref<16xi32, #tpu.memory_space<hbm>>) target(%arg12 : memref<16xi32, #tpu.memory_space<vmem>>) target_semaphore(%run_scoped3A_163 : memref<!tpu.dma_semaphore, #tpu.memory_space<semaphore_mem>>)
      %dma_wait3A_166 = tpu.memref_slice %arg4[%add3A_84] : memref<320000xi32, #tpu.memory_space<hbm>> -> memref<16xi32, #tpu.memory_space<hbm>>
      %dma_wait3A_167 = tpu.memref_slice %arg4[%add3A_84] : memref<320000xi32, #tpu.memory_space<hbm>> -> memref<16xi32, #tpu.memory_space<hbm>>
      tpu.wait_dma2 semaphore(%run_scoped3A_163 : memref<!tpu.dma_semaphore, #tpu.memory_space<semaphore_mem>>) src(%dma_wait3A_167 : memref<16xi32, #tpu.memory_space<hbm>>) dst(%arg12 : memref<16xi32, #tpu.memory_space<vmem>>)
      tpu.yield
    }) : () -> ()
    %dma_start3A_85 = arith.constant 0 : i32
    %dma_start3A_86 = arith.constant 0 : i32
    %dma_start3A_87 = tpu.memref_slice %arg2[%dma_start3A_85, %dma_start3A_86] : memref<10000x128xf32, #tpu.memory_space<hbm>> -> memref<10000x128xf32, #tpu.memory_space<hbm>>
    tpu.enqueue_indirect_dma source(%dma_start3A_87 : memref<10000x128xf32, #tpu.memory_space<hbm>>) target(%arg13 : memref<16x128xf32, #tpu.memory_space<vmem>>) offsets(%arg11 : memref<16xi32, #tpu.memory_space<vmem>>) semaphore(%arg16 : memref<!tpu.dma_semaphore, #tpu.memory_space<semaphore_mem>>)
    %dma_wait3A_88 = arith.constant 0 : i32
    %dma_wait3A_89 = arith.constant 0 : i32
    %dma_wait3A_90 = tpu.memref_slice %arg8[%dma_wait3A_88, %dma_wait3A_89] : memref<2x128xi32, #tpu.memory_space<vmem>> -> memref<1x128xi32, #tpu.memory_space<vmem>>
    %dma_wait3A_91 = tpu.memref_squeeze %dma_wait3A_90 : memref<1x128xi32, #tpu.memory_space<vmem>> -> memref<128xi32, #tpu.memory_space<vmem>>
    %dma_wait3A_92 = arith.constant 0 : i32
    %dma_wait3A_93 = arith.constant 0 : i32
    %dma_wait3A_94 = tpu.memref_slice %arg15[%dma_wait3A_92, %dma_wait3A_93] : memref<10000x128xf32, #tpu.memory_space<vmem_shared>> -> memref<10000x128xf32, #tpu.memory_space<vmem_shared>>
    tpu.wait_indirect_dma semaphore(%arg18 : memref<!tpu.dma_semaphore, #tpu.memory_space<semaphore_mem>>) src(%arg9 : memref<128x128xf32, #tpu.memory_space<vmem>>) dst(%dma_wait3A_94 : memref<10000x128xf32, #tpu.memory_space<vmem_shared>>)
    %dma_wait3A_95 = arith.constant 1 : i32
    %dma_wait3A_96 = arith.constant 0 : i32
    %dma_wait3A_97 = tpu.memref_slice %arg8[%dma_wait3A_95, %dma_wait3A_96] : memref<2x128xi32, #tpu.memory_space<vmem>> -> memref<1x128xi32, #tpu.memory_space<vmem>>
    %dma_wait3A_98 = tpu.memref_squeeze %dma_wait3A_97 : memref<1x128xi32, #tpu.memory_space<vmem>> -> memref<128xi32, #tpu.memory_space<vmem>>
    %dma_wait3A_99 = arith.constant 0 : i32
    %dma_wait3A_100 = arith.constant 0 : i32
    %dma_wait3A_101 = tpu.memref_slice %arg15[%dma_wait3A_99, %dma_wait3A_100] : memref<10000x128xf32, #tpu.memory_space<vmem_shared>> -> memref<10000x128xf32, #tpu.memory_space<vmem_shared>>
    tpu.wait_indirect_dma semaphore(%arg19 : memref<!tpu.dma_semaphore, #tpu.memory_space<semaphore_mem>>) src(%arg10 : memref<128x128xf32, #tpu.memory_space<vmem>>) dst(%dma_wait3A_101 : memref<10000x128xf32, #tpu.memory_space<vmem_shared>>)
    %dma_wait3A_102 = arith.constant 0 : i32
    %dma_wait3A_103 = arith.constant 0 : i32
    %dma_wait3A_104 = tpu.memref_slice %arg2[%dma_wait3A_102, %dma_wait3A_103] : memref<10000x128xf32, #tpu.memory_space<hbm>> -> memref<10000x128xf32, #tpu.memory_space<hbm>>
    tpu.wait_indirect_dma semaphore(%arg16 : memref<!tpu.dma_semaphore, #tpu.memory_space<semaphore_mem>>) src(%dma_wait3A_104 : memref<10000x128xf32, #tpu.memory_space<hbm>>) dst(%arg13 : memref<16x128xf32, #tpu.memory_space<vmem>>)
    "tpu.region"() ({
      %run_scoped3A_163 = tpu.sem_alloc : memref<!tpu.dma_semaphore, #tpu.memory_space<semaphore_mem>>
      %dma_start3A_164 = arith.constant 0 : i32
      %dma_start3A_165 = arith.constant 0 : i32
      %dma_start3A_166 = tpu.memref_slice %arg15[%dma_start3A_164, %dma_start3A_165] : memref<10000x128xf32, #tpu.memory_space<vmem_shared>> -> memref<10000x128xf32, #tpu.memory_space<vmem_shared>>
      tpu.enqueue_indirect_dma source(%arg13 : memref<16x128xf32, #tpu.memory_space<vmem>>) target(%dma_start3A_166 : memref<10000x128xf32, #tpu.memory_space<vmem_shared>>) offsets(%arg12 : memref<16xi32, #tpu.memory_space<vmem>>) semaphore(%run_scoped3A_163 : memref<!tpu.dma_semaphore, #tpu.memory_space<semaphore_mem>>) {add = true}
      %dma_wait3A_167 = arith.constant 0 : i32
      %dma_wait3A_168 = arith.constant 0 : i32
      %dma_wait3A_169 = tpu.memref_slice %arg15[%dma_wait3A_167, %dma_wait3A_168] : memref<10000x128xf32, #tpu.memory_space<vmem_shared>> -> memref<10000x128xf32, #tpu.memory_space<vmem_shared>>
      tpu.wait_indirect_dma semaphore(%run_scoped3A_163 : memref<!tpu.dma_semaphore, #tpu.memory_space<semaphore_mem>>) src(%arg13 : memref<16x128xf32, #tpu.memory_space<vmem>>) dst(%dma_wait3A_169 : memref<10000x128xf32, #tpu.memory_space<vmem_shared>>)
      tpu.yield
    }) : () -> ()
    %barrier3A_105 = arith.constant 0 : index
    tpu.barrier barrier_id(%barrier3A_105)
    %add3A_106 = arith.constant 0 : i32
    %add3A_107 = arith.addi %mul3A_2, %add3A_106 : i32
    "tpu.region"() ({
      %run_scoped3A_163 = tpu.sem_alloc : memref<!tpu.dma_semaphore, #tpu.memory_space<semaphore_mem>>
      %dma_start3A_164 = arith.constant 0 : i32
      %dma_start3A_165 = tpu.memref_slice %arg15[%add3A_107, %dma_start3A_164] : memref<10000x128xf32, #tpu.memory_space<vmem_shared>> -> memref<48x128xf32, #tpu.memory_space<vmem_shared>>
      %dma_start3A_166 = arith.constant 0 : i32
      %dma_start3A_167 = tpu.memref_slice %arg15[%add3A_107, %dma_start3A_166] : memref<10000x128xf32, #tpu.memory_space<vmem_shared>> -> memref<48x128xf32, #tpu.memory_space<vmem_shared>>
      tpu.enqueue_dma source(%dma_start3A_167 : memref<48x128xf32, #tpu.memory_space<vmem_shared>>) target(%arg14 : memref<48x128xf32, #tpu.memory_space<vmem>>) target_semaphore(%run_scoped3A_163 : memref<!tpu.dma_semaphore, #tpu.memory_space<semaphore_mem>>)
      %dma_wait3A_168 = arith.constant 0 : i32
      %dma_wait3A_169 = tpu.memref_slice %arg15[%add3A_107, %dma_wait3A_168] : memref<10000x128xf32, #tpu.memory_space<vmem_shared>> -> memref<48x128xf32, #tpu.memory_space<vmem_shared>>
      %dma_wait3A_170 = arith.constant 0 : i32
      %dma_wait3A_171 = tpu.memref_slice %arg15[%add3A_107, %dma_wait3A_170] : memref<10000x128xf32, #tpu.memory_space<vmem_shared>> -> memref<48x128xf32, #tpu.memory_space<vmem_shared>>
      tpu.wait_dma2 semaphore(%run_scoped3A_163 : memref<!tpu.dma_semaphore, #tpu.memory_space<semaphore_mem>>) src(%dma_wait3A_171 : memref<48x128xf32, #tpu.memory_space<vmem_shared>>) dst(%arg14 : memref<48x128xf32, #tpu.memory_space<vmem>>)
      tpu.yield
    }) : () -> ()
    %add3A_108 = arith.constant 0 : i32
    %add3A_109 = arith.addi %mul3A_2, %add3A_108 : i32
    "tpu.region"() ({
      %run_scoped3A_163 = tpu.sem_alloc : memref<!tpu.dma_semaphore, #tpu.memory_space<semaphore_mem>>
      %dma_start3A_164 = arith.constant 0 : i32
      %dma_start3A_165 = tpu.memref_slice %arg6[%arg0, %add3A_109, %dma_start3A_164] : memref<2x10000x128xf32, #tpu.memory_space<hbm>> -> memref<1x48x128xf32, #tpu.memory_space<hbm>>
      %dma_start3A_166 = tpu.memref_squeeze %dma_start3A_165 : memref<1x48x128xf32, #tpu.memory_space<hbm>> -> memref<48x128xf32, #tpu.memory_space<hbm>>
      %dma_start3A_167 = arith.constant 0 : i32
      %dma_start3A_168 = tpu.memref_slice %arg6[%arg0, %add3A_109, %dma_start3A_167] : memref<2x10000x128xf32, #tpu.memory_space<hbm>> -> memref<1x48x128xf32, #tpu.memory_space<hbm>>
      %dma_start3A_169 = tpu.memref_squeeze %dma_start3A_168 : memref<1x48x128xf32, #tpu.memory_space<hbm>> -> memref<48x128xf32, #tpu.memory_space<hbm>>
      tpu.enqueue_dma source(%arg14 : memref<48x128xf32, #tpu.memory_space<vmem>>) target(%dma_start3A_169 : memref<48x128xf32, #tpu.memory_space<hbm>>) target_semaphore(%run_scoped3A_163 : memref<!tpu.dma_semaphore, #tpu.memory_space<semaphore_mem>>)
      %dma_wait3A_170 = arith.constant 0 : i32
      %dma_wait3A_171 = tpu.memref_slice %arg6[%arg0, %add3A_109, %dma_wait3A_170] : memref<2x10000x128xf32, #tpu.memory_space<hbm>> -> memref<1x48x128xf32, #tpu.memory_space<hbm>>
      %dma_wait3A_172 = tpu.memref_squeeze %dma_wait3A_171 : memref<1x48x128xf32, #tpu.memory_space<hbm>> -> memref<48x128xf32, #tpu.memory_space<hbm>>
      %dma_wait3A_173 = arith.constant 0 : i32
      %dma_wait3A_174 = tpu.memref_slice %arg6[%arg0, %add3A_109, %dma_wait3A_173] : memref<2x10000x128xf32, #tpu.memory_space<hbm>> -> memref<1x48x128xf32, #tpu.memory_space<hbm>>
      %dma_wait3A_175 = tpu.memref_squeeze %dma_wait3A_174 : memref<1x48x128xf32, #tpu.memory_space<hbm>> -> memref<48x128xf32, #tpu.memory_space<hbm>>
      tpu.wait_dma2 semaphore(%run_scoped3A_163 : memref<!tpu.dma_semaphore, #tpu.memory_space<semaphore_mem>>) src(%arg14 : memref<48x128xf32, #tpu.memory_space<vmem>>) dst(%dma_wait3A_175 : memref<48x128xf32, #tpu.memory_space<hbm>>)
      tpu.yield
    }) : () -> ()
    %add3A_110 = arith.constant 48 : i32
    %add3A_111 = arith.addi %mul3A_2, %add3A_110 : i32
    "tpu.region"() ({
      %run_scoped3A_163 = tpu.sem_alloc : memref<!tpu.dma_semaphore, #tpu.memory_space<semaphore_mem>>
      %dma_start3A_164 = arith.constant 0 : i32
      %dma_start3A_165 = tpu.memref_slice %arg15[%add3A_111, %dma_start3A_164] : memref<10000x128xf32, #tpu.memory_space<vmem_shared>> -> memref<48x128xf32, #tpu.memory_space<vmem_shared>>
      %dma_start3A_166 = arith.constant 0 : i32
      %dma_start3A_167 = tpu.memref_slice %arg15[%add3A_111, %dma_start3A_166] : memref<10000x128xf32, #tpu.memory_space<vmem_shared>> -> memref<48x128xf32, #tpu.memory_space<vmem_shared>>
      tpu.enqueue_dma source(%dma_start3A_167 : memref<48x128xf32, #tpu.memory_space<vmem_shared>>) target(%arg14 : memref<48x128xf32, #tpu.memory_space<vmem>>) target_semaphore(%run_scoped3A_163 : memref<!tpu.dma_semaphore, #tpu.memory_space<semaphore_mem>>)
      %dma_wait3A_168 = arith.constant 0 : i32
      %dma_wait3A_169 = tpu.memref_slice %arg15[%add3A_111, %dma_wait3A_168] : memref<10000x128xf32, #tpu.memory_space<vmem_shared>> -> memref<48x128xf32, #tpu.memory_space<vmem_shared>>
      %dma_wait3A_170 = arith.constant 0 : i32
      %dma_wait3A_171 = tpu.memref_slice %arg15[%add3A_111, %dma_wait3A_170] : memref<10000x128xf32, #tpu.memory_space<vmem_shared>> -> memref<48x128xf32, #tpu.memory_space<vmem_shared>>
      tpu.wait_dma2 semaphore(%run_scoped3A_163 : memref<!tpu.dma_semaphore, #tpu.memory_space<semaphore_mem>>) src(%dma_wait3A_171 : memref<48x128xf32, #tpu.memory_space<vmem_shared>>) dst(%arg14 : memref<48x128xf32, #tpu.memory_space<vmem>>)
      tpu.yield
    }) : () -> ()
    %add3A_112 = arith.constant 48 : i32
    %add3A_113 = arith.addi %mul3A_2, %add3A_112 : i32
    "tpu.region"() ({
      %run_scoped3A_163 = tpu.sem_alloc : memref<!tpu.dma_semaphore, #tpu.memory_space<semaphore_mem>>
      %dma_start3A_164 = arith.constant 0 : i32
      %dma_start3A_165 = tpu.memref_slice %arg6[%arg0, %add3A_113, %dma_start3A_164] : memref<2x10000x128xf32, #tpu.memory_space<hbm>> -> memref<1x48x128xf32, #tpu.memory_space<hbm>>
      %dma_start3A_166 = tpu.memref_squeeze %dma_start3A_165 : memref<1x48x128xf32, #tpu.memory_space<hbm>> -> memref<48x128xf32, #tpu.memory_space<hbm>>
      %dma_start3A_167 = arith.constant 0 : i32
      %dma_start3A_168 = tpu.memref_slice %arg6[%arg0, %add3A_113, %dma_start3A_167] : memref<2x10000x128xf32, #tpu.memory_space<hbm>> -> memref<1x48x128xf32, #tpu.memory_space<hbm>>
      %dma_start3A_169 = tpu.memref_squeeze %dma_start3A_168 : memref<1x48x128xf32, #tpu.memory_space<hbm>> -> memref<48x128xf32, #tpu.memory_space<hbm>>
      tpu.enqueue_dma source(%arg14 : memref<48x128xf32, #tpu.memory_space<vmem>>) target(%dma_start3A_169 : memref<48x128xf32, #tpu.memory_space<hbm>>) target_semaphore(%run_scoped3A_163 : memref<!tpu.dma_semaphore, #tpu.memory_space<semaphore_mem>>)
      %dma_wait3A_170 = arith.constant 0 : i32
      %dma_wait3A_171 = tpu.memref_slice %arg6[%arg0, %add3A_113, %dma_wait3A_170] : memref<2x10000x128xf32, #tpu.memory_space<hbm>> -> memref<1x48x128xf32, #tpu.memory_space<hbm>>
      %dma_wait3A_172 = tpu.memref_squeeze %dma_wait3A_171 : memref<1x48x128xf32, #tpu.memory_space<hbm>> -> memref<48x128xf32, #tpu.memory_space<hbm>>
      %dma_wait3A_173 = arith.constant 0 : i32
      %dma_wait3A_174 = tpu.memref_slice %arg6[%arg0, %add3A_113, %dma_wait3A_173] : memref<2x10000x128xf32, #tpu.memory_space<hbm>> -> memref<1x48x128xf32, #tpu.memory_space<hbm>>
      %dma_wait3A_175 = tpu.memref_squeeze %dma_wait3A_174 : memref<1x48x128xf32, #tpu.memory_space<hbm>> -> memref<48x128xf32, #tpu.memory_space<hbm>>
      tpu.wait_dma2 semaphore(%run_scoped3A_163 : memref<!tpu.dma_semaphore, #tpu.memory_space<semaphore_mem>>) src(%arg14 : memref<48x128xf32, #tpu.memory_space<vmem>>) dst(%dma_wait3A_175 : memref<48x128xf32, #tpu.memory_space<hbm>>)
      tpu.yield
    }) : () -> ()
    %add3A_114 = arith.constant 96 : i32
    %add3A_115 = arith.addi %mul3A_2, %add3A_114 : i32
    "tpu.region"() ({
      %run_scoped3A_163 = tpu.sem_alloc : memref<!tpu.dma_semaphore, #tpu.memory_space<semaphore_mem>>
      %dma_start3A_164 = arith.constant 0 : i32
      %dma_start3A_165 = tpu.memref_slice %arg15[%add3A_115, %dma_start3A_164] : memref<10000x128xf32, #tpu.memory_space<vmem_shared>> -> memref<48x128xf32, #tpu.memory_space<vmem_shared>>
      %dma_start3A_166 = arith.constant 0 : i32
      %dma_start3A_167 = tpu.memref_slice %arg15[%add3A_115, %dma_start3A_166] : memref<10000x128xf32, #tpu.memory_space<vmem_shared>> -> memref<48x128xf32, #tpu.memory_space<vmem_shared>>
      tpu.enqueue_dma source(%dma_start3A_167 : memref<48x128xf32, #tpu.memory_space<vmem_shared>>) target(%arg14 : memref<48x128xf32, #tpu.memory_space<vmem>>) target_semaphore(%run_scoped3A_163 : memref<!tpu.dma_semaphore, #tpu.memory_space<semaphore_mem>>)
      %dma_wait3A_168 = arith.constant 0 : i32
      %dma_wait3A_169 = tpu.memref_slice %arg15[%add3A_115, %dma_wait3A_168] : memref<10000x128xf32, #tpu.memory_space<vmem_shared>> -> memref<48x128xf32, #tpu.memory_space<vmem_shared>>
      %dma_wait3A_170 = arith.constant 0 : i32
      %dma_wait3A_171 = tpu.memref_slice %arg15[%add3A_115, %dma_wait3A_170] : memref<10000x128xf32, #tpu.memory_space<vmem_shared>> -> memref<48x128xf32, #tpu.memory_space<vmem_shared>>
      tpu.wait_dma2 semaphore(%run_scoped3A_163 : memref<!tpu.dma_semaphore, #tpu.memory_space<semaphore_mem>>) src(%dma_wait3A_171 : memref<48x128xf32, #tpu.memory_space<vmem_shared>>) dst(%arg14 : memref<48x128xf32, #tpu.memory_space<vmem>>)
      tpu.yield
    }) : () -> ()
    %add3A_116 = arith.constant 96 : i32
    %add3A_117 = arith.addi %mul3A_2, %add3A_116 : i32
    "tpu.region"() ({
      %run_scoped3A_163 = tpu.sem_alloc : memref<!tpu.dma_semaphore, #tpu.memory_space<semaphore_mem>>
      %dma_start3A_164 = arith.constant 0 : i32
      %dma_start3A_165 = tpu.memref_slice %arg6[%arg0, %add3A_117, %dma_start3A_164] : memref<2x10000x128xf32, #tpu.memory_space<hbm>> -> memref<1x48x128xf32, #tpu.memory_space<hbm>>
      %dma_start3A_166 = tpu.memref_squeeze %dma_start3A_165 : memref<1x48x128xf32, #tpu.memory_space<hbm>> -> memref<48x128xf32, #tpu.memory_space<hbm>>
      %dma_start3A_167 = arith.constant 0 : i32
      %dma_start3A_168 = tpu.memref_slice %arg6[%arg0, %add3A_117, %dma_start3A_167] : memref<2x10000x128xf32, #tpu.memory_space<hbm>> -> memref<1x48x128xf32, #tpu.memory_space<hbm>>
      %dma_start3A_169 = tpu.memref_squeeze %dma_start3A_168 : memref<1x48x128xf32, #tpu.memory_space<hbm>> -> memref<48x128xf32, #tpu.memory_space<hbm>>
      tpu.enqueue_dma source(%arg14 : memref<48x128xf32, #tpu.memory_space<vmem>>) target(%dma_start3A_169 : memref<48x128xf32, #tpu.memory_space<hbm>>) target_semaphore(%run_scoped3A_163 : memref<!tpu.dma_semaphore, #tpu.memory_space<semaphore_mem>>)
      %dma_wait3A_170 = arith.constant 0 : i32
      %dma_wait3A_171 = tpu.memref_slice %arg6[%arg0, %add3A_117, %dma_wait3A_170] : memref<2x10000x128xf32, #tpu.memory_space<hbm>> -> memref<1x48x128xf32, #tpu.memory_space<hbm>>
      %dma_wait3A_172 = tpu.memref_squeeze %dma_wait3A_171 : memref<1x48x128xf32, #tpu.memory_space<hbm>> -> memref<48x128xf32, #tpu.memory_space<hbm>>
      %dma_wait3A_173 = arith.constant 0 : i32
      %dma_wait3A_174 = tpu.memref_slice %arg6[%arg0, %add3A_117, %dma_wait3A_173] : memref<2x10000x128xf32, #tpu.memory_space<hbm>> -> memref<1x48x128xf32, #tpu.memory_space<hbm>>
      %dma_wait3A_175 = tpu.memref_squeeze %dma_wait3A_174 : memref<1x48x128xf32, #tpu.memory_space<hbm>> -> memref<48x128xf32, #tpu.memory_space<hbm>>
      tpu.wait_dma2 semaphore(%run_scoped3A_163 : memref<!tpu.dma_semaphore, #tpu.memory_space<semaphore_mem>>) src(%arg14 : memref<48x128xf32, #tpu.memory_space<vmem>>) dst(%dma_wait3A_175 : memref<48x128xf32, #tpu.memory_space<hbm>>)
      tpu.yield
    }) : () -> ()
    %add3A_118 = arith.constant 144 : i32
    %add3A_119 = arith.addi %mul3A_2, %add3A_118 : i32
    "tpu.region"() ({
      %run_scoped3A_163 = tpu.sem_alloc : memref<!tpu.dma_semaphore, #tpu.memory_space<semaphore_mem>>
      %dma_start3A_164 = arith.constant 0 : i32
      %dma_start3A_165 = tpu.memref_slice %arg15[%add3A_119, %dma_start3A_164] : memref<10000x128xf32, #tpu.memory_space<vmem_shared>> -> memref<48x128xf32, #tpu.memory_space<vmem_shared>>
      %dma_start3A_166 = arith.constant 0 : i32
      %dma_start3A_167 = tpu.memref_slice %arg15[%add3A_119, %dma_start3A_166] : memref<10000x128xf32, #tpu.memory_space<vmem_shared>> -> memref<48x128xf32, #tpu.memory_space<vmem_shared>>
      tpu.enqueue_dma source(%dma_start3A_167 : memref<48x128xf32, #tpu.memory_space<vmem_shared>>) target(%arg14 : memref<48x128xf32, #tpu.memory_space<vmem>>) target_semaphore(%run_scoped3A_163 : memref<!tpu.dma_semaphore, #tpu.memory_space<semaphore_mem>>)
      %dma_wait3A_168 = arith.constant 0 : i32
      %dma_wait3A_169 = tpu.memref_slice %arg15[%add3A_119, %dma_wait3A_168] : memref<10000x128xf32, #tpu.memory_space<vmem_shared>> -> memref<48x128xf32, #tpu.memory_space<vmem_shared>>
      %dma_wait3A_170 = arith.constant 0 : i32
      %dma_wait3A_171 = tpu.memref_slice %arg15[%add3A_119, %dma_wait3A_170] : memref<10000x128xf32, #tpu.memory_space<vmem_shared>> -> memref<48x128xf32, #tpu.memory_space<vmem_shared>>
      tpu.wait_dma2 semaphore(%run_scoped3A_163 : memref<!tpu.dma_semaphore, #tpu.memory_space<semaphore_mem>>) src(%dma_wait3A_171 : memref<48x128xf32, #tpu.memory_space<vmem_shared>>) dst(%arg14 : memref<48x128xf32, #tpu.memory_space<vmem>>)
      tpu.yield
    }) : () -> ()
    %add3A_120 = arith.constant 144 : i32
    %add3A_121 = arith.addi %mul3A_2, %add3A_120 : i32
    "tpu.region"() ({
      %run_scoped3A_163 = tpu.sem_alloc : memref<!tpu.dma_semaphore, #tpu.memory_space<semaphore_mem>>
      %dma_start3A_164 = arith.constant 0 : i32
      %dma_start3A_165 = tpu.memref_slice %arg6[%arg0, %add3A_121, %dma_start3A_164] : memref<2x10000x128xf32, #tpu.memory_space<hbm>> -> memref<1x48x128xf32, #tpu.memory_space<hbm>>
      %dma_start3A_166 = tpu.memref_squeeze %dma_start3A_165 : memref<1x48x128xf32, #tpu.memory_space<hbm>> -> memref<48x128xf32, #tpu.memory_space<hbm>>
      %dma_start3A_167 = arith.constant 0 : i32
      %dma_start3A_168 = tpu.memref_slice %arg6[%arg0, %add3A_121, %dma_start3A_167] : memref<2x10000x128xf32, #tpu.memory_space<hbm>> -> memref<1x48x128xf32, #tpu.memory_space<hbm>>
      %dma_start3A_169 = tpu.memref_squeeze %dma_start3A_168 : memref<1x48x128xf32, #tpu.memory_space<hbm>> -> memref<48x128xf32, #tpu.memory_space<hbm>>
      tpu.enqueue_dma source(%arg14 : memref<48x128xf32, #tpu.memory_space<vmem>>) target(%dma_start3A_169 : memref<48x128xf32, #tpu.memory_space<hbm>>) target_semaphore(%run_scoped3A_163 : memref<!tpu.dma_semaphore, #tpu.memory_space<semaphore_mem>>)
      %dma_wait3A_170 = arith.constant 0 : i32
      %dma_wait3A_171 = tpu.memref_slice %arg6[%arg0, %add3A_121, %dma_wait3A_170] : memref<2x10000x128xf32, #tpu.memory_space<hbm>> -> memref<1x48x128xf32, #tpu.memory_space<hbm>>
      %dma_wait3A_172 = tpu.memref_squeeze %dma_wait3A_171 : memref<1x48x128xf32, #tpu.memory_space<hbm>> -> memref<48x128xf32, #tpu.memory_space<hbm>>
      %dma_wait3A_173 = arith.constant 0 : i32
      %dma_wait3A_174 = tpu.memref_slice %arg6[%arg0, %add3A_121, %dma_wait3A_173] : memref<2x10000x128xf32, #tpu.memory_space<hbm>> -> memref<1x48x128xf32, #tpu.memory_space<hbm>>
      %dma_wait3A_175 = tpu.memref_squeeze %dma_wait3A_174 : memref<1x48x128xf32, #tpu.memory_space<hbm>> -> memref<48x128xf32, #tpu.memory_space<hbm>>
      tpu.wait_dma2 semaphore(%run_scoped3A_163 : memref<!tpu.dma_semaphore, #tpu.memory_space<semaphore_mem>>) src(%arg14 : memref<48x128xf32, #tpu.memory_space<vmem>>) dst(%dma_wait3A_175 : memref<48x128xf32, #tpu.memory_space<hbm>>)
      tpu.yield
    }) : () -> ()
    %add3A_122 = arith.constant 192 : i32
    %add3A_123 = arith.addi %mul3A_2, %add3A_122 : i32
    "tpu.region"() ({
      %run_scoped3A_163 = tpu.sem_alloc : memref<!tpu.dma_semaphore, #tpu.memory_space<semaphore_mem>>
      %dma_start3A_164 = arith.constant 0 : i32
      %dma_start3A_165 = tpu.memref_slice %arg15[%add3A_123, %dma_start3A_164] : memref<10000x128xf32, #tpu.memory_space<vmem_shared>> -> memref<48x128xf32, #tpu.memory_space<vmem_shared>>
      %dma_start3A_166 = arith.constant 0 : i32
      %dma_start3A_167 = tpu.memref_slice %arg15[%add3A_123, %dma_start3A_166] : memref<10000x128xf32, #tpu.memory_space<vmem_shared>> -> memref<48x128xf32, #tpu.memory_space<vmem_shared>>
      tpu.enqueue_dma source(%dma_start3A_167 : memref<48x128xf32, #tpu.memory_space<vmem_shared>>) target(%arg14 : memref<48x128xf32, #tpu.memory_space<vmem>>) target_semaphore(%run_scoped3A_163 : memref<!tpu.dma_semaphore, #tpu.memory_space<semaphore_mem>>)
      %dma_wait3A_168 = arith.constant 0 : i32
      %dma_wait3A_169 = tpu.memref_slice %arg15[%add3A_123, %dma_wait3A_168] : memref<10000x128xf32, #tpu.memory_space<vmem_shared>> -> memref<48x128xf32, #tpu.memory_space<vmem_shared>>
      %dma_wait3A_170 = arith.constant 0 : i32
      %dma_wait3A_171 = tpu.memref_slice %arg15[%add3A_123, %dma_wait3A_170] : memref<10000x128xf32, #tpu.memory_space<vmem_shared>> -> memref<48x128xf32, #tpu.memory_space<vmem_shared>>
      tpu.wait_dma2 semaphore(%run_scoped3A_163 : memref<!tpu.dma_semaphore, #tpu.memory_space<semaphore_mem>>) src(%dma_wait3A_171 : memref<48x128xf32, #tpu.memory_space<vmem_shared>>) dst(%arg14 : memref<48x128xf32, #tpu.memory_space<vmem>>)
      tpu.yield
    }) : () -> ()
    %add3A_124 = arith.constant 192 : i32
    %add3A_125 = arith.addi %mul3A_2, %add3A_124 : i32
    "tpu.region"() ({
      %run_scoped3A_163 = tpu.sem_alloc : memref<!tpu.dma_semaphore, #tpu.memory_space<semaphore_mem>>
      %dma_start3A_164 = arith.constant 0 : i32
      %dma_start3A_165 = tpu.memref_slice %arg6[%arg0, %add3A_125, %dma_start3A_164] : memref<2x10000x128xf32, #tpu.memory_space<hbm>> -> memref<1x48x128xf32, #tpu.memory_space<hbm>>
      %dma_start3A_166 = tpu.memref_squeeze %dma_start3A_165 : memref<1x48x128xf32, #tpu.memory_space<hbm>> -> memref<48x128xf32, #tpu.memory_space<hbm>>
      %dma_start3A_167 = arith.constant 0 : i32
      %dma_start3A_168 = tpu.memref_slice %arg6[%arg0, %add3A_125, %dma_start3A_167] : memref<2x10000x128xf32, #tpu.memory_space<hbm>> -> memref<1x48x128xf32, #tpu.memory_space<hbm>>
      %dma_start3A_169 = tpu.memref_squeeze %dma_start3A_168 : memref<1x48x128xf32, #tpu.memory_space<hbm>> -> memref<48x128xf32, #tpu.memory_space<hbm>>
      tpu.enqueue_dma source(%arg14 : memref<48x128xf32, #tpu.memory_space<vmem>>) target(%dma_start3A_169 : memref<48x128xf32, #tpu.memory_space<hbm>>) target_semaphore(%run_scoped3A_163 : memref<!tpu.dma_semaphore, #tpu.memory_space<semaphore_mem>>)
      %dma_wait3A_170 = arith.constant 0 : i32
      %dma_wait3A_171 = tpu.memref_slice %arg6[%arg0, %add3A_125, %dma_wait3A_170] : memref<2x10000x128xf32, #tpu.memory_space<hbm>> -> memref<1x48x128xf32, #tpu.memory_space<hbm>>
      %dma_wait3A_172 = tpu.memref_squeeze %dma_wait3A_171 : memref<1x48x128xf32, #tpu.memory_space<hbm>> -> memref<48x128xf32, #tpu.memory_space<hbm>>
      %dma_wait3A_173 = arith.constant 0 : i32
      %dma_wait3A_174 = tpu.memref_slice %arg6[%arg0, %add3A_125, %dma_wait3A_173] : memref<2x10000x128xf32, #tpu.memory_space<hbm>> -> memref<1x48x128xf32, #tpu.memory_space<hbm>>
      %dma_wait3A_175 = tpu.memref_squeeze %dma_wait3A_174 : memref<1x48x128xf32, #tpu.memory_space<hbm>> -> memref<48x128xf32, #tpu.memory_space<hbm>>
      tpu.wait_dma2 semaphore(%run_scoped3A_163 : memref<!tpu.dma_semaphore, #tpu.memory_space<semaphore_mem>>) src(%arg14 : memref<48x128xf32, #tpu.memory_space<vmem>>) dst(%dma_wait3A_175 : memref<48x128xf32, #tpu.memory_space<hbm>>)
      tpu.yield
    }) : () -> ()
    %add3A_126 = arith.constant 240 : i32
    %add3A_127 = arith.addi %mul3A_2, %add3A_126 : i32
    "tpu.region"() ({
      %run_scoped3A_163 = tpu.sem_alloc : memref<!tpu.dma_semaphore, #tpu.memory_space<semaphore_mem>>
      %dma_start3A_164 = arith.constant 0 : i32
      %dma_start3A_165 = tpu.memref_slice %arg15[%add3A_127, %dma_start3A_164] : memref<10000x128xf32, #tpu.memory_space<vmem_shared>> -> memref<48x128xf32, #tpu.memory_space<vmem_shared>>
      %dma_start3A_166 = arith.constant 0 : i32
      %dma_start3A_167 = tpu.memref_slice %arg15[%add3A_127, %dma_start3A_166] : memref<10000x128xf32, #tpu.memory_space<vmem_shared>> -> memref<48x128xf32, #tpu.memory_space<vmem_shared>>
      tpu.enqueue_dma source(%dma_start3A_167 : memref<48x128xf32, #tpu.memory_space<vmem_shared>>) target(%arg14 : memref<48x128xf32, #tpu.memory_space<vmem>>) target_semaphore(%run_scoped3A_163 : memref<!tpu.dma_semaphore, #tpu.memory_space<semaphore_mem>>)
      %dma_wait3A_168 = arith.constant 0 : i32
      %dma_wait3A_169 = tpu.memref_slice %arg15[%add3A_127, %dma_wait3A_168] : memref<10000x128xf32, #tpu.memory_space<vmem_shared>> -> memref<48x128xf32, #tpu.memory_space<vmem_shared>>
      %dma_wait3A_170 = arith.constant 0 : i32
      %dma_wait3A_171 = tpu.memref_slice %arg15[%add3A_127, %dma_wait3A_170] : memref<10000x128xf32, #tpu.memory_space<vmem_shared>> -> memref<48x128xf32, #tpu.memory_space<vmem_shared>>
      tpu.wait_dma2 semaphore(%run_scoped3A_163 : memref<!tpu.dma_semaphore, #tpu.memory_space<semaphore_mem>>) src(%dma_wait3A_171 : memref<48x128xf32, #tpu.memory_space<vmem_shared>>) dst(%arg14 : memref<48x128xf32, #tpu.memory_space<vmem>>)
      tpu.yield
    }) : () -> ()
    %add3A_128 = arith.constant 240 : i32
    %add3A_129 = arith.addi %mul3A_2, %add3A_128 : i32
    "tpu.region"() ({
      %run_scoped3A_163 = tpu.sem_alloc : memref<!tpu.dma_semaphore, #tpu.memory_space<semaphore_mem>>
      %dma_start3A_164 = arith.constant 0 : i32
      %dma_start3A_165 = tpu.memref_slice %arg6[%arg0, %add3A_129, %dma_start3A_164] : memref<2x10000x128xf32, #tpu.memory_space<hbm>> -> memref<1x48x128xf32, #tpu.memory_space<hbm>>
      %dma_start3A_166 = tpu.memref_squeeze %dma_start3A_165 : memref<1x48x128xf32, #tpu.memory_space<hbm>> -> memref<48x128xf32, #tpu.memory_space<hbm>>
      %dma_start3A_167 = arith.constant 0 : i32
      %dma_start3A_168 = tpu.memref_slice %arg6[%arg0, %add3A_129, %dma_start3A_167] : memref<2x10000x128xf32, #tpu.memory_space<hbm>> -> memref<1x48x128xf32, #tpu.memory_space<hbm>>
      %dma_start3A_169 = tpu.memref_squeeze %dma_start3A_168 : memref<1x48x128xf32, #tpu.memory_space<hbm>> -> memref<48x128xf32, #tpu.memory_space<hbm>>
      tpu.enqueue_dma source(%arg14 : memref<48x128xf32, #tpu.memory_space<vmem>>) target(%dma_start3A_169 : memref<48x128xf32, #tpu.memory_space<hbm>>) target_semaphore(%run_scoped3A_163 : memref<!tpu.dma_semaphore, #tpu.memory_space<semaphore_mem>>)
      %dma_wait3A_170 = arith.constant 0 : i32
      %dma_wait3A_171 = tpu.memref_slice %arg6[%arg0, %add3A_129, %dma_wait3A_170] : memref<2x10000x128xf32, #tpu.memory_space<hbm>> -> memref<1x48x128xf32, #tpu.memory_space<hbm>>
      %dma_wait3A_172 = tpu.memref_squeeze %dma_wait3A_171 : memref<1x48x128xf32, #tpu.memory_space<hbm>> -> memref<48x128xf32, #tpu.memory_space<hbm>>
      %dma_wait3A_173 = arith.constant 0 : i32
      %dma_wait3A_174 = tpu.memref_slice %arg6[%arg0, %add3A_129, %dma_wait3A_173] : memref<2x10000x128xf32, #tpu.memory_space<hbm>> -> memref<1x48x128xf32, #tpu.memory_space<hbm>>
      %dma_wait3A_175 = tpu.memref_squeeze %dma_wait3A_174 : memref<1x48x128xf32, #tpu.memory_space<hbm>> -> memref<48x128xf32, #tpu.memory_space<hbm>>
      tpu.wait_dma2 semaphore(%run_scoped3A_163 : memref<!tpu.dma_semaphore, #tpu.memory_space<semaphore_mem>>) src(%arg14 : memref<48x128xf32, #tpu.memory_space<vmem>>) dst(%dma_wait3A_175 : memref<48x128xf32, #tpu.memory_space<hbm>>)
      tpu.yield
    }) : () -> ()
    %add3A_130 = arith.constant 288 : i32
    %add3A_131 = arith.addi %mul3A_2, %add3A_130 : i32
    "tpu.region"() ({
      %run_scoped3A_163 = tpu.sem_alloc : memref<!tpu.dma_semaphore, #tpu.memory_space<semaphore_mem>>
      %dma_start3A_164 = arith.constant 0 : i32
      %dma_start3A_165 = tpu.memref_slice %arg15[%add3A_131, %dma_start3A_164] : memref<10000x128xf32, #tpu.memory_space<vmem_shared>> -> memref<48x128xf32, #tpu.memory_space<vmem_shared>>
      %dma_start3A_166 = arith.constant 0 : i32
      %dma_start3A_167 = tpu.memref_slice %arg15[%add3A_131, %dma_start3A_166] : memref<10000x128xf32, #tpu.memory_space<vmem_shared>> -> memref<48x128xf32, #tpu.memory_space<vmem_shared>>
      tpu.enqueue_dma source(%dma_start3A_167 : memref<48x128xf32, #tpu.memory_space<vmem_shared>>) target(%arg14 : memref<48x128xf32, #tpu.memory_space<vmem>>) target_semaphore(%run_scoped3A_163 : memref<!tpu.dma_semaphore, #tpu.memory_space<semaphore_mem>>)
      %dma_wait3A_168 = arith.constant 0 : i32
      %dma_wait3A_169 = tpu.memref_slice %arg15[%add3A_131, %dma_wait3A_168] : memref<10000x128xf32, #tpu.memory_space<vmem_shared>> -> memref<48x128xf32, #tpu.memory_space<vmem_shared>>
      %dma_wait3A_170 = arith.constant 0 : i32
      %dma_wait3A_171 = tpu.memref_slice %arg15[%add3A_131, %dma_wait3A_170] : memref<10000x128xf32, #tpu.memory_space<vmem_shared>> -> memref<48x128xf32, #tpu.memory_space<vmem_shared>>
      tpu.wait_dma2 semaphore(%run_scoped3A_163 : memref<!tpu.dma_semaphore, #tpu.memory_space<semaphore_mem>>) src(%dma_wait3A_171 : memref<48x128xf32, #tpu.memory_space<vmem_shared>>) dst(%arg14 : memref<48x128xf32, #tpu.memory_space<vmem>>)
      tpu.yield
    }) : () -> ()
    %add3A_132 = arith.constant 288 : i32
    %add3A_133 = arith.addi %mul3A_2, %add3A_132 : i32
    "tpu.region"() ({
      %run_scoped3A_163 = tpu.sem_alloc : memref<!tpu.dma_semaphore, #tpu.memory_space<semaphore_mem>>
      %dma_start3A_164 = arith.constant 0 : i32
      %dma_start3A_165 = tpu.memref_slice %arg6[%arg0, %add3A_133, %dma_start3A_164] : memref<2x10000x128xf32, #tpu.memory_space<hbm>> -> memref<1x48x128xf32, #tpu.memory_space<hbm>>
      %dma_start3A_166 = tpu.memref_squeeze %dma_start3A_165 : memref<1x48x128xf32, #tpu.memory_space<hbm>> -> memref<48x128xf32, #tpu.memory_space<hbm>>
      %dma_start3A_167 = arith.constant 0 : i32
      %dma_start3A_168 = tpu.memref_slice %arg6[%arg0, %add3A_133, %dma_start3A_167] : memref<2x10000x128xf32, #tpu.memory_space<hbm>> -> memref<1x48x128xf32, #tpu.memory_space<hbm>>
      %dma_start3A_169 = tpu.memref_squeeze %dma_start3A_168 : memref<1x48x128xf32, #tpu.memory_space<hbm>> -> memref<48x128xf32, #tpu.memory_space<hbm>>
      tpu.enqueue_dma source(%arg14 : memref<48x128xf32, #tpu.memory_space<vmem>>) target(%dma_start3A_169 : memref<48x128xf32, #tpu.memory_space<hbm>>) target_semaphore(%run_scoped3A_163 : memref<!tpu.dma_semaphore, #tpu.memory_space<semaphore_mem>>)
      %dma_wait3A_170 = arith.constant 0 : i32
      %dma_wait3A_171 = tpu.memref_slice %arg6[%arg0, %add3A_133, %dma_wait3A_170] : memref<2x10000x128xf32, #tpu.memory_space<hbm>> -> memref<1x48x128xf32, #tpu.memory_space<hbm>>
      %dma_wait3A_172 = tpu.memref_squeeze %dma_wait3A_171 : memref<1x48x128xf32, #tpu.memory_space<hbm>> -> memref<48x128xf32, #tpu.memory_space<hbm>>
      %dma_wait3A_173 = arith.constant 0 : i32
      %dma_wait3A_174 = tpu.memref_slice %arg6[%arg0, %add3A_133, %dma_wait3A_173] : memref<2x10000x128xf32, #tpu.memory_space<hbm>> -> memref<1x48x128xf32, #tpu.memory_space<hbm>>
      %dma_wait3A_175 = tpu.memref_squeeze %dma_wait3A_174 : memref<1x48x128xf32, #tpu.memory_space<hbm>> -> memref<48x128xf32, #tpu.memory_space<hbm>>
      tpu.wait_dma2 semaphore(%run_scoped3A_163 : memref<!tpu.dma_semaphore, #tpu.memory_space<semaphore_mem>>) src(%arg14 : memref<48x128xf32, #tpu.memory_space<vmem>>) dst(%dma_wait3A_175 : memref<48x128xf32, #tpu.memory_space<hbm>>)
      tpu.yield
    }) : () -> ()
    %add3A_134 = arith.constant 336 : i32
    %add3A_135 = arith.addi %mul3A_2, %add3A_134 : i32
    "tpu.region"() ({
      %run_scoped3A_163 = tpu.sem_alloc : memref<!tpu.dma_semaphore, #tpu.memory_space<semaphore_mem>>
      %dma_start3A_164 = arith.constant 0 : i32
      %dma_start3A_165 = tpu.memref_slice %arg15[%add3A_135, %dma_start3A_164] : memref<10000x128xf32, #tpu.memory_space<vmem_shared>> -> memref<48x128xf32, #tpu.memory_space<vmem_shared>>
      %dma_start3A_166 = arith.constant 0 : i32
      %dma_start3A_167 = tpu.memref_slice %arg15[%add3A_135, %dma_start3A_166] : memref<10000x128xf32, #tpu.memory_space<vmem_shared>> -> memref<48x128xf32, #tpu.memory_space<vmem_shared>>
      tpu.enqueue_dma source(%dma_start3A_167 : memref<48x128xf32, #tpu.memory_space<vmem_shared>>) target(%arg14 : memref<48x128xf32, #tpu.memory_space<vmem>>) target_semaphore(%run_scoped3A_163 : memref<!tpu.dma_semaphore, #tpu.memory_space<semaphore_mem>>)
      %dma_wait3A_168 = arith.constant 0 : i32
      %dma_wait3A_169 = tpu.memref_slice %arg15[%add3A_135, %dma_wait3A_168] : memref<10000x128xf32, #tpu.memory_space<vmem_shared>> -> memref<48x128xf32, #tpu.memory_space<vmem_shared>>
      %dma_wait3A_170 = arith.constant 0 : i32
      %dma_wait3A_171 = tpu.memref_slice %arg15[%add3A_135, %dma_wait3A_170] : memref<10000x128xf32, #tpu.memory_space<vmem_shared>> -> memref<48x128xf32, #tpu.memory_space<vmem_shared>>
      tpu.wait_dma2 semaphore(%run_scoped3A_163 : memref<!tpu.dma_semaphore, #tpu.memory_space<semaphore_mem>>) src(%dma_wait3A_171 : memref<48x128xf32, #tpu.memory_space<vmem_shared>>) dst(%arg14 : memref<48x128xf32, #tpu.memory_space<vmem>>)
      tpu.yield
    }) : () -> ()
    %add3A_136 = arith.constant 336 : i32
    %add3A_137 = arith.addi %mul3A_2, %add3A_136 : i32
    "tpu.region"() ({
      %run_scoped3A_163 = tpu.sem_alloc : memref<!tpu.dma_semaphore, #tpu.memory_space<semaphore_mem>>
      %dma_start3A_164 = arith.constant 0 : i32
      %dma_start3A_165 = tpu.memref_slice %arg6[%arg0, %add3A_137, %dma_start3A_164] : memref<2x10000x128xf32, #tpu.memory_space<hbm>> -> memref<1x48x128xf32, #tpu.memory_space<hbm>>
      %dma_start3A_166 = tpu.memref_squeeze %dma_start3A_165 : memref<1x48x128xf32, #tpu.memory_space<hbm>> -> memref<48x128xf32, #tpu.memory_space<hbm>>
      %dma_start3A_167 = arith.constant 0 : i32
      %dma_start3A_168 = tpu.memref_slice %arg6[%arg0, %add3A_137, %dma_start3A_167] : memref<2x10000x128xf32, #tpu.memory_space<hbm>> -> memref<1x48x128xf32, #tpu.memory_space<hbm>>
      %dma_start3A_169 = tpu.memref_squeeze %dma_start3A_168 : memref<1x48x128xf32, #tpu.memory_space<hbm>> -> memref<48x128xf32, #tpu.memory_space<hbm>>
      tpu.enqueue_dma source(%arg14 : memref<48x128xf32, #tpu.memory_space<vmem>>) target(%dma_start3A_169 : memref<48x128xf32, #tpu.memory_space<hbm>>) target_semaphore(%run_scoped3A_163 : memref<!tpu.dma_semaphore, #tpu.memory_space<semaphore_mem>>)
      %dma_wait3A_170 = arith.constant 0 : i32
      %dma_wait3A_171 = tpu.memref_slice %arg6[%arg0, %add3A_137, %dma_wait3A_170] : memref<2x10000x128xf32, #tpu.memory_space<hbm>> -> memref<1x48x128xf32, #tpu.memory_space<hbm>>
      %dma_wait3A_172 = tpu.memref_squeeze %dma_wait3A_171 : memref<1x48x128xf32, #tpu.memory_space<hbm>> -> memref<48x128xf32, #tpu.memory_space<hbm>>
      %dma_wait3A_173 = arith.constant 0 : i32
      %dma_wait3A_174 = tpu.memref_slice %arg6[%arg0, %add3A_137, %dma_wait3A_173] : memref<2x10000x128xf32, #tpu.memory_space<hbm>> -> memref<1x48x128xf32, #tpu.memory_space<hbm>>
      %dma_wait3A_175 = tpu.memref_squeeze %dma_wait3A_174 : memref<1x48x128xf32, #tpu.memory_space<hbm>> -> memref<48x128xf32, #tpu.memory_space<hbm>>
      tpu.wait_dma2 semaphore(%run_scoped3A_163 : memref<!tpu.dma_semaphore, #tpu.memory_space<semaphore_mem>>) src(%arg14 : memref<48x128xf32, #tpu.memory_space<vmem>>) dst(%dma_wait3A_175 : memref<48x128xf32, #tpu.memory_space<hbm>>)
      tpu.yield
    }) : () -> ()
    %add3A_138 = arith.constant 384 : i32
    %add3A_139 = arith.addi %mul3A_2, %add3A_138 : i32
    "tpu.region"() ({
      %run_scoped3A_163 = tpu.sem_alloc : memref<!tpu.dma_semaphore, #tpu.memory_space<semaphore_mem>>
      %dma_start3A_164 = arith.constant 0 : i32
      %dma_start3A_165 = tpu.memref_slice %arg15[%add3A_139, %dma_start3A_164] : memref<10000x128xf32, #tpu.memory_space<vmem_shared>> -> memref<48x128xf32, #tpu.memory_space<vmem_shared>>
      %dma_start3A_166 = arith.constant 0 : i32
      %dma_start3A_167 = tpu.memref_slice %arg15[%add3A_139, %dma_start3A_166] : memref<10000x128xf32, #tpu.memory_space<vmem_shared>> -> memref<48x128xf32, #tpu.memory_space<vmem_shared>>
      tpu.enqueue_dma source(%dma_start3A_167 : memref<48x128xf32, #tpu.memory_space<vmem_shared>>) target(%arg14 : memref<48x128xf32, #tpu.memory_space<vmem>>) target_semaphore(%run_scoped3A_163 : memref<!tpu.dma_semaphore, #tpu.memory_space<semaphore_mem>>)
      %dma_wait3A_168 = arith.constant 0 : i32
      %dma_wait3A_169 = tpu.memref_slice %arg15[%add3A_139, %dma_wait3A_168] : memref<10000x128xf32, #tpu.memory_space<vmem_shared>> -> memref<48x128xf32, #tpu.memory_space<vmem_shared>>
      %dma_wait3A_170 = arith.constant 0 : i32
      %dma_wait3A_171 = tpu.memref_slice %arg15[%add3A_139, %dma_wait3A_170] : memref<10000x128xf32, #tpu.memory_space<vmem_shared>> -> memref<48x128xf32, #tpu.memory_space<vmem_shared>>
      tpu.wait_dma2 semaphore(%run_scoped3A_163 : memref<!tpu.dma_semaphore, #tpu.memory_space<semaphore_mem>>) src(%dma_wait3A_171 : memref<48x128xf32, #tpu.memory_space<vmem_shared>>) dst(%arg14 : memref<48x128xf32, #tpu.memory_space<vmem>>)
      tpu.yield
    }) : () -> ()
    %add3A_140 = arith.constant 384 : i32
    %add3A_141 = arith.addi %mul3A_2, %add3A_140 : i32
    "tpu.region"() ({
      %run_scoped3A_163 = tpu.sem_alloc : memref<!tpu.dma_semaphore, #tpu.memory_space<semaphore_mem>>
      %dma_start3A_164 = arith.constant 0 : i32
      %dma_start3A_165 = tpu.memref_slice %arg6[%arg0, %add3A_141, %dma_start3A_164] : memref<2x10000x128xf32, #tpu.memory_space<hbm>> -> memref<1x48x128xf32, #tpu.memory_space<hbm>>
      %dma_start3A_166 = tpu.memref_squeeze %dma_start3A_165 : memref<1x48x128xf32, #tpu.memory_space<hbm>> -> memref<48x128xf32, #tpu.memory_space<hbm>>
      %dma_start3A_167 = arith.constant 0 : i32
      %dma_start3A_168 = tpu.memref_slice %arg6[%arg0, %add3A_141, %dma_start3A_167] : memref<2x10000x128xf32, #tpu.memory_space<hbm>> -> memref<1x48x128xf32, #tpu.memory_space<hbm>>
      %dma_start3A_169 = tpu.memref_squeeze %dma_start3A_168 : memref<1x48x128xf32, #tpu.memory_space<hbm>> -> memref<48x128xf32, #tpu.memory_space<hbm>>
      tpu.enqueue_dma source(%arg14 : memref<48x128xf32, #tpu.memory_space<vmem>>) target(%dma_start3A_169 : memref<48x128xf32, #tpu.memory_space<hbm>>) target_semaphore(%run_scoped3A_163 : memref<!tpu.dma_semaphore, #tpu.memory_space<semaphore_mem>>)
      %dma_wait3A_170 = arith.constant 0 : i32
      %dma_wait3A_171 = tpu.memref_slice %arg6[%arg0, %add3A_141, %dma_wait3A_170] : memref<2x10000x128xf32, #tpu.memory_space<hbm>> -> memref<1x48x128xf32, #tpu.memory_space<hbm>>
      %dma_wait3A_172 = tpu.memref_squeeze %dma_wait3A_171 : memref<1x48x128xf32, #tpu.memory_space<hbm>> -> memref<48x128xf32, #tpu.memory_space<hbm>>
      %dma_wait3A_173 = arith.constant 0 : i32
      %dma_wait3A_174 = tpu.memref_slice %arg6[%arg0, %add3A_141, %dma_wait3A_173] : memref<2x10000x128xf32, #tpu.memory_space<hbm>> -> memref<1x48x128xf32, #tpu.memory_space<hbm>>
      %dma_wait3A_175 = tpu.memref_squeeze %dma_wait3A_174 : memref<1x48x128xf32, #tpu.memory_space<hbm>> -> memref<48x128xf32, #tpu.memory_space<hbm>>
      tpu.wait_dma2 semaphore(%run_scoped3A_163 : memref<!tpu.dma_semaphore, #tpu.memory_space<semaphore_mem>>) src(%arg14 : memref<48x128xf32, #tpu.memory_space<vmem>>) dst(%dma_wait3A_175 : memref<48x128xf32, #tpu.memory_space<hbm>>)
      tpu.yield
    }) : () -> ()
    %add3A_142 = arith.constant 432 : i32
    %add3A_143 = arith.addi %mul3A_2, %add3A_142 : i32
    "tpu.region"() ({
      %run_scoped3A_163 = tpu.sem_alloc : memref<!tpu.dma_semaphore, #tpu.memory_space<semaphore_mem>>
      %dma_start3A_164 = arith.constant 0 : i32
      %dma_start3A_165 = tpu.memref_slice %arg15[%add3A_143, %dma_start3A_164] : memref<10000x128xf32, #tpu.memory_space<vmem_shared>> -> memref<48x128xf32, #tpu.memory_space<vmem_shared>>
      %dma_start3A_166 = arith.constant 0 : i32
      %dma_start3A_167 = tpu.memref_slice %arg15[%add3A_143, %dma_start3A_166] : memref<10000x128xf32, #tpu.memory_space<vmem_shared>> -> memref<48x128xf32, #tpu.memory_space<vmem_shared>>
      tpu.enqueue_dma source(%dma_start3A_167 : memref<48x128xf32, #tpu.memory_space<vmem_shared>>) target(%arg14 : memref<48x128xf32, #tpu.memory_space<vmem>>) target_semaphore(%run_scoped3A_163 : memref<!tpu.dma_semaphore, #tpu.memory_space<semaphore_mem>>)
      %dma_wait3A_168 = arith.constant 0 : i32
      %dma_wait3A_169 = tpu.memref_slice %arg15[%add3A_143, %dma_wait3A_168] : memref<10000x128xf32, #tpu.memory_space<vmem_shared>> -> memref<48x128xf32, #tpu.memory_space<vmem_shared>>
      %dma_wait3A_170 = arith.constant 0 : i32
      %dma_wait3A_171 = tpu.memref_slice %arg15[%add3A_143, %dma_wait3A_170] : memref<10000x128xf32, #tpu.memory_space<vmem_shared>> -> memref<48x128xf32, #tpu.memory_space<vmem_shared>>
      tpu.wait_dma2 semaphore(%run_scoped3A_163 : memref<!tpu.dma_semaphore, #tpu.memory_space<semaphore_mem>>) src(%dma_wait3A_171 : memref<48x128xf32, #tpu.memory_space<vmem_shared>>) dst(%arg14 : memref<48x128xf32, #tpu.memory_space<vmem>>)
      tpu.yield
    }) : () -> ()
    %add3A_144 = arith.constant 432 : i32
    %add3A_145 = arith.addi %mul3A_2, %add3A_144 : i32
    "tpu.region"() ({
      %run_scoped3A_163 = tpu.sem_alloc : memref<!tpu.dma_semaphore, #tpu.memory_space<semaphore_mem>>
      %dma_start3A_164 = arith.constant 0 : i32
      %dma_start3A_165 = tpu.memref_slice %arg6[%arg0, %add3A_145, %dma_start3A_164] : memref<2x10000x128xf32, #tpu.memory_space<hbm>> -> memref<1x48x128xf32, #tpu.memory_space<hbm>>
      %dma_start3A_166 = tpu.memref_squeeze %dma_start3A_165 : memref<1x48x128xf32, #tpu.memory_space<hbm>> -> memref<48x128xf32, #tpu.memory_space<hbm>>
      %dma_start3A_167 = arith.constant 0 : i32
      %dma_start3A_168 = tpu.memref_slice %arg6[%arg0, %add3A_145, %dma_start3A_167] : memref<2x10000x128xf32, #tpu.memory_space<hbm>> -> memref<1x48x128xf32, #tpu.memory_space<hbm>>
      %dma_start3A_169 = tpu.memref_squeeze %dma_start3A_168 : memref<1x48x128xf32, #tpu.memory_space<hbm>> -> memref<48x128xf32, #tpu.memory_space<hbm>>
      tpu.enqueue_dma source(%arg14 : memref<48x128xf32, #tpu.memory_space<vmem>>) target(%dma_start3A_169 : memref<48x128xf32, #tpu.memory_space<hbm>>) target_semaphore(%run_scoped3A_163 : memref<!tpu.dma_semaphore, #tpu.memory_space<semaphore_mem>>)
      %dma_wait3A_170 = arith.constant 0 : i32
      %dma_wait3A_171 = tpu.memref_slice %arg6[%arg0, %add3A_145, %dma_wait3A_170] : memref<2x10000x128xf32, #tpu.memory_space<hbm>> -> memref<1x48x128xf32, #tpu.memory_space<hbm>>
      %dma_wait3A_172 = tpu.memref_squeeze %dma_wait3A_171 : memref<1x48x128xf32, #tpu.memory_space<hbm>> -> memref<48x128xf32, #tpu.memory_space<hbm>>
      %dma_wait3A_173 = arith.constant 0 : i32
      %dma_wait3A_174 = tpu.memref_slice %arg6[%arg0, %add3A_145, %dma_wait3A_173] : memref<2x10000x128xf32, #tpu.memory_space<hbm>> -> memref<1x48x128xf32, #tpu.memory_space<hbm>>
      %dma_wait3A_175 = tpu.memref_squeeze %dma_wait3A_174 : memref<1x48x128xf32, #tpu.memory_space<hbm>> -> memref<48x128xf32, #tpu.memory_space<hbm>>
      tpu.wait_dma2 semaphore(%run_scoped3A_163 : memref<!tpu.dma_semaphore, #tpu.memory_space<semaphore_mem>>) src(%arg14 : memref<48x128xf32, #tpu.memory_space<vmem>>) dst(%dma_wait3A_175 : memref<48x128xf32, #tpu.memory_space<hbm>>)
      tpu.yield
    }) : () -> ()
    %add3A_146 = arith.constant 480 : i32
    %add3A_147 = arith.addi %mul3A_2, %add3A_146 : i32
    "tpu.region"() ({
      %run_scoped3A_163 = tpu.sem_alloc : memref<!tpu.dma_semaphore, #tpu.memory_space<semaphore_mem>>
      %dma_start3A_164 = arith.constant 0 : i32
      %dma_start3A_165 = tpu.memref_slice %arg15[%add3A_147, %dma_start3A_164] : memref<10000x128xf32, #tpu.memory_space<vmem_shared>> -> memref<48x128xf32, #tpu.memory_space<vmem_shared>>
      %dma_start3A_166 = arith.constant 0 : i32
      %dma_start3A_167 = tpu.memref_slice %arg15[%add3A_147, %dma_start3A_166] : memref<10000x128xf32, #tpu.memory_space<vmem_shared>> -> memref<48x128xf32, #tpu.memory_space<vmem_shared>>
      tpu.enqueue_dma source(%dma_start3A_167 : memref<48x128xf32, #tpu.memory_space<vmem_shared>>) target(%arg14 : memref<48x128xf32, #tpu.memory_space<vmem>>) target_semaphore(%run_scoped3A_163 : memref<!tpu.dma_semaphore, #tpu.memory_space<semaphore_mem>>)
      %dma_wait3A_168 = arith.constant 0 : i32
      %dma_wait3A_169 = tpu.memref_slice %arg15[%add3A_147, %dma_wait3A_168] : memref<10000x128xf32, #tpu.memory_space<vmem_shared>> -> memref<48x128xf32, #tpu.memory_space<vmem_shared>>
      %dma_wait3A_170 = arith.constant 0 : i32
      %dma_wait3A_171 = tpu.memref_slice %arg15[%add3A_147, %dma_wait3A_170] : memref<10000x128xf32, #tpu.memory_space<vmem_shared>> -> memref<48x128xf32, #tpu.memory_space<vmem_shared>>
      tpu.wait_dma2 semaphore(%run_scoped3A_163 : memref<!tpu.dma_semaphore, #tpu.memory_space<semaphore_mem>>) src(%dma_wait3A_171 : memref<48x128xf32, #tpu.memory_space<vmem_shared>>) dst(%arg14 : memref<48x128xf32, #tpu.memory_space<vmem>>)
      tpu.yield
    }) : () -> ()
    %add3A_148 = arith.constant 480 : i32
    %add3A_149 = arith.addi %mul3A_2, %add3A_148 : i32
    "tpu.region"() ({
      %run_scoped3A_163 = tpu.sem_alloc : memref<!tpu.dma_semaphore, #tpu.memory_space<semaphore_mem>>
      %dma_start3A_164 = arith.constant 0 : i32
      %dma_start3A_165 = tpu.memref_slice %arg6[%arg0, %add3A_149, %dma_start3A_164] : memref<2x10000x128xf32, #tpu.memory_space<hbm>> -> memref<1x48x128xf32, #tpu.memory_space<hbm>>
      %dma_start3A_166 = tpu.memref_squeeze %dma_start3A_165 : memref<1x48x128xf32, #tpu.memory_space<hbm>> -> memref<48x128xf32, #tpu.memory_space<hbm>>
      %dma_start3A_167 = arith.constant 0 : i32
      %dma_start3A_168 = tpu.memref_slice %arg6[%arg0, %add3A_149, %dma_start3A_167] : memref<2x10000x128xf32, #tpu.memory_space<hbm>> -> memref<1x48x128xf32, #tpu.memory_space<hbm>>
      %dma_start3A_169 = tpu.memref_squeeze %dma_start3A_168 : memref<1x48x128xf32, #tpu.memory_space<hbm>> -> memref<48x128xf32, #tpu.memory_space<hbm>>
      tpu.enqueue_dma source(%arg14 : memref<48x128xf32, #tpu.memory_space<vmem>>) target(%dma_start3A_169 : memref<48x128xf32, #tpu.memory_space<hbm>>) target_semaphore(%run_scoped3A_163 : memref<!tpu.dma_semaphore, #tpu.memory_space<semaphore_mem>>)
      %dma_wait3A_170 = arith.constant 0 : i32
      %dma_wait3A_171 = tpu.memref_slice %arg6[%arg0, %add3A_149, %dma_wait3A_170] : memref<2x10000x128xf32, #tpu.memory_space<hbm>> -> memref<1x48x128xf32, #tpu.memory_space<hbm>>
      %dma_wait3A_172 = tpu.memref_squeeze %dma_wait3A_171 : memref<1x48x128xf32, #tpu.memory_space<hbm>> -> memref<48x128xf32, #tpu.memory_space<hbm>>
      %dma_wait3A_173 = arith.constant 0 : i32
      %dma_wait3A_174 = tpu.memref_slice %arg6[%arg0, %add3A_149, %dma_wait3A_173] : memref<2x10000x128xf32, #tpu.memory_space<hbm>> -> memref<1x48x128xf32, #tpu.memory_space<hbm>>
      %dma_wait3A_175 = tpu.memref_squeeze %dma_wait3A_174 : memref<1x48x128xf32, #tpu.memory_space<hbm>> -> memref<48x128xf32, #tpu.memory_space<hbm>>
      tpu.wait_dma2 semaphore(%run_scoped3A_163 : memref<!tpu.dma_semaphore, #tpu.memory_space<semaphore_mem>>) src(%arg14 : memref<48x128xf32, #tpu.memory_space<vmem>>) dst(%dma_wait3A_175 : memref<48x128xf32, #tpu.memory_space<hbm>>)
      tpu.yield
    }) : () -> ()
    %add3A_150 = arith.constant 528 : i32
    %add3A_151 = arith.addi %mul3A_2, %add3A_150 : i32
    "tpu.region"() ({
      %run_scoped3A_163 = tpu.sem_alloc : memref<!tpu.dma_semaphore, #tpu.memory_space<semaphore_mem>>
      %dma_start3A_164 = arith.constant 0 : i32
      %dma_start3A_165 = tpu.memref_slice %arg15[%add3A_151, %dma_start3A_164] : memref<10000x128xf32, #tpu.memory_space<vmem_shared>> -> memref<48x128xf32, #tpu.memory_space<vmem_shared>>
      %dma_start3A_166 = arith.constant 0 : i32
      %dma_start3A_167 = tpu.memref_slice %arg15[%add3A_151, %dma_start3A_166] : memref<10000x128xf32, #tpu.memory_space<vmem_shared>> -> memref<48x128xf32, #tpu.memory_space<vmem_shared>>
      tpu.enqueue_dma source(%dma_start3A_167 : memref<48x128xf32, #tpu.memory_space<vmem_shared>>) target(%arg14 : memref<48x128xf32, #tpu.memory_space<vmem>>) target_semaphore(%run_scoped3A_163 : memref<!tpu.dma_semaphore, #tpu.memory_space<semaphore_mem>>)
      %dma_wait3A_168 = arith.constant 0 : i32
      %dma_wait3A_169 = tpu.memref_slice %arg15[%add3A_151, %dma_wait3A_168] : memref<10000x128xf32, #tpu.memory_space<vmem_shared>> -> memref<48x128xf32, #tpu.memory_space<vmem_shared>>
      %dma_wait3A_170 = arith.constant 0 : i32
      %dma_wait3A_171 = tpu.memref_slice %arg15[%add3A_151, %dma_wait3A_170] : memref<10000x128xf32, #tpu.memory_space<vmem_shared>> -> memref<48x128xf32, #tpu.memory_space<vmem_shared>>
      tpu.wait_dma2 semaphore(%run_scoped3A_163 : memref<!tpu.dma_semaphore, #tpu.memory_space<semaphore_mem>>) src(%dma_wait3A_171 : memref<48x128xf32, #tpu.memory_space<vmem_shared>>) dst(%arg14 : memref<48x128xf32, #tpu.memory_space<vmem>>)
      tpu.yield
    }) : () -> ()
    %add3A_152 = arith.constant 528 : i32
    %add3A_153 = arith.addi %mul3A_2, %add3A_152 : i32
    "tpu.region"() ({
      %run_scoped3A_163 = tpu.sem_alloc : memref<!tpu.dma_semaphore, #tpu.memory_space<semaphore_mem>>
      %dma_start3A_164 = arith.constant 0 : i32
      %dma_start3A_165 = tpu.memref_slice %arg6[%arg0, %add3A_153, %dma_start3A_164] : memref<2x10000x128xf32, #tpu.memory_space<hbm>> -> memref<1x48x128xf32, #tpu.memory_space<hbm>>
      %dma_start3A_166 = tpu.memref_squeeze %dma_start3A_165 : memref<1x48x128xf32, #tpu.memory_space<hbm>> -> memref<48x128xf32, #tpu.memory_space<hbm>>
      %dma_start3A_167 = arith.constant 0 : i32
      %dma_start3A_168 = tpu.memref_slice %arg6[%arg0, %add3A_153, %dma_start3A_167] : memref<2x10000x128xf32, #tpu.memory_space<hbm>> -> memref<1x48x128xf32, #tpu.memory_space<hbm>>
      %dma_start3A_169 = tpu.memref_squeeze %dma_start3A_168 : memref<1x48x128xf32, #tpu.memory_space<hbm>> -> memref<48x128xf32, #tpu.memory_space<hbm>>
      tpu.enqueue_dma source(%arg14 : memref<48x128xf32, #tpu.memory_space<vmem>>) target(%dma_start3A_169 : memref<48x128xf32, #tpu.memory_space<hbm>>) target_semaphore(%run_scoped3A_163 : memref<!tpu.dma_semaphore, #tpu.memory_space<semaphore_mem>>)
      %dma_wait3A_170 = arith.constant 0 : i32
      %dma_wait3A_171 = tpu.memref_slice %arg6[%arg0, %add3A_153, %dma_wait3A_170] : memref<2x10000x128xf32, #tpu.memory_space<hbm>> -> memref<1x48x128xf32, #tpu.memory_space<hbm>>
      %dma_wait3A_172 = tpu.memref_squeeze %dma_wait3A_171 : memref<1x48x128xf32, #tpu.memory_space<hbm>> -> memref<48x128xf32, #tpu.memory_space<hbm>>
      %dma_wait3A_173 = arith.constant 0 : i32
      %dma_wait3A_174 = tpu.memref_slice %arg6[%arg0, %add3A_153, %dma_wait3A_173] : memref<2x10000x128xf32, #tpu.memory_space<hbm>> -> memref<1x48x128xf32, #tpu.memory_space<hbm>>
      %dma_wait3A_175 = tpu.memref_squeeze %dma_wait3A_174 : memref<1x48x128xf32, #tpu.memory_space<hbm>> -> memref<48x128xf32, #tpu.memory_space<hbm>>
      tpu.wait_dma2 semaphore(%run_scoped3A_163 : memref<!tpu.dma_semaphore, #tpu.memory_space<semaphore_mem>>) src(%arg14 : memref<48x128xf32, #tpu.memory_space<vmem>>) dst(%dma_wait3A_175 : memref<48x128xf32, #tpu.memory_space<hbm>>)
      tpu.yield
    }) : () -> ()
    %add3A_154 = arith.constant 576 : i32
    %add3A_155 = arith.addi %mul3A_2, %add3A_154 : i32
    "tpu.region"() ({
      %run_scoped3A_163 = tpu.sem_alloc : memref<!tpu.dma_semaphore, #tpu.memory_space<semaphore_mem>>
      %dma_start3A_164 = arith.constant 0 : i32
      %dma_start3A_165 = tpu.memref_slice %arg15[%add3A_155, %dma_start3A_164] : memref<10000x128xf32, #tpu.memory_space<vmem_shared>> -> memref<48x128xf32, #tpu.memory_space<vmem_shared>>
      %dma_start3A_166 = arith.constant 0 : i32
      %dma_start3A_167 = tpu.memref_slice %arg15[%add3A_155, %dma_start3A_166] : memref<10000x128xf32, #tpu.memory_space<vmem_shared>> -> memref<48x128xf32, #tpu.memory_space<vmem_shared>>
      tpu.enqueue_dma source(%dma_start3A_167 : memref<48x128xf32, #tpu.memory_space<vmem_shared>>) target(%arg14 : memref<48x128xf32, #tpu.memory_space<vmem>>) target_semaphore(%run_scoped3A_163 : memref<!tpu.dma_semaphore, #tpu.memory_space<semaphore_mem>>)
      %dma_wait3A_168 = arith.constant 0 : i32
      %dma_wait3A_169 = tpu.memref_slice %arg15[%add3A_155, %dma_wait3A_168] : memref<10000x128xf32, #tpu.memory_space<vmem_shared>> -> memref<48x128xf32, #tpu.memory_space<vmem_shared>>
      %dma_wait3A_170 = arith.constant 0 : i32
      %dma_wait3A_171 = tpu.memref_slice %arg15[%add3A_155, %dma_wait3A_170] : memref<10000x128xf32, #tpu.memory_space<vmem_shared>> -> memref<48x128xf32, #tpu.memory_space<vmem_shared>>
      tpu.wait_dma2 semaphore(%run_scoped3A_163 : memref<!tpu.dma_semaphore, #tpu.memory_space<semaphore_mem>>) src(%dma_wait3A_171 : memref<48x128xf32, #tpu.memory_space<vmem_shared>>) dst(%arg14 : memref<48x128xf32, #tpu.memory_space<vmem>>)
      tpu.yield
    }) : () -> ()
    %add3A_156 = arith.constant 576 : i32
    %add3A_157 = arith.addi %mul3A_2, %add3A_156 : i32
    "tpu.region"() ({
      %run_scoped3A_163 = tpu.sem_alloc : memref<!tpu.dma_semaphore, #tpu.memory_space<semaphore_mem>>
      %dma_start3A_164 = arith.constant 0 : i32
      %dma_start3A_165 = tpu.memref_slice %arg6[%arg0, %add3A_157, %dma_start3A_164] : memref<2x10000x128xf32, #tpu.memory_space<hbm>> -> memref<1x48x128xf32, #tpu.memory_space<hbm>>
      %dma_start3A_166 = tpu.memref_squeeze %dma_start3A_165 : memref<1x48x128xf32, #tpu.memory_space<hbm>> -> memref<48x128xf32, #tpu.memory_space<hbm>>
      %dma_start3A_167 = arith.constant 0 : i32
      %dma_start3A_168 = tpu.memref_slice %arg6[%arg0, %add3A_157, %dma_start3A_167] : memref<2x10000x128xf32, #tpu.memory_space<hbm>> -> memref<1x48x128xf32, #tpu.memory_space<hbm>>
      %dma_start3A_169 = tpu.memref_squeeze %dma_start3A_168 : memref<1x48x128xf32, #tpu.memory_space<hbm>> -> memref<48x128xf32, #tpu.memory_space<hbm>>
      tpu.enqueue_dma source(%arg14 : memref<48x128xf32, #tpu.memory_space<vmem>>) target(%dma_start3A_169 : memref<48x128xf32, #tpu.memory_space<hbm>>) target_semaphore(%run_scoped3A_163 : memref<!tpu.dma_semaphore, #tpu.memory_space<semaphore_mem>>)
      %dma_wait3A_170 = arith.constant 0 : i32
      %dma_wait3A_171 = tpu.memref_slice %arg6[%arg0, %add3A_157, %dma_wait3A_170] : memref<2x10000x128xf32, #tpu.memory_space<hbm>> -> memref<1x48x128xf32, #tpu.memory_space<hbm>>
      %dma_wait3A_172 = tpu.memref_squeeze %dma_wait3A_171 : memref<1x48x128xf32, #tpu.memory_space<hbm>> -> memref<48x128xf32, #tpu.memory_space<hbm>>
      %dma_wait3A_173 = arith.constant 0 : i32
      %dma_wait3A_174 = tpu.memref_slice %arg6[%arg0, %add3A_157, %dma_wait3A_173] : memref<2x10000x128xf32, #tpu.memory_space<hbm>> -> memref<1x48x128xf32, #tpu.memory_space<hbm>>
      %dma_wait3A_175 = tpu.memref_squeeze %dma_wait3A_174 : memref<1x48x128xf32, #tpu.memory_space<hbm>> -> memref<48x128xf32, #tpu.memory_space<hbm>>
      tpu.wait_dma2 semaphore(%run_scoped3A_163 : memref<!tpu.dma_semaphore, #tpu.memory_space<semaphore_mem>>) src(%arg14 : memref<48x128xf32, #tpu.memory_space<vmem>>) dst(%dma_wait3A_175 : memref<48x128xf32, #tpu.memory_space<hbm>>)
      tpu.yield
    }) : () -> ()
    %eq3A_158 = arith.constant 15 : i32
    %eq3A_159 = arith.cmpi eq, %arg1, %eq3A_158 : i32
    %convert_element_type3A_160 = arith.extui %eq3A_159 : i1 to i32
    %cond3A_161 = arith.constant 0 : i32
    %cond3A_162 = arith.cmpi ne, %convert_element_type3A_160, %cond3A_161 : i32
    scf.if %cond3A_162 {
      "tpu.region"() ({
        %run_scoped3A_163 = tpu.sem_alloc : memref<!tpu.dma_semaphore, #tpu.memory_space<semaphore_mem>>
        %dma_start3A_164 = arith.constant 0 : i32
        %dma_start3A_165 = arith.constant 0 : i32
        %dma_start3A_166 = tpu.memref_slice %arg14[%dma_start3A_164, %dma_start3A_165] : memref<48x128xf32, #tpu.memory_space<vmem>> -> memref<16x128xf32, #tpu.memory_space<vmem>>
        %dma_start3A_167 = arith.constant 9984 : i32
        %dma_start3A_168 = arith.constant 0 : i32
        %dma_start3A_169 = tpu.memref_slice %arg15[%dma_start3A_167, %dma_start3A_168] : memref<10000x128xf32, #tpu.memory_space<vmem_shared>> -> memref<16x128xf32, #tpu.memory_space<vmem_shared>>
        %dma_start3A_170 = arith.constant 0 : i32
        %dma_start3A_171 = arith.constant 0 : i32
        %dma_start3A_172 = tpu.memref_slice %arg14[%dma_start3A_170, %dma_start3A_171] : memref<48x128xf32, #tpu.memory_space<vmem>> -> memref<16x128xf32, #tpu.memory_space<vmem>>
        %dma_start3A_173 = arith.constant 9984 : i32
        %dma_start3A_174 = arith.constant 0 : i32
        %dma_start3A_175 = tpu.memref_slice %arg15[%dma_start3A_173, %dma_start3A_174] : memref<10000x128xf32, #tpu.memory_space<vmem_shared>> -> memref<16x128xf32, #tpu.memory_space<vmem_shared>>
        tpu.enqueue_dma source(%dma_start3A_175 : memref<16x128xf32, #tpu.memory_space<vmem_shared>>) target(%dma_start3A_172 : memref<16x128xf32, #tpu.memory_space<vmem>>) target_semaphore(%run_scoped3A_163 : memref<!tpu.dma_semaphore, #tpu.memory_space<semaphore_mem>>)
        %dma_wait3A_176 = arith.constant 0 : i32
        %dma_wait3A_177 = arith.constant 0 : i32
        %dma_wait3A_178 = tpu.memref_slice %arg14[%dma_wait3A_176, %dma_wait3A_177] : memref<48x128xf32, #tpu.memory_space<vmem>> -> memref<16x128xf32, #tpu.memory_space<vmem>>
        %dma_wait3A_179 = arith.constant 9984 : i32
        %dma_wait3A_180 = arith.constant 0 : i32
        %dma_wait3A_181 = tpu.memref_slice %arg15[%dma_wait3A_179, %dma_wait3A_180] : memref<10000x128xf32, #tpu.memory_space<vmem_shared>> -> memref<16x128xf32, #tpu.memory_space<vmem_shared>>
        %dma_wait3A_182 = arith.constant 0 : i32
        %dma_wait3A_183 = arith.constant 0 : i32
        %dma_wait3A_184 = tpu.memref_slice %arg14[%dma_wait3A_182, %dma_wait3A_183] : memref<48x128xf32, #tpu.memory_space<vmem>> -> memref<16x128xf32, #tpu.memory_space<vmem>>
        %dma_wait3A_185 = arith.constant 9984 : i32
        %dma_wait3A_186 = arith.constant 0 : i32
        %dma_wait3A_187 = tpu.memref_slice %arg15[%dma_wait3A_185, %dma_wait3A_186] : memref<10000x128xf32, #tpu.memory_space<vmem_shared>> -> memref<16x128xf32, #tpu.memory_space<vmem_shared>>
        tpu.wait_dma2 semaphore(%run_scoped3A_163 : memref<!tpu.dma_semaphore, #tpu.memory_space<semaphore_mem>>) src(%dma_wait3A_187 : memref<16x128xf32, #tpu.memory_space<vmem_shared>>) dst(%dma_wait3A_184 : memref<16x128xf32, #tpu.memory_space<vmem>>)
        tpu.yield
      }) : () -> ()
      "tpu.region"() ({
        %run_scoped3A_163 = tpu.sem_alloc : memref<!tpu.dma_semaphore, #tpu.memory_space<semaphore_mem>>
        %dma_start3A_164 = arith.constant 0 : i32
        %dma_start3A_165 = arith.constant 0 : i32
        %dma_start3A_166 = tpu.memref_slice %arg14[%dma_start3A_164, %dma_start3A_165] : memref<48x128xf32, #tpu.memory_space<vmem>> -> memref<16x128xf32, #tpu.memory_space<vmem>>
        %dma_start3A_167 = arith.constant 9984 : i32
        %dma_start3A_168 = arith.constant 0 : i32
        %dma_start3A_169 = tpu.memref_slice %arg6[%arg0, %dma_start3A_167, %dma_start3A_168] : memref<2x10000x128xf32, #tpu.memory_space<hbm>> -> memref<1x16x128xf32, #tpu.memory_space<hbm>>
        %dma_start3A_170 = tpu.memref_squeeze %dma_start3A_169 : memref<1x16x128xf32, #tpu.memory_space<hbm>> -> memref<16x128xf32, #tpu.memory_space<hbm>>
        %dma_start3A_171 = arith.constant 9984 : i32
        %dma_start3A_172 = arith.constant 0 : i32
        %dma_start3A_173 = tpu.memref_slice %arg6[%arg0, %dma_start3A_171, %dma_start3A_172] : memref<2x10000x128xf32, #tpu.memory_space<hbm>> -> memref<1x16x128xf32, #tpu.memory_space<hbm>>
        %dma_start3A_174 = tpu.memref_squeeze %dma_start3A_173 : memref<1x16x128xf32, #tpu.memory_space<hbm>> -> memref<16x128xf32, #tpu.memory_space<hbm>>
        %dma_start3A_175 = arith.constant 0 : i32
        %dma_start3A_176 = arith.constant 0 : i32
        %dma_start3A_177 = tpu.memref_slice %arg14[%dma_start3A_175, %dma_start3A_176] : memref<48x128xf32, #tpu.memory_space<vmem>> -> memref<16x128xf32, #tpu.memory_space<vmem>>
        tpu.enqueue_dma source(%dma_start3A_177 : memref<16x128xf32, #tpu.memory_space<vmem>>) target(%dma_start3A_174 : memref<16x128xf32, #tpu.memory_space<hbm>>) target_semaphore(%run_scoped3A_163 : memref<!tpu.dma_semaphore, #tpu.memory_space<semaphore_mem>>)
        %dma_wait3A_178 = arith.constant 0 : i32
        %dma_wait3A_179 = arith.constant 0 : i32
        %dma_wait3A_180 = tpu.memref_slice %arg14[%dma_wait3A_178, %dma_wait3A_179] : memref<48x128xf32, #tpu.memory_space<vmem>> -> memref<16x128xf32, #tpu.memory_space<vmem>>
        %dma_wait3A_181 = arith.constant 9984 : i32
        %dma_wait3A_182 = arith.constant 0 : i32
        %dma_wait3A_183 = tpu.memref_slice %arg6[%arg0, %dma_wait3A_181, %dma_wait3A_182] : memref<2x10000x128xf32, #tpu.memory_space<hbm>> -> memref<1x16x128xf32, #tpu.memory_space<hbm>>
        %dma_wait3A_184 = tpu.memref_squeeze %dma_wait3A_183 : memref<1x16x128xf32, #tpu.memory_space<hbm>> -> memref<16x128xf32, #tpu.memory_space<hbm>>
        %dma_wait3A_185 = arith.constant 9984 : i32
        %dma_wait3A_186 = arith.constant 0 : i32
        %dma_wait3A_187 = tpu.memref_slice %arg6[%arg0, %dma_wait3A_185, %dma_wait3A_186] : memref<2x10000x128xf32, #tpu.memory_space<hbm>> -> memref<1x16x128xf32, #tpu.memory_space<hbm>>
        %dma_wait3A_188 = tpu.memref_squeeze %dma_wait3A_187 : memref<1x16x128xf32, #tpu.memory_space<hbm>> -> memref<16x128xf32, #tpu.memory_space<hbm>>
        %dma_wait3A_189 = arith.constant 0 : i32
        %dma_wait3A_190 = arith.constant 0 : i32
        %dma_wait3A_191 = tpu.memref_slice %arg14[%dma_wait3A_189, %dma_wait3A_190] : memref<48x128xf32, #tpu.memory_space<vmem>> -> memref<16x128xf32, #tpu.memory_space<vmem>>
        tpu.wait_dma2 semaphore(%run_scoped3A_163 : memref<!tpu.dma_semaphore, #tpu.memory_space<semaphore_mem>>) src(%dma_wait3A_191 : memref<16x128xf32, #tpu.memory_space<vmem>>) dst(%dma_wait3A_188 : memref<16x128xf32, #tpu.memory_space<hbm>>)
        tpu.yield
      }) : () -> ()
    } else {
    }
    return
  }
}

module attributes {stable_mosaic.version = 14 : i64} {
  func.func @_dense_body(%arg0: i32, %arg1: memref<2x1000x128xf32, #tpu.memory_space<vmem>>, %arg2: memref<1000x8xf32, #tpu.memory_space<vmem>>, %arg3: memref<1000x128xf32, #tpu.memory_space<vmem>>, %arg4: memref<128x128xf32, #tpu.memory_space<vmem>>, %arg5: memref<1x128xf32, #tpu.memory_space<vmem>>, %arg6: memref<128x128xf32, #tpu.memory_space<vmem>>, %arg7: memref<1000x128xf32, #tpu.memory_space<vmem>>) attributes {dimension_semantics = [#tpu.dimension_semantics<arbitrary>], iteration_bounds = array<i64: 10>, scalar_prefetch = 0 : i64, scratch_operands = 0 : i64, tpu.core_type = #tpu.core_type<tc>, window_params = [{transform_indices = @transform_0, window_bounds = array<i64: 2, 1000, 128>}, {transform_indices = @transform_1, window_bounds = array<i64: 1000, 8>}, {transform_indices = @transform_2, window_bounds = array<i64: 1000, 128>}, {pipeline_mode = #tpu.pipeline_mode<synchronous>, transform_indices = @transform_3, window_bounds = array<i64: 128, 128>}, {pipeline_mode = #tpu.pipeline_mode<synchronous>, transform_indices = @transform_4, window_bounds = array<i64: 1, 128>}, {pipeline_mode = #tpu.pipeline_mode<synchronous>, transform_indices = @transform_5, window_bounds = array<i64: 128, 128>}, {transform_indices = @transform_6, window_bounds = array<i64: 1000, 128>}]} {
    %get3A = arith.constant 0 : index
    %get3A_0 = arith.constant 0 : index
    %get3A_1 = vector.load %arg2[%get3A, %get3A_0] : memref<1000x8xf32, #tpu.memory_space<vmem>>, vector<1000x1xf32>
    %get3A_2 = arith.constant 0 : index
    %get3A_3 = arith.constant 0 : index
    %get3A_4 = arith.constant 0 : index
    %get3A_5 = vector.load %arg1[%get3A_2, %get3A_3, %get3A_4] : memref<2x1000x128xf32, #tpu.memory_space<vmem>>, vector<1x1000x128xf32>
    %get3A_6 = vector.shape_cast %get3A_5 : vector<1x1000x128xf32> to vector<1000x128xf32>
    %get3A_7 = arith.constant 1 : index
    %get3A_8 = arith.constant 0 : index
    %get3A_9 = arith.constant 0 : index
    %get3A_10 = vector.load %arg1[%get3A_7, %get3A_8, %get3A_9] : memref<2x1000x128xf32, #tpu.memory_space<vmem>>, vector<1x1000x128xf32>
    %get3A_11 = vector.shape_cast %get3A_10 : vector<1x1000x128xf32> to vector<1000x128xf32>
    %add3A = arith.addf %get3A_6, %get3A_11 : vector<1000x128xf32>
    %max3A = arith.constant 1.000000e+00 : f32
    %max3A_12 = vector.broadcast %max3A : f32 to vector<1000x1xf32>
    %max3A_13 = arith.maximumf %get3A_1, %max3A_12 : vector<1000x1xf32>
    %div3A = vector.broadcast %max3A_13 : vector<1000x1xf32> to vector<1000x128xf32>
    %div3A_14 = arith.divf %add3A, %div3A : vector<1000x128xf32>
    %get3A_15 = arith.constant 0 : index
    %get3A_16 = arith.constant 0 : index
    %get3A_17 = vector.load %arg4[%get3A_15, %get3A_16] : memref<128x128xf32, #tpu.memory_space<vmem>>, vector<128x128xf32>
    %dot_general3A = arith.constant dense<0.000000e+00> : vector<1000x128xf32>
    %dot_general3A_18 = tpu.matmul %div3A_14, %get3A_17, %dot_general3A {dimension_numbers = #tpu.dot_dimension_numbers<[1], [0], [0], [1], [0, 0, 1, 1], [], []>, precision = #tpu.contract_precision<fp32>, transpose_lhs_hint = false} : vector<1000x128xf32>, vector<128x128xf32>, vector<1000x128xf32> -> vector<1000x128xf32>
    %get3A_19 = arith.constant 0 : index
    %get3A_20 = arith.constant 0 : index
    %get3A_21 = vector.load %arg5[%get3A_19, %get3A_20] : memref<1x128xf32, #tpu.memory_space<vmem>>, vector<1x128xf32>
    %add3A_22 = vector.broadcast %get3A_21 : vector<1x128xf32> to vector<1000x128xf32>
    %add3A_23 = arith.addf %dot_general3A_18, %add3A_22 : vector<1000x128xf32>
    %get3A_24 = arith.constant 0 : index
    %get3A_25 = arith.constant 0 : index
    %get3A_26 = vector.load %arg3[%get3A_24, %get3A_25] : memref<1000x128xf32, #tpu.memory_space<vmem>>, vector<1000x128xf32>
    %get3A_27 = arith.constant 0 : index
    %get3A_28 = arith.constant 0 : index
    %get3A_29 = vector.load %arg6[%get3A_27, %get3A_28] : memref<128x128xf32, #tpu.memory_space<vmem>>, vector<128x128xf32>
    %dot_general3A_30 = arith.constant dense<0.000000e+00> : vector<1000x128xf32>
    %dot_general3A_31 = tpu.matmul %get3A_26, %get3A_29, %dot_general3A_30 {dimension_numbers = #tpu.dot_dimension_numbers<[1], [0], [0], [1], [0, 0, 1, 1], [], []>, precision = #tpu.contract_precision<fp32>, transpose_lhs_hint = false} : vector<1000x128xf32>, vector<128x128xf32>, vector<1000x128xf32> -> vector<1000x128xf32>
    %add3A_32 = arith.addf %add3A_23, %dot_general3A_31 : vector<1000x128xf32>
    %max3A_33 = arith.constant 0.000000e+00 : f32
    %max3A_34 = vector.broadcast %max3A_33 : f32 to vector<1000x128xf32>
    %max3A_35 = arith.maximumf %add3A_32, %max3A_34 : vector<1000x128xf32>
    %swap3A = arith.constant 0 : index
    %swap3A_36 = arith.constant 0 : index
    %swap3A_37 = vector.load %arg7[%swap3A, %swap3A_36] : memref<1000x128xf32, #tpu.memory_space<vmem>>, vector<1000x128xf32>
    tpu.vector_store %arg7[%swap3A, %swap3A_36], %max3A_35 {strides = array<i32>} : memref<1000x128xf32, #tpu.memory_space<vmem>>, vector<1000x128xf32>,
    return
  }
  func.func @transform_0(%arg0: i32) -> (i32, i32, i32) {
    %c0_i32 = arith.constant 0 : i32
    %c0_i32_0 = arith.constant 0 : i32
    %c0_i32_1 = arith.constant 0 : i32
    return %c0_i32, %arg0, %c0_i32_0 : i32, i32, i32
  }
  func.func @transform_1(%arg0: i32) -> (i32, i32) {
    %c0_i32 = arith.constant 0 : i32
    %c0_i32_0 = arith.constant 0 : i32
    return %arg0, %c0_i32 : i32, i32
  }
  func.func @transform_2(%arg0: i32) -> (i32, i32) {
    %c0_i32 = arith.constant 0 : i32
    %c0_i32_0 = arith.constant 0 : i32
    return %arg0, %c0_i32 : i32, i32
  }
  func.func @transform_3(%arg0: i32) -> (i32, i32) {
    %c0_i32 = arith.constant 0 : i32
    %c0_i32_0 = arith.constant 0 : i32
    %c0_i32_1 = arith.constant 0 : i32
    return %c0_i32, %c0_i32_0 : i32, i32
  }
  func.func @transform_4(%arg0: i32) -> (i32, i32) {
    %c0_i32 = arith.constant 0 : i32
    %c0_i32_0 = arith.constant 0 : i32
    %c0_i32_1 = arith.constant 0 : i32
    return %c0_i32, %c0_i32_0 : i32, i32
  }
  func.func @transform_5(%arg0: i32) -> (i32, i32) {
    %c0_i32 = arith.constant 0 : i32
    %c0_i32_0 = arith.constant 0 : i32
    %c0_i32_1 = arith.constant 0 : i32
    return %c0_i32, %c0_i32_0 : i32, i32
  }
  func.func @transform_6(%arg0: i32) -> (i32, i32) {
    %c0_i32 = arith.constant 0 : i32
    %c0_i32_0 = arith.constant 0 : i32
    return %arg0, %c0_i32 : i32, i32
  }
}

module attributes {stable_mosaic.version = 14 : i64} {
  func.func @_cnt_merge_body(%arg0: i32, %arg1: memref<32x625x16xf32, #tpu.memory_space<vmem>>, %arg2: memref<1000x8xf32, #tpu.memory_space<vmem>>) attributes {dimension_semantics = [#tpu.dimension_semantics<arbitrary>], iteration_bounds = array<i64: 10>, scalar_prefetch = 0 : i64, scratch_operands = 0 : i64, tpu.core_type = #tpu.core_type<tc>, window_params = [{pipeline_mode = #tpu.pipeline_mode<synchronous>, transform_indices = @transform_0, window_bounds = array<i64: 32, 625, 16>}, {transform_indices = @transform_1, window_bounds = array<i64: 1000, 8>}]} {
    %get3A = arith.constant 0 : index
    %get3A_0 = arith.constant 0 : index
    %get3A_1 = arith.constant 0 : index
    %get3A_2 = vector.load %arg1[%get3A, %get3A_0, %get3A_1] : memref<32x625x16xf32, #tpu.memory_space<vmem>>, vector<32x625x16xf32>
    %reduce_sum3A = arith.constant dense<0.000000e+00> : vector<625x16xf32>
    %reduce_sum3A_3 = vector.multi_reduction <add>, %get3A_2, %reduce_sum3A [0] : vector<32x625x16xf32> to vector<625x16xf32>
    %iota3A = tpu.iota {dimensions = array<i32: 0>} : vector<1000x625xi32>
    %mul3A = arith.constant 1000 : i32
    %mul3A_4 = arith.muli %arg0, %mul3A : i32
    %add3A = vector.broadcast %mul3A_4 : i32 to vector<1000x625xi32>
    %add3A_5 = arith.addi %iota3A, %add3A : vector<1000x625xi32>
    %iota3A_6 = tpu.iota {dimensions = array<i32: 1>} : vector<1000x625xi32>
    %shift_right_logical3A = arith.constant 4 : i32
    %shift_right_logical3A_7 = vector.broadcast %shift_right_logical3A : i32 to vector<1000x625xi32>
    %shift_right_logical3A_8 = arith.shrui %add3A_5, %shift_right_logical3A_7 : vector<1000x625xi32>
    %eq3A = arith.cmpi eq, %shift_right_logical3A_8, %iota3A_6 : vector<1000x625xi32>
    %convert_element_type3A = arith.extui %eq3A : vector<1000x625xi1> to vector<1000x625xi32>
    %convert_element_type3A_9 = arith.sitofp %convert_element_type3A : vector<1000x625xi32> to vector<1000x625xf32>
    %dot_general3A = arith.constant dense<0.000000e+00> : vector<1000x16xf32>
    %dot_general3A_10 = tpu.matmul %convert_element_type3A_9, %reduce_sum3A_3, %dot_general3A {dimension_numbers = #tpu.dot_dimension_numbers<[1], [0], [0], [1], [0, 0, 1, 1], [], []>, transpose_lhs_hint = false} : vector<1000x625xf32>, vector<625x16xf32>, vector<1000x16xf32> -> vector<1000x16xf32>
    %iota3A_11 = tpu.iota {dimensions = array<i32: 0>} : vector<1000x16xi32>
    %mul3A_12 = arith.constant 1000 : i32
    %mul3A_13 = arith.muli %arg0, %mul3A_12 : i32
    %add3A_14 = vector.broadcast %mul3A_13 : i32 to vector<1000x16xi32>
    %add3A_15 = arith.addi %iota3A_11, %add3A_14 : vector<1000x16xi32>
    %iota3A_16 = tpu.iota {dimensions = array<i32: 1>} : vector<1000x16xi32>
    %and3A = arith.constant 15 : i32
    %and3A_17 = vector.broadcast %and3A : i32 to vector<1000x16xi32>
    %and3A_18 = arith.andi %add3A_15, %and3A_17 : vector<1000x16xi32>
    %eq3A_19 = arith.cmpi eq, %and3A_18, %iota3A_16 : vector<1000x16xi32>
    %jit3A = arith.constant 0.000000e+00 : f32
    %broadcast_in_dim3A = vector.broadcast %jit3A : f32 to vector<1000x16xf32>
    %select_n3A = arith.select %eq3A_19, %dot_general3A_10, %broadcast_in_dim3A : vector<1000x16xi1>, vector<1000x16xf32>
    %reduce_sum3A_20 = arith.constant dense<0.000000e+00> : vector<1000xf32>
    %reduce_sum3A_21 = vector.multi_reduction <add>, %select_n3A, %reduce_sum3A_20 [1] : vector<1000x16xf32> to vector<1000xf32>
    %broadcast_in_dim3A_22 = vector.shape_cast %reduce_sum3A_21 : vector<1000xf32> to vector<1000x1xf32>
    %broadcast_in_dim3A_23 = vector.shape_cast %broadcast_in_dim3A_22 : vector<1000x1xf32> to vector<1000x1xf32>
    %broadcast_in_dim3A_24 = vector.broadcast %broadcast_in_dim3A_23 : vector<1000x1xf32> to vector<1000x8xf32>
    %swap3A = arith.constant 0 : index
    %swap3A_25 = arith.constant 0 : index
    %swap3A_26 = vector.load %arg2[%swap3A, %swap3A_25] : memref<1000x8xf32, #tpu.memory_space<vmem>>, vector<1000x8xf32>
    tpu.vector_store %arg2[%swap3A, %swap3A_25], %broadcast_in_dim3A_24 {strides = array<i32>} : memref<1000x8xf32, #tpu.memory_space<vmem>>, vector<1000x8xf32>,
    return
  }
  func.func @transform_0(%arg0: i32) -> (i32, i32, i32) {
    %c0_i32 = arith.constant 0 : i32
    %c0_i32_0 = arith.constant 0 : i32
    %c0_i32_1 = arith.constant 0 : i32
    %c0_i32_2 = arith.constant 0 : i32
    return %c0_i32, %c0_i32_0, %c0_i32_1 : i32, i32, i32
  }
  func.func @transform_1(%arg0: i32) -> (i32, i32) {
    %c0_i32 = arith.constant 0 : i32
    %c0_i32_0 = arith.constant 0 : i32
    return %arg0, %c0_i32 : i32, i32
  }
}

module attributes {stable_mosaic.version = 14 : i64} {
  func.func @_dense_body(%arg0: i32, %arg1: memref<2x1000x128xf32, #tpu.memory_space<vmem>>, %arg2: memref<1000x8xf32, #tpu.memory_space<vmem>>, %arg3: memref<1000x128xf32, #tpu.memory_space<vmem>>, %arg4: memref<128x128xf32, #tpu.memory_space<vmem>>, %arg5: memref<1x128xf32, #tpu.memory_space<vmem>>, %arg6: memref<128x128xf32, #tpu.memory_space<vmem>>, %arg7: memref<1000x128xf32, #tpu.memory_space<vmem>>) attributes {dimension_semantics = [#tpu.dimension_semantics<arbitrary>], iteration_bounds = array<i64: 10>, scalar_prefetch = 0 : i64, scratch_operands = 0 : i64, tpu.core_type = #tpu.core_type<tc>, window_params = [{transform_indices = @transform_0, window_bounds = array<i64: 2, 1000, 128>}, {transform_indices = @transform_1, window_bounds = array<i64: 1000, 8>}, {transform_indices = @transform_2, window_bounds = array<i64: 1000, 128>}, {pipeline_mode = #tpu.pipeline_mode<synchronous>, transform_indices = @transform_3, window_bounds = array<i64: 128, 128>}, {pipeline_mode = #tpu.pipeline_mode<synchronous>, transform_indices = @transform_4, window_bounds = array<i64: 1, 128>}, {pipeline_mode = #tpu.pipeline_mode<synchronous>, transform_indices = @transform_5, window_bounds = array<i64: 128, 128>}, {transform_indices = @transform_6, window_bounds = array<i64: 1000, 128>}]} {
    %get3A = arith.constant 0 : index
    %get3A_0 = arith.constant 0 : index
    %get3A_1 = vector.load %arg2[%get3A, %get3A_0] : memref<1000x8xf32, #tpu.memory_space<vmem>>, vector<1000x1xf32>
    %get3A_2 = arith.constant 0 : index
    %get3A_3 = arith.constant 0 : index
    %get3A_4 = arith.constant 0 : index
    %get3A_5 = vector.load %arg1[%get3A_2, %get3A_3, %get3A_4] : memref<2x1000x128xf32, #tpu.memory_space<vmem>>, vector<1x1000x128xf32>
    %get3A_6 = vector.shape_cast %get3A_5 : vector<1x1000x128xf32> to vector<1000x128xf32>
    %get3A_7 = arith.constant 1 : index
    %get3A_8 = arith.constant 0 : index
    %get3A_9 = arith.constant 0 : index
    %get3A_10 = vector.load %arg1[%get3A_7, %get3A_8, %get3A_9] : memref<2x1000x128xf32, #tpu.memory_space<vmem>>, vector<1x1000x128xf32>
    %get3A_11 = vector.shape_cast %get3A_10 : vector<1x1000x128xf32> to vector<1000x128xf32>
    %add3A = arith.addf %get3A_6, %get3A_11 : vector<1000x128xf32>
    %max3A = arith.constant 1.000000e+00 : f32
    %max3A_12 = vector.broadcast %max3A : f32 to vector<1000x1xf32>
    %max3A_13 = arith.maximumf %get3A_1, %max3A_12 : vector<1000x1xf32>
    %div3A = vector.broadcast %max3A_13 : vector<1000x1xf32> to vector<1000x128xf32>
    %div3A_14 = arith.divf %add3A, %div3A : vector<1000x128xf32>
    %get3A_15 = arith.constant 0 : index
    %get3A_16 = arith.constant 0 : index
    %get3A_17 = vector.load %arg4[%get3A_15, %get3A_16] : memref<128x128xf32, #tpu.memory_space<vmem>>, vector<128x128xf32>
    %dot_general3A = arith.constant dense<0.000000e+00> : vector<1000x128xf32>
    %dot_general3A_18 = tpu.matmul %div3A_14, %get3A_17, %dot_general3A {dimension_numbers = #tpu.dot_dimension_numbers<[1], [0], [0], [1], [0, 0, 1, 1], [], []>, precision = #tpu.contract_precision<fp32>, transpose_lhs_hint = false} : vector<1000x128xf32>, vector<128x128xf32>, vector<1000x128xf32> -> vector<1000x128xf32>
    %get3A_19 = arith.constant 0 : index
    %get3A_20 = arith.constant 0 : index
    %get3A_21 = vector.load %arg5[%get3A_19, %get3A_20] : memref<1x128xf32, #tpu.memory_space<vmem>>, vector<1x128xf32>
    %add3A_22 = vector.broadcast %get3A_21 : vector<1x128xf32> to vector<1000x128xf32>
    %add3A_23 = arith.addf %dot_general3A_18, %add3A_22 : vector<1000x128xf32>
    %get3A_24 = arith.constant 0 : index
    %get3A_25 = arith.constant 0 : index
    %get3A_26 = vector.load %arg3[%get3A_24, %get3A_25] : memref<1000x128xf32, #tpu.memory_space<vmem>>, vector<1000x128xf32>
    %get3A_27 = arith.constant 0 : index
    %get3A_28 = arith.constant 0 : index
    %get3A_29 = vector.load %arg6[%get3A_27, %get3A_28] : memref<128x128xf32, #tpu.memory_space<vmem>>, vector<128x128xf32>
    %dot_general3A_30 = arith.constant dense<0.000000e+00> : vector<1000x128xf32>
    %dot_general3A_31 = tpu.matmul %get3A_26, %get3A_29, %dot_general3A_30 {dimension_numbers = #tpu.dot_dimension_numbers<[1], [0], [0], [1], [0, 0, 1, 1], [], []>, precision = #tpu.contract_precision<fp32>, transpose_lhs_hint = false} : vector<1000x128xf32>, vector<128x128xf32>, vector<1000x128xf32> -> vector<1000x128xf32>
    %add3A_32 = arith.addf %add3A_23, %dot_general3A_31 : vector<1000x128xf32>
    %swap3A = arith.constant 0 : index
    %swap3A_33 = arith.constant 0 : index
    %swap3A_34 = vector.load %arg7[%swap3A, %swap3A_33] : memref<1000x128xf32, #tpu.memory_space<vmem>>, vector<1000x128xf32>
    tpu.vector_store %arg7[%swap3A, %swap3A_33], %add3A_32 {strides = array<i32>} : memref<1000x128xf32, #tpu.memory_space<vmem>>, vector<1000x128xf32>,
    return
  }
  func.func @transform_0(%arg0: i32) -> (i32, i32, i32) {
    %c0_i32 = arith.constant 0 : i32
    %c0_i32_0 = arith.constant 0 : i32
    %c0_i32_1 = arith.constant 0 : i32
    return %c0_i32, %arg0, %c0_i32_0 : i32, i32, i32
  }
  func.func @transform_1(%arg0: i32) -> (i32, i32) {
    %c0_i32 = arith.constant 0 : i32
    %c0_i32_0 = arith.constant 0 : i32
    return %arg0, %c0_i32 : i32, i32
  }
  func.func @transform_2(%arg0: i32) -> (i32, i32) {
    %c0_i32 = arith.constant 0 : i32
    %c0_i32_0 = arith.constant 0 : i32
    return %arg0, %c0_i32 : i32, i32
  }
  func.func @transform_3(%arg0: i32) -> (i32, i32) {
    %c0_i32 = arith.constant 0 : i32
    %c0_i32_0 = arith.constant 0 : i32
    %c0_i32_1 = arith.constant 0 : i32
    return %c0_i32, %c0_i32_0 : i32, i32
  }
  func.func @transform_4(%arg0: i32) -> (i32, i32) {
    %c0_i32 = arith.constant 0 : i32
    %c0_i32_0 = arith.constant 0 : i32
    %c0_i32_1 = arith.constant 0 : i32
    return %c0_i32, %c0_i32_0 : i32, i32
  }
  func.func @transform_5(%arg0: i32) -> (i32, i32) {
    %c0_i32 = arith.constant 0 : i32
    %c0_i32_0 = arith.constant 0 : i32
    %c0_i32_1 = arith.constant 0 : i32
    return %c0_i32, %c0_i32_0 : i32, i32
  }
  func.func @transform_6(%arg0: i32) -> (i32, i32) {
    %c0_i32 = arith.constant 0 : i32
    %c0_i32_0 = arith.constant 0 : i32
    return %arg0, %c0_i32 : i32, i32
  }
}

</mosaic_0001>

<sc_bundles>
// kernel: kernel.11.cloned.1.call-start
scs
__scs_entry_jumppad:
0x0: {  	(pc) =	sbr.rel $0x88, $3  }
0x1: {  	(tag) =	ssettag $0x0;
	lr =	simm.s32 $0x1  }
0x2: {  	[smem:$0x3F99] =	sst lr;
	_ =	strace $0xD0000000  }
0x3: {  	_ = 	snop  }
0x4: {  	_ = 	snop  }
0x5: {  	_ = 	snop  }
0x6: {  	_ = 	snop  }
0x7: {  	_ = 	snop  }
__scs_overlays_trampoline_lowered:
0x8: {  	[smem:$0x3FA8] =	sst s0  }
0x9: {  	[smem:$0x3FA9] =	sst s1  }
0xa: {  	[smem:$0x3FAA] =	sst s2  }
0xb: {  	[smem:$0x3FAB] =	sst s3  }
0xc: {  	[smem:$0x3FAC] =	sst s4  }
0xd: {  	[smem:$0x3FAD] =	sst s5  }
0xe: {  	[smem:$0x3FAE] =	sst s6  }
0xf: {  	[smem:$0x3FAF] =	sst s7  }
0x10: {  	[smem:$0x3FB0] =	sst s8  }
0x11: {  	[smem:$0x3FB1] =	sst s9;
	s0 =	simm.s32 @!p0 $0x0  }
0x12: {  	s1 =	sld [smem:$0x3F97];
	s0 =	simm.s32 @p0 $0x1  }
0x13: {  	[smem:$0x3FB2] =	sst s0;
	s0 =	simm.s32 @!p1 $0x0  }
0x14: {  	s2 =	sld [smem:$0x3F96];
	s0 =	simm.s32 @p1 $0x1  }
0x15: {  	[smem:$0x3FB3] =	sst s0;
	s0 =	simm.s32 @!p2 $0x0  }
0x16: {  	s3 =	sld [smem:$0x3FDB];
	s0 =	simm.s32 @p2 $0x1  }
0x17: {  	s4 =	simm.s32 $0x1BF5;
	[smem:$0x3FB5] =	sst s0  }
0x18: {  	s0 =	sld [smem:$0x3F98];
	_ =	swait.ge [sflag:s4], $0x0  }
0x19: {  	s7 =	sld [smem:$0x3F99]  }
0x1a: {  	s8 =	sadd.s32 $0xFFFFE003, lr  }
0x1b: {  	s9 =	sadd.s32 $0xFFFFFEF7, lr;
	s5 =	simm.s32 $0xFFFFFFFF;
	p2 =	slt.u32 s8, $0xFFFFF086  }
0x1c: {  	p1 =	slt.u32 s9, $0xF7A;
	s5 =	simm.s32 @!p2 $0x0  }
0x1d: {  	s5 =	simm.s32 @p1 $0x1;
	p0 =	seq.s32 s7, s2  }
0x1e: {  	s7 =	smul.u32 @!p0 $0xF7A, s2;
	p2 =	seq.s32 @!p0 s5, $0x0  }
0x1f: {  	s9 =	smul.u32 $0xF7A, s1;
	s8 =	simm.s32 @!p0 $0x1BF5;
	p2 =	por !p2, p0  }
0x20: {  	[sflag:s8] =	ssyncset.s32 @!p0 $0xFFFFF086;
	s6 =	sadd.s32 @!p0 s3, s7;
	s7 =	simm.s32 @!p0 $0x108  }
0x21: {  	s3 =	sadd.s32 s3, s9;
	s6 =	sadd.s32 @!p0 $0x88, s6;
	s7 =	simm.s32 @p2 $0x1082  }
0x22: {  	[simem:s7], [sflag:s8] =	dma.local @!p0 [hbm:s6], $0xF7A  }
0x23: {  	s9 =	sor.u32 $0xD0000000, s2;
	s6 =	simm.s32 $0x108;
	_ =	swait.ge @!p0 [sflag:s8], $0x0  }
0x24: {  	s3 =	sadd.s32 $0x88, s3;
	s6 =	simm.s32 @!p1 $0x1082;
	[sflag:s4] =	ssyncset.s32 $0xFFFFF086  }
0x25: {  	[simem:s6], [sflag:s4] =	dma.local [hbm:s3], $0xF7A  }
0x26: {  	[smem:$0x3F99] =	sst s1;
	(tag) =	ssettag s2;
	_ =	strace s9  }
0x27: {  	s1 =	sld [smem:$0x3FA9]  }
0x28: {  	s2 =	sld [smem:$0x3FAA]  }
0x29: {  	s4 =	sld [smem:$0x3FAC]  }
0x2a: {  	p0 =	seq.s32 s5, $0x0;
	s5 =	sld [smem:$0x3FAD]  }
0x2b: {  	s6 =	sld [smem:$0x3FAE]  }
0x2c: {  	s7 =	sld [smem:$0x3FAF]  }
0x2d: {  	s3 =	simm.s32 $0x108;
	s8 =	sld [smem:$0x3FB0]  }
0x2e: {  	s3 =	simm.s32 @!p0 $0x1082;
	s9 =	sld [smem:$0x3FB1]  }
0x2f: {  	lr =	sadd.s32 s0, s3;
	s0 =	sld [smem:$0x3FA8]  }
0x30: {  	s3 =	sld [smem:$0x3FAB]  }
0x31: {  	[smem:$0x3FB4] =	sst s10  }
0x32: {  	s10 =	sld [smem:$0x3FB2];
	_ =	sdelay $0x3  }
0x33: {  	p0 =	seq.s32 s10, $0x1;
	s10 =	sld [smem:$0x3FB4];
	_ =	sdelay $0x3  }
0x34: {  	[smem:$0x3FB4] =	sst s10  }
0x35: {  	s10 =	sld [smem:$0x3FB3];
	_ =	sdelay $0x3  }
0x36: {  	p1 =	seq.s32 s10, $0x1;
	s10 =	sld [smem:$0x3FB4];
	_ =	sdelay $0x3  }
0x37: {  	[smem:$0x3FB4] =	sst s10  }
0x38: {  	s10 =	sld [smem:$0x3FB5]  }
0x39: {  	_ = 	snop;
	(pc) =	sbr.ind lr, $3  }
0x3a: {  	_ = 	snop  }
0x3b: {  	_ = 	snop  }
0x3c: {  	p2 =	seq.s32 s10, $0x1;
	s10 =	sld [smem:$0x3FB4]  }
0x3d: {  	_ =	shalt  }
0x3e: {  	_ =	shalt  }
0x3f: {  	_ =	shalt  }
0x40: {  	_ =	shalt  }
0x41: {  	_ =	shalt  }
0x42: {  	_ =	shalt  }
0x43: {  	_ =	shalt  }
0x44: {  	_ =	shalt  }
0x45: {  	_ =	shalt  }
0x46: {  	_ =	shalt  }
0x47: {  	_ =	shalt  }
0x48: {  	_ =	shalt  }
0x49: {  	_ =	shalt  }
0x4a: {  	_ =	shalt  }
0x4b: {  	_ =	shalt  }
0x4c: {  	_ =	shalt  }
0x4d: {  	_ =	shalt  }
0x4e: {  	_ =	shalt  }
0x4f: {  	_ =	shalt  }
0x50: {  	_ =	shalt  }
0x51: {  	_ =	shalt  }
0x52: {  	_ =	shalt  }
0x53: {  	_ =	shalt  }
0x54: {  	_ =	shalt  }
0x55: {  	_ =	shalt  }
0x56: {  	_ =	shalt  }
0x57: {  	_ =	shalt  }
0x58: {  	_ =	shalt  }
0x59: {  	_ =	shalt  }
0x5a: {  	_ =	shalt  }
0x5b: {  	_ =	shalt  }
0x5c: {  	_ =	shalt  }
0x5d: {  	_ =	shalt  }
0x5e: {  	_ =	shalt  }
0x5f: {  	_ =	shalt  }
0x60: {  	_ =	shalt  }
0x61: {  	_ =	shalt  }
0x62: {  	_ =	shalt  }
0x63: {  	_ =	shalt  }
0x64: {  	_ =	shalt  }
0x65: {  	_ =	shalt  }
0x66: {  	_ =	shalt  }
0x67: {  	_ =	shalt  }
0x68: {  	_ =	shalt  }
0x69: {  	_ =	shalt  }
0x6a: {  	_ =	shalt  }
0x6b: {  	_ =	shalt  }
0x6c: {  	_ =	shalt  }
0x6d: {  	_ =	shalt  }
0x6e: {  	_ =	shalt  }
0x6f: {  	_ =	shalt  }
0x70: {  	_ =	shalt  }
0x71: {  	_ =	shalt  }
0x72: {  	_ =	shalt  }
0x73: {  	_ =	shalt  }
0x74: {  	_ =	shalt  }
0x75: {  	_ =	shalt  }
0x76: {  	_ =	shalt  }
0x77: {  	_ =	shalt  }
0x78: {  	_ =	shalt  }
0x79: {  	_ =	shalt  }
0x7a: {  	_ =	shalt  }
0x7b: {  	_ =	shalt  }
0x7c: {  	_ =	shalt  }
0x7d: {  	_ =	shalt  }
0x7e: {  	_ =	shalt  }
0x7f: {  	_ =	shalt  }
0x80: {  	_ =	shalt  }
0x81: {  	_ =	shalt  }
0x82: {  	_ =	shalt  }
0x83: {  	_ =	shalt  }
0x84: {  	_ =	shalt  }
0x85: {  	_ =	shalt  }
0x86: {  	_ =	shalt  }
0x87: {  	_ =	shalt  }
.Lfunc_end0:
.L_simem_size_0:
called_computation.1_lowered:
.L_overlay_start_0:
0x88: {  	s2 =	sld [smem:$0x3FD9]  }
0x89: {  	s3 =	sld [smem:$0x3FFE];
	_ =	sdelay $0x1  }
0x8a: {  	s1 =	srdreg.scid  }
0x8b: {  	s0 =	sand.u32 $0x1, s1  }
0x8c: {  	s17 =	sshll.u32 s0, $0xA;
	s2 =	sadd.s32 s3, s2  }
0x8d: {  	s2 =	sadd.s32 s2, s17  }
0x8e: {  	[smem:$0x3FC0] =	sst s2  }
0x8f: {  	_ = 	snop  }
0x90: {  	s18 =	sld [smem:$0x3FC9];
	(tm) =	ssettm $0x1  }
0x91: {  	s19 =	sld [smem:$0x3FFB];
	_ =	sdelay $0x3  }
0x92: {  	_ =	strace s19  }
0x93: {  	s2 =	sld [smem:$0x3FFC];
	_ =	sdelay $0x3  }
0x94: {  	_ =	strace s2  }
0x95: {  	s2 =	sld [smem:$0x3FFD];
	_ =	sdelay $0x3  }
0x96: {  	_ =	strace s2  }
0x97: {  	_ =	strace $0x8FFFFFFF  }
0x98: {  	s20 =	sld [smem:$0x3FDB];
	_ =	sdelay $0x1  }
0x99: {  	s4 =	simm.s32 $_scs_section_size  }
0x9a: {  	s5 =	simm.s32 $_size__tile_overlayer_lowered;
	s6 =	simm.s32 $_tile_overlayer_lowered  }
0x9b: {  	s7 =	simm.s32 $0x1BFF;
	s21 =	sshll.u32 s6, $0x1;
	s4 =	sadd.s32 s4, s20  }
0x9c: {  	s22 =	simm.s32 $0x0;
	s5 =	sshll.u32 s5, $0x1;
	s6 =	sadd.s32 s21, s4  }
0x9d: {  	[timem:s22], [sflag:s7] =	dma.local [hbm:s6], s5  }
0x9e: {  	_ =	swait.ge [sflag:s7], s5  }
0x9f: {  	s5 =	ssub.s32 $0x0, s5;
	[sflag:s7] =	ssyncset.done $0x0  }
0xa0: {  	[sflag:s7] =	ssyncadd.s32 s5;
	_ =	sdelay $0x1  }
0xa1: {  	s23 =	simm.s32 $0x1B8B  }
0xa2: {  	_ =	swait.ge [sflag:s23], $0x1  }
0xa3: {  	[sflag:s23] =	ssyncset.done $0x0  }
0xa4: {  	[sflag:s23] =	ssyncadd.s32 $0xFFFFFFFF  }
0xa5: {  	s5 =	sld [smem:$0x0]  }
0xa6: {  	s6 =	sand.u32 $0xFFFFFFFE, s1  }
0xa7: {  	p0 =	sne.s32 s1, s6  }
0xa8: {  	s6 =	sshll.u32 @p0 s6, $0xE  }
0xa9: {  	s6 =	sadd.s32 @p0 $0x11B8D, s6;
	s7 =	sshll.u32 @p0 s5, $0x11  }
0xaa: {  	s6 =	sor.u32 @p0 s7, s6  }
0xab: {  	[sflag:s6] =	ssyncadd.remote.s32 @p0 $0x1;
	_ =	sdelay $0x1  }
0xac: {  	s6 =	simm.s32 @p0 $0x1B8D  }
0xad: {  	_ =	swait.eq @p0 [sflag:s6], $0x1  }
0xae: {  	[sflag:s6] =	ssyncadd.s32 @p0 $0xFFFFFFFF  }
0xaf: {  	s7 =	sshll.u32 @!p0 s1, $0xE  }
0xb0: {  	s7 =	sor.u32 @!p0 $0x4000, s7;
	s6 =	simm.s32 @!p0 $0x1B8D  }
0xb1: {  	s5 =	sshll.u32 @!p0 s5, $0x11;
	s7 =	sadd.s32 @!p0 $0x11B8D, s7;
	_ =	swait.eq @!p0 [sflag:s6], $0x1  }
0xb2: {  	s5 =	sor.u32 @!p0 s5, s7;
	[sflag:s6] =	ssyncadd.s32 @!p0 $0xFFFFFFFF  }
0xb3: {  	s25 =	simm.s32 $0x1B8E;
	s24 =	sld [smem:$0x3FFE];
	[sflag:s5] =	ssyncadd.remote.s32 @!p0 $0x1  }
0xb4: {  	s26 =	simm.s32 $execute0_lowered;
	[smem:$0x3FD2] =	sst s25  }
0xb5: {  	s6 =	sshll.u32 s26, $0x1;
	_ =	strace $0x80000049;
	[dreg:$0x1] =	wrdreg $0xFFFFFFFF  }
0xb6: {  	s28 =	simm.s32 $_size_execute0_lowered;
	s4 =	sadd.s32 s4, s6;
	[dreg:$0x0] =	wrdreg $0x0  }
0xb7: {  	s6 =	sshll.u32 s28, $0x1;
	[dreg:$0x2] =	wrdreg s4  }
0xb8: {  	[dreg:$0x3] =	wrdreg s6  }
0xb9: {  	[dreg:$0x4] =	wrdreg $0xC0  }
0xba: {  	_ =	task [dreg:s22], $0x5FFFF  }
0xbb: {  	[dreg:$0x1] =	wrdreg $0xFFFFFFFF  }
0xbc: {  	[dreg:$0x0] =	wrdreg $0x60  }
0xbd: {  	[dreg:$0x2] =	wrdreg s18  }
0xbe: {  	[dreg:$0x3] =	wrdreg s24  }
0xbf: {  	[dreg:$0x4] =	wrdreg $0xA3000  }
0xc0: {  	[dreg:$0x5] =	wrdreg $0xA  }
0xc1: {  	_ =	task.clear_ibuf [dreg:s22], $0x6FFFF;
	_ =	strace $0x90000049  }
0xc2: {  	s29 =	simm.s32 $0xA;
	_ =	strace $0x8000004B  }
0xc3: {  	_ =	swait.ge [sflag:s29], $0x1  }
0xc4: {  	[sflag:s29] =	ssyncadd.s32 $0xFFFFFFFF  }
0xc5: {  	_ =	strace $0x9000004B  }
0xc6: {  	_ =	sfence  }
0xc7: {  	s30 =	sld [smem:$0x0];
	_ =	sdelay $0x2  }
0xc8: {  	s31 =	sshll.u32 s1, $0xD;
	s1 =	sshrl.u32 s1, $0x2  }
0xc9: {  	s4 =	sand.u32 $0x4000, s31;
	s1 =	sadd.s32 s1, s30  }
0xca: {  	s0 =	sor.u32 s4, s0;
	s1 =	sshll.u32 s1, $0x11  }
0xcb: {  	s0 =	sor.u32 s1, s0  }
0xcc: {  	s0 =	sadd.s32 $0x8F2B, s0  }
0xcd: {  	[sflag:s0] =	ssyncadd.remote.s32 $0x1  }
0xce: {  	_ =	sfence.sel $0xFFFF  }
0xcf: {  	[dreg:$0x0] =	wrdreg $0xFFFFFFFF;
	(pc) =	sbr.abs _section_cstart, $3  }
0xd0: {  	[dreg:$0x1] =	wrdreg $0xFFFFFFFF  }
0xd1: {  	_ =	task.clear_ibuf [dreg:s22], $0x2FFFF;
	_ =	strace $0x9FFFFFFF  }
0xd2: {  	(tm) =	ssettm $0x7FFFFFFF  }
0xd3: {  	_ =	shalt  }
tec
execute0_lowered:
.L_overlay_start_1:
0x0: {  	(tag) =	ssettag $0x1  }
0x1: {  	s1 =	srdreg.scid  }
0x2: {  	s0 =	rddreg [dreg:$0x1];
	s28 =	stileid.u32;
	s4 =	sand.u32 $0x1, s1  }
0x3: {  	s1 =	simm.s32 $0x0;
	s14 =	smul.u32 $0x13800, s28;
	s18 =	sadd.s32 $0x65000, s0  }
0x4: {  	s2 =	ssub.s32 $0x2, s4;
	[smem:$0x7FF] =	sst s1;
	s16 =	smul.u32 $0x138800, s4  }
0x5: {  	s3 =	sshrl.u32 s2, $0x1;
	s5 =	sadd.s32 $0x1800, s14;
	s6 =	sadd.s32 $0x3000, s14  }
0x6: {  	s7 =	sadd.s32 $0x4800, s14;
	s8 =	sadd.s32 $0x6000, s14;
	s9 =	sadd.s32 $0x7800, s14  }
0x7: {  	s10 =	sadd.s32 $0x9000, s14;
	s11 =	sadd.s32 $0xA800, s14;
	s24 =	sadd.s32 $0xD800, s14  }
0x8: {  	s12 =	sadd.s32 $0xF000, s14;
	s15 =	sadd.s32 $0x12000, s14;
	s30 =	ssub.s32 s2, s3  }
0x9: {  	s2 =	sadd.s32 $0xC000, s14;
	s3 =	sadd.s32 $0x10800, s14;
	s14 =	sadd.s32 s14, s16  }
0xa: {  	s19 =	sadd.s32 s16, s5;
	s20 =	sadd.s32 s16, s6;
	s26 =	sadd.s32 s16, s7  }
0xb: {  	s13 =	sadd.s32 s16, s8;
	s17 =	sadd.s32 s16, s9;
	s14 =	sshrl.u32 s14, $0x3  }
0xc: {  	s22 =	sshrl.u32 s19, $0x3;
	s23 =	sshrl.u32 s20, $0x3;
	s19 =	sshrl.u32 s13, $0x3  }
0xd: {  	s20 =	sshrl.u32 s17, $0x3;
	s14 =	sadd.s32 s18, s14;
	s25 =	sadd.s32 s18, s23  }
0xe: {  	s21 =	sadd.s32 s18, s20;
	s23 =	sadd.s32 s16, s11;
	[dreg:$0x4] =	wrdreg s14  }
0xf: {  	s20 =	sadd.s32 s16, s12;
	s14 =	sadd.s32 s18, s22;
	[dreg:$0x6] =	wrdreg s25  }
0x10: {  	[dreg:$0x9] =	wrdreg s21;
	s22 =	sadd.s32 s16, s10;
	s25 =	sadd.s32 s16, s2  }
0x11: {  	s21 =	sadd.s32 s16, s3;
	[dreg:$0x5] =	wrdreg s14;
	s14 =	sshrl.u32 s26, $0x3  }
0x12: {  	s26 =	sshrl.u32 s23, $0x3;
	s13 =	sshrl.u32 s25, $0x3;
	s23 =	sshrl.u32 s21, $0x3  }
0x13: {  	s21 =	sshrl.u32 s16, $0x3;
	s14 =	sadd.s32 s18, s14;
	s17 =	sadd.s32 s18, s13  }
0x14: {  	s25 =	sadd.s32 s18, s23;
	s21 =	sadd.s32 s18, s21;
	[dreg:$0x7] =	wrdreg s14  }
0x15: {  	s23 =	smul.u32 $0x4E000, s28;
	s14 =	sadd.s32 s18, s19;
	[dreg:$0xc] =	wrdreg s17  }
0x16: {  	s19 =	sadd.s32 s16, s24;
	[dreg:$0x8] =	wrdreg s14;
	s14 =	sshrl.u32 s22, $0x3  }
0x17: {  	[dreg:$0xf] =	wrdreg s25;
	s17 =	smul.u32 $0x27100, s4;
	s14 =	sadd.s32 s18, s14  }
0x18: {  	s4 =	sshll.u32 s4, $0x4;
	[dreg:$0xa] =	wrdreg s14;
	s14 =	sadd.s32 s18, s26  }
0x19: {  	s26 =	sadd.s32 s16, s15;
	[dreg:$0xb] =	wrdreg s14;
	s14 =	sshrl.u32 s19, $0x3  }
0x1a: {  	s16 =	rddreg [dreg:$0x2];
	s13 =	sshrl.u32 s26, $0x3;
	s14 =	sadd.s32 s18, s14  }
0x1b: {  	s22 =	sshrl.u32 s20, $0x3;
	s19 =	sadd.s32 s18, s13;
	[dreg:$0xd] =	wrdreg s14  }
0x1c: {  	s25 =	sor.u32 s28, s4;
	s14 =	sadd.s32 s18, s22;
	[dreg:$0x10] =	wrdreg s19  }
0x1d: {  	s26 =	sshrl.u32 s23, $0x2;
	s18 =	sadd.s32 $0xBE00, s0;
	[dreg:$0xe] =	wrdreg s14  }
0x1e: {  	s19 =	sadd.s32 $0x2000, s0;
	s0 =	sadd.s32 $0x64C00, s0;
	s14 =	rddreg [dreg:$0x0]  }
0x1f: {  	s4 =	sadd.s32 s26, s16;
	_ =	strace $0x8000004A;
	[dreg:$0x11] =	wrdreg s0  }
0x20: {  	s5 =	sadd.s32 s5, s16;
	[smem:$0x7F5] =	sst s4  }
0x21: {  	s8 =	sadd.s32 s8, s16;
	[smem:$0x7F6] =	sst s5  }
0x22: {  	s29 =	sadd.s32 s12, s16;
	s12 =	sadd.s32 $0x27000, s21;
	[dreg:$0x16] =	wrdreg s8  }
0x23: {  	s21 =	smax.u32 s30, $0x1;
	[smem:$0x7FA] =	sst s12  }
0x24: {  	s13 =	sadd.s32 s11, s16;
	[smem:$0x7FB] =	sst s21  }
0x25: {  	s31 =	sadd.s32 s9, s16;
	[dreg:$0x13] =	wrdreg s13  }
0x26: {  	s2 =	sadd.s32 s2, s16;
	[dreg:$0x14] =	wrdreg s31  }
0x27: {  	s23 =	sadd.s32 s24, s16;
	[dreg:$0x15] =	wrdreg s2  }
0x28: {  	p0 =	sne.s32 s28, $0xF;
	s15 =	sadd.s32 s15, s16;
	[dreg:$0x17] =	wrdreg s23  }
0x29: {  	s26 =	sadd.s32 s7, s16;
	s22 =	smul.u32 $0x2710, s28;
	[dreg:$0x18] =	wrdreg s29  }
0x2a: {  	s30 =	sadd.s32 $0x138000, s16;
	s28 =	simm.s32 $0x0;
	[dreg:$0x19] =	wrdreg s26  }
0x2b: {  	s20 =	sadd.s32 s22, s17;
	s0 =	smul.u32 $0x2710, s25;
	[dreg:$0x1c] =	wrdreg s15  }
0x2c: {  	s25 =	sadd.s32 s6, s16;
	s17 =	sadd.s32 s10, s16;
	[smem:$0x7FD] =	sst s30  }
0x2d: {  	s5 =	simm.s32 $0x80;
	s21 =	simm.s32 $0x3;
	[dreg:$0x12] =	wrdreg s17  }
0x2e: {  	[dreg:$0x1b] =	wrdreg s25;
	s11 =	sshrl.u32 s0, $0x3;
	s0 =	sadd.s32 s3, s16  }
0x2f: {  	s3 =	simm.s32 $0x5;
	s7 =	sadd.s32 s18, s11;
	[dreg:$0x1a] =	wrdreg s0  }
0x30: {  	s22 =	sadd.s32 $0x10, s11;
	s8 =	sadd.s32 s19, s11;
	[dreg:$0x1f] =	wrdreg s7  }
0x31: {  	s4 =	sadd.s32 $0x4E0, s11;
	s24 =	sadd.s32 s18, s22;
	[smem:$0x7F7] =	sst s8  }
0x32: {  	s11 =	sadd.s32 $0x180, s20;
	s6 =	sadd.s32 s19, s22;
	[dreg:$0x1d] =	wrdreg s24  }
0x33: {  	s9 =	sadd.s32 s18, s4;
	s10 =	sadd.s32 s19, s4;
	[dreg:$0x1e] =	wrdreg s6  }
0x34: {  	s22 =	sshrl.u32 s11, $0x3;
	s4 =	simm.s32 $0x100;
	[smem:$0x7F8] =	sst s9  }
0x35: {  	s7 =	simm.s32 $0x180;
	s8 =	simm.s32 $0x4200;
	[smem:$0x7F9] =	sst s10  }
0x36: {  	s11 =	sadd.s32 s22, s19;
	s12 =	sadd.s32 s22, s18;
	s24 =	sadd.s32 $0x100, s20  }
0x37: {  	s20 =	simm.s32 $0x8B00;
	s6 =	simm.s32 $0x200;
	s9 =	simm.s32 $0x1  }
0x38: {  	s10 =	simm.s32 $0x2;
	s22 =	simm.s32 $0x4;
	[smem:$0x7FC] =	sst s24  }
.LBB2_1:
0x39: {  	[smem:$0x7F4] =	sst s28  }
0x3a: {  	s24 =	rddreg [dreg:$0x11]  }
0x3b: {  	[tilespmem:s20], [sflag:$0x5] =	stream.linear.gather [hbm4b:s24+s1], $0x1800, $0x38;
	[tilespmem:$0x1DB80] =	vst v63  }
0x3c: {  	_ =	swait.ge [sflag:s3], $0x1800  }
0x3d: {  	s28 =	sld [smem:$0x7F5]  }
0x3e: {  	[sflag:s3] =	ssyncset.done $0x0  }
0x3f: {  	[sflag:s3] =	ssyncadd.s32 $0xFFFFE800  }
0x40: {  	[spmem:s28] =	stream.linear.scatter [tilespmem:s20], [sflag:$0x5], $0x1800, $0x38;
	[tilespmem:$0x1DB80] =	vst v63  }
0x41: {  	s24 =	rddreg [dreg:$0x16];
	_ =	swait.ge [sflag:s3], $0x1800  }
0x42: {  	s28 =	smov.u32 s31;
	s31 =	sld [smem:$0x7F6]  }
0x43: {  	[sflag:s3] =	ssyncset.done $0x0  }
0x44: {  	[sflag:s3] =	ssyncadd.s32 $0xFFFFE800  }
0x45: {  	[spmem:s31] =	stream.linear.scatter [tilespmem:s20], [sflag:$0x5], $0x1800, $0x38;
	[tilespmem:$0x1DB80] =	vst v63  }
0x46: {  	_ =	swait.ge [sflag:s3], $0x1800  }
0x47: {  	[sflag:s3] =	ssyncset.done $0x0  }
0x48: {  	[sflag:s3] =	ssyncadd.s32 $0xFFFFE800  }
0x49: {  	[spmem:s25] =	stream.linear.scatter [tilespmem:s20], [sflag:$0x5], $0x1800, $0x38;
	[tilespmem:$0x1DB80] =	vst v63  }
0x4a: {  	_ =	swait.ge [sflag:s3], $0x1800  }
0x4b: {  	[sflag:s3] =	ssyncset.done $0x0  }
0x4c: {  	[sflag:s3] =	ssyncadd.s32 $0xFFFFE800  }
0x4d: {  	[spmem:s26] =	stream.linear.scatter [tilespmem:s20], [sflag:$0x5], $0x1800, $0x38;
	[tilespmem:$0x1DB80] =	vst v63  }
0x4e: {  	_ =	swait.ge [sflag:s3], $0x1800  }
0x4f: {  	[sflag:s3] =	ssyncset.done $0x0  }
0x50: {  	[sflag:s3] =	ssyncadd.s32 $0xFFFFE800  }
0x51: {  	[spmem:s24] =	stream.linear.scatter [tilespmem:s20], [sflag:$0x5], $0x1800, $0x38;
	[tilespmem:$0x1DB80] =	vst v63  }
0x52: {  	_ =	swait.ge [sflag:s3], $0x1800  }
0x53: {  	[sflag:s3] =	ssyncset.done $0x0  }
0x54: {  	[sflag:s3] =	ssyncadd.s32 $0xFFFFE800  }
0x55: {  	[spmem:s28] =	stream.linear.scatter [tilespmem:s20], [sflag:$0x5], $0x1800, $0x38;
	[tilespmem:$0x1DB80] =	vst v63  }
0x56: {  	_ =	swait.ge [sflag:s3], $0x1800  }
0x57: {  	[sflag:s3] =	ssyncset.done $0x0  }
0x58: {  	[sflag:s3] =	ssyncadd.s32 $0xFFFFE800  }
0x59: {  	[spmem:s17] =	stream.linear.scatter [tilespmem:s20], [sflag:$0x5], $0x1800, $0x38;
	[tilespmem:$0x1DB80] =	vst v63  }
0x5a: {  	_ =	swait.ge [sflag:s3], $0x1800  }
0x5b: {  	[sflag:s3] =	ssyncset.done $0x0  }
0x5c: {  	[sflag:s3] =	ssyncadd.s32 $0xFFFFE800  }
0x5d: {  	[spmem:s13] =	stream.linear.scatter [tilespmem:s20], [sflag:$0x5], $0x1800, $0x38;
	[tilespmem:$0x1DB80] =	vst v63  }
0x5e: {  	_ =	swait.ge [sflag:s3], $0x1800  }
0x5f: {  	[sflag:s3] =	ssyncset.done $0x0  }
0x60: {  	[sflag:s3] =	ssyncadd.s32 $0xFFFFE800  }
0x61: {  	[spmem:s2] =	stream.linear.scatter [tilespmem:s20], [sflag:$0x5], $0x1800, $0x38;
	[tilespmem:$0x1DB80] =	vst v63  }
0x62: {  	_ =	swait.ge [sflag:s3], $0x1800  }
0x63: {  	[sflag:s3] =	ssyncset.done $0x0  }
0x64: {  	[sflag:s3] =	ssyncadd.s32 $0xFFFFE800  }
0x65: {  	[spmem:s23] =	stream.linear.scatter [tilespmem:s20], [sflag:$0x5], $0x1800, $0x38;
	[tilespmem:$0x1DB80] =	vst v63  }
0x66: {  	_ =	swait.ge [sflag:s3], $0x1800  }
0x67: {  	[sflag:s3] =	ssyncset.done $0x0  }
0x68: {  	[sflag:s3] =	ssyncadd.s32 $0xFFFFE800  }
0x69: {  	[spmem:s29] =	stream.linear.scatter [tilespmem:s20], [sflag:$0x5], $0x1800, $0x38;
	[tilespmem:$0x1DB80] =	vst v63  }
0x6a: {  	_ =	swait.ge [sflag:s3], $0x1800  }
0x6b: {  	[sflag:s3] =	ssyncset.done $0x0  }
0x6c: {  	[sflag:s3] =	ssyncadd.s32 $0xFFFFE800  }
0x6d: {  	[spmem:s0] =	stream.linear.scatter [tilespmem:s20], [sflag:$0x5], $0x1800, $0x38;
	[tilespmem:$0x1DB80] =	vst v63  }
0x6e: {  	_ =	swait.ge [sflag:s3], $0x1800  }
0x6f: {  	[sflag:s3] =	ssyncset.done $0x0  }
0x70: {  	[sflag:s3] =	ssyncadd.s32 $0xFFFFE800  }
0x71: {  	[spmem:s15] =	stream.linear.scatter [tilespmem:s20], [sflag:$0x5], $0x1800, $0x38;
	[tilespmem:$0x1DB80] =	vst v63  }
0x72: {  	_ =	swait.ge [sflag:s3], $0x1800  }
0x73: {  	[sflag:s3] =	ssyncset.done $0x0  }
0x74: {  	s24 =	simm.s32 @!p0 $0x8B00;
	[sflag:s3] =	ssyncadd.s32 $0xFFFFE800  }
0x75: {  	[spmem:s30] =	stream.linear.scatter @!p0 [tilespmem:s24], [sflag:$0x5], $0x800, $0x38;
	[tilespmem:$0x1DB80] =	vst v63  }
0x76: {  	s24 =	simm.s32 @!p0 $0x5  }
0x77: {  	_ =	swait.ge @!p0 [sflag:s24], $0x800  }
0x78: {  	[sflag:s24] =	ssyncset.done @!p0 $0x0  }
0x79: {  	[sflag:s24] =	ssyncadd.s32 @!p0 $0xFFFFF800  }
0x7a: {  	[bflag:$0x0] =	sbarrier.arrive $0xFFFF  }
0x7b: {  	s17 =	rddreg [dreg:$0x1f]  }
0x7c: {  	[tilespmem:s1], [sflag:$0x5] =	stream.linear.gather [hbm4b:s17+s1], $0x80, $0x38;
	[tilespmem:$0x1DB80] =	vst v63  }
0x7d: {  	_ =	swait.ge [sflag:s3], $0x80  }
0x7e: {  	s23 =	sld [smem:$0x7F7]  }
0x7f: {  	[sflag:s3] =	ssyncset.done $0x0  }
0x80: {  	[sflag:s3] =	ssyncadd.s32 $0xFFFFFF80  }
0x81: {  	[tilespmem:s4], [sflag:$0x5] =	stream.linear.gather [hbm4b:s23+s1], $0x80, $0x38;
	[tilespmem:$0x1DB80] =	vst v63  }
0x82: {  	_ =	swait.ge [sflag:s3], $0x80  }
0x83: {  	[sflag:s3] =	ssyncset.done $0x0  }
0x84: {  	[sflag:s3] =	ssyncadd.s32 $0xFFFFFF80  }
0x85: {  	[tilespmem:s6], [sflag:$0x1] =	stream.indirect.gather [hbm4b:s14+s5], $0x80, s1, s5, $0xb8;
	[tilespmem:$0x1DB80] =	vst v63  }
0x86: {  	s24 =	rddreg [dreg:$0x1d]  }
0x87: {  	[tilespmem:s5], [sflag:$0x5] =	stream.linear.gather [hbm4b:s24+s1], $0x80, $0x38;
	[tilespmem:$0x1DB80] =	vst v63  }
0x88: {  	_ =	swait.ge [sflag:s3], $0x80  }
0x89: {  	[sflag:s3] =	ssyncset.done $0x0  }
0x8a: {  	s25 =	rddreg [dreg:$0x1e];
	[sflag:s3] =	ssyncadd.s32 $0xFFFFFF80  }
0x8b: {  	[tilespmem:s7], [sflag:$0x5] =	stream.linear.gather [hbm4b:s25+s1], $0x80, $0x38;
	[tilespmem:$0x1DB80] =	vst v63  }
0x8c: {  	_ =	swait.ge [sflag:s3], $0x80  }
0x8d: {  	[sflag:s3] =	ssyncset.done $0x0  }
0x8e: {  	[sflag:s3] =	ssyncadd.s32 $0xFFFFFF80  }
0x8f: {  	[tilespmem:s8], [sflag:$0x2] =	stream.indirect.gather [hbm4b:s14+s5], $0x80, s5, s5, $0xb8;
	[tilespmem:$0x1DB80] =	vst v63  }
0x90: {  	_ =	swait.ge [sflag:s9], $0x4000  }
0x91: {  	[sflag:s9] =	ssyncset.done $0x0  }
0x92: {  	[sflag:s9] =	ssyncadd.s32 $0xFFFFC000  }
0x93: {  	[spmem:s16] =	stream.indirect.scatter.add.f32 [tilespmem:s6], [sflag:$0x3], $0x80, s4, s5, $0xb8;
	[tilespmem:$0x1DB80] =	vst v63  }
0x94: {  	_ =	swait.ge [sflag:s10], $0x4000  }
0x95: {  	[sflag:s10] =	ssyncset.done $0x0  }
0x96: {  	[sflag:s10] =	ssyncadd.s32 $0xFFFFC000  }
0x97: {  	[spmem:s16] =	stream.indirect.scatter.add.f32 [tilespmem:s8], [sflag:$0x4], $0x80, s7, s5, $0xb8;
	[tilespmem:$0x1DB80] =	vst v63  }
0x98: {  	_ =	swait.ge [sflag:s21], $0x4000  }
0x99: {  	s26 =	sld [smem:$0x7FC];
	_ =	sdelay $0x2  }
0x9a: {  	[sflag:s21] =	ssyncset.done $0x0;
	s28 =	sshrl.u32 s26, $0x3  }
0x9b: {  	[sflag:s21] =	ssyncadd.s32 $0xFFFFC000;
	s29 =	sadd.s32 s18, s28  }
0x9c: {  	[tilespmem:s1], [sflag:$0x5] =	stream.linear.gather [hbm4b:s29+s1], $0x80, $0x38;
	[tilespmem:$0x1DB80] =	vst v63  }
0x9d: {  	_ =	swait.ge [sflag:s3], $0x80  }
0x9e: {  	[sflag:s3] =	ssyncset.done $0x0  }
0x9f: {  	s24 =	sadd.s32 s19, s28;
	[sflag:s3] =	ssyncadd.s32 $0xFFFFFF80  }
0xa0: {  	[tilespmem:s4], [sflag:$0x5] =	stream.linear.gather [hbm4b:s24+s1], $0x80, $0x38;
	[tilespmem:$0x1DB80] =	vst v63  }
0xa1: {  	_ =	swait.ge [sflag:s3], $0x80  }
0xa2: {  	[sflag:s3] =	ssyncset.done $0x0  }
0xa3: {  	[sflag:s3] =	ssyncadd.s32 $0xFFFFFF80  }
0xa4: {  	[tilespmem:s6], [sflag:$0x1] =	stream.indirect.gather [hbm4b:s14+s5], $0x80, s1, s5, $0xb8;
	[tilespmem:$0x1DB80] =	vst v63  }
0xa5: {  	_ =	swait.ge [sflag:s22], $0x4000  }
0xa6: {  	[sflag:s22] =	ssyncset.done $0x0  }
0xa7: {  	s30 =	sadd.s32 $0x0, s12;
	[sflag:s22] =	ssyncadd.s32 $0xFFFFC000  }
0xa8: {  	[tilespmem:s5], [sflag:$0x5] =	stream.linear.gather [hbm4b:s30+s1], $0x80, $0x38;
	[tilespmem:$0x1DB80] =	vst v63  }
0xa9: {  	_ =	swait.ge [sflag:s3], $0x80  }
0xaa: {  	[sflag:s3] =	ssyncset.done $0x0  }
0xab: {  	s31 =	sadd.s32 $0x0, s11;
	[sflag:s3] =	ssyncadd.s32 $0xFFFFFF80  }
0xac: {  	[tilespmem:s7], [sflag:$0x5] =	stream.linear.gather [hbm4b:s31+s1], $0x80, $0x38;
	[tilespmem:$0x1DB80] =	vst v63  }
0xad: {  	_ =	swait.ge [sflag:s3], $0x80  }
0xae: {  	[sflag:s3] =	ssyncset.done $0x0  }
0xaf: {  	s25 =	sadd.s32 $0x100, s26;
	s24 =	simm.s32 $0x20;
	[sflag:s3] =	ssyncadd.s32 $0xFFFFFF80  }
.LBB2_2:
0xb0: {  	[tilespmem:s8], [sflag:$0x2] =	stream.indirect.gather [hbm4b:s14+s5], $0x80, s5, s5, $0xb8;
	[tilespmem:$0x1DB80] =	vst v63  }
0xb1: {  	s26 =	smov.u32 s24  }
0xb2: {  	p1 =	sne.s32 s24, $0x4A0;
	s24 =	sadd.s32 $0x20, s24;
	_ =	swait.ge [sflag:s9], $0x4000  }
0xb3: {  	[sflag:s9] =	ssyncset.done $0x0  }
0xb4: {  	[sflag:s9] =	ssyncadd.s32 $0xFFFFC000  }
0xb5: {  	[spmem:s16] =	stream.indirect.scatter.add.f32 [tilespmem:s6], [sflag:$0x3], $0x80, s4, s5, $0xb8;
	[tilespmem:$0x1DB80] =	vst v63  }
0xb6: {  	_ =	swait.ge [sflag:s10], $0x4000  }
0xb7: {  	[sflag:s10] =	ssyncset.done $0x0  }
0xb8: {  	[sflag:s10] =	ssyncadd.s32 $0xFFFFC000  }
0xb9: {  	[spmem:s16] =	stream.indirect.scatter.add.f32 [tilespmem:s8], [sflag:$0x4], $0x80, s7, s5, $0xb8;
	[tilespmem:$0x1DB80] =	vst v63  }
0xba: {  	_ =	swait.ge [sflag:s21], $0x4000  }
0xbb: {  	s28 =	sshrl.u32 s25, $0x3;
	[sflag:s21] =	ssyncset.done $0x0  }
0xbc: {  	s29 =	sadd.s32 s18, s28;
	[sflag:s21] =	ssyncadd.s32 $0xFFFFC000  }
0xbd: {  	[tilespmem:s1], [sflag:$0x5] =	stream.linear.gather [hbm4b:s29+s1], $0x80, $0x38;
	[tilespmem:$0x1DB80] =	vst v63  }
0xbe: {  	_ =	swait.ge [sflag:s3], $0x80  }
0xbf: {  	[sflag:s3] =	ssyncset.done $0x0  }
0xc0: {  	s28 =	sadd.s32 s19, s28;
	[sflag:s3] =	ssyncadd.s32 $0xFFFFFF80  }
0xc1: {  	[tilespmem:s4], [sflag:$0x5] =	stream.linear.gather [hbm4b:s28+s1], $0x80, $0x38;
	[tilespmem:$0x1DB80] =	vst v63  }
0xc2: {  	_ =	swait.ge [sflag:s3], $0x80  }
0xc3: {  	[sflag:s3] =	ssyncset.done $0x0  }
0xc4: {  	[sflag:s3] =	ssyncadd.s32 $0xFFFFFF80  }
0xc5: {  	[tilespmem:s6], [sflag:$0x1] =	stream.indirect.gather [hbm4b:s14+s5], $0x80, s1, s5, $0xb8;
	[tilespmem:$0x1DB80] =	vst v63  }
0xc6: {  	_ =	swait.ge [sflag:s22], $0x4000  }
0xc7: {  	[sflag:s22] =	ssyncset.done $0x0  }
0xc8: {  	s28 =	sadd.s32 s26, s12;
	[sflag:s22] =	ssyncadd.s32 $0xFFFFC000  }
0xc9: {  	[tilespmem:s5], [sflag:$0x5] =	stream.linear.gather [hbm4b:s28+s1], $0x80, $0x38;
	[tilespmem:$0x1DB80] =	vst v63  }
0xca: {  	_ =	swait.ge [sflag:s3], $0x80  }
0xcb: {  	[sflag:s3] =	ssyncset.done $0x0  }
.Ltmp0:
0xcc: {  	s26 =	sadd.s32 s26, s11;
	[sflag:s3] =	ssyncadd.s32 $0xFFFFFF80;
	(pc) =	sbr.rel @p1 .LBB2_2-.Ltmp0, $4  }
0xcd: {  	[tilespmem:s7], [sflag:$0x5] =	stream.linear.gather [hbm4b:s26+s1], $0x80, $0x38;
	[tilespmem:$0x1DB80] =	vst v63  }
0xce: {  	_ =	swait.ge [sflag:s3], $0x80  }
0xcf: {  	[sflag:s3] =	ssyncset.done $0x0  }
0xd0: {  	s25 =	sadd.s32 $0x100, s25;
	[sflag:s3] =	ssyncadd.s32 $0xFFFFFF80  }
0xd1: {  	[tilespmem:s8], [sflag:$0x2] =	stream.indirect.gather [hbm4b:s14+s5], $0x80, s5, s5, $0xb8;
	[tilespmem:$0x1DB80] =	vst v63  }
0xd2: {  	_ =	swait.ge [sflag:s9], $0x4000  }
0xd3: {  	[sflag:s9] =	ssyncset.done $0x0  }
0xd4: {  	[sflag:s9] =	ssyncadd.s32 $0xFFFFC000  }
0xd5: {  	[spmem:s16] =	stream.indirect.scatter.add.f32 [tilespmem:s6], [sflag:$0x3], $0x80, s4, s5, $0xb8;
	[tilespmem:$0x1DB80] =	vst v63  }
0xd6: {  	_ =	swait.ge [sflag:s10], $0x4000  }
0xd7: {  	[sflag:s10] =	ssyncset.done $0x0  }
0xd8: {  	s0 =	sld [smem:$0x7F8];
	[sflag:s10] =	ssyncadd.s32 $0xFFFFC000  }
0xd9: {  	[spmem:s16] =	stream.indirect.scatter.add.f32 [tilespmem:s8], [sflag:$0x4], $0x80, s7, s5, $0xb8;
	[tilespmem:$0x1DB80] =	vst v63  }
0xda: {  	s2 =	simm.s32 $0x8200  }
0xdb: {  	[tilespmem:s2], [sflag:$0x5] =	stream.linear.gather [hbm4b:s0+s1], $0x10, $0x38;
	[tilespmem:$0x1DB80] =	vst v63  }
0xdc: {  	_ =	swait.ge [sflag:s3], $0x10  }
0xdd: {  	s25 =	sld [smem:$0x7F9]  }
0xde: {  	[sflag:s3] =	ssyncset.done $0x0  }
0xdf: {  	s13 =	simm.s32 $0x8280;
	[sflag:s3] =	ssyncadd.s32 $0xFFFFFFF0  }
0xe0: {  	[tilespmem:s13], [sflag:$0x5] =	stream.linear.gather [hbm4b:s25+s1], $0x10, $0x38;
	[tilespmem:$0x1DB80] =	vst v63  }
0xe1: {  	_ =	swait.ge [sflag:s3], $0x10  }
0xe2: {  	[sflag:s3] =	ssyncset.done $0x0  }
0xe3: {  	s26 =	simm.s32 $0x10;
	s15 =	simm.s32 $0x8300;
	[sflag:s3] =	ssyncadd.s32 $0xFFFFFFF0  }
0xe4: {  	[tilespmem:s15], [sflag:$0x1] =	stream.indirect.gather [hbm4b:s14+s26], $0x80, s2, s26, $0xb8;
	[tilespmem:$0x1DB80] =	vst v63  }
0xe5: {  	_ =	swait.ge [sflag:s21], $0x4000  }
0xe6: {  	[sflag:s21] =	ssyncset.done $0x0  }
0xe7: {  	[sflag:s21] =	ssyncadd.s32 $0xFFFFC000  }
0xe8: {  	_ =	swait.ge [sflag:s22], $0x4000  }
0xe9: {  	[sflag:s22] =	ssyncset.done $0x0  }
0xea: {  	[sflag:s22] =	ssyncadd.s32 $0xFFFFC000  }
0xeb: {  	_ =	swait.ge [sflag:s9], $0x800  }
0xec: {  	[sflag:s9] =	ssyncset.done $0x0  }
0xed: {  	[sflag:s9] =	ssyncadd.s32 $0xFFFFF800  }
0xee: {  	[spmem:s16] =	stream.indirect.scatter.add.f32 [tilespmem:s15], [sflag:$0x5], $0x80, s13, s26, $0xb8;
	[tilespmem:$0x1DB80] =	vst v63  }
0xef: {  	_ =	swait.ge [sflag:s3], $0x800  }
0xf0: {  	[sflag:s3] =	ssyncset.done $0x0  }
0xf1: {  	[sflag:s3] =	ssyncadd.s32 $0xFFFFF800  }
0xf2: {  	[bflag:$0x0] =	sbarrier.arrive $0xFFFF  }
0xf3: {  	s15 =	sld [smem:$0x7F5];
	_ =	sdelay $0x2  }
0xf4: {  	[tilespmem:s20], [sflag:$0x5] =	stream.linear.gather [spmem:s15], $0x1800, $0x38;
	[tilespmem:$0x1DB80] =	vst v63  }
0xf5: {  	_ =	swait.ge [sflag:s3], $0x1800  }
0xf6: {  	[sflag:s3] =	ssyncset.done $0x0  }
0xf7: {  	s24 =	rddreg [dreg:$0x4];
	[sflag:s3] =	ssyncadd.s32 $0xFFFFE800  }
0xf8: {  	[hbm4b:s24+s1] =	stream.linear.scatter [tilespmem:s20], [sflag:$0x5], $0x1800, $0x38;
	[tilespmem:$0x1DB80] =	vst v63  }
0xf9: {  	_ =	swait.ge [sflag:s3], $0x1800  }
0xfa: {  	s17 =	sld [smem:$0x7F6]  }
0xfb: {  	[sflag:s3] =	ssyncset.done $0x0  }
0xfc: {  	[sflag:s3] =	ssyncadd.s32 $0xFFFFE800  }
0xfd: {  	[tilespmem:s20], [sflag:$0x5] =	stream.linear.gather [spmem:s17], $0x1800, $0x38;
	[tilespmem:$0x1DB80] =	vst v63  }
0xfe: {  	_ =	swait.ge [sflag:s3], $0x1800  }
0xff: {  	[sflag:s3] =	ssyncset.done $0x0  }
0x100: {  	s23 =	rddreg [dreg:$0x5];
	[sflag:s3] =	ssyncadd.s32 $0xFFFFE800  }
0x101: {  	[hbm4b:s23+s1] =	stream.linear.scatter [tilespmem:s20], [sflag:$0x5], $0x1800, $0x38;
	[tilespmem:$0x1DB80] =	vst v63  }
0x102: {  	_ =	swait.ge [sflag:s3], $0x1800  }
0x103: {  	[sflag:s3] =	ssyncset.done $0x0  }
0x104: {  	s24 =	rddreg [dreg:$0x1b];
	[sflag:s3] =	ssyncadd.s32 $0xFFFFE800  }
0x105: {  	[tilespmem:s20], [sflag:$0x5] =	stream.linear.gather [spmem:s24], $0x1800, $0x38;
	[tilespmem:$0x1DB80] =	vst v63  }
0x106: {  	_ =	swait.ge [sflag:s3], $0x1800  }
0x107: {  	[sflag:s3] =	ssyncset.done $0x0  }
0x108: {  	s25 =	rddreg [dreg:$0x6];
	[sflag:s3] =	ssyncadd.s32 $0xFFFFE800  }
0x109: {  	[hbm4b:s25+s1] =	stream.linear.scatter [tilespmem:s20], [sflag:$0x5], $0x1800, $0x38;
	[tilespmem:$0x1DB80] =	vst v63  }
0x10a: {  	_ =	swait.ge [sflag:s3], $0x1800  }
0x10b: {  	[sflag:s3] =	ssyncset.done $0x0  }
0x10c: {  	s26 =	rddreg [dreg:$0x19];
	[sflag:s3] =	ssyncadd.s32 $0xFFFFE800  }
0x10d: {  	[tilespmem:s20], [sflag:$0x5] =	stream.linear.gather [spmem:s26], $0x1800, $0x38;
	[tilespmem:$0x1DB80] =	vst v63  }
0x10e: {  	_ =	swait.ge [sflag:s3], $0x1800  }
0x10f: {  	[sflag:s3] =	ssyncset.done $0x0  }
0x110: {  	s2 =	rddreg [dreg:$0x7];
	[sflag:s3] =	ssyncadd.s32 $0xFFFFE800  }
0x111: {  	[hbm4b:s2+s1] =	stream.linear.scatter [tilespmem:s20], [sflag:$0x5], $0x1800, $0x38;
	[tilespmem:$0x1DB80] =	vst v63  }
0x112: {  	_ =	swait.ge [sflag:s3], $0x1800  }
0x113: {  	[sflag:s3] =	ssyncset.done $0x0  }
0x114: {  	s13 =	rddreg [dreg:$0x16];
	[sflag:s3] =	ssyncadd.s32 $0xFFFFE800  }
0x115: {  	[tilespmem:s20], [sflag:$0x5] =	stream.linear.gather [spmem:s13], $0x1800, $0x38;
	[tilespmem:$0x1DB80] =	vst v63  }
0x116: {  	_ =	swait.ge [sflag:s3], $0x1800  }
0x117: {  	[sflag:s3] =	ssyncset.done $0x0  }
0x118: {  	s15 =	rddreg [dreg:$0x8];
	[sflag:s3] =	ssyncadd.s32 $0xFFFFE800  }
0x119: {  	[hbm4b:s15+s1] =	stream.linear.scatter [tilespmem:s20], [sflag:$0x5], $0x1800, $0x38;
	[tilespmem:$0x1DB80] =	vst v63  }
0x11a: {  	_ =	swait.ge [sflag:s3], $0x1800  }
0x11b: {  	[sflag:s3] =	ssyncset.done $0x0  }
0x11c: {  	s31 =	rddreg [dreg:$0x14];
	[sflag:s3] =	ssyncadd.s32 $0xFFFFE800  }
0x11d: {  	[tilespmem:s20], [sflag:$0x5] =	stream.linear.gather [spmem:s31], $0x1800, $0x38;
	[tilespmem:$0x1DB80] =	vst v63  }
0x11e: {  	_ =	swait.ge [sflag:s3], $0x1800  }
0x11f: {  	[sflag:s3] =	ssyncset.done $0x0  }
0x120: {  	s17 =	rddreg [dreg:$0x9];
	[sflag:s3] =	ssyncadd.s32 $0xFFFFE800  }
0x121: {  	[hbm4b:s17+s1] =	stream.linear.scatter [tilespmem:s20], [sflag:$0x5], $0x1800, $0x38;
	[tilespmem:$0x1DB80] =	vst v63  }
0x122: {  	_ =	swait.ge [sflag:s3], $0x1800  }
0x123: {  	[sflag:s3] =	ssyncset.done $0x0  }
0x124: {  	s17 =	rddreg [dreg:$0x12];
	[sflag:s3] =	ssyncadd.s32 $0xFFFFE800  }
0x125: {  	[tilespmem:s20], [sflag:$0x5] =	stream.linear.gather [spmem:s17], $0x1800, $0x38;
	[tilespmem:$0x1DB80] =	vst v63  }
0x126: {  	_ =	swait.ge [sflag:s3], $0x1800  }
0x127: {  	[sflag:s3] =	ssyncset.done $0x0  }
0x128: {  	s23 =	rddreg [dreg:$0xa];
	[sflag:s3] =	ssyncadd.s32 $0xFFFFE800  }
0x129: {  	[hbm4b:s23+s1] =	stream.linear.scatter [tilespmem:s20], [sflag:$0x5], $0x1800, $0x38;
	[tilespmem:$0x1DB80] =	vst v63  }
0x12a: {  	_ =	swait.ge [sflag:s3], $0x1800  }
0x12b: {  	[sflag:s3] =	ssyncset.done $0x0  }
0x12c: {  	s13 =	rddreg [dreg:$0x13];
	[sflag:s3] =	ssyncadd.s32 $0xFFFFE800  }
0x12d: {  	[tilespmem:s20], [sflag:$0x5] =	stream.linear.gather [spmem:s13], $0x1800, $0x38;
	[tilespmem:$0x1DB80] =	vst v63  }
0x12e: {  	_ =	swait.ge [sflag:s3], $0x1800  }
0x12f: {  	[sflag:s3] =	ssyncset.done $0x0  }
0x130: {  	s25 =	rddreg [dreg:$0xb];
	[sflag:s3] =	ssyncadd.s32 $0xFFFFE800  }
0x131: {  	[hbm4b:s25+s1] =	stream.linear.scatter [tilespmem:s20], [sflag:$0x5], $0x1800, $0x38;
	[tilespmem:$0x1DB80] =	vst v63  }
0x132: {  	_ =	swait.ge [sflag:s3], $0x1800  }
0x133: {  	[sflag:s3] =	ssyncset.done $0x0  }
0x134: {  	s2 =	rddreg [dreg:$0x15];
	[sflag:s3] =	ssyncadd.s32 $0xFFFFE800  }
0x135: {  	[tilespmem:s20], [sflag:$0x5] =	stream.linear.gather [spmem:s2], $0x1800, $0x38;
	[tilespmem:$0x1DB80] =	vst v63  }
0x136: {  	_ =	swait.ge [sflag:s3], $0x1800  }
0x137: {  	[sflag:s3] =	ssyncset.done $0x0  }
0x138: {  	s26 =	rddreg [dreg:$0xc];
	[sflag:s3] =	ssyncadd.s32 $0xFFFFE800  }
0x139: {  	[hbm4b:s26+s1] =	stream.linear.scatter [tilespmem:s20], [sflag:$0x5], $0x1800, $0x38;
	[tilespmem:$0x1DB80] =	vst v63  }
0x13a: {  	_ =	swait.ge [sflag:s3], $0x1800  }
0x13b: {  	[sflag:s3] =	ssyncset.done $0x0  }
0x13c: {  	s23 =	rddreg [dreg:$0x17];
	[sflag:s3] =	ssyncadd.s32 $0xFFFFE800  }
0x13d: {  	[tilespmem:s20], [sflag:$0x5] =	stream.linear.gather [spmem:s23], $0x1800, $0x38;
	[tilespmem:$0x1DB80] =	vst v63  }
0x13e: {  	_ =	swait.ge [sflag:s3], $0x1800  }
0x13f: {  	[sflag:s3] =	ssyncset.done $0x0  }
0x140: {  	s0 =	rddreg [dreg:$0xd];
	[sflag:s3] =	ssyncadd.s32 $0xFFFFE800  }
0x141: {  	[hbm4b:s0+s1] =	stream.linear.scatter [tilespmem:s20], [sflag:$0x5], $0x1800, $0x38;
	[tilespmem:$0x1DB80] =	vst v63  }
0x142: {  	_ =	swait.ge [sflag:s3], $0x1800  }
0x143: {  	[sflag:s3] =	ssyncset.done $0x0  }
0x144: {  	s29 =	rddreg [dreg:$0x18];
	[sflag:s3] =	ssyncadd.s32 $0xFFFFE800  }
0x145: {  	[tilespmem:s20], [sflag:$0x5] =	stream.linear.gather [spmem:s29], $0x1800, $0x38;
	[tilespmem:$0x1DB80] =	vst v63  }
0x146: {  	_ =	swait.ge [sflag:s3], $0x1800  }
0x147: {  	[sflag:s3] =	ssyncset.done $0x0  }
0x148: {  	s15 =	rddreg [dreg:$0xe];
	[sflag:s3] =	ssyncadd.s32 $0xFFFFE800  }
0x149: {  	[hbm4b:s15+s1] =	stream.linear.scatter [tilespmem:s20], [sflag:$0x5], $0x1800, $0x38;
	[tilespmem:$0x1DB80] =	vst v63  }
0x14a: {  	_ =	swait.ge [sflag:s3], $0x1800  }
0x14b: {  	[sflag:s3] =	ssyncset.done $0x0  }
0x14c: {  	s0 =	rddreg [dreg:$0x1a];
	[sflag:s3] =	ssyncadd.s32 $0xFFFFE800  }
0x14d: {  	[tilespmem:s20], [sflag:$0x5] =	stream.linear.gather [spmem:s0], $0x1800, $0x38;
	[tilespmem:$0x1DB80] =	vst v63  }
0x14e: {  	_ =	swait.ge [sflag:s3], $0x1800  }
0x14f: {  	[sflag:s3] =	ssyncset.done $0x0  }
0x150: {  	s25 =	rddreg [dreg:$0xf];
	[sflag:s3] =	ssyncadd.s32 $0xFFFFE800  }
0x151: {  	[hbm4b:s25+s1] =	stream.linear.scatter [tilespmem:s20], [sflag:$0x5], $0x1800, $0x38;
	[tilespmem:$0x1DB80] =	vst v63  }
0x152: {  	_ =	swait.ge [sflag:s3], $0x1800  }
0x153: {  	[sflag:s3] =	ssyncset.done $0x0  }
0x154: {  	s15 =	rddreg [dreg:$0x1c];
	[sflag:s3] =	ssyncadd.s32 $0xFFFFE800  }
0x155: {  	[tilespmem:s20], [sflag:$0x5] =	stream.linear.gather [spmem:s15], $0x1800, $0x38;
	[tilespmem:$0x1DB80] =	vst v63  }
0x156: {  	_ =	swait.ge [sflag:s3], $0x1800  }
0x157: {  	[sflag:s3] =	ssyncset.done $0x0  }
0x158: {  	s26 =	rddreg [dreg:$0x10];
	[sflag:s3] =	ssyncadd.s32 $0xFFFFE800  }
0x159: {  	[hbm4b:s26+s1] =	stream.linear.scatter [tilespmem:s20], [sflag:$0x5], $0x1800, $0x38;
	[tilespmem:$0x1DB80] =	vst v63  }
0x15a: {  	_ =	swait.ge [sflag:s3], $0x1800  }
0x15b: {  	s30 =	sld [smem:$0x7FD]  }
0x15c: {  	[sflag:s3] =	ssyncset.done $0x0  }
0x15d: {  	s24 =	simm.s32 @!p0 $0x8B00;
	s25 =	simm.s32 @!p0 $0x5;
	[sflag:s3] =	ssyncadd.s32 $0xFFFFE800  }
0x15e: {  	[tilespmem:s24], [sflag:$0x5] =	stream.linear.gather @!p0 [spmem:s30], $0x800, $0x38;
	[tilespmem:$0x1DB80] =	vst v63  }
0x15f: {  	_ =	swait.ge @!p0 [sflag:s25], $0x800  }
0x160: {  	s28 =	sld [smem:$0x7FA]  }
0x161: {  	[sflag:s25] =	ssyncset.done @!p0 $0x0  }
0x162: {  	s26 =	simm.s32 @!p0 $0x0;
	[sflag:s25] =	ssyncadd.s32 @!p0 $0xFFFFF800  }
0x163: {  	[hbm4b:s28+s26] =	stream.linear.scatter @!p0 [tilespmem:s24], [sflag:$0x5], $0x800, $0x38;
	[tilespmem:$0x1DB80] =	vst v63  }
0x164: {  	s26 =	rddreg [dreg:$0x19];
	_ =	swait.ge @!p0 [sflag:s25], $0x800  }
0x165: {  	s28 =	sld [smem:$0x7F4]  }
0x166: {  	s24 =	sld [smem:$0x7FB];
	_ =	sdelay $0x1  }
0x167: {  	s28 =	sadd.s32 $0x1, s28  }
0x168: {  	p1 =	sne.s32 s28, s24  }
.Ltmp1:
0x169: {  	_ = 	snop;
	(pc) =	sbr.rel @p1 .LBB2_1-.Ltmp1, $3  }
0x16a: {  	_ =	sdelay $0x1  }
0x16b: {  	[sflag:s25] =	ssyncset.done @!p0 $0x0  }
0x16c: {  	[sflag:s25] =	ssyncadd.s32 @!p0 $0xFFFFF800;
	s25 =	rddreg [dreg:$0x1b]  }
0x16d: {  	_ =	sfence.sel $0x180000  }
0x16e: {  	[bflag:$0x0] =	sbarrier.arrive $0xFFFF  }
0x16f: {  	_ =	strace $0x9000004A  }
0x170: {  	s0 =	stileid.u32;
	[bflag:$0x2] =	sbarrier.arrive $0xFFFF  }
0x171: {  	p0 =	sne.s32 s0, $0x0;
	s0 =	rddreg [dreg:$0x3]  }
0x172: {  	s0 =	sadd.s32 @!p0 $0x100000, s0  }
0x173: {  	[sflag:s0] =	ssyncadd.tile.s32 @!p0 $0x1;
	_ =	shalt  }
.Lfunc_end2:
_tile_overlayer_lowered:
.L_overlay_start_2:
0x174: {  	(tag) =	ssettag $0x2  }
0x175: {  	s0 =	rddreg [dreg:$0x0];
	s2 =	stileid.u32  }
0x176: {  	s1 =	rddreg [dreg:$0x1];
	p0 =	sne.s32 s2, $0x0  }
0x177: {  	s3 =	rddreg [dreg:$0x2];
	[bflag:$0x3] =	sbarrier.arrive $0xFFFF;
	s2 =	simm.s32 @!p0 $0x1C05  }
0x178: {  	[timem:s3], [sflag:s2] =	dma.local @!p0 [hbm:s0], s1  }
0x179: {  	s0 =	simm.s32 @!p0 $0x5  }
0x17a: {  	_ =	swait.ge @!p0 [sflag:s0], s1  }
0x17b: {  	s1 =	ssub.s32 @!p0 $0x0, s1;
	[sflag:s0] =	ssyncset.done @!p0 $0x0  }
0x17c: {  	[sflag:s0] =	ssyncadd.s32 @!p0 s1  }
0x17d: {  	[bflag:$0x3] =	sbarrier.arrive $0xFFFF  }
0x17e: {  	_ =	shalt  }

// kernel: kernel.14.cloned.1.call-start
scs
__scs_entry_jumppad:
0x0: {  	(pc) =	sbr.rel $0x88, $3  }
0x1: {  	(tag) =	ssettag $0x0;
	lr =	simm.s32 $0x1  }
0x2: {  	[smem:$0x3F99] =	sst lr;
	_ =	strace $0xD0000000  }
0x3: {  	_ = 	snop  }
0x4: {  	_ = 	snop  }
0x5: {  	_ = 	snop  }
0x6: {  	_ = 	snop  }
0x7: {  	_ = 	snop  }
__scs_overlays_trampoline_lowered:
0x8: {  	[smem:$0x3FA8] =	sst s0  }
0x9: {  	[smem:$0x3FA9] =	sst s1  }
0xa: {  	[smem:$0x3FAA] =	sst s2  }
0xb: {  	[smem:$0x3FAB] =	sst s3  }
0xc: {  	[smem:$0x3FAC] =	sst s4  }
0xd: {  	[smem:$0x3FAD] =	sst s5  }
0xe: {  	[smem:$0x3FAE] =	sst s6  }
0xf: {  	[smem:$0x3FAF] =	sst s7  }
0x10: {  	[smem:$0x3FB0] =	sst s8  }
0x11: {  	[smem:$0x3FB1] =	sst s9;
	s0 =	simm.s32 @!p0 $0x0  }
0x12: {  	s1 =	sld [smem:$0x3F97];
	s0 =	simm.s32 @p0 $0x1  }
0x13: {  	[smem:$0x3FB2] =	sst s0;
	s0 =	simm.s32 @!p1 $0x0  }
0x14: {  	s2 =	sld [smem:$0x3F96];
	s0 =	simm.s32 @p1 $0x1  }
0x15: {  	[smem:$0x3FB3] =	sst s0;
	s0 =	simm.s32 @!p2 $0x0  }
0x16: {  	s3 =	sld [smem:$0x3FDB];
	s0 =	simm.s32 @p2 $0x1  }
0x17: {  	s4 =	simm.s32 $0x1BF5;
	[smem:$0x3FB5] =	sst s0  }
0x18: {  	s0 =	sld [smem:$0x3F98];
	_ =	swait.ge [sflag:s4], $0x0  }
0x19: {  	s7 =	sld [smem:$0x3F99]  }
0x1a: {  	s8 =	sadd.s32 $0xFFFFE003, lr  }
0x1b: {  	s9 =	sadd.s32 $0xFFFFFEF7, lr;
	s5 =	simm.s32 $0xFFFFFFFF;
	p2 =	slt.u32 s8, $0xFFFFF086  }
0x1c: {  	p1 =	slt.u32 s9, $0xF7A;
	s5 =	simm.s32 @!p2 $0x0  }
0x1d: {  	s5 =	simm.s32 @p1 $0x1;
	p0 =	seq.s32 s7, s2  }
0x1e: {  	s7 =	smul.u32 @!p0 $0xF7A, s2;
	p2 =	seq.s32 @!p0 s5, $0x0  }
0x1f: {  	s9 =	smul.u32 $0xF7A, s1;
	s8 =	simm.s32 @!p0 $0x1BF5;
	p2 =	por !p2, p0  }
0x20: {  	[sflag:s8] =	ssyncset.s32 @!p0 $0xFFFFF086;
	s6 =	sadd.s32 @!p0 s3, s7;
	s7 =	simm.s32 @!p0 $0x108  }
0x21: {  	s3 =	sadd.s32 s3, s9;
	s6 =	sadd.s32 @!p0 $0x88, s6;
	s7 =	simm.s32 @p2 $0x1082  }
0x22: {  	[simem:s7], [sflag:s8] =	dma.local @!p0 [hbm:s6], $0xF7A  }
0x23: {  	s9 =	sor.u32 $0xD0000000, s2;
	s6 =	simm.s32 $0x108;
	_ =	swait.ge @!p0 [sflag:s8], $0x0  }
0x24: {  	s3 =	sadd.s32 $0x88, s3;
	s6 =	simm.s32 @!p1 $0x1082;
	[sflag:s4] =	ssyncset.s32 $0xFFFFF086  }
0x25: {  	[simem:s6], [sflag:s4] =	dma.local [hbm:s3], $0xF7A  }
0x26: {  	[smem:$0x3F99] =	sst s1;
	(tag) =	ssettag s2;
	_ =	strace s9  }
0x27: {  	s1 =	sld [smem:$0x3FA9]  }
0x28: {  	s2 =	sld [smem:$0x3FAA]  }
0x29: {  	s4 =	sld [smem:$0x3FAC]  }
0x2a: {  	p0 =	seq.s32 s5, $0x0;
	s5 =	sld [smem:$0x3FAD]  }
0x2b: {  	s6 =	sld [smem:$0x3FAE]  }
0x2c: {  	s7 =	sld [smem:$0x3FAF]  }
0x2d: {  	s3 =	simm.s32 $0x108;
	s8 =	sld [smem:$0x3FB0]  }
0x2e: {  	s3 =	simm.s32 @!p0 $0x1082;
	s9 =	sld [smem:$0x3FB1]  }
0x2f: {  	lr =	sadd.s32 s0, s3;
	s0 =	sld [smem:$0x3FA8]  }
0x30: {  	s3 =	sld [smem:$0x3FAB]  }
0x31: {  	[smem:$0x3FB4] =	sst s10  }
0x32: {  	s10 =	sld [smem:$0x3FB2];
	_ =	sdelay $0x3  }
0x33: {  	p0 =	seq.s32 s10, $0x1;
	s10 =	sld [smem:$0x3FB4];
	_ =	sdelay $0x3  }
0x34: {  	[smem:$0x3FB4] =	sst s10  }
0x35: {  	s10 =	sld [smem:$0x3FB3];
	_ =	sdelay $0x3  }
0x36: {  	p1 =	seq.s32 s10, $0x1;
	s10 =	sld [smem:$0x3FB4];
	_ =	sdelay $0x3  }
0x37: {  	[smem:$0x3FB4] =	sst s10  }
0x38: {  	s10 =	sld [smem:$0x3FB5]  }
0x39: {  	_ = 	snop;
	(pc) =	sbr.ind lr, $3  }
0x3a: {  	_ = 	snop  }
0x3b: {  	_ = 	snop  }
0x3c: {  	p2 =	seq.s32 s10, $0x1;
	s10 =	sld [smem:$0x3FB4]  }
0x3d: {  	_ =	shalt  }
0x3e: {  	_ =	shalt  }
0x3f: {  	_ =	shalt  }
0x40: {  	_ =	shalt  }
0x41: {  	_ =	shalt  }
0x42: {  	_ =	shalt  }
0x43: {  	_ =	shalt  }
0x44: {  	_ =	shalt  }
0x45: {  	_ =	shalt  }
0x46: {  	_ =	shalt  }
0x47: {  	_ =	shalt  }
0x48: {  	_ =	shalt  }
0x49: {  	_ =	shalt  }
0x4a: {  	_ =	shalt  }
0x4b: {  	_ =	shalt  }
0x4c: {  	_ =	shalt  }
0x4d: {  	_ =	shalt  }
0x4e: {  	_ =	shalt  }
0x4f: {  	_ =	shalt  }
0x50: {  	_ =	shalt  }
0x51: {  	_ =	shalt  }
0x52: {  	_ =	shalt  }
0x53: {  	_ =	shalt  }
0x54: {  	_ =	shalt  }
0x55: {  	_ =	shalt  }
0x56: {  	_ =	shalt  }
0x57: {  	_ =	shalt  }
0x58: {  	_ =	shalt  }
0x59: {  	_ =	shalt  }
0x5a: {  	_ =	shalt  }
0x5b: {  	_ =	shalt  }
0x5c: {  	_ =	shalt  }
0x5d: {  	_ =	shalt  }
0x5e: {  	_ =	shalt  }
0x5f: {  	_ =	shalt  }
0x60: {  	_ =	shalt  }
0x61: {  	_ =	shalt  }
0x62: {  	_ =	shalt  }
0x63: {  	_ =	shalt  }
0x64: {  	_ =	shalt  }
0x65: {  	_ =	shalt  }
0x66: {  	_ =	shalt  }
0x67: {  	_ =	shalt  }
0x68: {  	_ =	shalt  }
0x69: {  	_ =	shalt  }
0x6a: {  	_ =	shalt  }
0x6b: {  	_ =	shalt  }
0x6c: {  	_ =	shalt  }
0x6d: {  	_ =	shalt  }
0x6e: {  	_ =	shalt  }
0x6f: {  	_ =	shalt  }
0x70: {  	_ =	shalt  }
0x71: {  	_ =	shalt  }
0x72: {  	_ =	shalt  }
0x73: {  	_ =	shalt  }
0x74: {  	_ =	shalt  }
0x75: {  	_ =	shalt  }
0x76: {  	_ =	shalt  }
0x77: {  	_ =	shalt  }
0x78: {  	_ =	shalt  }
0x79: {  	_ =	shalt  }
0x7a: {  	_ =	shalt  }
0x7b: {  	_ =	shalt  }
0x7c: {  	_ =	shalt  }
0x7d: {  	_ =	shalt  }
0x7e: {  	_ =	shalt  }
0x7f: {  	_ =	shalt  }
0x80: {  	_ =	shalt  }
0x81: {  	_ =	shalt  }
0x82: {  	_ =	shalt  }
0x83: {  	_ =	shalt  }
0x84: {  	_ =	shalt  }
0x85: {  	_ =	shalt  }
0x86: {  	_ =	shalt  }
0x87: {  	_ =	shalt  }
.Lfunc_end0:
.L_simem_size_0:
called_computation.2_lowered:
.L_overlay_start_0:
0x88: {  	s2 =	sld [smem:$0x3FD9]  }
0x89: {  	s3 =	sld [smem:$0x3FFE];
	_ =	sdelay $0x1  }
0x8a: {  	s1 =	srdreg.scid  }
0x8b: {  	s0 =	sand.u32 $0x1, s1  }
0x8c: {  	s17 =	sshll.u32 s0, $0xA;
	s2 =	sadd.s32 s3, s2  }
0x8d: {  	s2 =	sadd.s32 s2, s17  }
0x8e: {  	[smem:$0x3FC0] =	sst s2  }
0x8f: {  	_ = 	snop  }
0x90: {  	s2 =	sld [smem:$0x3FD0];
	(tm) =	ssettm $0x1  }
0x91: {  	s18 =	sld [smem:$0x3FFB];
	_ =	sdelay $0x3  }
0x92: {  	_ =	strace s18  }
0x93: {  	s3 =	sld [smem:$0x3FFC];
	_ =	sdelay $0x3  }
0x94: {  	_ =	strace s3  }
0x95: {  	s3 =	sld [smem:$0x3FFD];
	_ =	sdelay $0x3  }
0x96: {  	_ =	strace s3  }
0x97: {  	_ =	strace $0x8FFFFFFF  }
0x98: {  	s19 =	sld [smem:$0x3FDB];
	_ =	sdelay $0x1  }
0x99: {  	s4 =	simm.s32 $_scs_section_size  }
0x9a: {  	s5 =	simm.s32 $_size__tile_overlayer_lowered;
	s6 =	simm.s32 $_tile_overlayer_lowered  }
0x9b: {  	s22 =	simm.s32 $0x1BFF;
	s21 =	sshll.u32 s6, $0x1;
	s3 =	sadd.s32 s4, s19  }
0x9c: {  	s7 =	simm.s32 $0x0;
	s20 =	sshll.u32 s5, $0x1;
	s5 =	sadd.s32 s21, s3  }
0x9d: {  	[timem:s7], [sflag:s22] =	dma.local [hbm:s5], s20  }
0x9e: {  	_ =	swait.ge [sflag:s22], s20  }
0x9f: {  	s4 =	ssub.s32 $0x0, s20;
	[sflag:s22] =	ssyncset.done $0x0  }
0xa0: {  	[sflag:s22] =	ssyncadd.s32 s4;
	_ =	sdelay $0x1  }
0xa1: {  	s23 =	simm.s32 $0x1B8B  }
0xa2: {  	_ =	swait.ge [sflag:s23], $0x1  }
0xa3: {  	[sflag:s23] =	ssyncset.done $0x0  }
0xa4: {  	s25 =	simm.s32 $0x1B8E;
	s24 =	sld [smem:$0x3FFE];
	[sflag:s23] =	ssyncadd.s32 $0xFFFFFFFF  }
0xa5: {  	s26 =	simm.s32 $execute0_lowered;
	[smem:$0x3FD2] =	sst s25  }
0xa6: {  	s5 =	sshll.u32 s26, $0x1;
	_ =	strace $0x8000004C;
	[dreg:$0x1] =	wrdreg $0xFFFFFFFF  }
0xa7: {  	s28 =	simm.s32 $_size_execute0_lowered;
	s3 =	sadd.s32 s3, s5;
	[dreg:$0x0] =	wrdreg $0x0  }
0xa8: {  	s5 =	sshll.u32 s28, $0x1;
	[dreg:$0x2] =	wrdreg s3  }
0xa9: {  	[dreg:$0x3] =	wrdreg s5  }
0xaa: {  	[dreg:$0x4] =	wrdreg $0xC0  }
0xab: {  	_ =	task [dreg:s7], $0x5FFFF  }
0xac: {  	[dreg:$0x1] =	wrdreg $0xFFFFFFFF  }
0xad: {  	[dreg:$0x0] =	wrdreg $0x60  }
0xae: {  	[dreg:$0x2] =	wrdreg s2  }
0xaf: {  	[dreg:$0x3] =	wrdreg s24  }
0xb0: {  	[dreg:$0x4] =	wrdreg $0xA3000  }
0xb1: {  	[dreg:$0x5] =	wrdreg $0x9  }
0xb2: {  	_ =	task.clear_ibuf [dreg:s7], $0x6FFFF;
	_ =	strace $0x9000004C  }
0xb3: {  	s29 =	simm.s32 $0x9;
	_ =	strace $0x8000004E  }
0xb4: {  	_ =	swait.ge [sflag:s29], $0x1  }
0xb5: {  	[sflag:s29] =	ssyncadd.s32 $0xFFFFFFFF  }
0xb6: {  	_ =	strace $0x9000004E  }
0xb7: {  	_ =	sfence  }
0xb8: {  	s30 =	sld [smem:$0x0];
	_ =	sdelay $0x2  }
0xb9: {  	s31 =	sshll.u32 s1, $0xD;
	s1 =	sshrl.u32 s1, $0x2  }
0xba: {  	s3 =	sand.u32 $0x4000, s31;
	s1 =	sadd.s32 s1, s30  }
0xbb: {  	s0 =	sor.u32 s3, s0;
	s1 =	sshll.u32 s1, $0x11  }
0xbc: {  	s0 =	sor.u32 s1, s0  }
0xbd: {  	s0 =	sadd.s32 $0x8F2B, s0  }
0xbe: {  	[sflag:s0] =	ssyncadd.remote.s32 $0x1  }
0xbf: {  	_ =	sfence.sel $0xFFFF  }
0xc0: {  	[dreg:$0x0] =	wrdreg $0xFFFFFFFF;
	(pc) =	sbr.abs _section_cstart, $3  }
0xc1: {  	[dreg:$0x1] =	wrdreg $0xFFFFFFFF  }
0xc2: {  	_ =	task.clear_ibuf [dreg:s7], $0x2FFFF;
	_ =	strace $0x9FFFFFFF  }
0xc3: {  	(tm) =	ssettm $0x7FFFFFFF  }
tec
execute0_lowered:
.L_overlay_start_1:
0x0: {  	(tag) =	ssettag $0x1  }
0x1: {  	s1 =	srdreg.scid  }
0x2: {  	s0 =	rddreg [dreg:$0x1];
	s28 =	stileid.u32;
	s4 =	sand.u32 $0x1, s1  }
0x3: {  	s1 =	simm.s32 $0x0;
	s14 =	smul.u32 $0x13800, s28;
	s18 =	sadd.s32 $0x15C00, s0  }
0x4: {  	s2 =	ssub.s32 $0x2, s4;
	[smem:$0x7FF] =	sst s1;
	s16 =	smul.u32 $0x138800, s4  }
0x5: {  	s3 =	sshrl.u32 s2, $0x1;
	s5 =	sadd.s32 $0x1800, s14;
	s6 =	sadd.s32 $0x3000, s14  }
0x6: {  	s7 =	sadd.s32 $0x4800, s14;
	s8 =	sadd.s32 $0x6000, s14;
	s9 =	sadd.s32 $0x7800, s14  }
0x7: {  	s10 =	sadd.s32 $0x9000, s14;
	s11 =	sadd.s32 $0xA800, s14;
	s24 =	sadd.s32 $0xD800, s14  }
0x8: {  	s12 =	sadd.s32 $0xF000, s14;
	s15 =	sadd.s32 $0x12000, s14;
	s30 =	ssub.s32 s2, s3  }
0x9: {  	s2 =	sadd.s32 $0xC000, s14;
	s3 =	sadd.s32 $0x10800, s14;
	s14 =	sadd.s32 s14, s16  }
0xa: {  	s19 =	sadd.s32 s16, s5;
	s20 =	sadd.s32 s16, s6;
	s26 =	sadd.s32 s16, s7  }
0xb: {  	s13 =	sadd.s32 s16, s8;
	s17 =	sadd.s32 s16, s9;
	s14 =	sshrl.u32 s14, $0x3  }
0xc: {  	s22 =	sshrl.u32 s19, $0x3;
	s23 =	sshrl.u32 s20, $0x3;
	s19 =	sshrl.u32 s13, $0x3  }
0xd: {  	s20 =	sshrl.u32 s17, $0x3;
	s14 =	sadd.s32 s18, s14;
	s25 =	sadd.s32 s18, s23  }
0xe: {  	s21 =	sadd.s32 s18, s20;
	s23 =	sadd.s32 s16, s11;
	[dreg:$0x4] =	wrdreg s14  }
0xf: {  	s20 =	sadd.s32 s16, s12;
	s14 =	sadd.s32 s18, s22;
	[dreg:$0x6] =	wrdreg s25  }
0x10: {  	[dreg:$0x9] =	wrdreg s21;
	s22 =	sadd.s32 s16, s10;
	s25 =	sadd.s32 s16, s2  }
0x11: {  	s21 =	sadd.s32 s16, s3;
	[dreg:$0x5] =	wrdreg s14;
	s14 =	sshrl.u32 s26, $0x3  }
0x12: {  	s26 =	sshrl.u32 s23, $0x3;
	s13 =	sshrl.u32 s25, $0x3;
	s23 =	sshrl.u32 s21, $0x3  }
0x13: {  	s21 =	sshrl.u32 s16, $0x3;
	s14 =	sadd.s32 s18, s14;
	s17 =	sadd.s32 s18, s13  }
0x14: {  	s25 =	sadd.s32 s18, s23;
	s21 =	sadd.s32 s18, s21;
	[dreg:$0x7] =	wrdreg s14  }
0x15: {  	s23 =	smul.u32 $0x4E000, s28;
	s14 =	sadd.s32 s18, s19;
	[dreg:$0xc] =	wrdreg s17  }
0x16: {  	s19 =	sadd.s32 s16, s24;
	[dreg:$0x8] =	wrdreg s14;
	s14 =	sshrl.u32 s22, $0x3  }
0x17: {  	[dreg:$0xf] =	wrdreg s25;
	s17 =	smul.u32 $0x27100, s4;
	s14 =	sadd.s32 s18, s14  }
0x18: {  	s4 =	sshll.u32 s4, $0x4;
	[dreg:$0xa] =	wrdreg s14;
	s14 =	sadd.s32 s18, s26  }
0x19: {  	s26 =	sadd.s32 s16, s15;
	[dreg:$0xb] =	wrdreg s14;
	s14 =	sshrl.u32 s19, $0x3  }
0x1a: {  	s16 =	rddreg [dreg:$0x2];
	s13 =	sshrl.u32 s26, $0x3;
	s14 =	sadd.s32 s18, s14  }
0x1b: {  	s22 =	sshrl.u32 s20, $0x3;
	s19 =	sadd.s32 s18, s13;
	[dreg:$0xd] =	wrdreg s14  }
0x1c: {  	s25 =	sor.u32 s28, s4;
	s14 =	sadd.s32 s18, s22;
	[dreg:$0x10] =	wrdreg s19  }
0x1d: {  	s26 =	sshrl.u32 s23, $0x2;
	s18 =	sadd.s32 $0xBE00, s0;
	[dreg:$0xe] =	wrdreg s14  }
0x1e: {  	s19 =	sadd.s32 $0x2000, s0;
	s0 =	sadd.s32 $0x64C00, s0;
	s14 =	rddreg [dreg:$0x0]  }
0x1f: {  	s4 =	sadd.s32 s26, s16;
	_ =	strace $0x8000004D;
	[dreg:$0x11] =	wrdreg s0  }
0x20: {  	s5 =	sadd.s32 s5, s16;
	[smem:$0x7F5] =	sst s4  }
0x21: {  	s8 =	sadd.s32 s8, s16;
	[smem:$0x7F6] =	sst s5  }
0x22: {  	s29 =	sadd.s32 s12, s16;
	s12 =	sadd.s32 $0x27000, s21;
	[dreg:$0x16] =	wrdreg s8  }
0x23: {  	s21 =	smax.u32 s30, $0x1;
	[smem:$0x7FA] =	sst s12  }
0x24: {  	s13 =	sadd.s32 s11, s16;
	[smem:$0x7FB] =	sst s21  }
0x25: {  	s31 =	sadd.s32 s9, s16;
	[dreg:$0x13] =	wrdreg s13  }
0x26: {  	s2 =	sadd.s32 s2, s16;
	[dreg:$0x14] =	wrdreg s31  }
0x27: {  	s23 =	sadd.s32 s24, s16;
	[dreg:$0x15] =	wrdreg s2  }
0x28: {  	p0 =	sne.s32 s28, $0xF;
	s15 =	sadd.s32 s15, s16;
	[dreg:$0x17] =	wrdreg s23  }
0x29: {  	s26 =	sadd.s32 s7, s16;
	s22 =	smul.u32 $0x2710, s28;
	[dreg:$0x18] =	wrdreg s29  }
0x2a: {  	s30 =	sadd.s32 $0x138000, s16;
	s28 =	simm.s32 $0x0;
	[dreg:$0x19] =	wrdreg s26  }
0x2b: {  	s20 =	sadd.s32 s22, s17;
	s0 =	smul.u32 $0x2710, s25;
	[dreg:$0x1c] =	wrdreg s15  }
0x2c: {  	s25 =	sadd.s32 s6, s16;
	s17 =	sadd.s32 s10, s16;
	[smem:$0x7FD] =	sst s30  }
0x2d: {  	s5 =	simm.s32 $0x80;
	s21 =	simm.s32 $0x3;
	[dreg:$0x12] =	wrdreg s17  }
0x2e: {  	[dreg:$0x1b] =	wrdreg s25;
	s11 =	sshrl.u32 s0, $0x3;
	s0 =	sadd.s32 s3, s16  }
0x2f: {  	s3 =	simm.s32 $0x5;
	s7 =	sadd.s32 s18, s11;
	[dreg:$0x1a] =	wrdreg s0  }
0x30: {  	s22 =	sadd.s32 $0x10, s11;
	s8 =	sadd.s32 s19, s11;
	[dreg:$0x1f] =	wrdreg s7  }
0x31: {  	s4 =	sadd.s32 $0x4E0, s11;
	s24 =	sadd.s32 s18, s22;
	[smem:$0x7F7] =	sst s8  }
0x32: {  	s11 =	sadd.s32 $0x180, s20;
	s6 =	sadd.s32 s19, s22;
	[dreg:$0x1d] =	wrdreg s24  }
0x33: {  	s9 =	sadd.s32 s18, s4;
	s10 =	sadd.s32 s19, s4;
	[dreg:$0x1e] =	wrdreg s6  }
0x34: {  	s22 =	sshrl.u32 s11, $0x3;
	s4 =	simm.s32 $0x100;
	[smem:$0x7F8] =	sst s9  }
0x35: {  	s7 =	simm.s32 $0x180;
	s8 =	simm.s32 $0x4200;
	[smem:$0x7F9] =	sst s10  }
0x36: {  	s11 =	sadd.s32 s22, s19;
	s12 =	sadd.s32 s22, s18;
	s24 =	sadd.s32 $0x100, s20  }
0x37: {  	s20 =	simm.s32 $0x8B00;
	s6 =	simm.s32 $0x200;
	s9 =	simm.s32 $0x1  }
0x38: {  	s10 =	simm.s32 $0x2;
	s22 =	simm.s32 $0x4;
	[smem:$0x7FC] =	sst s24  }
.LBB2_1:
0x39: {  	[smem:$0x7F4] =	sst s28  }
0x3a: {  	s24 =	rddreg [dreg:$0x11]  }
0x3b: {  	[tilespmem:s20], [sflag:$0x5] =	stream.linear.gather [hbm4b:s24+s1], $0x1800, $0x38;
	[tilespmem:$0x1DB80] =	vst v63  }
0x3c: {  	_ =	swait.ge [sflag:s3], $0x1800  }
0x3d: {  	s28 =	sld [smem:$0x7F5]  }
0x3e: {  	[sflag:s3] =	ssyncset.done $0x0  }
0x3f: {  	[sflag:s3] =	ssyncadd.s32 $0xFFFFE800  }
0x40: {  	[spmem:s28] =	stream.linear.scatter [tilespmem:s20], [sflag:$0x5], $0x1800, $0x38;
	[tilespmem:$0x1DB80] =	vst v63  }
0x41: {  	s24 =	rddreg [dreg:$0x16];
	_ =	swait.ge [sflag:s3], $0x1800  }
0x42: {  	s28 =	smov.u32 s31;
	s31 =	sld [smem:$0x7F6]  }
0x43: {  	[sflag:s3] =	ssyncset.done $0x0  }
0x44: {  	[sflag:s3] =	ssyncadd.s32 $0xFFFFE800  }
0x45: {  	[spmem:s31] =	stream.linear.scatter [tilespmem:s20], [sflag:$0x5], $0x1800, $0x38;
	[tilespmem:$0x1DB80] =	vst v63  }
0x46: {  	_ =	swait.ge [sflag:s3], $0x1800  }
0x47: {  	[sflag:s3] =	ssyncset.done $0x0  }
0x48: {  	[sflag:s3] =	ssyncadd.s32 $0xFFFFE800  }
0x49: {  	[spmem:s25] =	stream.linear.scatter [tilespmem:s20], [sflag:$0x5], $0x1800, $0x38;
	[tilespmem:$0x1DB80] =	vst v63  }
0x4a: {  	_ =	swait.ge [sflag:s3], $0x1800  }
0x4b: {  	[sflag:s3] =	ssyncset.done $0x0  }
0x4c: {  	[sflag:s3] =	ssyncadd.s32 $0xFFFFE800  }
0x4d: {  	[spmem:s26] =	stream.linear.scatter [tilespmem:s20], [sflag:$0x5], $0x1800, $0x38;
	[tilespmem:$0x1DB80] =	vst v63  }
0x4e: {  	_ =	swait.ge [sflag:s3], $0x1800  }
0x4f: {  	[sflag:s3] =	ssyncset.done $0x0  }
0x50: {  	[sflag:s3] =	ssyncadd.s32 $0xFFFFE800  }
0x51: {  	[spmem:s24] =	stream.linear.scatter [tilespmem:s20], [sflag:$0x5], $0x1800, $0x38;
	[tilespmem:$0x1DB80] =	vst v63  }
0x52: {  	_ =	swait.ge [sflag:s3], $0x1800  }
0x53: {  	[sflag:s3] =	ssyncset.done $0x0  }
0x54: {  	[sflag:s3] =	ssyncadd.s32 $0xFFFFE800  }
0x55: {  	[spmem:s28] =	stream.linear.scatter [tilespmem:s20], [sflag:$0x5], $0x1800, $0x38;
	[tilespmem:$0x1DB80] =	vst v63  }
0x56: {  	_ =	swait.ge [sflag:s3], $0x1800  }
0x57: {  	[sflag:s3] =	ssyncset.done $0x0  }
0x58: {  	[sflag:s3] =	ssyncadd.s32 $0xFFFFE800  }
0x59: {  	[spmem:s17] =	stream.linear.scatter [tilespmem:s20], [sflag:$0x5], $0x1800, $0x38;
	[tilespmem:$0x1DB80] =	vst v63  }
0x5a: {  	_ =	swait.ge [sflag:s3], $0x1800  }
0x5b: {  	[sflag:s3] =	ssyncset.done $0x0  }
0x5c: {  	[sflag:s3] =	ssyncadd.s32 $0xFFFFE800  }
0x5d: {  	[spmem:s13] =	stream.linear.scatter [tilespmem:s20], [sflag:$0x5], $0x1800, $0x38;
	[tilespmem:$0x1DB80] =	vst v63  }
0x5e: {  	_ =	swait.ge [sflag:s3], $0x1800  }
0x5f: {  	[sflag:s3] =	ssyncset.done $0x0  }
0x60: {  	[sflag:s3] =	ssyncadd.s32 $0xFFFFE800  }
0x61: {  	[spmem:s2] =	stream.linear.scatter [tilespmem:s20], [sflag:$0x5], $0x1800, $0x38;
	[tilespmem:$0x1DB80] =	vst v63  }
0x62: {  	_ =	swait.ge [sflag:s3], $0x1800  }
0x63: {  	[sflag:s3] =	ssyncset.done $0x0  }
0x64: {  	[sflag:s3] =	ssyncadd.s32 $0xFFFFE800  }
0x65: {  	[spmem:s23] =	stream.linear.scatter [tilespmem:s20], [sflag:$0x5], $0x1800, $0x38;
	[tilespmem:$0x1DB80] =	vst v63  }
0x66: {  	_ =	swait.ge [sflag:s3], $0x1800  }
0x67: {  	[sflag:s3] =	ssyncset.done $0x0  }
0x68: {  	[sflag:s3] =	ssyncadd.s32 $0xFFFFE800  }
0x69: {  	[spmem:s29] =	stream.linear.scatter [tilespmem:s20], [sflag:$0x5], $0x1800, $0x38;
	[tilespmem:$0x1DB80] =	vst v63  }
0x6a: {  	_ =	swait.ge [sflag:s3], $0x1800  }
0x6b: {  	[sflag:s3] =	ssyncset.done $0x0  }
0x6c: {  	[sflag:s3] =	ssyncadd.s32 $0xFFFFE800  }
0x6d: {  	[spmem:s0] =	stream.linear.scatter [tilespmem:s20], [sflag:$0x5], $0x1800, $0x38;
	[tilespmem:$0x1DB80] =	vst v63  }
0x6e: {  	_ =	swait.ge [sflag:s3], $0x1800  }
0x6f: {  	[sflag:s3] =	ssyncset.done $0x0  }
0x70: {  	[sflag:s3] =	ssyncadd.s32 $0xFFFFE800  }
0x71: {  	[spmem:s15] =	stream.linear.scatter [tilespmem:s20], [sflag:$0x5], $0x1800, $0x38;
	[tilespmem:$0x1DB80] =	vst v63  }
0x72: {  	_ =	swait.ge [sflag:s3], $0x1800  }
0x73: {  	[sflag:s3] =	ssyncset.done $0x0  }
0x74: {  	s24 =	simm.s32 @!p0 $0x8B00;
	[sflag:s3] =	ssyncadd.s32 $0xFFFFE800  }
0x75: {  	[spmem:s30] =	stream.linear.scatter @!p0 [tilespmem:s24], [sflag:$0x5], $0x800, $0x38;
	[tilespmem:$0x1DB80] =	vst v63  }
0x76: {  	s24 =	simm.s32 @!p0 $0x5  }
0x77: {  	_ =	swait.ge @!p0 [sflag:s24], $0x800  }
0x78: {  	[sflag:s24] =	ssyncset.done @!p0 $0x0  }
0x79: {  	[sflag:s24] =	ssyncadd.s32 @!p0 $0xFFFFF800  }
0x7a: {  	[bflag:$0x0] =	sbarrier.arrive $0xFFFF  }
0x7b: {  	s17 =	rddreg [dreg:$0x1f]  }
0x7c: {  	[tilespmem:s1], [sflag:$0x5] =	stream.linear.gather [hbm4b:s17+s1], $0x80, $0x38;
	[tilespmem:$0x1DB80] =	vst v63  }
0x7d: {  	_ =	swait.ge [sflag:s3], $0x80  }
0x7e: {  	s23 =	sld [smem:$0x7F7]  }
0x7f: {  	[sflag:s3] =	ssyncset.done $0x0  }
0x80: {  	[sflag:s3] =	ssyncadd.s32 $0xFFFFFF80  }
0x81: {  	[tilespmem:s4], [sflag:$0x5] =	stream.linear.gather [hbm4b:s23+s1], $0x80, $0x38;
	[tilespmem:$0x1DB80] =	vst v63  }
0x82: {  	_ =	swait.ge [sflag:s3], $0x80  }
0x83: {  	[sflag:s3] =	ssyncset.done $0x0  }
0x84: {  	[sflag:s3] =	ssyncadd.s32 $0xFFFFFF80  }
0x85: {  	[tilespmem:s6], [sflag:$0x1] =	stream.indirect.gather [hbm4b:s14+s5], $0x80, s1, s5, $0xb8;
	[tilespmem:$0x1DB80] =	vst v63  }
0x86: {  	s24 =	rddreg [dreg:$0x1d]  }
0x87: {  	[tilespmem:s5], [sflag:$0x5] =	stream.linear.gather [hbm4b:s24+s1], $0x80, $0x38;
	[tilespmem:$0x1DB80] =	vst v63  }
0x88: {  	_ =	swait.ge [sflag:s3], $0x80  }
0x89: {  	[sflag:s3] =	ssyncset.done $0x0  }
0x8a: {  	s25 =	rddreg [dreg:$0x1e];
	[sflag:s3] =	ssyncadd.s32 $0xFFFFFF80  }
0x8b: {  	[tilespmem:s7], [sflag:$0x5] =	stream.linear.gather [hbm4b:s25+s1], $0x80, $0x38;
	[tilespmem:$0x1DB80] =	vst v63  }
0x8c: {  	_ =	swait.ge [sflag:s3], $0x80  }
0x8d: {  	[sflag:s3] =	ssyncset.done $0x0  }
0x8e: {  	[sflag:s3] =	ssyncadd.s32 $0xFFFFFF80  }
0x8f: {  	[tilespmem:s8], [sflag:$0x2] =	stream.indirect.gather [hbm4b:s14+s5], $0x80, s5, s5, $0xb8;
	[tilespmem:$0x1DB80] =	vst v63  }
0x90: {  	_ =	swait.ge [sflag:s9], $0x4000  }
0x91: {  	[sflag:s9] =	ssyncset.done $0x0  }
0x92: {  	[sflag:s9] =	ssyncadd.s32 $0xFFFFC000  }
0x93: {  	[spmem:s16] =	stream.indirect.scatter.add.f32 [tilespmem:s6], [sflag:$0x3], $0x80, s4, s5, $0xb8;
	[tilespmem:$0x1DB80] =	vst v63  }
0x94: {  	_ =	swait.ge [sflag:s10], $0x4000  }
0x95: {  	[sflag:s10] =	ssyncset.done $0x0  }
0x96: {  	[sflag:s10] =	ssyncadd.s32 $0xFFFFC000  }
0x97: {  	[spmem:s16] =	stream.indirect.scatter.add.f32 [tilespmem:s8], [sflag:$0x4], $0x80, s7, s5, $0xb8;
	[tilespmem:$0x1DB80] =	vst v63  }
0x98: {  	_ =	swait.ge [sflag:s21], $0x4000  }
0x99: {  	s26 =	sld [smem:$0x7FC];
	_ =	sdelay $0x2  }
0x9a: {  	[sflag:s21] =	ssyncset.done $0x0;
	s28 =	sshrl.u32 s26, $0x3  }
0x9b: {  	[sflag:s21] =	ssyncadd.s32 $0xFFFFC000;
	s29 =	sadd.s32 s18, s28  }
0x9c: {  	[tilespmem:s1], [sflag:$0x5] =	stream.linear.gather [hbm4b:s29+s1], $0x80, $0x38;
	[tilespmem:$0x1DB80] =	vst v63  }
0x9d: {  	_ =	swait.ge [sflag:s3], $0x80  }
0x9e: {  	[sflag:s3] =	ssyncset.done $0x0  }
0x9f: {  	s24 =	sadd.s32 s19, s28;
	[sflag:s3] =	ssyncadd.s32 $0xFFFFFF80  }
0xa0: {  	[tilespmem:s4], [sflag:$0x5] =	stream.linear.gather [hbm4b:s24+s1], $0x80, $0x38;
	[tilespmem:$0x1DB80] =	vst v63  }
0xa1: {  	_ =	swait.ge [sflag:s3], $0x80  }
0xa2: {  	[sflag:s3] =	ssyncset.done $0x0  }
0xa3: {  	[sflag:s3] =	ssyncadd.s32 $0xFFFFFF80  }
0xa4: {  	[tilespmem:s6], [sflag:$0x1] =	stream.indirect.gather [hbm4b:s14+s5], $0x80, s1, s5, $0xb8;
	[tilespmem:$0x1DB80] =	vst v63  }
0xa5: {  	_ =	swait.ge [sflag:s22], $0x4000  }
0xa6: {  	[sflag:s22] =	ssyncset.done $0x0  }
0xa7: {  	s30 =	sadd.s32 $0x0, s12;
	[sflag:s22] =	ssyncadd.s32 $0xFFFFC000  }
0xa8: {  	[tilespmem:s5], [sflag:$0x5] =	stream.linear.gather [hbm4b:s30+s1], $0x80, $0x38;
	[tilespmem:$0x1DB80] =	vst v63  }
0xa9: {  	_ =	swait.ge [sflag:s3], $0x80  }
0xaa: {  	[sflag:s3] =	ssyncset.done $0x0  }
0xab: {  	s31 =	sadd.s32 $0x0, s11;
	[sflag:s3] =	ssyncadd.s32 $0xFFFFFF80  }
0xac: {  	[tilespmem:s7], [sflag:$0x5] =	stream.linear.gather [hbm4b:s31+s1], $0x80, $0x38;
	[tilespmem:$0x1DB80] =	vst v63  }
0xad: {  	_ =	swait.ge [sflag:s3], $0x80  }
0xae: {  	[sflag:s3] =	ssyncset.done $0x0  }
0xaf: {  	s25 =	sadd.s32 $0x100, s26;
	s24 =	simm.s32 $0x20;
	[sflag:s3] =	ssyncadd.s32 $0xFFFFFF80  }
.LBB2_2:
0xb0: {  	[tilespmem:s8], [sflag:$0x2] =	stream.indirect.gather [hbm4b:s14+s5], $0x80, s5, s5, $0xb8;
	[tilespmem:$0x1DB80] =	vst v63  }
0xb1: {  	s26 =	smov.u32 s24  }
0xb2: {  	p1 =	sne.s32 s24, $0x4A0;
	s24 =	sadd.s32 $0x20, s24;
	_ =	swait.ge [sflag:s9], $0x4000  }
0xb3: {  	[sflag:s9] =	ssyncset.done $0x0  }
0xb4: {  	[sflag:s9] =	ssyncadd.s32 $0xFFFFC000  }
0xb5: {  	[spmem:s16] =	stream.indirect.scatter.add.f32 [tilespmem:s6], [sflag:$0x3], $0x80, s4, s5, $0xb8;
	[tilespmem:$0x1DB80] =	vst v63  }
0xb6: {  	_ =	swait.ge [sflag:s10], $0x4000  }
0xb7: {  	[sflag:s10] =	ssyncset.done $0x0  }
0xb8: {  	[sflag:s10] =	ssyncadd.s32 $0xFFFFC000  }
0xb9: {  	[spmem:s16] =	stream.indirect.scatter.add.f32 [tilespmem:s8], [sflag:$0x4], $0x80, s7, s5, $0xb8;
	[tilespmem:$0x1DB80] =	vst v63  }
0xba: {  	_ =	swait.ge [sflag:s21], $0x4000  }
0xbb: {  	s28 =	sshrl.u32 s25, $0x3;
	[sflag:s21] =	ssyncset.done $0x0  }
0xbc: {  	s29 =	sadd.s32 s18, s28;
	[sflag:s21] =	ssyncadd.s32 $0xFFFFC000  }
0xbd: {  	[tilespmem:s1], [sflag:$0x5] =	stream.linear.gather [hbm4b:s29+s1], $0x80, $0x38;
	[tilespmem:$0x1DB80] =	vst v63  }
0xbe: {  	_ =	swait.ge [sflag:s3], $0x80  }
0xbf: {  	[sflag:s3] =	ssyncset.done $0x0  }
0xc0: {  	s28 =	sadd.s32 s19, s28;
	[sflag:s3] =	ssyncadd.s32 $0xFFFFFF80  }
0xc1: {  	[tilespmem:s4], [sflag:$0x5] =	stream.linear.gather [hbm4b:s28+s1], $0x80, $0x38;
	[tilespmem:$0x1DB80] =	vst v63  }
0xc2: {  	_ =	swait.ge [sflag:s3], $0x80  }
0xc3: {  	[sflag:s3] =	ssyncset.done $0x0  }
0xc4: {  	[sflag:s3] =	ssyncadd.s32 $0xFFFFFF80  }
0xc5: {  	[tilespmem:s6], [sflag:$0x1] =	stream.indirect.gather [hbm4b:s14+s5], $0x80, s1, s5, $0xb8;
	[tilespmem:$0x1DB80] =	vst v63  }
0xc6: {  	_ =	swait.ge [sflag:s22], $0x4000  }
0xc7: {  	[sflag:s22] =	ssyncset.done $0x0  }
0xc8: {  	s28 =	sadd.s32 s26, s12;
	[sflag:s22] =	ssyncadd.s32 $0xFFFFC000  }
0xc9: {  	[tilespmem:s5], [sflag:$0x5] =	stream.linear.gather [hbm4b:s28+s1], $0x80, $0x38;
	[tilespmem:$0x1DB80] =	vst v63  }
0xca: {  	_ =	swait.ge [sflag:s3], $0x80  }
0xcb: {  	[sflag:s3] =	ssyncset.done $0x0  }
.Ltmp0:
0xcc: {  	s26 =	sadd.s32 s26, s11;
	[sflag:s3] =	ssyncadd.s32 $0xFFFFFF80;
	(pc) =	sbr.rel @p1 .LBB2_2-.Ltmp0, $4  }
0xcd: {  	[tilespmem:s7], [sflag:$0x5] =	stream.linear.gather [hbm4b:s26+s1], $0x80, $0x38;
	[tilespmem:$0x1DB80] =	vst v63  }
0xce: {  	_ =	swait.ge [sflag:s3], $0x80  }
0xcf: {  	[sflag:s3] =	ssyncset.done $0x0  }
0xd0: {  	s25 =	sadd.s32 $0x100, s25;
	[sflag:s3] =	ssyncadd.s32 $0xFFFFFF80  }
0xd1: {  	[tilespmem:s8], [sflag:$0x2] =	stream.indirect.gather [hbm4b:s14+s5], $0x80, s5, s5, $0xb8;
	[tilespmem:$0x1DB80] =	vst v63  }
0xd2: {  	_ =	swait.ge [sflag:s9], $0x4000  }
0xd3: {  	[sflag:s9] =	ssyncset.done $0x0  }
0xd4: {  	[sflag:s9] =	ssyncadd.s32 $0xFFFFC000  }
0xd5: {  	[spmem:s16] =	stream.indirect.scatter.add.f32 [tilespmem:s6], [sflag:$0x3], $0x80, s4, s5, $0xb8;
	[tilespmem:$0x1DB80] =	vst v63  }
0xd6: {  	_ =	swait.ge [sflag:s10], $0x4000  }
0xd7: {  	[sflag:s10] =	ssyncset.done $0x0  }
0xd8: {  	s0 =	sld [smem:$0x7F8];
	[sflag:s10] =	ssyncadd.s32 $0xFFFFC000  }
0xd9: {  	[spmem:s16] =	stream.indirect.scatter.add.f32 [tilespmem:s8], [sflag:$0x4], $0x80, s7, s5, $0xb8;
	[tilespmem:$0x1DB80] =	vst v63  }
0xda: {  	s2 =	simm.s32 $0x8200  }
0xdb: {  	[tilespmem:s2], [sflag:$0x5] =	stream.linear.gather [hbm4b:s0+s1], $0x10, $0x38;
	[tilespmem:$0x1DB80] =	vst v63  }
0xdc: {  	_ =	swait.ge [sflag:s3], $0x10  }
0xdd: {  	s25 =	sld [smem:$0x7F9]  }
0xde: {  	[sflag:s3] =	ssyncset.done $0x0  }
0xdf: {  	s13 =	simm.s32 $0x8280;
	[sflag:s3] =	ssyncadd.s32 $0xFFFFFFF0  }
0xe0: {  	[tilespmem:s13], [sflag:$0x5] =	stream.linear.gather [hbm4b:s25+s1], $0x10, $0x38;
	[tilespmem:$0x1DB80] =	vst v63  }
0xe1: {  	_ =	swait.ge [sflag:s3], $0x10  }
0xe2: {  	[sflag:s3] =	ssyncset.done $0x0  }
0xe3: {  	s26 =	simm.s32 $0x10;
	s15 =	simm.s32 $0x8300;
	[sflag:s3] =	ssyncadd.s32 $0xFFFFFFF0  }
0xe4: {  	[tilespmem:s15], [sflag:$0x1] =	stream.indirect.gather [hbm4b:s14+s26], $0x80, s2, s26, $0xb8;
	[tilespmem:$0x1DB80] =	vst v63  }
0xe5: {  	_ =	swait.ge [sflag:s21], $0x4000  }
0xe6: {  	[sflag:s21] =	ssyncset.done $0x0  }
0xe7: {  	[sflag:s21] =	ssyncadd.s32 $0xFFFFC000  }
0xe8: {  	_ =	swait.ge [sflag:s22], $0x4000  }
0xe9: {  	[sflag:s22] =	ssyncset.done $0x0  }
0xea: {  	[sflag:s22] =	ssyncadd.s32 $0xFFFFC000  }
0xeb: {  	_ =	swait.ge [sflag:s9], $0x800  }
0xec: {  	[sflag:s9] =	ssyncset.done $0x0  }
0xed: {  	[sflag:s9] =	ssyncadd.s32 $0xFFFFF800  }
0xee: {  	[spmem:s16] =	stream.indirect.scatter.add.f32 [tilespmem:s15], [sflag:$0x5], $0x80, s13, s26, $0xb8;
	[tilespmem:$0x1DB80] =	vst v63  }
0xef: {  	_ =	swait.ge [sflag:s3], $0x800  }
0xf0: {  	[sflag:s3] =	ssyncset.done $0x0  }
0xf1: {  	[sflag:s3] =	ssyncadd.s32 $0xFFFFF800  }
0xf2: {  	[bflag:$0x0] =	sbarrier.arrive $0xFFFF  }
0xf3: {  	s15 =	sld [smem:$0x7F5];
	_ =	sdelay $0x2  }
0xf4: {  	[tilespmem:s20], [sflag:$0x5] =	stream.linear.gather [spmem:s15], $0x1800, $0x38;
	[tilespmem:$0x1DB80] =	vst v63  }
0xf5: {  	_ =	swait.ge [sflag:s3], $0x1800  }
0xf6: {  	[sflag:s3] =	ssyncset.done $0x0  }
0xf7: {  	s24 =	rddreg [dreg:$0x4];
	[sflag:s3] =	ssyncadd.s32 $0xFFFFE800  }
0xf8: {  	[hbm4b:s24+s1] =	stream.linear.scatter [tilespmem:s20], [sflag:$0x5], $0x1800, $0x38;
	[tilespmem:$0x1DB80] =	vst v63  }
0xf9: {  	_ =	swait.ge [sflag:s3], $0x1800  }
0xfa: {  	s17 =	sld [smem:$0x7F6]  }
0xfb: {  	[sflag:s3] =	ssyncset.done $0x0  }
0xfc: {  	[sflag:s3] =	ssyncadd.s32 $0xFFFFE800  }
0xfd: {  	[tilespmem:s20], [sflag:$0x5] =	stream.linear.gather [spmem:s17], $0x1800, $0x38;
	[tilespmem:$0x1DB80] =	vst v63  }
0xfe: {  	_ =	swait.ge [sflag:s3], $0x1800  }
0xff: {  	[sflag:s3] =	ssyncset.done $0x0  }
0x100: {  	s23 =	rddreg [dreg:$0x5];
	[sflag:s3] =	ssyncadd.s32 $0xFFFFE800  }
0x101: {  	[hbm4b:s23+s1] =	stream.linear.scatter [tilespmem:s20], [sflag:$0x5], $0x1800, $0x38;
	[tilespmem:$0x1DB80] =	vst v63  }
0x102: {  	_ =	swait.ge [sflag:s3], $0x1800  }
0x103: {  	[sflag:s3] =	ssyncset.done $0x0  }
0x104: {  	s24 =	rddreg [dreg:$0x1b];
	[sflag:s3] =	ssyncadd.s32 $0xFFFFE800  }
0x105: {  	[tilespmem:s20], [sflag:$0x5] =	stream.linear.gather [spmem:s24], $0x1800, $0x38;
	[tilespmem:$0x1DB80] =	vst v63  }
0x106: {  	_ =	swait.ge [sflag:s3], $0x1800  }
0x107: {  	[sflag:s3] =	ssyncset.done $0x0  }
0x108: {  	s25 =	rddreg [dreg:$0x6];
	[sflag:s3] =	ssyncadd.s32 $0xFFFFE800  }
0x109: {  	[hbm4b:s25+s1] =	stream.linear.scatter [tilespmem:s20], [sflag:$0x5], $0x1800, $0x38;
	[tilespmem:$0x1DB80] =	vst v63  }
0x10a: {  	_ =	swait.ge [sflag:s3], $0x1800  }
0x10b: {  	[sflag:s3] =	ssyncset.done $0x0  }
0x10c: {  	s26 =	rddreg [dreg:$0x19];
	[sflag:s3] =	ssyncadd.s32 $0xFFFFE800  }
0x10d: {  	[tilespmem:s20], [sflag:$0x5] =	stream.linear.gather [spmem:s26], $0x1800, $0x38;
	[tilespmem:$0x1DB80] =	vst v63  }
0x10e: {  	_ =	swait.ge [sflag:s3], $0x1800  }
0x10f: {  	[sflag:s3] =	ssyncset.done $0x0  }
0x110: {  	s2 =	rddreg [dreg:$0x7];
	[sflag:s3] =	ssyncadd.s32 $0xFFFFE800  }
0x111: {  	[hbm4b:s2+s1] =	stream.linear.scatter [tilespmem:s20], [sflag:$0x5], $0x1800, $0x38;
	[tilespmem:$0x1DB80] =	vst v63  }
0x112: {  	_ =	swait.ge [sflag:s3], $0x1800  }
0x113: {  	[sflag:s3] =	ssyncset.done $0x0  }
0x114: {  	s13 =	rddreg [dreg:$0x16];
	[sflag:s3] =	ssyncadd.s32 $0xFFFFE800  }
0x115: {  	[tilespmem:s20], [sflag:$0x5] =	stream.linear.gather [spmem:s13], $0x1800, $0x38;
	[tilespmem:$0x1DB80] =	vst v63  }
0x116: {  	_ =	swait.ge [sflag:s3], $0x1800  }
0x117: {  	[sflag:s3] =	ssyncset.done $0x0  }
0x118: {  	s15 =	rddreg [dreg:$0x8];
	[sflag:s3] =	ssyncadd.s32 $0xFFFFE800  }
0x119: {  	[hbm4b:s15+s1] =	stream.linear.scatter [tilespmem:s20], [sflag:$0x5], $0x1800, $0x38;
	[tilespmem:$0x1DB80] =	vst v63  }
0x11a: {  	_ =	swait.ge [sflag:s3], $0x1800  }
0x11b: {  	[sflag:s3] =	ssyncset.done $0x0  }
0x11c: {  	s31 =	rddreg [dreg:$0x14];
	[sflag:s3] =	ssyncadd.s32 $0xFFFFE800  }
0x11d: {  	[tilespmem:s20], [sflag:$0x5] =	stream.linear.gather [spmem:s31], $0x1800, $0x38;
	[tilespmem:$0x1DB80] =	vst v63  }
0x11e: {  	_ =	swait.ge [sflag:s3], $0x1800  }
0x11f: {  	[sflag:s3] =	ssyncset.done $0x0  }
0x120: {  	s17 =	rddreg [dreg:$0x9];
	[sflag:s3] =	ssyncadd.s32 $0xFFFFE800  }
0x121: {  	[hbm4b:s17+s1] =	stream.linear.scatter [tilespmem:s20], [sflag:$0x5], $0x1800, $0x38;
	[tilespmem:$0x1DB80] =	vst v63  }
0x122: {  	_ =	swait.ge [sflag:s3], $0x1800  }
0x123: {  	[sflag:s3] =	ssyncset.done $0x0  }
0x124: {  	s17 =	rddreg [dreg:$0x12];
	[sflag:s3] =	ssyncadd.s32 $0xFFFFE800  }
0x125: {  	[tilespmem:s20], [sflag:$0x5] =	stream.linear.gather [spmem:s17], $0x1800, $0x38;
	[tilespmem:$0x1DB80] =	vst v63  }
0x126: {  	_ =	swait.ge [sflag:s3], $0x1800  }
0x127: {  	[sflag:s3] =	ssyncset.done $0x0  }
0x128: {  	s23 =	rddreg [dreg:$0xa];
	[sflag:s3] =	ssyncadd.s32 $0xFFFFE800  }
0x129: {  	[hbm4b:s23+s1] =	stream.linear.scatter [tilespmem:s20], [sflag:$0x5], $0x1800, $0x38;
	[tilespmem:$0x1DB80] =	vst v63  }
0x12a: {  	_ =	swait.ge [sflag:s3], $0x1800  }
0x12b: {  	[sflag:s3] =	ssyncset.done $0x0  }
0x12c: {  	s13 =	rddreg [dreg:$0x13];
	[sflag:s3] =	ssyncadd.s32 $0xFFFFE800  }
0x12d: {  	[tilespmem:s20], [sflag:$0x5] =	stream.linear.gather [spmem:s13], $0x1800, $0x38;
	[tilespmem:$0x1DB80] =	vst v63  }
0x12e: {  	_ =	swait.ge [sflag:s3], $0x1800  }
0x12f: {  	[sflag:s3] =	ssyncset.done $0x0  }
0x130: {  	s25 =	rddreg [dreg:$0xb];
	[sflag:s3] =	ssyncadd.s32 $0xFFFFE800  }
0x131: {  	[hbm4b:s25+s1] =	stream.linear.scatter [tilespmem:s20], [sflag:$0x5], $0x1800, $0x38;
	[tilespmem:$0x1DB80] =	vst v63  }
0x132: {  	_ =	swait.ge [sflag:s3], $0x1800  }
0x133: {  	[sflag:s3] =	ssyncset.done $0x0  }
0x134: {  	s2 =	rddreg [dreg:$0x15];
	[sflag:s3] =	ssyncadd.s32 $0xFFFFE800  }
0x135: {  	[tilespmem:s20], [sflag:$0x5] =	stream.linear.gather [spmem:s2], $0x1800, $0x38;
	[tilespmem:$0x1DB80] =	vst v63  }
0x136: {  	_ =	swait.ge [sflag:s3], $0x1800  }
0x137: {  	[sflag:s3] =	ssyncset.done $0x0  }
0x138: {  	s26 =	rddreg [dreg:$0xc];
	[sflag:s3] =	ssyncadd.s32 $0xFFFFE800  }
0x139: {  	[hbm4b:s26+s1] =	stream.linear.scatter [tilespmem:s20], [sflag:$0x5], $0x1800, $0x38;
	[tilespmem:$0x1DB80] =	vst v63  }
0x13a: {  	_ =	swait.ge [sflag:s3], $0x1800  }
0x13b: {  	[sflag:s3] =	ssyncset.done $0x0  }
0x13c: {  	s23 =	rddreg [dreg:$0x17];
	[sflag:s3] =	ssyncadd.s32 $0xFFFFE800  }
0x13d: {  	[tilespmem:s20], [sflag:$0x5] =	stream.linear.gather [spmem:s23], $0x1800, $0x38;
	[tilespmem:$0x1DB80] =	vst v63  }
0x13e: {  	_ =	swait.ge [sflag:s3], $0x1800  }
0x13f: {  	[sflag:s3] =	ssyncset.done $0x0  }
0x140: {  	s0 =	rddreg [dreg:$0xd];
	[sflag:s3] =	ssyncadd.s32 $0xFFFFE800  }
0x141: {  	[hbm4b:s0+s1] =	stream.linear.scatter [tilespmem:s20], [sflag:$0x5], $0x1800, $0x38;
	[tilespmem:$0x1DB80] =	vst v63  }
0x142: {  	_ =	swait.ge [sflag:s3], $0x1800  }
0x143: {  	[sflag:s3] =	ssyncset.done $0x0  }
0x144: {  	s29 =	rddreg [dreg:$0x18];
	[sflag:s3] =	ssyncadd.s32 $0xFFFFE800  }
0x145: {  	[tilespmem:s20], [sflag:$0x5] =	stream.linear.gather [spmem:s29], $0x1800, $0x38;
	[tilespmem:$0x1DB80] =	vst v63  }
0x146: {  	_ =	swait.ge [sflag:s3], $0x1800  }
0x147: {  	[sflag:s3] =	ssyncset.done $0x0  }
0x148: {  	s15 =	rddreg [dreg:$0xe];
	[sflag:s3] =	ssyncadd.s32 $0xFFFFE800  }
0x149: {  	[hbm4b:s15+s1] =	stream.linear.scatter [tilespmem:s20], [sflag:$0x5], $0x1800, $0x38;
	[tilespmem:$0x1DB80] =	vst v63  }
0x14a: {  	_ =	swait.ge [sflag:s3], $0x1800  }
0x14b: {  	[sflag:s3] =	ssyncset.done $0x0  }
0x14c: {  	s0 =	rddreg [dreg:$0x1a];
	[sflag:s3] =	ssyncadd.s32 $0xFFFFE800  }
0x14d: {  	[tilespmem:s20], [sflag:$0x5] =	stream.linear.gather [spmem:s0], $0x1800, $0x38;
	[tilespmem:$0x1DB80] =	vst v63  }
0x14e: {  	_ =	swait.ge [sflag:s3], $0x1800  }
0x14f: {  	[sflag:s3] =	ssyncset.done $0x0  }
0x150: {  	s25 =	rddreg [dreg:$0xf];
	[sflag:s3] =	ssyncadd.s32 $0xFFFFE800  }
0x151: {  	[hbm4b:s25+s1] =	stream.linear.scatter [tilespmem:s20], [sflag:$0x5], $0x1800, $0x38;
	[tilespmem:$0x1DB80] =	vst v63  }
0x152: {  	_ =	swait.ge [sflag:s3], $0x1800  }
0x153: {  	[sflag:s3] =	ssyncset.done $0x0  }
0x154: {  	s15 =	rddreg [dreg:$0x1c];
	[sflag:s3] =	ssyncadd.s32 $0xFFFFE800  }
0x155: {  	[tilespmem:s20], [sflag:$0x5] =	stream.linear.gather [spmem:s15], $0x1800, $0x38;
	[tilespmem:$0x1DB80] =	vst v63  }
0x156: {  	_ =	swait.ge [sflag:s3], $0x1800  }
0x157: {  	[sflag:s3] =	ssyncset.done $0x0  }
0x158: {  	s26 =	rddreg [dreg:$0x10];
	[sflag:s3] =	ssyncadd.s32 $0xFFFFE800  }
0x159: {  	[hbm4b:s26+s1] =	stream.linear.scatter [tilespmem:s20], [sflag:$0x5], $0x1800, $0x38;
	[tilespmem:$0x1DB80] =	vst v63  }
0x15a: {  	_ =	swait.ge [sflag:s3], $0x1800  }
0x15b: {  	s30 =	sld [smem:$0x7FD]  }
0x15c: {  	[sflag:s3] =	ssyncset.done $0x0  }
0x15d: {  	s24 =	simm.s32 @!p0 $0x8B00;
	s25 =	simm.s32 @!p0 $0x5;
	[sflag:s3] =	ssyncadd.s32 $0xFFFFE800  }
0x15e: {  	[tilespmem:s24], [sflag:$0x5] =	stream.linear.gather @!p0 [spmem:s30], $0x800, $0x38;
	[tilespmem:$0x1DB80] =	vst v63  }
0x15f: {  	_ =	swait.ge @!p0 [sflag:s25], $0x800  }
0x160: {  	s28 =	sld [smem:$0x7FA]  }
0x161: {  	[sflag:s25] =	ssyncset.done @!p0 $0x0  }
0x162: {  	s26 =	simm.s32 @!p0 $0x0;
	[sflag:s25] =	ssyncadd.s32 @!p0 $0xFFFFF800  }
0x163: {  	[hbm4b:s28+s26] =	stream.linear.scatter @!p0 [tilespmem:s24], [sflag:$0x5], $0x800, $0x38;
	[tilespmem:$0x1DB80] =	vst v63  }
0x164: {  	s26 =	rddreg [dreg:$0x19];
	_ =	swait.ge @!p0 [sflag:s25], $0x800  }
0x165: {  	s28 =	sld [smem:$0x7F4]  }
0x166: {  	s24 =	sld [smem:$0x7FB];
	_ =	sdelay $0x1  }
0x167: {  	s28 =	sadd.s32 $0x1, s28  }
0x168: {  	p1 =	sne.s32 s28, s24  }
.Ltmp1:
0x169: {  	_ = 	snop;
	(pc) =	sbr.rel @p1 .LBB2_1-.Ltmp1, $3  }
0x16a: {  	_ =	sdelay $0x1  }
0x16b: {  	[sflag:s25] =	ssyncset.done @!p0 $0x0  }
0x16c: {  	[sflag:s25] =	ssyncadd.s32 @!p0 $0xFFFFF800;
	s25 =	rddreg [dreg:$0x1b]  }
0x16d: {  	_ =	sfence.sel $0x180000  }
0x16e: {  	[bflag:$0x0] =	sbarrier.arrive $0xFFFF  }
0x16f: {  	_ =	strace $0x9000004D  }
0x170: {  	s0 =	stileid.u32;
	[bflag:$0x2] =	sbarrier.arrive $0xFFFF  }
0x171: {  	p0 =	sne.s32 s0, $0x0;
	s0 =	rddreg [dreg:$0x3]  }
0x172: {  	s0 =	sadd.s32 @!p0 $0x100000, s0  }
0x173: {  	[sflag:s0] =	ssyncadd.tile.s32 @!p0 $0x1;
	_ =	shalt  }
.Lfunc_end2:
_tile_overlayer_lowered:
.L_overlay_start_2:
0x174: {  	(tag) =	ssettag $0x2  }
0x175: {  	s0 =	rddreg [dreg:$0x0];
	s2 =	stileid.u32  }
0x176: {  	s1 =	rddreg [dreg:$0x1];
	p0 =	sne.s32 s2, $0x0  }
0x177: {  	s3 =	rddreg [dreg:$0x2];
	[bflag:$0x3] =	sbarrier.arrive $0xFFFF;
	s2 =	simm.s32 @!p0 $0x1C05  }
0x178: {  	[timem:s3], [sflag:s2] =	dma.local @!p0 [hbm:s0], s1  }
0x179: {  	s0 =	simm.s32 @!p0 $0x5  }
0x17a: {  	_ =	swait.ge @!p0 [sflag:s0], s1  }
0x17b: {  	s1 =	ssub.s32 @!p0 $0x0, s1;
	[sflag:s0] =	ssyncset.done @!p0 $0x0  }
0x17c: {  	[sflag:s0] =	ssyncadd.s32 @!p0 s1  }
0x17d: {  	[bflag:$0x3] =	sbarrier.arrive $0xFFFF  }
0x17e: {  	_ =	shalt  }

// kernel: kernel.8.cloned.1.call-start
scs
__scs_entry_jumppad:
0x0: {  	(pc) =	sbr.rel $0x88, $3  }
0x1: {  	(tag) =	ssettag $0x0;
	lr =	simm.s32 $0x1  }
0x2: {  	[smem:$0x3F99] =	sst lr;
	_ =	strace $0xD0000000  }
0x3: {  	_ = 	snop  }
0x4: {  	_ = 	snop  }
0x5: {  	_ = 	snop  }
0x6: {  	_ = 	snop  }
0x7: {  	_ = 	snop  }
__scs_overlays_trampoline_lowered:
0x8: {  	[smem:$0x3FA8] =	sst s0  }
0x9: {  	[smem:$0x3FA9] =	sst s1  }
0xa: {  	[smem:$0x3FAA] =	sst s2  }
0xb: {  	[smem:$0x3FAB] =	sst s3  }
0xc: {  	[smem:$0x3FAC] =	sst s4  }
0xd: {  	[smem:$0x3FAD] =	sst s5  }
0xe: {  	[smem:$0x3FAE] =	sst s6  }
0xf: {  	[smem:$0x3FAF] =	sst s7  }
0x10: {  	[smem:$0x3FB0] =	sst s8  }
0x11: {  	[smem:$0x3FB1] =	sst s9;
	s0 =	simm.s32 @!p0 $0x0  }
0x12: {  	s1 =	sld [smem:$0x3F97];
	s0 =	simm.s32 @p0 $0x1  }
0x13: {  	[smem:$0x3FB2] =	sst s0;
	s0 =	simm.s32 @!p1 $0x0  }
0x14: {  	s2 =	sld [smem:$0x3F96];
	s0 =	simm.s32 @p1 $0x1  }
0x15: {  	[smem:$0x3FB3] =	sst s0;
	s0 =	simm.s32 @!p2 $0x0  }
0x16: {  	s3 =	sld [smem:$0x3FDB];
	s0 =	simm.s32 @p2 $0x1  }
0x17: {  	s4 =	simm.s32 $0x1BF5;
	[smem:$0x3FB5] =	sst s0  }
0x18: {  	s0 =	sld [smem:$0x3F98];
	_ =	swait.ge [sflag:s4], $0x0  }
0x19: {  	s7 =	sld [smem:$0x3F99]  }
0x1a: {  	s8 =	sadd.s32 $0xFFFFE003, lr  }
0x1b: {  	s9 =	sadd.s32 $0xFFFFFEF7, lr;
	s5 =	simm.s32 $0xFFFFFFFF;
	p2 =	slt.u32 s8, $0xFFFFF086  }
0x1c: {  	p1 =	slt.u32 s9, $0xF7A;
	s5 =	simm.s32 @!p2 $0x0  }
0x1d: {  	s5 =	simm.s32 @p1 $0x1;
	p0 =	seq.s32 s7, s2  }
0x1e: {  	s7 =	smul.u32 @!p0 $0xF7A, s2;
	p2 =	seq.s32 @!p0 s5, $0x0  }
0x1f: {  	s9 =	smul.u32 $0xF7A, s1;
	s8 =	simm.s32 @!p0 $0x1BF5;
	p2 =	por !p2, p0  }
0x20: {  	[sflag:s8] =	ssyncset.s32 @!p0 $0xFFFFF086;
	s6 =	sadd.s32 @!p0 s3, s7;
	s7 =	simm.s32 @!p0 $0x108  }
0x21: {  	s3 =	sadd.s32 s3, s9;
	s6 =	sadd.s32 @!p0 $0x88, s6;
	s7 =	simm.s32 @p2 $0x1082  }
0x22: {  	[simem:s7], [sflag:s8] =	dma.local @!p0 [hbm:s6], $0xF7A  }
0x23: {  	s9 =	sor.u32 $0xD0000000, s2;
	s6 =	simm.s32 $0x108;
	_ =	swait.ge @!p0 [sflag:s8], $0x0  }
0x24: {  	s3 =	sadd.s32 $0x88, s3;
	s6 =	simm.s32 @!p1 $0x1082;
	[sflag:s4] =	ssyncset.s32 $0xFFFFF086  }
0x25: {  	[simem:s6], [sflag:s4] =	dma.local [hbm:s3], $0xF7A  }
0x26: {  	[smem:$0x3F99] =	sst s1;
	(tag) =	ssettag s2;
	_ =	strace s9  }
0x27: {  	s1 =	sld [smem:$0x3FA9]  }
0x28: {  	s2 =	sld [smem:$0x3FAA]  }
0x29: {  	s4 =	sld [smem:$0x3FAC]  }
0x2a: {  	p0 =	seq.s32 s5, $0x0;
	s5 =	sld [smem:$0x3FAD]  }
0x2b: {  	s6 =	sld [smem:$0x3FAE]  }
0x2c: {  	s7 =	sld [smem:$0x3FAF]  }
0x2d: {  	s3 =	simm.s32 $0x108;
	s8 =	sld [smem:$0x3FB0]  }
0x2e: {  	s3 =	simm.s32 @!p0 $0x1082;
	s9 =	sld [smem:$0x3FB1]  }
0x2f: {  	lr =	sadd.s32 s0, s3;
	s0 =	sld [smem:$0x3FA8]  }
0x30: {  	s3 =	sld [smem:$0x3FAB]  }
0x31: {  	[smem:$0x3FB4] =	sst s10  }
0x32: {  	s10 =	sld [smem:$0x3FB2];
	_ =	sdelay $0x3  }
0x33: {  	p0 =	seq.s32 s10, $0x1;
	s10 =	sld [smem:$0x3FB4];
	_ =	sdelay $0x3  }
0x34: {  	[smem:$0x3FB4] =	sst s10  }
0x35: {  	s10 =	sld [smem:$0x3FB3];
	_ =	sdelay $0x3  }
0x36: {  	p1 =	seq.s32 s10, $0x1;
	s10 =	sld [smem:$0x3FB4];
	_ =	sdelay $0x3  }
0x37: {  	[smem:$0x3FB4] =	sst s10  }
0x38: {  	s10 =	sld [smem:$0x3FB5]  }
0x39: {  	_ = 	snop;
	(pc) =	sbr.ind lr, $3  }
0x3a: {  	_ = 	snop  }
0x3b: {  	_ = 	snop  }
0x3c: {  	p2 =	seq.s32 s10, $0x1;
	s10 =	sld [smem:$0x3FB4]  }
0x3d: {  	_ =	shalt  }
0x3e: {  	_ =	shalt  }
0x3f: {  	_ =	shalt  }
0x40: {  	_ =	shalt  }
0x41: {  	_ =	shalt  }
0x42: {  	_ =	shalt  }
0x43: {  	_ =	shalt  }
0x44: {  	_ =	shalt  }
0x45: {  	_ =	shalt  }
0x46: {  	_ =	shalt  }
0x47: {  	_ =	shalt  }
0x48: {  	_ =	shalt  }
0x49: {  	_ =	shalt  }
0x4a: {  	_ =	shalt  }
0x4b: {  	_ =	shalt  }
0x4c: {  	_ =	shalt  }
0x4d: {  	_ =	shalt  }
0x4e: {  	_ =	shalt  }
0x4f: {  	_ =	shalt  }
0x50: {  	_ =	shalt  }
0x51: {  	_ =	shalt  }
0x52: {  	_ =	shalt  }
0x53: {  	_ =	shalt  }
0x54: {  	_ =	shalt  }
0x55: {  	_ =	shalt  }
0x56: {  	_ =	shalt  }
0x57: {  	_ =	shalt  }
0x58: {  	_ =	shalt  }
0x59: {  	_ =	shalt  }
0x5a: {  	_ =	shalt  }
0x5b: {  	_ =	shalt  }
0x5c: {  	_ =	shalt  }
0x5d: {  	_ =	shalt  }
0x5e: {  	_ =	shalt  }
0x5f: {  	_ =	shalt  }
0x60: {  	_ =	shalt  }
0x61: {  	_ =	shalt  }
0x62: {  	_ =	shalt  }
0x63: {  	_ =	shalt  }
0x64: {  	_ =	shalt  }
0x65: {  	_ =	shalt  }
0x66: {  	_ =	shalt  }
0x67: {  	_ =	shalt  }
0x68: {  	_ =	shalt  }
0x69: {  	_ =	shalt  }
0x6a: {  	_ =	shalt  }
0x6b: {  	_ =	shalt  }
0x6c: {  	_ =	shalt  }
0x6d: {  	_ =	shalt  }
0x6e: {  	_ =	shalt  }
0x6f: {  	_ =	shalt  }
0x70: {  	_ =	shalt  }
0x71: {  	_ =	shalt  }
0x72: {  	_ =	shalt  }
0x73: {  	_ =	shalt  }
0x74: {  	_ =	shalt  }
0x75: {  	_ =	shalt  }
0x76: {  	_ =	shalt  }
0x77: {  	_ =	shalt  }
0x78: {  	_ =	shalt  }
0x79: {  	_ =	shalt  }
0x7a: {  	_ =	shalt  }
0x7b: {  	_ =	shalt  }
0x7c: {  	_ =	shalt  }
0x7d: {  	_ =	shalt  }
0x7e: {  	_ =	shalt  }
0x7f: {  	_ =	shalt  }
0x80: {  	_ =	shalt  }
0x81: {  	_ =	shalt  }
0x82: {  	_ =	shalt  }
0x83: {  	_ =	shalt  }
0x84: {  	_ =	shalt  }
0x85: {  	_ =	shalt  }
0x86: {  	_ =	shalt  }
0x87: {  	_ =	shalt  }
.Lfunc_end0:
.L_simem_size_0:
called_computation_lowered:
.L_overlay_start_0:
0x88: {  	s2 =	sld [smem:$0x3FD9]  }
0x89: {  	s3 =	sld [smem:$0x3FFE];
	_ =	sdelay $0x1  }
0x8a: {  	s1 =	srdreg.scid  }
0x8b: {  	s0 =	sand.u32 $0x1, s1  }
0x8c: {  	s16 =	sshll.u32 s0, $0xA;
	s2 =	sadd.s32 s3, s2  }
0x8d: {  	s2 =	sadd.s32 s2, s16  }
0x8e: {  	[smem:$0x3FC0] =	sst s2  }
0x8f: {  	_ = 	snop  }
0x90: {  	(tm) =	ssettm $0x1  }
0x91: {  	s17 =	sld [smem:$0x3FFB];
	_ =	sdelay $0x3  }
0x92: {  	_ =	strace s17  }
0x93: {  	s2 =	sld [smem:$0x3FFC];
	_ =	sdelay $0x3  }
0x94: {  	_ =	strace s2  }
0x95: {  	s2 =	sld [smem:$0x3FFD];
	_ =	sdelay $0x3  }
0x96: {  	_ =	strace s2  }
0x97: {  	_ =	strace $0x8FFFFFFF  }
0x98: {  	s18 =	sld [smem:$0x3FDB];
	_ =	sdelay $0x1  }
0x99: {  	s19 =	simm.s32 $_scs_section_size  }
0x9a: {  	s4 =	simm.s32 $_size__tile_overlayer_lowered;
	s5 =	simm.s32 $_tile_overlayer_lowered  }
0x9b: {  	s22 =	simm.s32 $0x1BFF;
	s21 =	sshll.u32 s5, $0x1;
	s2 =	sadd.s32 s19, s18  }
0x9c: {  	s6 =	simm.s32 $0x0;
	s20 =	sshll.u32 s4, $0x1;
	s4 =	sadd.s32 s21, s2  }
0x9d: {  	[timem:s6], [sflag:s22] =	dma.local [hbm:s4], s20  }
0x9e: {  	_ =	swait.ge [sflag:s22], s20  }
0x9f: {  	s3 =	ssub.s32 $0x0, s20;
	[sflag:s22] =	ssyncset.done $0x0  }
0xa0: {  	[sflag:s22] =	ssyncadd.s32 s3;
	_ =	sdelay $0x1  }
0xa1: {  	s23 =	simm.s32 $0x1B8B  }
0xa2: {  	_ =	swait.ge [sflag:s23], $0x1  }
0xa3: {  	[sflag:s23] =	ssyncset.done $0x0  }
0xa4: {  	s25 =	simm.s32 $0x1B8E;
	s24 =	sld [smem:$0x3FFE];
	[sflag:s23] =	ssyncadd.s32 $0xFFFFFFFF  }
0xa5: {  	s26 =	simm.s32 $execute0_lowered;
	[smem:$0x3FD2] =	sst s25  }
0xa6: {  	s4 =	sshll.u32 s26, $0x1;
	_ =	strace $0x80000046;
	[dreg:$0x1] =	wrdreg $0xFFFFFFFF  }
0xa7: {  	s28 =	simm.s32 $_size_execute0_lowered;
	s2 =	sadd.s32 s2, s4;
	[dreg:$0x0] =	wrdreg $0x0  }
0xa8: {  	s4 =	sshll.u32 s28, $0x1;
	[dreg:$0x2] =	wrdreg s2  }
0xa9: {  	[dreg:$0x3] =	wrdreg s4  }
0xaa: {  	[dreg:$0x4] =	wrdreg $0xC0  }
0xab: {  	_ =	task [dreg:s6], $0x5FFFF  }
0xac: {  	[dreg:$0x1] =	wrdreg $0xFFFFFFFF  }
0xad: {  	[dreg:$0x0] =	wrdreg $0x60  }
0xae: {  	[dreg:$0x2] =	wrdreg s24  }
0xaf: {  	[dreg:$0x3] =	wrdreg $0x9  }
0xb0: {  	_ =	task.clear_ibuf [dreg:s6], $0x4FFFF;
	_ =	strace $0x90000046  }
0xb1: {  	s29 =	simm.s32 $0x9;
	_ =	strace $0x80000048  }
0xb2: {  	_ =	swait.ge [sflag:s29], $0x1  }
0xb3: {  	[sflag:s29] =	ssyncadd.s32 $0xFFFFFFFF  }
0xb4: {  	_ =	strace $0x90000048  }
0xb5: {  	_ =	sfence  }
0xb6: {  	s30 =	sld [smem:$0x0];
	_ =	sdelay $0x2  }
0xb7: {  	s31 =	sshll.u32 s1, $0xD;
	s1 =	sshrl.u32 s1, $0x2  }
0xb8: {  	s3 =	sand.u32 $0x4000, s31;
	s1 =	sadd.s32 s1, s30  }
0xb9: {  	s0 =	sor.u32 s3, s0;
	s1 =	sshll.u32 s1, $0x11  }
0xba: {  	s0 =	sor.u32 s1, s0  }
0xbb: {  	s0 =	sadd.s32 $0x8F2B, s0  }
0xbc: {  	[sflag:s0] =	ssyncadd.remote.s32 $0x1  }
0xbd: {  	_ =	sfence.sel $0xFFFF  }
0xbe: {  	[dreg:$0x0] =	wrdreg $0xFFFFFFFF;
	(pc) =	sbr.abs _section_cstart, $3  }
0xbf: {  	[dreg:$0x1] =	wrdreg $0xFFFFFFFF  }
0xc0: {  	_ =	task.clear_ibuf [dreg:s6], $0x2FFFF;
	_ =	strace $0x9FFFFFFF  }
0xc1: {  	(tm) =	ssettm $0x7FFFFFFF  }
tec
execute0_lowered:
.L_overlay_start_1:
0x0: {  	(tag) =	ssettag $0x1  }
0x1: {  	s3 =	rddreg [dreg:$0x0];
	s1 =	srdreg.scid  }
0x2: {  	s0 =	rddreg [dreg:$0x1];
	s2 =	simm.s32 $0x0;
	s4 =	sand.u32 $0x1, s1  }
0x3: {  	s8 =	simm.s32 $0x0;
	s1 =	stileid.u32;
	s5 =	smul.u32 $0x27100, s4  }
0x4: {  	[smem:$0x7FF] =	sst s2;
	s6 =	smul.u32 $0x2710, s1;
	s7 =	sshll.u32 s4, $0x4  }
0x5: {  	s4 =	ssub.s32 $0x2, s4;
	_ =	strace $0x80000047;
	s7 =	sor.u32 s1, s7  }
0x6: {  	s31 =	sshrl.u32 s4, $0x1;
	s5 =	sadd.s32 s6, s5;
	s30 =	smul.u32 $0x2780, s7  }
0x7: {  	s4 =	ssub.s32 s4, s31;
	s6 =	simm.s32 $0x1;
	s5 =	sshrl.u32 s5, $0x3  }
0x8: {  	s7 =	simm.s32 $0x800;
	s5 =	sadd.s32 s5, s3;
	s3 =	sadd.s32 s30, s3  }
0x9: {  	v0 =	vimm.f32 $0.0e+00;
	v1 =	vimm.f32 $1.000000000e+00;
	s4 =	smax.u32 s4, $0x1;
	s3 =	sadd.s32 $0x15C00, s3;
	s5 =	sadd.s32 $0x2000, s5  }
.LBB2_1:
0xa: {  	s9 =	simm.s32 $0x0  }
.LBB2_2:
0xb: {  	p0 =	sne.s32 s9, $0x4E000  }
.Ltmp0:
0xc: {  	_ = 	snop;
	(pc) =	sbr.rel @p0 .LBB2_2-.Ltmp0, $3  }
0xd: {  	_ =	sdelay $0x1  }
0xe: {  	s10 =	sshra.s32 s9, $0x2  }
0xf: {  	s9 =	sadd.s32 $0x200, s9;
	[tilespmem:s10+$0x800] =	vst v0  }
0x10: {  	s9 =	simm.s32 $0x0  }
.LBB2_4:
0x11: {  	s10 =	sadd.s32 s9, s5  }
0x12: {  	[tilespmem:s2], [sflag:$0x1] =	stream.linear.gather [hbm4b:s10+s2], $0x7D0, $0x38;
	[tilespmem:$0x14400] =	vst v63  }
0x13: {  	_ =	swait.ge [sflag:s6], $0x7D0  }
0x14: {  	[sflag:s6] =	ssyncset.done $0x0  }
0x15: {  	[sflag:s6] =	ssyncadd.s32 $0xFFFFF830  }
0x16: {  	v2 =	vld [tilespmem:$0x0];
	_ =	sdelay $0x4  }
0x17: {  	v3 =	vshll.u32 v2, $0x3  }
0x18: {  	v2 =	vand.u32 $0xF, v2;
	v3 =	vand.u32 $0xFFFFFF80, v3  }
0x19: {  	v2 =	vor.u32 v2, v3;
	_ =	sdelay $0x4  }
0x1a: {  	[tilespmem:v2+s7+$0x0] =	vst.idx.add.f32.msk $0xffff, v1  }
0x1b: {  	v2 =	vld [tilespmem:$0x10];
	_ =	sdelay $0x4  }
0x1c: {  	v3 =	vshll.u32 v2, $0x3  }
0x1d: {  	v2 =	vand.u32 $0xF, v2;
	v3 =	vand.u32 $0xFFFFFF80, v3  }
0x1e: {  	v2 =	vor.u32 v2, v3;
	_ =	sdelay $0x4  }
0x1f: {  	[tilespmem:v2+s7+$0x0] =	vst.idx.add.f32.msk $0xffff, v1  }
0x20: {  	v2 =	vld [tilespmem:$0x20];
	_ =	sdelay $0x4  }
0x21: {  	v3 =	vshll.u32 v2, $0x3  }
0x22: {  	v2 =	vand.u32 $0xF, v2;
	v3 =	vand.u32 $0xFFFFFF80, v3  }
0x23: {  	v2 =	vor.u32 v2, v3;
	_ =	sdelay $0x4  }
0x24: {  	[tilespmem:v2+s7+$0x0] =	vst.idx.add.f32.msk $0xffff, v1  }
0x25: {  	v2 =	vld [tilespmem:$0x30];
	_ =	sdelay $0x4  }
0x26: {  	v3 =	vshll.u32 v2, $0x3  }
0x27: {  	v2 =	vand.u32 $0xF, v2;
	v3 =	vand.u32 $0xFFFFFF80, v3  }
0x28: {  	v2 =	vor.u32 v2, v3;
	_ =	sdelay $0x4  }
0x29: {  	[tilespmem:v2+s7+$0x0] =	vst.idx.add.f32.msk $0xffff, v1  }
0x2a: {  	v2 =	vld [tilespmem:$0x40];
	_ =	sdelay $0x4  }
0x2b: {  	v3 =	vshll.u32 v2, $0x3  }
0x2c: {  	v2 =	vand.u32 $0xF, v2;
	v3 =	vand.u32 $0xFFFFFF80, v3  }
0x2d: {  	v2 =	vor.u32 v2, v3;
	_ =	sdelay $0x4  }
0x2e: {  	[tilespmem:v2+s7+$0x0] =	vst.idx.add.f32.msk $0xffff, v1  }
0x2f: {  	v2 =	vld [tilespmem:$0x50];
	_ =	sdelay $0x4  }
0x30: {  	v3 =	vshll.u32 v2, $0x3  }
0x31: {  	v2 =	vand.u32 $0xF, v2;
	v3 =	vand.u32 $0xFFFFFF80, v3  }
0x32: {  	v2 =	vor.u32 v2, v3;
	_ =	sdelay $0x4  }
0x33: {  	[tilespmem:v2+s7+$0x0] =	vst.idx.add.f32.msk $0xffff, v1  }
0x34: {  	v2 =	vld [tilespmem:$0x60];
	_ =	sdelay $0x4  }
0x35: {  	v3 =	vshll.u32 v2, $0x3  }
0x36: {  	v2 =	vand.u32 $0xF, v2;
	v3 =	vand.u32 $0xFFFFFF80, v3  }
0x37: {  	v2 =	vor.u32 v2, v3;
	_ =	sdelay $0x4  }
0x38: {  	[tilespmem:v2+s7+$0x0] =	vst.idx.add.f32.msk $0xffff, v1  }
0x39: {  	v2 =	vld [tilespmem:$0x70];
	_ =	sdelay $0x4  }
0x3a: {  	v3 =	vshll.u32 v2, $0x3  }
0x3b: {  	v2 =	vand.u32 $0xF, v2;
	v3 =	vand.u32 $0xFFFFFF80, v3  }
0x3c: {  	v2 =	vor.u32 v2, v3;
	_ =	sdelay $0x4  }
0x3d: {  	[tilespmem:v2+s7+$0x0] =	vst.idx.add.f32.msk $0xffff, v1  }
0x3e: {  	v2 =	vld [tilespmem:$0x80];
	_ =	sdelay $0x4  }
0x3f: {  	v3 =	vshll.u32 v2, $0x3  }
0x40: {  	v2 =	vand.u32 $0xF, v2;
	v3 =	vand.u32 $0xFFFFFF80, v3  }
0x41: {  	v2 =	vor.u32 v2, v3;
	_ =	sdelay $0x4  }
0x42: {  	[tilespmem:v2+s7+$0x0] =	vst.idx.add.f32.msk $0xffff, v1  }
0x43: {  	v2 =	vld [tilespmem:$0x90];
	_ =	sdelay $0x4  }
0x44: {  	v3 =	vshll.u32 v2, $0x3  }
0x45: {  	v2 =	vand.u32 $0xF, v2;
	v3 =	vand.u32 $0xFFFFFF80, v3  }
0x46: {  	v2 =	vor.u32 v2, v3;
	_ =	sdelay $0x4  }
0x47: {  	[tilespmem:v2+s7+$0x0] =	vst.idx.add.f32.msk $0xffff, v1  }
0x48: {  	v2 =	vld [tilespmem:$0xA0];
	_ =	sdelay $0x4  }
0x49: {  	v3 =	vshll.u32 v2, $0x3  }
0x4a: {  	v2 =	vand.u32 $0xF, v2;
	v3 =	vand.u32 $0xFFFFFF80, v3  }
0x4b: {  	v2 =	vor.u32 v2, v3;
	_ =	sdelay $0x4  }
0x4c: {  	[tilespmem:v2+s7+$0x0] =	vst.idx.add.f32.msk $0xffff, v1  }
0x4d: {  	v2 =	vld [tilespmem:$0xB0];
	_ =	sdelay $0x4  }
0x4e: {  	v3 =	vshll.u32 v2, $0x3  }
0x4f: {  	v2 =	vand.u32 $0xF, v2;
	v3 =	vand.u32 $0xFFFFFF80, v3  }
0x50: {  	v2 =	vor.u32 v2, v3;
	_ =	sdelay $0x4  }
0x51: {  	[tilespmem:v2+s7+$0x0] =	vst.idx.add.f32.msk $0xffff, v1  }
0x52: {  	v2 =	vld [tilespmem:$0xC0];
	_ =	sdelay $0x4  }
0x53: {  	v3 =	vshll.u32 v2, $0x3  }
0x54: {  	v2 =	vand.u32 $0xF, v2;
	v3 =	vand.u32 $0xFFFFFF80, v3  }
0x55: {  	v2 =	vor.u32 v2, v3;
	_ =	sdelay $0x4  }
0x56: {  	[tilespmem:v2+s7+$0x0] =	vst.idx.add.f32.msk $0xffff, v1  }
0x57: {  	v2 =	vld [tilespmem:$0xD0];
	_ =	sdelay $0x4  }
0x58: {  	v3 =	vshll.u32 v2, $0x3  }
0x59: {  	v2 =	vand.u32 $0xF, v2;
	v3 =	vand.u32 $0xFFFFFF80, v3  }
0x5a: {  	v2 =	vor.u32 v2, v3;
	_ =	sdelay $0x4  }
0x5b: {  	[tilespmem:v2+s7+$0x0] =	vst.idx.add.f32.msk $0xffff, v1  }
0x5c: {  	v2 =	vld [tilespmem:$0xE0];
	_ =	sdelay $0x4  }
0x5d: {  	v3 =	vshll.u32 v2, $0x3  }
0x5e: {  	v2 =	vand.u32 $0xF, v2;
	v3 =	vand.u32 $0xFFFFFF80, v3  }
0x5f: {  	v2 =	vor.u32 v2, v3;
	_ =	sdelay $0x4  }
0x60: {  	[tilespmem:v2+s7+$0x0] =	vst.idx.add.f32.msk $0xffff, v1  }
0x61: {  	v2 =	vld [tilespmem:$0xF0];
	_ =	sdelay $0x4  }
0x62: {  	v3 =	vshll.u32 v2, $0x3  }
0x63: {  	v2 =	vand.u32 $0xF, v2;
	v3 =	vand.u32 $0xFFFFFF80, v3  }
0x64: {  	v2 =	vor.u32 v2, v3;
	_ =	sdelay $0x4  }
0x65: {  	[tilespmem:v2+s7+$0x0] =	vst.idx.add.f32.msk $0xffff, v1  }
0x66: {  	v2 =	vld [tilespmem:$0x100];
	_ =	sdelay $0x4  }
0x67: {  	v3 =	vshll.u32 v2, $0x3  }
0x68: {  	v2 =	vand.u32 $0xF, v2;
	v3 =	vand.u32 $0xFFFFFF80, v3  }
0x69: {  	v2 =	vor.u32 v2, v3;
	_ =	sdelay $0x4  }
0x6a: {  	[tilespmem:v2+s7+$0x0] =	vst.idx.add.f32.msk $0xffff, v1  }
0x6b: {  	v2 =	vld [tilespmem:$0x110];
	_ =	sdelay $0x4  }
0x6c: {  	v3 =	vshll.u32 v2, $0x3  }
0x6d: {  	v2 =	vand.u32 $0xF, v2;
	v3 =	vand.u32 $0xFFFFFF80, v3  }
0x6e: {  	v2 =	vor.u32 v2, v3;
	_ =	sdelay $0x4  }
0x6f: {  	[tilespmem:v2+s7+$0x0] =	vst.idx.add.f32.msk $0xffff, v1  }
0x70: {  	v2 =	vld [tilespmem:$0x120];
	_ =	sdelay $0x4  }
0x71: {  	v3 =	vshll.u32 v2, $0x3  }
0x72: {  	v2 =	vand.u32 $0xF, v2;
	v3 =	vand.u32 $0xFFFFFF80, v3  }
0x73: {  	v2 =	vor.u32 v2, v3;
	_ =	sdelay $0x4  }
0x74: {  	[tilespmem:v2+s7+$0x0] =	vst.idx.add.f32.msk $0xffff, v1  }
0x75: {  	v2 =	vld [tilespmem:$0x130];
	_ =	sdelay $0x4  }
0x76: {  	v3 =	vshll.u32 v2, $0x3  }
0x77: {  	v2 =	vand.u32 $0xF, v2;
	v3 =	vand.u32 $0xFFFFFF80, v3  }
0x78: {  	v2 =	vor.u32 v2, v3;
	_ =	sdelay $0x4  }
0x79: {  	[tilespmem:v2+s7+$0x0] =	vst.idx.add.f32.msk $0xffff, v1  }
0x7a: {  	v2 =	vld [tilespmem:$0x140];
	_ =	sdelay $0x4  }
0x7b: {  	v3 =	vshll.u32 v2, $0x3  }
0x7c: {  	v2 =	vand.u32 $0xF, v2;
	v3 =	vand.u32 $0xFFFFFF80, v3  }
0x7d: {  	v2 =	vor.u32 v2, v3;
	_ =	sdelay $0x4  }
0x7e: {  	[tilespmem:v2+s7+$0x0] =	vst.idx.add.f32.msk $0xffff, v1  }
0x7f: {  	v2 =	vld [tilespmem:$0x150];
	_ =	sdelay $0x4  }
0x80: {  	v3 =	vshll.u32 v2, $0x3  }
0x81: {  	v2 =	vand.u32 $0xF, v2;
	v3 =	vand.u32 $0xFFFFFF80, v3  }
0x82: {  	v2 =	vor.u32 v2, v3;
	_ =	sdelay $0x4  }
0x83: {  	[tilespmem:v2+s7+$0x0] =	vst.idx.add.f32.msk $0xffff, v1  }
0x84: {  	v2 =	vld [tilespmem:$0x160];
	_ =	sdelay $0x4  }
0x85: {  	v3 =	vshll.u32 v2, $0x3  }
0x86: {  	v2 =	vand.u32 $0xF, v2;
	v3 =	vand.u32 $0xFFFFFF80, v3  }
0x87: {  	v2 =	vor.u32 v2, v3;
	_ =	sdelay $0x4  }
0x88: {  	[tilespmem:v2+s7+$0x0] =	vst.idx.add.f32.msk $0xffff, v1  }
0x89: {  	v2 =	vld [tilespmem:$0x170];
	_ =	sdelay $0x4  }
0x8a: {  	v3 =	vshll.u32 v2, $0x3  }
0x8b: {  	v2 =	vand.u32 $0xF, v2;
	v3 =	vand.u32 $0xFFFFFF80, v3  }
0x8c: {  	v2 =	vor.u32 v2, v3;
	_ =	sdelay $0x4  }
0x8d: {  	[tilespmem:v2+s7+$0x0] =	vst.idx.add.f32.msk $0xffff, v1  }
0x8e: {  	v2 =	vld [tilespmem:$0x180];
	_ =	sdelay $0x4  }
0x8f: {  	v3 =	vshll.u32 v2, $0x3  }
0x90: {  	v2 =	vand.u32 $0xF, v2;
	v3 =	vand.u32 $0xFFFFFF80, v3  }
0x91: {  	v2 =	vor.u32 v2, v3;
	_ =	sdelay $0x4  }
0x92: {  	[tilespmem:v2+s7+$0x0] =	vst.idx.add.f32.msk $0xffff, v1  }
0x93: {  	v2 =	vld [tilespmem:$0x190];
	_ =	sdelay $0x4  }
0x94: {  	v3 =	vshll.u32 v2, $0x3  }
0x95: {  	v2 =	vand.u32 $0xF, v2;
	v3 =	vand.u32 $0xFFFFFF80, v3  }
0x96: {  	v2 =	vor.u32 v2, v3;
	_ =	sdelay $0x4  }
0x97: {  	[tilespmem:v2+s7+$0x0] =	vst.idx.add.f32.msk $0xffff, v1  }
0x98: {  	v2 =	vld [tilespmem:$0x1A0];
	_ =	sdelay $0x4  }
0x99: {  	v3 =	vshll.u32 v2, $0x3  }
0x9a: {  	v2 =	vand.u32 $0xF, v2;
	v3 =	vand.u32 $0xFFFFFF80, v3  }
0x9b: {  	v2 =	vor.u32 v2, v3;
	_ =	sdelay $0x4  }
0x9c: {  	[tilespmem:v2+s7+$0x0] =	vst.idx.add.f32.msk $0xffff, v1  }
0x9d: {  	v2 =	vld [tilespmem:$0x1B0];
	_ =	sdelay $0x4  }
0x9e: {  	v3 =	vshll.u32 v2, $0x3  }
0x9f: {  	v2 =	vand.u32 $0xF, v2;
	v3 =	vand.u32 $0xFFFFFF80, v3  }
0xa0: {  	v2 =	vor.u32 v2, v3;
	_ =	sdelay $0x4  }
0xa1: {  	[tilespmem:v2+s7+$0x0] =	vst.idx.add.f32.msk $0xffff, v1  }
0xa2: {  	v2 =	vld [tilespmem:$0x1C0];
	_ =	sdelay $0x4  }
0xa3: {  	v3 =	vshll.u32 v2, $0x3  }
0xa4: {  	v2 =	vand.u32 $0xF, v2;
	v3 =	vand.u32 $0xFFFFFF80, v3  }
0xa5: {  	v2 =	vor.u32 v2, v3;
	_ =	sdelay $0x4  }
0xa6: {  	[tilespmem:v2+s7+$0x0] =	vst.idx.add.f32.msk $0xffff, v1  }
0xa7: {  	v2 =	vld [tilespmem:$0x1D0];
	_ =	sdelay $0x4  }
0xa8: {  	v3 =	vshll.u32 v2, $0x3  }
0xa9: {  	v2 =	vand.u32 $0xF, v2;
	v3 =	vand.u32 $0xFFFFFF80, v3  }
0xaa: {  	v2 =	vor.u32 v2, v3;
	_ =	sdelay $0x4  }
0xab: {  	[tilespmem:v2+s7+$0x0] =	vst.idx.add.f32.msk $0xffff, v1  }
0xac: {  	v2 =	vld [tilespmem:$0x1E0];
	_ =	sdelay $0x4  }
0xad: {  	v3 =	vshll.u32 v2, $0x3  }
0xae: {  	v2 =	vand.u32 $0xF, v2;
	v3 =	vand.u32 $0xFFFFFF80, v3  }
0xaf: {  	v2 =	vor.u32 v2, v3;
	_ =	sdelay $0x4  }
0xb0: {  	[tilespmem:v2+s7+$0x0] =	vst.idx.add.f32.msk $0xffff, v1  }
0xb1: {  	v2 =	vld [tilespmem:$0x1F0];
	_ =	sdelay $0x4  }
0xb2: {  	v3 =	vshll.u32 v2, $0x3  }
0xb3: {  	v2 =	vand.u32 $0xF, v2;
	v3 =	vand.u32 $0xFFFFFF80, v3  }
0xb4: {  	v2 =	vor.u32 v2, v3;
	_ =	sdelay $0x4  }
0xb5: {  	[tilespmem:v2+s7+$0x0] =	vst.idx.add.f32.msk $0xffff, v1  }
0xb6: {  	v2 =	vld [tilespmem:$0x200];
	_ =	sdelay $0x4  }
0xb7: {  	v3 =	vshll.u32 v2, $0x3  }
0xb8: {  	v2 =	vand.u32 $0xF, v2;
	v3 =	vand.u32 $0xFFFFFF80, v3  }
0xb9: {  	v2 =	vor.u32 v2, v3;
	_ =	sdelay $0x4  }
0xba: {  	[tilespmem:v2+s7+$0x0] =	vst.idx.add.f32.msk $0xffff, v1  }
0xbb: {  	v2 =	vld [tilespmem:$0x210];
	_ =	sdelay $0x4  }
0xbc: {  	v3 =	vshll.u32 v2, $0x3  }
0xbd: {  	v2 =	vand.u32 $0xF, v2;
	v3 =	vand.u32 $0xFFFFFF80, v3  }
0xbe: {  	v2 =	vor.u32 v2, v3;
	_ =	sdelay $0x4  }
0xbf: {  	[tilespmem:v2+s7+$0x0] =	vst.idx.add.f32.msk $0xffff, v1  }
0xc0: {  	v2 =	vld [tilespmem:$0x220];
	_ =	sdelay $0x4  }
0xc1: {  	v3 =	vshll.u32 v2, $0x3  }
0xc2: {  	v2 =	vand.u32 $0xF, v2;
	v3 =	vand.u32 $0xFFFFFF80, v3  }
0xc3: {  	v2 =	vor.u32 v2, v3;
	_ =	sdelay $0x4  }
0xc4: {  	[tilespmem:v2+s7+$0x0] =	vst.idx.add.f32.msk $0xffff, v1  }
0xc5: {  	v2 =	vld [tilespmem:$0x230];
	_ =	sdelay $0x4  }
0xc6: {  	v3 =	vshll.u32 v2, $0x3  }
0xc7: {  	v2 =	vand.u32 $0xF, v2;
	v3 =	vand.u32 $0xFFFFFF80, v3  }
0xc8: {  	v2 =	vor.u32 v2, v3;
	_ =	sdelay $0x4  }
0xc9: {  	[tilespmem:v2+s7+$0x0] =	vst.idx.add.f32.msk $0xffff, v1  }
0xca: {  	v2 =	vld [tilespmem:$0x240];
	_ =	sdelay $0x4  }
0xcb: {  	v3 =	vshll.u32 v2, $0x3  }
0xcc: {  	v2 =	vand.u32 $0xF, v2;
	v3 =	vand.u32 $0xFFFFFF80, v3  }
0xcd: {  	v2 =	vor.u32 v2, v3;
	_ =	sdelay $0x4  }
0xce: {  	[tilespmem:v2+s7+$0x0] =	vst.idx.add.f32.msk $0xffff, v1  }
0xcf: {  	v2 =	vld [tilespmem:$0x250];
	_ =	sdelay $0x4  }
0xd0: {  	v3 =	vshll.u32 v2, $0x3  }
0xd1: {  	v2 =	vand.u32 $0xF, v2;
	v3 =	vand.u32 $0xFFFFFF80, v3  }
0xd2: {  	v2 =	vor.u32 v2, v3;
	_ =	sdelay $0x4  }
0xd3: {  	[tilespmem:v2+s7+$0x0] =	vst.idx.add.f32.msk $0xffff, v1  }
0xd4: {  	v2 =	vld [tilespmem:$0x260];
	_ =	sdelay $0x4  }
0xd5: {  	v3 =	vshll.u32 v2, $0x3  }
0xd6: {  	v2 =	vand.u32 $0xF, v2;
	v3 =	vand.u32 $0xFFFFFF80, v3  }
0xd7: {  	v2 =	vor.u32 v2, v3;
	_ =	sdelay $0x4  }
0xd8: {  	[tilespmem:v2+s7+$0x0] =	vst.idx.add.f32.msk $0xffff, v1  }
0xd9: {  	v2 =	vld [tilespmem:$0x270];
	_ =	sdelay $0x4  }
0xda: {  	v3 =	vshll.u32 v2, $0x3  }
0xdb: {  	v2 =	vand.u32 $0xF, v2;
	v3 =	vand.u32 $0xFFFFFF80, v3  }
0xdc: {  	v2 =	vor.u32 v2, v3;
	_ =	sdelay $0x4  }
0xdd: {  	[tilespmem:v2+s7+$0x0] =	vst.idx.add.f32.msk $0xffff, v1  }
0xde: {  	v2 =	vld [tilespmem:$0x280];
	_ =	sdelay $0x4  }
0xdf: {  	v3 =	vshll.u32 v2, $0x3  }
0xe0: {  	v2 =	vand.u32 $0xF, v2;
	v3 =	vand.u32 $0xFFFFFF80, v3  }
0xe1: {  	v2 =	vor.u32 v2, v3;
	_ =	sdelay $0x4  }
0xe2: {  	[tilespmem:v2+s7+$0x0] =	vst.idx.add.f32.msk $0xffff, v1  }
0xe3: {  	v2 =	vld [tilespmem:$0x290];
	_ =	sdelay $0x4  }
0xe4: {  	v3 =	vshll.u32 v2, $0x3  }
0xe5: {  	v2 =	vand.u32 $0xF, v2;
	v3 =	vand.u32 $0xFFFFFF80, v3  }
0xe6: {  	v2 =	vor.u32 v2, v3;
	_ =	sdelay $0x4  }
0xe7: {  	[tilespmem:v2+s7+$0x0] =	vst.idx.add.f32.msk $0xffff, v1  }
0xe8: {  	v2 =	vld [tilespmem:$0x2A0];
	_ =	sdelay $0x4  }
0xe9: {  	v3 =	vshll.u32 v2, $0x3  }
0xea: {  	v2 =	vand.u32 $0xF, v2;
	v3 =	vand.u32 $0xFFFFFF80, v3  }
0xeb: {  	v2 =	vor.u32 v2, v3;
	_ =	sdelay $0x4  }
0xec: {  	[tilespmem:v2+s7+$0x0] =	vst.idx.add.f32.msk $0xffff, v1  }
0xed: {  	v2 =	vld [tilespmem:$0x2B0];
	_ =	sdelay $0x4  }
0xee: {  	v3 =	vshll.u32 v2, $0x3  }
0xef: {  	v2 =	vand.u32 $0xF, v2;
	v3 =	vand.u32 $0xFFFFFF80, v3  }
0xf0: {  	v2 =	vor.u32 v2, v3;
	_ =	sdelay $0x4  }
0xf1: {  	[tilespmem:v2+s7+$0x0] =	vst.idx.add.f32.msk $0xffff, v1  }
0xf2: {  	v2 =	vld [tilespmem:$0x2C0];
	_ =	sdelay $0x4  }
0xf3: {  	v3 =	vshll.u32 v2, $0x3  }
0xf4: {  	v2 =	vand.u32 $0xF, v2;
	v3 =	vand.u32 $0xFFFFFF80, v3  }
0xf5: {  	v2 =	vor.u32 v2, v3;
	_ =	sdelay $0x4  }
0xf6: {  	[tilespmem:v2+s7+$0x0] =	vst.idx.add.f32.msk $0xffff, v1  }
0xf7: {  	v2 =	vld [tilespmem:$0x2D0];
	_ =	sdelay $0x4  }
0xf8: {  	v3 =	vshll.u32 v2, $0x3  }
0xf9: {  	v2 =	vand.u32 $0xF, v2;
	v3 =	vand.u32 $0xFFFFFF80, v3  }
0xfa: {  	v2 =	vor.u32 v2, v3;
	_ =	sdelay $0x4  }
0xfb: {  	[tilespmem:v2+s7+$0x0] =	vst.idx.add.f32.msk $0xffff, v1  }
0xfc: {  	v2 =	vld [tilespmem:$0x2E0];
	_ =	sdelay $0x4  }
0xfd: {  	v3 =	vshll.u32 v2, $0x3  }
0xfe: {  	v2 =	vand.u32 $0xF, v2;
	v3 =	vand.u32 $0xFFFFFF80, v3  }
0xff: {  	v2 =	vor.u32 v2, v3;
	_ =	sdelay $0x4  }
0x100: {  	[tilespmem:v2+s7+$0x0] =	vst.idx.add.f32.msk $0xffff, v1  }
0x101: {  	v2 =	vld [tilespmem:$0x2F0];
	_ =	sdelay $0x4  }
0x102: {  	v3 =	vshll.u32 v2, $0x3  }
0x103: {  	v2 =	vand.u32 $0xF, v2;
	v3 =	vand.u32 $0xFFFFFF80, v3  }
0x104: {  	v2 =	vor.u32 v2, v3;
	_ =	sdelay $0x4  }
0x105: {  	[tilespmem:v2+s7+$0x0] =	vst.idx.add.f32.msk $0xffff, v1  }
0x106: {  	v2 =	vld [tilespmem:$0x300];
	_ =	sdelay $0x4  }
0x107: {  	v3 =	vshll.u32 v2, $0x3  }
0x108: {  	v2 =	vand.u32 $0xF, v2;
	v3 =	vand.u32 $0xFFFFFF80, v3  }
0x109: {  	v2 =	vor.u32 v2, v3;
	_ =	sdelay $0x4  }
0x10a: {  	[tilespmem:v2+s7+$0x0] =	vst.idx.add.f32.msk $0xffff, v1  }
0x10b: {  	v2 =	vld [tilespmem:$0x310];
	_ =	sdelay $0x4  }
0x10c: {  	v3 =	vshll.u32 v2, $0x3  }
0x10d: {  	v2 =	vand.u32 $0xF, v2;
	v3 =	vand.u32 $0xFFFFFF80, v3  }
0x10e: {  	v2 =	vor.u32 v2, v3;
	_ =	sdelay $0x4  }
0x10f: {  	[tilespmem:v2+s7+$0x0] =	vst.idx.add.f32.msk $0xffff, v1  }
0x110: {  	v2 =	vld [tilespmem:$0x320];
	_ =	sdelay $0x4  }
0x111: {  	v3 =	vshll.u32 v2, $0x3  }
0x112: {  	v2 =	vand.u32 $0xF, v2;
	v3 =	vand.u32 $0xFFFFFF80, v3  }
0x113: {  	v2 =	vor.u32 v2, v3;
	_ =	sdelay $0x4  }
0x114: {  	[tilespmem:v2+s7+$0x0] =	vst.idx.add.f32.msk $0xffff, v1  }
0x115: {  	v2 =	vld [tilespmem:$0x330];
	_ =	sdelay $0x4  }
0x116: {  	v3 =	vshll.u32 v2, $0x3  }
0x117: {  	v2 =	vand.u32 $0xF, v2;
	v3 =	vand.u32 $0xFFFFFF80, v3  }
0x118: {  	v2 =	vor.u32 v2, v3;
	_ =	sdelay $0x4  }
0x119: {  	[tilespmem:v2+s7+$0x0] =	vst.idx.add.f32.msk $0xffff, v1  }
0x11a: {  	v2 =	vld [tilespmem:$0x340];
	_ =	sdelay $0x4  }
0x11b: {  	v3 =	vshll.u32 v2, $0x3  }
0x11c: {  	v2 =	vand.u32 $0xF, v2;
	v3 =	vand.u32 $0xFFFFFF80, v3  }
0x11d: {  	v2 =	vor.u32 v2, v3;
	_ =	sdelay $0x4  }
0x11e: {  	[tilespmem:v2+s7+$0x0] =	vst.idx.add.f32.msk $0xffff, v1  }
0x11f: {  	v2 =	vld [tilespmem:$0x350];
	_ =	sdelay $0x4  }
0x120: {  	v3 =	vshll.u32 v2, $0x3  }
0x121: {  	v2 =	vand.u32 $0xF, v2;
	v3 =	vand.u32 $0xFFFFFF80, v3  }
0x122: {  	v2 =	vor.u32 v2, v3;
	_ =	sdelay $0x4  }
0x123: {  	[tilespmem:v2+s7+$0x0] =	vst.idx.add.f32.msk $0xffff, v1  }
0x124: {  	v2 =	vld [tilespmem:$0x360];
	_ =	sdelay $0x4  }
0x125: {  	v3 =	vshll.u32 v2, $0x3  }
0x126: {  	v2 =	vand.u32 $0xF, v2;
	v3 =	vand.u32 $0xFFFFFF80, v3  }
0x127: {  	v2 =	vor.u32 v2, v3;
	_ =	sdelay $0x4  }
0x128: {  	[tilespmem:v2+s7+$0x0] =	vst.idx.add.f32.msk $0xffff, v1  }
0x129: {  	v2 =	vld [tilespmem:$0x370];
	_ =	sdelay $0x4  }
0x12a: {  	v3 =	vshll.u32 v2, $0x3  }
0x12b: {  	v2 =	vand.u32 $0xF, v2;
	v3 =	vand.u32 $0xFFFFFF80, v3  }
0x12c: {  	v2 =	vor.u32 v2, v3;
	_ =	sdelay $0x4  }
0x12d: {  	[tilespmem:v2+s7+$0x0] =	vst.idx.add.f32.msk $0xffff, v1  }
0x12e: {  	v2 =	vld [tilespmem:$0x380];
	_ =	sdelay $0x4  }
0x12f: {  	v3 =	vshll.u32 v2, $0x3  }
0x130: {  	v2 =	vand.u32 $0xF, v2;
	v3 =	vand.u32 $0xFFFFFF80, v3  }
0x131: {  	v2 =	vor.u32 v2, v3;
	_ =	sdelay $0x4  }
0x132: {  	[tilespmem:v2+s7+$0x0] =	vst.idx.add.f32.msk $0xffff, v1  }
0x133: {  	v2 =	vld [tilespmem:$0x390];
	_ =	sdelay $0x4  }
0x134: {  	v3 =	vshll.u32 v2, $0x3  }
0x135: {  	v2 =	vand.u32 $0xF, v2;
	v3 =	vand.u32 $0xFFFFFF80, v3  }
0x136: {  	v2 =	vor.u32 v2, v3;
	_ =	sdelay $0x4  }
0x137: {  	[tilespmem:v2+s7+$0x0] =	vst.idx.add.f32.msk $0xffff, v1  }
0x138: {  	v2 =	vld [tilespmem:$0x3A0];
	_ =	sdelay $0x4  }
0x139: {  	v3 =	vshll.u32 v2, $0x3  }
0x13a: {  	v2 =	vand.u32 $0xF, v2;
	v3 =	vand.u32 $0xFFFFFF80, v3  }
0x13b: {  	v2 =	vor.u32 v2, v3;
	_ =	sdelay $0x4  }
0x13c: {  	[tilespmem:v2+s7+$0x0] =	vst.idx.add.f32.msk $0xffff, v1  }
0x13d: {  	v2 =	vld [tilespmem:$0x3B0];
	_ =	sdelay $0x4  }
0x13e: {  	v3 =	vshll.u32 v2, $0x3  }
0x13f: {  	v2 =	vand.u32 $0xF, v2;
	v3 =	vand.u32 $0xFFFFFF80, v3  }
0x140: {  	v2 =	vor.u32 v2, v3;
	_ =	sdelay $0x4  }
0x141: {  	[tilespmem:v2+s7+$0x0] =	vst.idx.add.f32.msk $0xffff, v1  }
0x142: {  	v2 =	vld [tilespmem:$0x3C0];
	_ =	sdelay $0x4  }
0x143: {  	v3 =	vshll.u32 v2, $0x3  }
0x144: {  	v2 =	vand.u32 $0xF, v2;
	v3 =	vand.u32 $0xFFFFFF80, v3  }
0x145: {  	v2 =	vor.u32 v2, v3;
	_ =	sdelay $0x4  }
0x146: {  	[tilespmem:v2+s7+$0x0] =	vst.idx.add.f32.msk $0xffff, v1  }
0x147: {  	v2 =	vld [tilespmem:$0x3D0];
	_ =	sdelay $0x4  }
0x148: {  	v3 =	vshll.u32 v2, $0x3  }
0x149: {  	v2 =	vand.u32 $0xF, v2;
	v3 =	vand.u32 $0xFFFFFF80, v3  }
0x14a: {  	v2 =	vor.u32 v2, v3;
	_ =	sdelay $0x4  }
0x14b: {  	[tilespmem:v2+s7+$0x0] =	vst.idx.add.f32.msk $0xffff, v1  }
0x14c: {  	v2 =	vld [tilespmem:$0x3E0];
	_ =	sdelay $0x4  }
0x14d: {  	v3 =	vshll.u32 v2, $0x3  }
0x14e: {  	v2 =	vand.u32 $0xF, v2;
	v3 =	vand.u32 $0xFFFFFF80, v3  }
0x14f: {  	v2 =	vor.u32 v2, v3;
	_ =	sdelay $0x4  }
0x150: {  	[tilespmem:v2+s7+$0x0] =	vst.idx.add.f32.msk $0xffff, v1  }
0x151: {  	v2 =	vld [tilespmem:$0x3F0];
	_ =	sdelay $0x4  }
0x152: {  	v3 =	vshll.u32 v2, $0x3  }
0x153: {  	v2 =	vand.u32 $0xF, v2;
	v3 =	vand.u32 $0xFFFFFF80, v3  }
0x154: {  	v2 =	vor.u32 v2, v3;
	_ =	sdelay $0x4  }
0x155: {  	[tilespmem:v2+s7+$0x0] =	vst.idx.add.f32.msk $0xffff, v1  }
0x156: {  	v2 =	vld [tilespmem:$0x400];
	_ =	sdelay $0x4  }
0x157: {  	v3 =	vshll.u32 v2, $0x3  }
0x158: {  	v2 =	vand.u32 $0xF, v2;
	v3 =	vand.u32 $0xFFFFFF80, v3  }
0x159: {  	v2 =	vor.u32 v2, v3;
	_ =	sdelay $0x4  }
0x15a: {  	[tilespmem:v2+s7+$0x0] =	vst.idx.add.f32.msk $0xffff, v1  }
0x15b: {  	v2 =	vld [tilespmem:$0x410];
	_ =	sdelay $0x4  }
0x15c: {  	v3 =	vshll.u32 v2, $0x3  }
0x15d: {  	v2 =	vand.u32 $0xF, v2;
	v3 =	vand.u32 $0xFFFFFF80, v3  }
0x15e: {  	v2 =	vor.u32 v2, v3;
	_ =	sdelay $0x4  }
0x15f: {  	[tilespmem:v2+s7+$0x0] =	vst.idx.add.f32.msk $0xffff, v1  }
0x160: {  	v2 =	vld [tilespmem:$0x420];
	_ =	sdelay $0x4  }
0x161: {  	v3 =	vshll.u32 v2, $0x3  }
0x162: {  	v2 =	vand.u32 $0xF, v2;
	v3 =	vand.u32 $0xFFFFFF80, v3  }
0x163: {  	v2 =	vor.u32 v2, v3;
	_ =	sdelay $0x4  }
0x164: {  	[tilespmem:v2+s7+$0x0] =	vst.idx.add.f32.msk $0xffff, v1  }
0x165: {  	v2 =	vld [tilespmem:$0x430];
	_ =	sdelay $0x4  }
0x166: {  	v3 =	vshll.u32 v2, $0x3  }
0x167: {  	v2 =	vand.u32 $0xF, v2;
	v3 =	vand.u32 $0xFFFFFF80, v3  }
0x168: {  	v2 =	vor.u32 v2, v3;
	_ =	sdelay $0x4  }
0x169: {  	[tilespmem:v2+s7+$0x0] =	vst.idx.add.f32.msk $0xffff, v1  }
0x16a: {  	v2 =	vld [tilespmem:$0x440];
	_ =	sdelay $0x4  }
0x16b: {  	v3 =	vshll.u32 v2, $0x3  }
0x16c: {  	v2 =	vand.u32 $0xF, v2;
	v3 =	vand.u32 $0xFFFFFF80, v3  }
0x16d: {  	v2 =	vor.u32 v2, v3;
	_ =	sdelay $0x4  }
0x16e: {  	[tilespmem:v2+s7+$0x0] =	vst.idx.add.f32.msk $0xffff, v1  }
0x16f: {  	v2 =	vld [tilespmem:$0x450];
	_ =	sdelay $0x4  }
0x170: {  	v3 =	vshll.u32 v2, $0x3  }
0x171: {  	v2 =	vand.u32 $0xF, v2;
	v3 =	vand.u32 $0xFFFFFF80, v3  }
0x172: {  	v2 =	vor.u32 v2, v3;
	_ =	sdelay $0x4  }
0x173: {  	[tilespmem:v2+s7+$0x0] =	vst.idx.add.f32.msk $0xffff, v1  }
0x174: {  	v2 =	vld [tilespmem:$0x460];
	_ =	sdelay $0x4  }
0x175: {  	v3 =	vshll.u32 v2, $0x3  }
0x176: {  	v2 =	vand.u32 $0xF, v2;
	v3 =	vand.u32 $0xFFFFFF80, v3  }
0x177: {  	v2 =	vor.u32 v2, v3;
	_ =	sdelay $0x4  }
0x178: {  	[tilespmem:v2+s7+$0x0] =	vst.idx.add.f32.msk $0xffff, v1  }
0x179: {  	v2 =	vld [tilespmem:$0x470];
	_ =	sdelay $0x4  }
0x17a: {  	v3 =	vshll.u32 v2, $0x3  }
0x17b: {  	v2 =	vand.u32 $0xF, v2;
	v3 =	vand.u32 $0xFFFFFF80, v3  }
0x17c: {  	v2 =	vor.u32 v2, v3;
	_ =	sdelay $0x4  }
0x17d: {  	[tilespmem:v2+s7+$0x0] =	vst.idx.add.f32.msk $0xffff, v1  }
0x17e: {  	v2 =	vld [tilespmem:$0x480];
	_ =	sdelay $0x4  }
0x17f: {  	v3 =	vshll.u32 v2, $0x3  }
0x180: {  	v2 =	vand.u32 $0xF, v2;
	v3 =	vand.u32 $0xFFFFFF80, v3  }
0x181: {  	v2 =	vor.u32 v2, v3;
	_ =	sdelay $0x4  }
0x182: {  	[tilespmem:v2+s7+$0x0] =	vst.idx.add.f32.msk $0xffff, v1  }
0x183: {  	v2 =	vld [tilespmem:$0x490];
	_ =	sdelay $0x4  }
0x184: {  	v3 =	vshll.u32 v2, $0x3  }
0x185: {  	v2 =	vand.u32 $0xF, v2;
	v3 =	vand.u32 $0xFFFFFF80, v3  }
0x186: {  	v2 =	vor.u32 v2, v3;
	_ =	sdelay $0x4  }
0x187: {  	[tilespmem:v2+s7+$0x0] =	vst.idx.add.f32.msk $0xffff, v1  }
0x188: {  	v2 =	vld [tilespmem:$0x4A0];
	_ =	sdelay $0x4  }
0x189: {  	v3 =	vshll.u32 v2, $0x3  }
0x18a: {  	v2 =	vand.u32 $0xF, v2;
	v3 =	vand.u32 $0xFFFFFF80, v3  }
0x18b: {  	v2 =	vor.u32 v2, v3;
	_ =	sdelay $0x4  }
0x18c: {  	[tilespmem:v2+s7+$0x0] =	vst.idx.add.f32.msk $0xffff, v1  }
0x18d: {  	v2 =	vld [tilespmem:$0x4B0];
	_ =	sdelay $0x4  }
0x18e: {  	v3 =	vshll.u32 v2, $0x3  }
0x18f: {  	v2 =	vand.u32 $0xF, v2;
	v3 =	vand.u32 $0xFFFFFF80, v3  }
0x190: {  	v2 =	vor.u32 v2, v3;
	_ =	sdelay $0x4  }
0x191: {  	[tilespmem:v2+s7+$0x0] =	vst.idx.add.f32.msk $0xffff, v1  }
0x192: {  	v2 =	vld [tilespmem:$0x4C0];
	_ =	sdelay $0x4  }
0x193: {  	v3 =	vshll.u32 v2, $0x3  }
0x194: {  	v2 =	vand.u32 $0xF, v2;
	v3 =	vand.u32 $0xFFFFFF80, v3  }
0x195: {  	v2 =	vor.u32 v2, v3;
	_ =	sdelay $0x4  }
0x196: {  	[tilespmem:v2+s7+$0x0] =	vst.idx.add.f32.msk $0xffff, v1  }
0x197: {  	v2 =	vld [tilespmem:$0x4D0];
	_ =	sdelay $0x4  }
0x198: {  	v3 =	vshll.u32 v2, $0x3  }
0x199: {  	v2 =	vand.u32 $0xF, v2;
	v3 =	vand.u32 $0xFFFFFF80, v3  }
0x19a: {  	v2 =	vor.u32 v2, v3;
	_ =	sdelay $0x4  }
0x19b: {  	[tilespmem:v2+s7+$0x0] =	vst.idx.add.f32.msk $0xffff, v1  }
0x19c: {  	v2 =	vld [tilespmem:$0x4E0];
	_ =	sdelay $0x4  }
0x19d: {  	v3 =	vshll.u32 v2, $0x3  }
0x19e: {  	v2 =	vand.u32 $0xF, v2;
	v3 =	vand.u32 $0xFFFFFF80, v3  }
0x19f: {  	v2 =	vor.u32 v2, v3;
	_ =	sdelay $0x4  }
0x1a0: {  	[tilespmem:v2+s7+$0x0] =	vst.idx.add.f32.msk $0xffff, v1  }
0x1a1: {  	v2 =	vld [tilespmem:$0x4F0];
	_ =	sdelay $0x4  }
0x1a2: {  	v3 =	vshll.u32 v2, $0x3  }
0x1a3: {  	v2 =	vand.u32 $0xF, v2;
	v3 =	vand.u32 $0xFFFFFF80, v3  }
0x1a4: {  	v2 =	vor.u32 v2, v3;
	_ =	sdelay $0x4  }
0x1a5: {  	[tilespmem:v2+s7+$0x0] =	vst.idx.add.f32.msk $0xffff, v1  }
0x1a6: {  	v2 =	vld [tilespmem:$0x500];
	_ =	sdelay $0x4  }
0x1a7: {  	v3 =	vshll.u32 v2, $0x3  }
0x1a8: {  	v2 =	vand.u32 $0xF, v2;
	v3 =	vand.u32 $0xFFFFFF80, v3  }
0x1a9: {  	v2 =	vor.u32 v2, v3;
	_ =	sdelay $0x4  }
0x1aa: {  	[tilespmem:v2+s7+$0x0] =	vst.idx.add.f32.msk $0xffff, v1  }
0x1ab: {  	v2 =	vld [tilespmem:$0x510];
	_ =	sdelay $0x4  }
0x1ac: {  	v3 =	vshll.u32 v2, $0x3  }
0x1ad: {  	v2 =	vand.u32 $0xF, v2;
	v3 =	vand.u32 $0xFFFFFF80, v3  }
0x1ae: {  	v2 =	vor.u32 v2, v3;
	_ =	sdelay $0x4  }
0x1af: {  	[tilespmem:v2+s7+$0x0] =	vst.idx.add.f32.msk $0xffff, v1  }
0x1b0: {  	v2 =	vld [tilespmem:$0x520];
	_ =	sdelay $0x4  }
0x1b1: {  	v3 =	vshll.u32 v2, $0x3  }
0x1b2: {  	v2 =	vand.u32 $0xF, v2;
	v3 =	vand.u32 $0xFFFFFF80, v3  }
0x1b3: {  	v2 =	vor.u32 v2, v3;
	_ =	sdelay $0x4  }
0x1b4: {  	[tilespmem:v2+s7+$0x0] =	vst.idx.add.f32.msk $0xffff, v1  }
0x1b5: {  	v2 =	vld [tilespmem:$0x530];
	_ =	sdelay $0x4  }
0x1b6: {  	v3 =	vshll.u32 v2, $0x3  }
0x1b7: {  	v2 =	vand.u32 $0xF, v2;
	v3 =	vand.u32 $0xFFFFFF80, v3  }
0x1b8: {  	v2 =	vor.u32 v2, v3;
	_ =	sdelay $0x4  }
0x1b9: {  	[tilespmem:v2+s7+$0x0] =	vst.idx.add.f32.msk $0xffff, v1  }
0x1ba: {  	v2 =	vld [tilespmem:$0x540];
	_ =	sdelay $0x4  }
0x1bb: {  	v3 =	vshll.u32 v2, $0x3  }
0x1bc: {  	v2 =	vand.u32 $0xF, v2;
	v3 =	vand.u32 $0xFFFFFF80, v3  }
0x1bd: {  	v2 =	vor.u32 v2, v3;
	_ =	sdelay $0x4  }
0x1be: {  	[tilespmem:v2+s7+$0x0] =	vst.idx.add.f32.msk $0xffff, v1  }
0x1bf: {  	v2 =	vld [tilespmem:$0x550];
	_ =	sdelay $0x4  }
0x1c0: {  	v3 =	vshll.u32 v2, $0x3  }
0x1c1: {  	v2 =	vand.u32 $0xF, v2;
	v3 =	vand.u32 $0xFFFFFF80, v3  }
0x1c2: {  	v2 =	vor.u32 v2, v3;
	_ =	sdelay $0x4  }
0x1c3: {  	[tilespmem:v2+s7+$0x0] =	vst.idx.add.f32.msk $0xffff, v1  }
0x1c4: {  	v2 =	vld [tilespmem:$0x560];
	_ =	sdelay $0x4  }
0x1c5: {  	v3 =	vshll.u32 v2, $0x3  }
0x1c6: {  	v2 =	vand.u32 $0xF, v2;
	v3 =	vand.u32 $0xFFFFFF80, v3  }
0x1c7: {  	v2 =	vor.u32 v2, v3;
	_ =	sdelay $0x4  }
0x1c8: {  	[tilespmem:v2+s7+$0x0] =	vst.idx.add.f32.msk $0xffff, v1  }
0x1c9: {  	v2 =	vld [tilespmem:$0x570];
	_ =	sdelay $0x4  }
0x1ca: {  	v3 =	vshll.u32 v2, $0x3  }
0x1cb: {  	v2 =	vand.u32 $0xF, v2;
	v3 =	vand.u32 $0xFFFFFF80, v3  }
0x1cc: {  	v2 =	vor.u32 v2, v3;
	_ =	sdelay $0x4  }
0x1cd: {  	[tilespmem:v2+s7+$0x0] =	vst.idx.add.f32.msk $0xffff, v1  }
0x1ce: {  	v2 =	vld [tilespmem:$0x580];
	_ =	sdelay $0x4  }
0x1cf: {  	v3 =	vshll.u32 v2, $0x3  }
0x1d0: {  	v2 =	vand.u32 $0xF, v2;
	v3 =	vand.u32 $0xFFFFFF80, v3  }
0x1d1: {  	v2 =	vor.u32 v2, v3;
	_ =	sdelay $0x4  }
0x1d2: {  	[tilespmem:v2+s7+$0x0] =	vst.idx.add.f32.msk $0xffff, v1  }
0x1d3: {  	v2 =	vld [tilespmem:$0x590];
	_ =	sdelay $0x4  }
0x1d4: {  	v3 =	vshll.u32 v2, $0x3  }
0x1d5: {  	v2 =	vand.u32 $0xF, v2;
	v3 =	vand.u32 $0xFFFFFF80, v3  }
0x1d6: {  	v2 =	vor.u32 v2, v3;
	_ =	sdelay $0x4  }
0x1d7: {  	[tilespmem:v2+s7+$0x0] =	vst.idx.add.f32.msk $0xffff, v1  }
0x1d8: {  	v2 =	vld [tilespmem:$0x5A0];
	_ =	sdelay $0x4  }
0x1d9: {  	v3 =	vshll.u32 v2, $0x3  }
0x1da: {  	v2 =	vand.u32 $0xF, v2;
	v3 =	vand.u32 $0xFFFFFF80, v3  }
0x1db: {  	v2 =	vor.u32 v2, v3;
	_ =	sdelay $0x4  }
0x1dc: {  	[tilespmem:v2+s7+$0x0] =	vst.idx.add.f32.msk $0xffff, v1  }
0x1dd: {  	v2 =	vld [tilespmem:$0x5B0];
	_ =	sdelay $0x4  }
0x1de: {  	v3 =	vshll.u32 v2, $0x3  }
0x1df: {  	v2 =	vand.u32 $0xF, v2;
	v3 =	vand.u32 $0xFFFFFF80, v3  }
0x1e0: {  	v2 =	vor.u32 v2, v3;
	_ =	sdelay $0x4  }
0x1e1: {  	[tilespmem:v2+s7+$0x0] =	vst.idx.add.f32.msk $0xffff, v1  }
0x1e2: {  	v2 =	vld [tilespmem:$0x5C0];
	_ =	sdelay $0x4  }
0x1e3: {  	v3 =	vshll.u32 v2, $0x3  }
0x1e4: {  	v2 =	vand.u32 $0xF, v2;
	v3 =	vand.u32 $0xFFFFFF80, v3  }
0x1e5: {  	v2 =	vor.u32 v2, v3;
	_ =	sdelay $0x4  }
0x1e6: {  	[tilespmem:v2+s7+$0x0] =	vst.idx.add.f32.msk $0xffff, v1  }
0x1e7: {  	v2 =	vld [tilespmem:$0x5D0];
	_ =	sdelay $0x4  }
0x1e8: {  	v3 =	vshll.u32 v2, $0x3  }
0x1e9: {  	v2 =	vand.u32 $0xF, v2;
	v3 =	vand.u32 $0xFFFFFF80, v3  }
0x1ea: {  	v2 =	vor.u32 v2, v3;
	_ =	sdelay $0x4  }
0x1eb: {  	[tilespmem:v2+s7+$0x0] =	vst.idx.add.f32.msk $0xffff, v1  }
0x1ec: {  	v2 =	vld [tilespmem:$0x5E0];
	_ =	sdelay $0x4  }
0x1ed: {  	v3 =	vshll.u32 v2, $0x3  }
0x1ee: {  	v2 =	vand.u32 $0xF, v2;
	v3 =	vand.u32 $0xFFFFFF80, v3  }
0x1ef: {  	v2 =	vor.u32 v2, v3;
	_ =	sdelay $0x4  }
0x1f0: {  	[tilespmem:v2+s7+$0x0] =	vst.idx.add.f32.msk $0xffff, v1  }
0x1f1: {  	v2 =	vld [tilespmem:$0x5F0];
	_ =	sdelay $0x4  }
0x1f2: {  	v3 =	vshll.u32 v2, $0x3  }
0x1f3: {  	v2 =	vand.u32 $0xF, v2;
	v3 =	vand.u32 $0xFFFFFF80, v3  }
0x1f4: {  	v2 =	vor.u32 v2, v3;
	_ =	sdelay $0x4  }
0x1f5: {  	[tilespmem:v2+s7+$0x0] =	vst.idx.add.f32.msk $0xffff, v1  }
0x1f6: {  	v2 =	vld [tilespmem:$0x600];
	_ =	sdelay $0x4  }
0x1f7: {  	v3 =	vshll.u32 v2, $0x3  }
0x1f8: {  	v2 =	vand.u32 $0xF, v2;
	v3 =	vand.u32 $0xFFFFFF80, v3  }
0x1f9: {  	v2 =	vor.u32 v2, v3;
	_ =	sdelay $0x4  }
0x1fa: {  	[tilespmem:v2+s7+$0x0] =	vst.idx.add.f32.msk $0xffff, v1  }
0x1fb: {  	v2 =	vld [tilespmem:$0x610];
	_ =	sdelay $0x4  }
0x1fc: {  	v3 =	vshll.u32 v2, $0x3  }
0x1fd: {  	v2 =	vand.u32 $0xF, v2;
	v3 =	vand.u32 $0xFFFFFF80, v3  }
0x1fe: {  	v2 =	vor.u32 v2, v3;
	_ =	sdelay $0x4  }
0x1ff: {  	[tilespmem:v2+s7+$0x0] =	vst.idx.add.f32.msk $0xffff, v1  }
0x200: {  	v2 =	vld [tilespmem:$0x620];
	_ =	sdelay $0x4  }
0x201: {  	v3 =	vshll.u32 v2, $0x3  }
0x202: {  	v2 =	vand.u32 $0xF, v2;
	v3 =	vand.u32 $0xFFFFFF80, v3  }
0x203: {  	v2 =	vor.u32 v2, v3;
	_ =	sdelay $0x4  }
0x204: {  	[tilespmem:v2+s7+$0x0] =	vst.idx.add.f32.msk $0xffff, v1  }
0x205: {  	v2 =	vld [tilespmem:$0x630];
	_ =	sdelay $0x4  }
0x206: {  	v3 =	vshll.u32 v2, $0x3  }
0x207: {  	v2 =	vand.u32 $0xF, v2;
	v3 =	vand.u32 $0xFFFFFF80, v3  }
0x208: {  	v2 =	vor.u32 v2, v3;
	_ =	sdelay $0x4  }
0x209: {  	[tilespmem:v2+s7+$0x0] =	vst.idx.add.f32.msk $0xffff, v1  }
0x20a: {  	v2 =	vld [tilespmem:$0x640];
	_ =	sdelay $0x4  }
0x20b: {  	v3 =	vshll.u32 v2, $0x3  }
0x20c: {  	v2 =	vand.u32 $0xF, v2;
	v3 =	vand.u32 $0xFFFFFF80, v3  }
0x20d: {  	v2 =	vor.u32 v2, v3;
	_ =	sdelay $0x4  }
0x20e: {  	[tilespmem:v2+s7+$0x0] =	vst.idx.add.f32.msk $0xffff, v1  }
0x20f: {  	v2 =	vld [tilespmem:$0x650];
	_ =	sdelay $0x4  }
0x210: {  	v3 =	vshll.u32 v2, $0x3  }
0x211: {  	v2 =	vand.u32 $0xF, v2;
	v3 =	vand.u32 $0xFFFFFF80, v3  }
0x212: {  	v2 =	vor.u32 v2, v3;
	_ =	sdelay $0x4  }
0x213: {  	[tilespmem:v2+s7+$0x0] =	vst.idx.add.f32.msk $0xffff, v1  }
0x214: {  	v2 =	vld [tilespmem:$0x660];
	_ =	sdelay $0x4  }
0x215: {  	v3 =	vshll.u32 v2, $0x3  }
0x216: {  	v2 =	vand.u32 $0xF, v2;
	v3 =	vand.u32 $0xFFFFFF80, v3  }
0x217: {  	v2 =	vor.u32 v2, v3;
	_ =	sdelay $0x4  }
0x218: {  	[tilespmem:v2+s7+$0x0] =	vst.idx.add.f32.msk $0xffff, v1  }
0x219: {  	v2 =	vld [tilespmem:$0x670];
	_ =	sdelay $0x4  }
0x21a: {  	v3 =	vshll.u32 v2, $0x3  }
0x21b: {  	v2 =	vand.u32 $0xF, v2;
	v3 =	vand.u32 $0xFFFFFF80, v3  }
0x21c: {  	v2 =	vor.u32 v2, v3;
	_ =	sdelay $0x4  }
0x21d: {  	[tilespmem:v2+s7+$0x0] =	vst.idx.add.f32.msk $0xffff, v1  }
0x21e: {  	v2 =	vld [tilespmem:$0x680];
	_ =	sdelay $0x4  }
0x21f: {  	v3 =	vshll.u32 v2, $0x3  }
0x220: {  	v2 =	vand.u32 $0xF, v2;
	v3 =	vand.u32 $0xFFFFFF80, v3  }
0x221: {  	v2 =	vor.u32 v2, v3;
	_ =	sdelay $0x4  }
0x222: {  	[tilespmem:v2+s7+$0x0] =	vst.idx.add.f32.msk $0xffff, v1  }
0x223: {  	v2 =	vld [tilespmem:$0x690];
	_ =	sdelay $0x4  }
0x224: {  	v3 =	vshll.u32 v2, $0x3  }
0x225: {  	v2 =	vand.u32 $0xF, v2;
	v3 =	vand.u32 $0xFFFFFF80, v3  }
0x226: {  	v2 =	vor.u32 v2, v3;
	_ =	sdelay $0x4  }
0x227: {  	[tilespmem:v2+s7+$0x0] =	vst.idx.add.f32.msk $0xffff, v1  }
0x228: {  	v2 =	vld [tilespmem:$0x6A0];
	_ =	sdelay $0x4  }
0x229: {  	v3 =	vshll.u32 v2, $0x3  }
0x22a: {  	v2 =	vand.u32 $0xF, v2;
	v3 =	vand.u32 $0xFFFFFF80, v3  }
0x22b: {  	v2 =	vor.u32 v2, v3;
	_ =	sdelay $0x4  }
0x22c: {  	[tilespmem:v2+s7+$0x0] =	vst.idx.add.f32.msk $0xffff, v1  }
0x22d: {  	v2 =	vld [tilespmem:$0x6B0];
	_ =	sdelay $0x4  }
0x22e: {  	v3 =	vshll.u32 v2, $0x3  }
0x22f: {  	v2 =	vand.u32 $0xF, v2;
	v3 =	vand.u32 $0xFFFFFF80, v3  }
0x230: {  	v2 =	vor.u32 v2, v3;
	_ =	sdelay $0x4  }
0x231: {  	[tilespmem:v2+s7+$0x0] =	vst.idx.add.f32.msk $0xffff, v1  }
0x232: {  	v2 =	vld [tilespmem:$0x6C0];
	_ =	sdelay $0x4  }
0x233: {  	v3 =	vshll.u32 v2, $0x3  }
0x234: {  	v2 =	vand.u32 $0xF, v2;
	v3 =	vand.u32 $0xFFFFFF80, v3  }
0x235: {  	v2 =	vor.u32 v2, v3;
	_ =	sdelay $0x4  }
0x236: {  	[tilespmem:v2+s7+$0x0] =	vst.idx.add.f32.msk $0xffff, v1  }
0x237: {  	v2 =	vld [tilespmem:$0x6D0];
	_ =	sdelay $0x4  }
0x238: {  	v3 =	vshll.u32 v2, $0x3  }
0x239: {  	v2 =	vand.u32 $0xF, v2;
	v3 =	vand.u32 $0xFFFFFF80, v3  }
0x23a: {  	v2 =	vor.u32 v2, v3;
	_ =	sdelay $0x4  }
0x23b: {  	[tilespmem:v2+s7+$0x0] =	vst.idx.add.f32.msk $0xffff, v1  }
0x23c: {  	v2 =	vld [tilespmem:$0x6E0];
	_ =	sdelay $0x4  }
0x23d: {  	v3 =	vshll.u32 v2, $0x3  }
0x23e: {  	v2 =	vand.u32 $0xF, v2;
	v3 =	vand.u32 $0xFFFFFF80, v3  }
0x23f: {  	v2 =	vor.u32 v2, v3;
	_ =	sdelay $0x4  }
0x240: {  	[tilespmem:v2+s7+$0x0] =	vst.idx.add.f32.msk $0xffff, v1  }
0x241: {  	v2 =	vld [tilespmem:$0x6F0];
	_ =	sdelay $0x4  }
0x242: {  	v3 =	vshll.u32 v2, $0x3  }
0x243: {  	v2 =	vand.u32 $0xF, v2;
	v3 =	vand.u32 $0xFFFFFF80, v3  }
0x244: {  	v2 =	vor.u32 v2, v3;
	_ =	sdelay $0x4  }
0x245: {  	[tilespmem:v2+s7+$0x0] =	vst.idx.add.f32.msk $0xffff, v1  }
0x246: {  	v2 =	vld [tilespmem:$0x700];
	_ =	sdelay $0x4  }
0x247: {  	v3 =	vshll.u32 v2, $0x3  }
0x248: {  	v2 =	vand.u32 $0xF, v2;
	v3 =	vand.u32 $0xFFFFFF80, v3  }
0x249: {  	v2 =	vor.u32 v2, v3;
	_ =	sdelay $0x4  }
0x24a: {  	[tilespmem:v2+s7+$0x0] =	vst.idx.add.f32.msk $0xffff, v1  }
0x24b: {  	v2 =	vld [tilespmem:$0x710];
	_ =	sdelay $0x4  }
0x24c: {  	v3 =	vshll.u32 v2, $0x3  }
0x24d: {  	v2 =	vand.u32 $0xF, v2;
	v3 =	vand.u32 $0xFFFFFF80, v3  }
0x24e: {  	v2 =	vor.u32 v2, v3;
	_ =	sdelay $0x4  }
0x24f: {  	[tilespmem:v2+s7+$0x0] =	vst.idx.add.f32.msk $0xffff, v1  }
0x250: {  	v2 =	vld [tilespmem:$0x720];
	_ =	sdelay $0x4  }
0x251: {  	v3 =	vshll.u32 v2, $0x3  }
0x252: {  	v2 =	vand.u32 $0xF, v2;
	v3 =	vand.u32 $0xFFFFFF80, v3  }
0x253: {  	v2 =	vor.u32 v2, v3;
	_ =	sdelay $0x4  }
0x254: {  	[tilespmem:v2+s7+$0x0] =	vst.idx.add.f32.msk $0xffff, v1  }
0x255: {  	v2 =	vld [tilespmem:$0x730];
	_ =	sdelay $0x4  }
0x256: {  	v3 =	vshll.u32 v2, $0x3  }
0x257: {  	v2 =	vand.u32 $0xF, v2;
	v3 =	vand.u32 $0xFFFFFF80, v3  }
0x258: {  	v2 =	vor.u32 v2, v3;
	_ =	sdelay $0x4  }
0x259: {  	[tilespmem:v2+s7+$0x0] =	vst.idx.add.f32.msk $0xffff, v1  }
0x25a: {  	v2 =	vld [tilespmem:$0x740];
	_ =	sdelay $0x4  }
0x25b: {  	v3 =	vshll.u32 v2, $0x3  }
0x25c: {  	v2 =	vand.u32 $0xF, v2;
	v3 =	vand.u32 $0xFFFFFF80, v3  }
0x25d: {  	v2 =	vor.u32 v2, v3;
	_ =	sdelay $0x4  }
0x25e: {  	[tilespmem:v2+s7+$0x0] =	vst.idx.add.f32.msk $0xffff, v1  }
0x25f: {  	v2 =	vld [tilespmem:$0x750];
	_ =	sdelay $0x4  }
0x260: {  	v3 =	vshll.u32 v2, $0x3  }
0x261: {  	v2 =	vand.u32 $0xF, v2;
	v3 =	vand.u32 $0xFFFFFF80, v3  }
0x262: {  	v2 =	vor.u32 v2, v3;
	_ =	sdelay $0x4  }
0x263: {  	[tilespmem:v2+s7+$0x0] =	vst.idx.add.f32.msk $0xffff, v1  }
0x264: {  	v2 =	vld [tilespmem:$0x760];
	_ =	sdelay $0x4  }
0x265: {  	v3 =	vshll.u32 v2, $0x3  }
0x266: {  	v2 =	vand.u32 $0xF, v2;
	v3 =	vand.u32 $0xFFFFFF80, v3  }
0x267: {  	v2 =	vor.u32 v2, v3;
	_ =	sdelay $0x4  }
0x268: {  	[tilespmem:v2+s7+$0x0] =	vst.idx.add.f32.msk $0xffff, v1  }
0x269: {  	v2 =	vld [tilespmem:$0x770];
	_ =	sdelay $0x4  }
0x26a: {  	v3 =	vshll.u32 v2, $0x3  }
0x26b: {  	v2 =	vand.u32 $0xF, v2;
	v3 =	vand.u32 $0xFFFFFF80, v3  }
0x26c: {  	v2 =	vor.u32 v2, v3;
	_ =	sdelay $0x4  }
0x26d: {  	[tilespmem:v2+s7+$0x0] =	vst.idx.add.f32.msk $0xffff, v1  }
0x26e: {  	v2 =	vld [tilespmem:$0x780];
	_ =	sdelay $0x4  }
0x26f: {  	v3 =	vshll.u32 v2, $0x3  }
0x270: {  	v2 =	vand.u32 $0xF, v2;
	v3 =	vand.u32 $0xFFFFFF80, v3  }
0x271: {  	v2 =	vor.u32 v2, v3;
	_ =	sdelay $0x4  }
0x272: {  	[tilespmem:v2+s7+$0x0] =	vst.idx.add.f32.msk $0xffff, v1  }
0x273: {  	v2 =	vld [tilespmem:$0x790];
	_ =	sdelay $0x4  }
0x274: {  	v3 =	vshll.u32 v2, $0x3  }
0x275: {  	v2 =	vand.u32 $0xF, v2;
	v3 =	vand.u32 $0xFFFFFF80, v3  }
0x276: {  	v2 =	vor.u32 v2, v3;
	_ =	sdelay $0x4  }
0x277: {  	[tilespmem:v2+s7+$0x0] =	vst.idx.add.f32.msk $0xffff, v1  }
0x278: {  	v2 =	vld [tilespmem:$0x7A0];
	_ =	sdelay $0x4  }
0x279: {  	v3 =	vshll.u32 v2, $0x3  }
0x27a: {  	v2 =	vand.u32 $0xF, v2;
	v3 =	vand.u32 $0xFFFFFF80, v3  }
0x27b: {  	v2 =	vor.u32 v2, v3;
	_ =	sdelay $0x4  }
0x27c: {  	[tilespmem:v2+s7+$0x0] =	vst.idx.add.f32.msk $0xffff, v1  }
0x27d: {  	v2 =	vld [tilespmem:$0x7B0];
	_ =	sdelay $0x4  }
0x27e: {  	v3 =	vshll.u32 v2, $0x3  }
0x27f: {  	v2 =	vand.u32 $0xF, v2;
	v3 =	vand.u32 $0xFFFFFF80, v3  }
0x280: {  	v2 =	vor.u32 v2, v3;
	_ =	sdelay $0x4  }
0x281: {  	[tilespmem:v2+s7+$0x0] =	vst.idx.add.f32.msk $0xffff, v1  }
0x282: {  	v2 =	vld [tilespmem:$0x7C0];
	_ =	sdelay $0x4  }
0x283: {  	v3 =	vshll.u32 v2, $0x3  }
0x284: {  	v2 =	vand.u32 $0xF, v2;
	v3 =	vand.u32 $0xFFFFFF80, v3  }
0x285: {  	p0 =	sne.s32 s9, $0x3E8;
	v2 =	vor.u32 v2, v3  }
.Ltmp1:
0x286: {  	_ = 	snop;
	(pc) =	sbr.rel @p0 .LBB2_4-.Ltmp1, $2  }
0x287: {  	_ =	sdelay $0x2  }
0x288: {  	s9 =	sadd.s32 $0xFA, s9;
	[tilespmem:v2+s7+$0x0] =	vst.idx.add.f32.msk $0xffff, v1  }
0x289: {  	s8 =	sadd.s32 $0x1, s8  }
0x28a: {  	p0 =	sne.s32 s8, s4  }
.Ltmp2:
0x28b: {  	_ = 	snop;
	(pc) =	sbr.rel @p0 .LBB2_1-.Ltmp2, $4  }
0x28c: {  	[hbm4b:s3+s2] =	stream.linear.scatter [tilespmem:s7], [sflag:$0x1], $0x13880, $0x38;
	[tilespmem:$0x14400] =	vst v63  }
0x28d: {  	_ =	swait.ge [sflag:s6], $0x13880  }
0x28e: {  	[sflag:s6] =	ssyncset.done $0x0  }
0x28f: {  	[sflag:s6] =	ssyncadd.s32 $0xFFFEC780  }
0x290: {  	_ =	sfence.sel $0x180000  }
0x291: {  	[bflag:$0x0] =	sbarrier.arrive $0xFFFF  }
0x292: {  	p0 =	sne.s32 s1, $0x0;
	_ =	strace $0x90000047  }
0x293: {  	s0 =	sadd.s32 @!p0 $0x100000, s0;
	[bflag:$0x2] =	sbarrier.arrive $0xFFFF  }
0x294: {  	[sflag:s0] =	ssyncadd.tile.s32 @!p0 $0x1;
	_ =	shalt  }
.Lfunc_end2:
_tile_overlayer_lowered:
.L_overlay_start_2:
0x295: {  	(tag) =	ssettag $0x2  }
0x296: {  	s0 =	rddreg [dreg:$0x0];
	s2 =	stileid.u32  }
0x297: {  	s1 =	rddreg [dreg:$0x1];
	p0 =	sne.s32 s2, $0x0  }
0x298: {  	s3 =	rddreg [dreg:$0x2];
	[bflag:$0x3] =	sbarrier.arrive $0xFFFF;
	s2 =	simm.s32 @!p0 $0x1C01  }
0x299: {  	[timem:s3], [sflag:s2] =	dma.local @!p0 [hbm:s0], s1  }
0x29a: {  	s0 =	simm.s32 @!p0 $0x1  }
0x29b: {  	_ =	swait.ge @!p0 [sflag:s0], s1  }
0x29c: {  	s1 =	ssub.s32 @!p0 $0x0, s1;
	[sflag:s0] =	ssyncset.done @!p0 $0x0  }
0x29d: {  	[sflag:s0] =	ssyncadd.s32 @!p0 s1  }
0x29e: {  	[bflag:$0x3] =	sbarrier.arrive $0xFFFF  }
0x29f: {  	_ =	shalt  }

</sc_bundles>
